<compile_context>
chip_gen: v7x
topology: tpu7x:2x2x1
jax: 0.10.2.dev20260603
libtpu: 0.0.44.dev20260713+nightly
codegen_flags: <defaults>
</compile_context>

<pallas_src>
import jax
import jax.numpy as jnp
from jax import lax
from jax.experimental import pallas as pl
from jax.experimental.pallas import tpu as pltpu
from jax.experimental.pallas import tpu_sc as plsc

N = 10000
D = 128
E = 320000
C = 64

NC = 2
NS = 16
L = 16
DH = D // NC

CHUNK = 128
ROWS = 160
EPT = ROWS * CHUNK
ETOT = NS * EPT

RPT = 640
NPAD = NS * RPT
NCHUNK = RPT // CHUNK
VPR = DH // L


def _rsqrt_newton(x):
    i = plsc.bitcast(x, jnp.int32)
    i = jnp.int32(0x5F3759DF) - (i >> 1)
    y = plsc.bitcast(i, jnp.float32)
    for _ in range(3):
        y = y * (jnp.float32(1.5) - jnp.float32(0.5) * x * y * y)
    return y


def _sgc_body(xh, edges, out, g_hbm,
              acc_sp, deg_sp,
              src_idx, dst_idx, degloc, disloc,
              rowbuf0, rowbuf1, rowbuf3, zbuf64, zbuf16, onesbuf,
              gsem0, gsem1, gsem2, gsem3, ssem0, ssem1, ssem2, ssem3, dsem):
    c = lax.axis_index("c")
    s = lax.axis_index("s")
    nbase = s * RPT
    gbase = c * NPAD + nbase
    scope = jax.named_scope

    zero16 = jnp.zeros((L,), jnp.float32)
    e0 = jnp.where(lax.iota(jnp.int32, L) == 0, jnp.float32(1.0),
                   jnp.float32(0.0))

    _sc_init = scope("init")
    _sc_init.__enter__()

    def _init_row(i, _):
        onesbuf[i, :] = e0
        for v in range(VPR):
            zbuf64[i, pl.ds(v * L, L)] = zero16
        return 0

    lax.fori_loop(0, CHUNK, _init_row, 0)

    def _init_z16(i, _):
        zbuf16[i, :] = zero16
        return 0

    lax.fori_loop(0, CHUNK // 2, _init_z16, 0)

    def _zero_chunk(k, _):
        pltpu.sync_copy(zbuf16,
                        deg_sp.at[pl.ds(nbase + k * (CHUNK // 2), CHUNK // 2)])
        return 0

    lax.fori_loop(0, 2 * NCHUNK, _zero_chunk, 0)

    def _zero_acc_chunk(k, _):
        pltpu.sync_copy(zbuf64, acc_sp.at[pl.ds(nbase + k * CHUNK, CHUNK)])
        return 0

    lax.fori_loop(0, NCHUNK, _zero_acc_chunk, 0)

    pltpu.sync_copy(edges.at[1, pl.ds(s * ROWS, ROWS)], dst_idx)
    _sc_init.__exit__(None, None, None)

    with scope("bar0"):
        plsc.subcore_barrier()

    def _deg_fire(j, _):
        pltpu.async_copy(onesbuf, deg_sp.at[dst_idx.at[j]], dsem, add=True)
        return 0

    def _deg_drain(j, _):
        pltpu.make_async_copy(onesbuf, deg_sp.at[dst_idx.at[j]], dsem).wait()
        return 0

    coff = jnp.broadcast_to((c * NPAD).astype(jnp.int32), (L,))

    def _off_row(r, _):
        for v in range(CHUNK // L):
            sl = pl.ds(v * L, L)
            src_idx[r, sl] = src_idx[r, sl] + coff
        return 0

    with jax.named_scope("deg"):
        lax.fori_loop(0, ROWS, _deg_fire, 0)
        pltpu.sync_copy(edges.at[0, pl.ds(s * ROWS, ROWS)], src_idx)
        lax.fori_loop(0, ROWS, _off_row, 0)
        lax.fori_loop(0, ROWS, _deg_drain, 0)

    with scope("bar1"):
        plsc.subcore_barrier()

    def _dis_chunk(k, _):
        pltpu.sync_copy(deg_sp.at[pl.ds(nbase + k * CHUNK, CHUNK)], degloc)

        def _grp(g, _):
            ridx = g * L + lax.iota(jnp.int32, L)
            cidx = jnp.zeros((L,), jnp.int32)
            cnt = plsc.load_gather(degloc, [ridx, cidx])
            disloc[pl.ds(k * CHUNK + g * L, L)] = _rsqrt_newton(
                cnt + jnp.float32(1.0))
            return 0

        lax.fori_loop(0, CHUNK // L, _grp, 0)
        return 0

    lax.fori_loop(0, NCHUNK, _dis_chunk, 0)

    def _dis_splat(r):
        return plsc.load_gather(disloc, [jnp.full((L,), r, jnp.int32)])

    def _x_read(k, buf, sem):
        pltpu.async_copy(
            xh.at[pl.ds(nbase + k * CHUNK, CHUNK), pl.ds(c * DH, DH)],
            buf, sem)

    def _scale_rows(buf, base, fn):
        def _row(i, _):
            d = _dis_splat(base + i)
            fn(buf, i, d)
            return 0

        lax.fori_loop(0, CHUNK, _row, 0)

    def _g0_fn(buf, i, d):
        for v in range(VPR):
            sl = pl.ds(v * L, L)
            buf[i, sl] = d * buf[i, sl]

    with jax.named_scope("dis_g0"):
        bufs = (rowbuf0, rowbuf1)
        rsems = (gsem0, gsem1)
        wsems = (ssem0, ssem1)
        _x_read(0, bufs[0], rsems[0])
        for k in range(NCHUNK):
            b = k % 2
            pltpu.make_async_copy(g_hbm.at[pl.ds(0, CHUNK)], bufs[b],
                                  rsems[b]).wait()
            if k + 1 < NCHUNK:
                if k >= 1:
                    pltpu.make_async_copy(
                        bufs[1 - b], g_hbm.at[pl.ds(0, CHUNK)],
                        wsems[1 - b]).wait()
                _x_read(k + 1, bufs[1 - b], rsems[1 - b])
            _scale_rows(bufs[b], k * CHUNK, _g0_fn)
            pltpu.async_copy(bufs[b], g_hbm.at[pl.ds(gbase + k * CHUNK,
                                                     CHUNK)], wsems[b])
        pltpu.make_async_copy(g_hbm.at[pl.ds(0, CHUNK)], bufs[0],
                              wsems[0]).wait()
        pltpu.make_async_copy(g_hbm.at[pl.ds(0, CHUNK)], bufs[1],
                              wsems[1]).wait()

    with scope("bar2"):
        plsc.subcore_barrier()

    gbufs = (rowbuf0, rowbuf1, zbuf64, rowbuf3)
    gsems = (gsem0, gsem1, gsem2, gsem3)
    ssems = (ssem0, ssem1, ssem2, ssem3)

    def _edge_round():
        pltpu.async_copy(g_hbm.at[src_idx.at[0]], gbufs[0], gsems[0])
        pltpu.async_copy(g_hbm.at[src_idx.at[1]], gbufs[1], gsems[1])

        def _quad(k, _):
            for b in range(4):
                j = 4 * k + b
                b2 = (b + 2) % 4

                @pl.when(j + 2 < ROWS)
                def _refill():
                    @pl.when(j >= 2)
                    def _wait_prev_scatter():
                        pltpu.make_async_copy(
                            gbufs[b2], acc_sp.at[dst_idx.at[0]],
                            ssems[b2]).wait()

                    pltpu.async_copy(g_hbm.at[src_idx.at[j + 2]], gbufs[b2],
                                     gsems[b2])

                pltpu.make_async_copy(g_hbm.at[src_idx.at[0]], gbufs[b],
                                      gsems[b]).wait()
                pltpu.async_copy(gbufs[b], acc_sp.at[dst_idx.at[j]], ssems[b],
                                 add=True)
            return 0

        lax.fori_loop(0, ROWS // 4, _quad, 0)
        for b in range(4):
            pltpu.make_async_copy(gbufs[b], acc_sp.at[dst_idx.at[0]],
                                  ssems[b]).wait()

    with jax.named_scope("hop1"):
        _edge_round()

    with scope("bar3"):
        plsc.subcore_barrier()

    lax.fori_loop(0, CHUNK, _init_row, 0)

    def _eg_phase(dst_slice, fn, rezero):
        gb = (rowbuf0, rowbuf3)
        rsems = (gsem0, gsem1)
        wsems = (ssem0, ssem1)
        pltpu.async_copy(g_hbm.at[pl.ds(gbase, CHUNK)], gb[0], rsems[0])
        for k in range(NCHUNK):
            b = k % 2
            base = k * CHUNK
            pltpu.sync_copy(acc_sp.at[pl.ds(nbase + base, CHUNK)], rowbuf1)
            if rezero:
                pltpu.async_copy(zbuf64,
                                 acc_sp.at[pl.ds(nbase + base, CHUNK)],
                                 gsem2)
            pltpu.make_async_copy(g_hbm.at[pl.ds(0, CHUNK)], gb[b],
                                  rsems[b]).wait()
            if k + 1 < NCHUNK:
                if k >= 1:
                    pltpu.make_async_copy(gb[1 - b],
                                          g_hbm.at[pl.ds(0, CHUNK)],
                                          wsems[1 - b]).wait()
                pltpu.async_copy(
                    g_hbm.at[pl.ds(gbase + (k + 1) * CHUNK, CHUNK)],
                    gb[1 - b], rsems[1 - b])

            def _row(i, _):
                d = _dis_splat(base + i)
                fn(gb[b], i, d)
                return 0

            lax.fori_loop(0, CHUNK, _row, 0)
            pltpu.async_copy(gb[b], dst_slice(base), wsems[b])
        pltpu.make_async_copy(g_hbm.at[pl.ds(0, CHUNK)], gb[0],
                              wsems[0]).wait()
        pltpu.make_async_copy(g_hbm.at[pl.ds(0, CHUNK)], gb[1],
                              wsems[1]).wait()
        if rezero:
            for _ in range(NCHUNK):
                pltpu.make_async_copy(zbuf64,
                                      acc_sp.at[pl.ds(nbase, CHUNK)],
                                      gsem2).wait()

    def _g1_fn(buf, i, d):
        d2 = d * d
        for v in range(VPR):
            sl = pl.ds(v * L, L)
            buf[i, sl] = d2 * (rowbuf1[i, sl] + buf[i, sl])

    with jax.named_scope("g1"):
        _eg_phase(lambda base: g_hbm.at[pl.ds(gbase + base, CHUNK)],
                  _g1_fn, rezero=True)

    with scope("bar4"):
        plsc.subcore_barrier()

    with jax.named_scope("hop2"):
        _edge_round()

    with scope("bar5"):
        plsc.subcore_barrier()

    def _h2_fn(buf, i, d):
        for v in range(VPR):
            sl = pl.ds(v * L, L)
            buf[i, sl] = d * (rowbuf1[i, sl] + buf[i, sl])

    with jax.named_scope("outp"):
        _eg_phase(lambda base: out.at[c, pl.ds(nbase + base, CHUNK)],
                  _h2_fn, rezero=False)


def _propagate_sc(xh, edges):
    mesh = plsc.VectorSubcoreMesh(core_axis_name="c", subcore_axis_name="s")
    out, _ = pl.kernel(
        _sgc_body,
        out_type=(
            jax.ShapeDtypeStruct((NC, NPAD, DH), jnp.float32),
            jax.ShapeDtypeStruct((NC * NPAD, DH), jnp.float32),
        ),
        mesh=mesh,
        compiler_params=pltpu.CompilerParams(needs_layout_passes=False,
                                             use_tc_tiling_on_sc=False),
        scratch_types=[
            pltpu.VMEM_SHARED((NPAD, DH), jnp.float32),
            pltpu.VMEM_SHARED((NPAD, L), jnp.float32),
            pltpu.VMEM((ROWS, CHUNK), jnp.int32),
            pltpu.VMEM((ROWS, CHUNK), jnp.int32),
            pltpu.VMEM((CHUNK, L), jnp.float32),
            pltpu.VMEM((RPT,), jnp.float32),
            pltpu.VMEM((CHUNK, DH), jnp.float32),
            pltpu.VMEM((CHUNK, DH), jnp.float32),
            pltpu.VMEM((CHUNK, DH), jnp.float32),
            pltpu.VMEM((CHUNK, DH), jnp.float32),
            pltpu.VMEM((CHUNK // 2, L), jnp.float32),
            pltpu.VMEM((CHUNK, L), jnp.float32),
            pltpu.SemaphoreType.DMA,
            pltpu.SemaphoreType.DMA,
            pltpu.SemaphoreType.DMA,
            pltpu.SemaphoreType.DMA,
            pltpu.SemaphoreType.DMA,
            pltpu.SemaphoreType.DMA,
            pltpu.SemaphoreType.DMA,
            pltpu.SemaphoreType.DMA,
            pltpu.SemaphoreType.DMA,
        ],
    )(xh, edges)
    return out


def _linsoftmax_body(ha_ref, hb_ref, wt_ref, b_ref, o_ref):
    logits = (jnp.dot(ha_ref[0], wt_ref[0:DH, :],
                      preferred_element_type=jnp.float32)
              + jnp.dot(hb_ref[0], wt_ref[DH:D, :],
                        preferred_element_type=jnp.float32)
              + b_ref[...])
    m = jnp.max(logits, axis=1, keepdims=True)
    ex = jnp.exp(logits - m)
    o_ref[...] = ex / jnp.sum(ex, axis=1, keepdims=True)


def _linsoftmax_tc(halves, wt, b2):
    blk = 2000
    grid = N // blk
    return pl.pallas_call(
        _linsoftmax_body,
        grid=(grid,),
        in_specs=[
            pl.BlockSpec((1, blk, DH), lambda i: (0, i, 0)),
            pl.BlockSpec((1, blk, DH), lambda i: (1, i, 0)),
            pl.BlockSpec((D, C), lambda i: (0, 0)),
            pl.BlockSpec((1, C), lambda i: (0, 0)),
        ],
        out_specs=pl.BlockSpec((blk, C), lambda i: (i, 0)),
        out_shape=jax.ShapeDtypeStruct((N, C), jnp.float32),
    )(halves, halves, wt, b2)


def kernel(x, edge_index, W, b):
    src = edge_index[0]
    dst = edge_index[1]
    pad = N + (jnp.arange(ETOT - E, dtype=jnp.int32) % (NPAD - N))
    edges = jnp.concatenate(
        [edge_index, jnp.stack([pad, pad])], axis=1,
    ).reshape(2, NS * ROWS, CHUNK)
    xp = jnp.pad(x, ((0, NPAD - N), (0, 0)))

    halves = _propagate_sc(xp, edges)
    return _linsoftmax_tc(halves, W.T, b.reshape(1, C))

# --- scband reference (transcript-rebuilt; emitter-appended) ---
"""Pipeline reference for scband-sgc-78795470012813 (READ-ONLY COPY).

The authoritative reference and input builder live on the scoring server;
editing this copy changes nothing except your own understanding.
"""

import jax, jax.numpy as jnp
import numpy as np

N = 10000
E = 320000
D = 128
C = 64
K = 2


def setup_inputs(seed: int = 0) -> dict:
    key = jax.random.key(seed)
    k1, k2, k3 = jax.random.split(key, 3)
    x = jax.random.normal(k1, (N, D), dtype=jnp.float32)
    edge_index = jax.random.randint(k2, (2, E), 0, N, dtype=jnp.int32)
    # SGConv's internal Linear(in_features, num_classes) parameters
    W = jax.random.normal(k3, (C, D), dtype=jnp.float32) * (1.0 / np.sqrt(D))
    b = jnp.zeros((C,), dtype=jnp.float32)
    return {"x": x, "edge_index": edge_index, "W": W, "b": b}


def reference(x, edge_index, W, b):
    # SGConv with K=2, gcn_norm with added self-loops (PyG defaults)
    src = edge_index[0]
    dst = edge_index[1]
    loop = jnp.arange(N, dtype=src.dtype)
    row = jnp.concatenate([src, loop])
    col = jnp.concatenate([dst, loop])
    ew = jnp.ones(row.shape[0], dtype=x.dtype)
    # symmetric normalization: deg computed at destination (col)
    deg = jnp.zeros((N,), dtype=x.dtype).at[col].add(ew)
    deg_inv_sqrt = jnp.where(deg > 0, 1.0 / jnp.sqrt(deg), 0.0)
    norm = deg_inv_sqrt[row] * ew * deg_inv_sqrt[col]
    h = x
    for _ in range(K):
        # message: norm * h[src]; aggregate: scatter-add at dst
        msg = norm[:, None] * jnp.take(h, row, axis=0)
        h = jnp.zeros((N, h.shape[1]), dtype=x.dtype).at[col].add(msg)
    out = h @ W.T + b
    return jax.nn.softmax(out, axis=1)

if __name__ == "__main__":
    import jax
    _d = setup_inputs()
    print(jax.jit(kernel)(*tuple(_d.values())))

</pallas_src>

<mosaic_0001>
#map = affine_map<(d0, d1) -> (0, 0)>
#map1 = affine_map<(d0, d1) -> (0, 0, 0)>
module attributes {stable_mosaic.version = 14 : i64} {
  func.func @_sgc_body(%arg0: i32, %arg1: i32, %arg2: memref<10240x128xf32, #tpu.memory_space<hbm>>, %arg3: memref<2x2560x128xi32, #tpu.memory_space<hbm>>, %arg4: memref<2x10240x64xf32, #tpu.memory_space<hbm>>, %arg5: memref<20480x64xf32, #tpu.memory_space<hbm>>, %arg6: memref<10240x64xf32, #tpu.memory_space<vmem_shared>>, %arg7: memref<10240x16xf32, #tpu.memory_space<vmem_shared>>, %arg8: memref<160x128xi32, #tpu.memory_space<vmem>>, %arg9: memref<160x128xi32, #tpu.memory_space<vmem>>, %arg10: memref<128x16xf32, #tpu.memory_space<vmem>>, %arg11: memref<640xf32, #tpu.memory_space<vmem>>, %arg12: memref<128x64xf32, #tpu.memory_space<vmem>>, %arg13: memref<128x64xf32, #tpu.memory_space<vmem>>, %arg14: memref<128x64xf32, #tpu.memory_space<vmem>>, %arg15: memref<128x64xf32, #tpu.memory_space<vmem>>, %arg16: memref<64x16xf32, #tpu.memory_space<vmem>>, %arg17: memref<128x16xf32, #tpu.memory_space<vmem>>, %arg18: memref<!tpu.dma_semaphore, #tpu.memory_space<semaphore_mem>>, %arg19: memref<!tpu.dma_semaphore, #tpu.memory_space<semaphore_mem>>, %arg20: memref<!tpu.dma_semaphore, #tpu.memory_space<semaphore_mem>>, %arg21: memref<!tpu.dma_semaphore, #tpu.memory_space<semaphore_mem>>, %arg22: memref<!tpu.dma_semaphore, #tpu.memory_space<semaphore_mem>>, %arg23: memref<!tpu.dma_semaphore, #tpu.memory_space<semaphore_mem>>, %arg24: memref<!tpu.dma_semaphore, #tpu.memory_space<semaphore_mem>>, %arg25: memref<!tpu.dma_semaphore, #tpu.memory_space<semaphore_mem>>, %arg26: memref<!tpu.dma_semaphore, #tpu.memory_space<semaphore_mem>>) attributes {dimension_semantics = [#tpu.dimension_semantics<core_parallel>, #tpu.dimension_semantics<subcore_parallel>], iteration_bounds = array<i64: 2, 16>, scalar_prefetch = 0 : i64, scratch_operands = 21 : i64, tpu.core_type = #tpu.core_type<sc_vector_subcore>, window_params = [{transform_indices = #map}, {transform_indices = #map1}, {transform_indices = #map1}, {transform_indices = #map}]} {
    %mul3A = arith.constant 640 : i32
    %mul3A_0 = arith.muli %arg1, %mul3A : i32
    %mul3A_1 = arith.constant 10240 : i32
    %mul3A_2 = arith.muli %arg0, %mul3A_1 : i32
    %add3A = arith.addi %mul3A_2, %mul3A_0 : i32
    %broadcast_in_dim3A = arith.constant 0.000000e+00 : f32
    %broadcast_in_dim3A_3 = vector.broadcast %broadcast_in_dim3A : f32 to vector<16xf32>
    %iota3A = tpu.iota {dimensions = array<i32: 0>} : vector<16xi32>
    %eq3A = arith.constant 0 : i32
    %eq3A_4 = vector.broadcast %eq3A : i32 to vector<16xi32>
    %eq3A_5 = arith.cmpi eq, %iota3A, %eq3A_4 : vector<16xi32>
    %jit3A = arith.constant 1.000000e+00 : f32
    %jit3A_6 = arith.constant 0.000000e+00 : f32
    %broadcast_in_dim3A_7 = vector.broadcast %jit3A : f32 to vector<16xf32>
    %broadcast_in_dim3A_8 = vector.broadcast %jit3A_6 : f32 to vector<16xf32>
    %select_n3A = arith.select %eq3A_5, %broadcast_in_dim3A_7, %broadcast_in_dim3A_8 : vector<16xi1>, vector<16xf32>
    "tpu.trace_start"() <{level = 10 : i32, message = "init"}> : () -> ()
    %scan3A = arith.constant 0 : i32
    %scan3A_9 = arith.constant 0 : i32
    %scan3A_10 = arith.constant 128 : i32
    %scan3A_11 = arith.addi %scan3A_9, %scan3A_10 : i32
    %scan3A_12 = arith.constant 1 : i32
    %scan3A_13 = scf.for %scan3A_721 = %scan3A_9 to %scan3A_11 step %scan3A_12 iter_args(%scan3A_722 = %scan3A) -> (i32)  : i32 {
      %swap3A = arith.index_cast %scan3A_721 : i32 to index
      %swap3A_723 = arith.constant 0 : index
      %swap3A_724 = tpu.vector_load %arg17[%swap3A, %swap3A_723] {strides = array<i32>} : memref<128x16xf32, #tpu.memory_space<vmem>>, vector<16xf32>,
      tpu.vector_store %arg17[%swap3A, %swap3A_723], %select_n3A {strides = array<i32>} : memref<128x16xf32, #tpu.memory_space<vmem>>, vector<16xf32>,
      %swap3A_725 = arith.index_cast %scan3A_721 : i32 to index
      %swap3A_726 = arith.constant 0 : index
      %swap3A_727 = tpu.vector_load %arg15[%swap3A_725, %swap3A_726] {strides = array<i32>} : memref<128x64xf32, #tpu.memory_space<vmem>>, vector<16xf32>,
      tpu.vector_store %arg15[%swap3A_725, %swap3A_726], %broadcast_in_dim3A_3 {strides = array<i32>} : memref<128x64xf32, #tpu.memory_space<vmem>>, vector<16xf32>,
      %swap3A_728 = arith.index_cast %scan3A_721 : i32 to index
      %swap3A_729 = arith.constant 16 : index
      %swap3A_730 = tpu.vector_load %arg15[%swap3A_728, %swap3A_729] {strides = array<i32>} : memref<128x64xf32, #tpu.memory_space<vmem>>, vector<16xf32>,
      tpu.vector_store %arg15[%swap3A_728, %swap3A_729], %broadcast_in_dim3A_3 {strides = array<i32>} : memref<128x64xf32, #tpu.memory_space<vmem>>, vector<16xf32>,
      %swap3A_731 = arith.index_cast %scan3A_721 : i32 to index
      %swap3A_732 = arith.constant 32 : index
      %swap3A_733 = tpu.vector_load %arg15[%swap3A_731, %swap3A_732] {strides = array<i32>} : memref<128x64xf32, #tpu.memory_space<vmem>>, vector<16xf32>,
      tpu.vector_store %arg15[%swap3A_731, %swap3A_732], %broadcast_in_dim3A_3 {strides = array<i32>} : memref<128x64xf32, #tpu.memory_space<vmem>>, vector<16xf32>,
      %swap3A_734 = arith.index_cast %scan3A_721 : i32 to index
      %swap3A_735 = arith.constant 48 : index
      %swap3A_736 = tpu.vector_load %arg15[%swap3A_734, %swap3A_735] {strides = array<i32>} : memref<128x64xf32, #tpu.memory_space<vmem>>, vector<16xf32>,
      tpu.vector_store %arg15[%swap3A_734, %swap3A_735], %broadcast_in_dim3A_3 {strides = array<i32>} : memref<128x64xf32, #tpu.memory_space<vmem>>, vector<16xf32>,
      %scan3A_737 = arith.constant 0 : i32
      scf.yield %scan3A_737 : i32
    }
    %scan3A_14 = arith.constant 128 : i32
    %scan3A_15 = arith.constant 0 : i32
    %scan3A_16 = arith.constant 0 : i32
    %scan3A_17 = arith.constant 64 : i32
    %scan3A_18 = arith.addi %scan3A_16, %scan3A_17 : i32
    %scan3A_19 = arith.constant 1 : i32
    %scan3A_20 = scf.for %scan3A_721 = %scan3A_16 to %scan3A_18 step %scan3A_19 iter_args(%scan3A_722 = %scan3A_15) -> (i32)  : i32 {
      %swap3A = arith.index_cast %scan3A_721 : i32 to index
      %swap3A_723 = arith.constant 0 : index
      %swap3A_724 = tpu.vector_load %arg16[%swap3A, %swap3A_723] {strides = array<i32>} : memref<64x16xf32, #tpu.memory_space<vmem>>, vector<16xf32>,
      tpu.vector_store %arg16[%swap3A, %swap3A_723], %broadcast_in_dim3A_3 {strides = array<i32>} : memref<64x16xf32, #tpu.memory_space<vmem>>, vector<16xf32>,
      %scan3A_725 = arith.constant 0 : i32
      scf.yield %scan3A_725 : i32
    }
    %scan3A_21 = arith.constant 64 : i32
    %scan3A_22 = arith.constant 0 : i32
    %scan3A_23 = arith.constant 0 : i32
    %scan3A_24 = arith.constant 10 : i32
    %scan3A_25 = arith.addi %scan3A_23, %scan3A_24 : i32
    %scan3A_26 = arith.constant 1 : i32
    %scan3A_27 = scf.for %scan3A_721 = %scan3A_23 to %scan3A_25 step %scan3A_26 iter_args(%scan3A_722 = %scan3A_22) -> (i32)  : i32 {
      %mul3A_723 = arith.constant 64 : i32
      %mul3A_724 = arith.muli %scan3A_721, %mul3A_723 : i32
      %add3A_725 = arith.addi %mul3A_0, %mul3A_724 : i32
      "tpu.region"() ({
        %run_scoped3A_727 = tpu.sem_alloc : memref<!tpu.dma_semaphore, #tpu.memory_space<semaphore_mem>>
        %dma_start3A_728 = arith.constant 0 : i32
        %dma_start3A_729 = tpu.memref_slice %arg7[%add3A_725, %dma_start3A_728] : memref<10240x16xf32, #tpu.memory_space<vmem_shared>> -> memref<64x16xf32, #tpu.memory_space<vmem_shared>>
        %dma_start3A_730 = arith.constant 0 : i32
        %dma_start3A_731 = tpu.memref_slice %arg7[%add3A_725, %dma_start3A_730] : memref<10240x16xf32, #tpu.memory_space<vmem_shared>> -> memref<64x16xf32, #tpu.memory_space<vmem_shared>>
        tpu.enqueue_dma source(%arg16 : memref<64x16xf32, #tpu.memory_space<vmem>>) target(%dma_start3A_731 : memref<64x16xf32, #tpu.memory_space<vmem_shared>>) target_semaphore(%run_scoped3A_727 : memref<!tpu.dma_semaphore, #tpu.memory_space<semaphore_mem>>)
        %dma_wait3A_732 = arith.constant 0 : i32
        %dma_wait3A_733 = tpu.memref_slice %arg7[%add3A_725, %dma_wait3A_732] : memref<10240x16xf32, #tpu.memory_space<vmem_shared>> -> memref<64x16xf32, #tpu.memory_space<vmem_shared>>
        %dma_wait3A_734 = arith.constant 0 : i32
        %dma_wait3A_735 = tpu.memref_slice %arg7[%add3A_725, %dma_wait3A_734] : memref<10240x16xf32, #tpu.memory_space<vmem_shared>> -> memref<64x16xf32, #tpu.memory_space<vmem_shared>>
        tpu.wait_dma2 semaphore(%run_scoped3A_727 : memref<!tpu.dma_semaphore, #tpu.memory_space<semaphore_mem>>) src(%arg16 : memref<64x16xf32, #tpu.memory_space<vmem>>) dst(%dma_wait3A_735 : memref<64x16xf32, #tpu.memory_space<vmem_shared>>)
        tpu.yield
      }) : () -> ()
      %scan3A_726 = arith.constant 0 : i32
      scf.yield %scan3A_726 : i32
    }
    %scan3A_28 = arith.constant 10 : i32
    %scan3A_29 = arith.constant 0 : i32
    %scan3A_30 = arith.constant 0 : i32
    %scan3A_31 = arith.constant 5 : i32
    %scan3A_32 = arith.addi %scan3A_30, %scan3A_31 : i32
    %scan3A_33 = arith.constant 1 : i32
    %scan3A_34 = scf.for %scan3A_721 = %scan3A_30 to %scan3A_32 step %scan3A_33 iter_args(%scan3A_722 = %scan3A_29) -> (i32)  : i32 {
      %mul3A_723 = arith.constant 128 : i32
      %mul3A_724 = arith.muli %scan3A_721, %mul3A_723 : i32
      %add3A_725 = arith.addi %mul3A_0, %mul3A_724 : i32
      "tpu.region"() ({
        %run_scoped3A_727 = tpu.sem_alloc : memref<!tpu.dma_semaphore, #tpu.memory_space<semaphore_mem>>
        %dma_start3A_728 = arith.constant 0 : i32
        %dma_start3A_729 = tpu.memref_slice %arg6[%add3A_725, %dma_start3A_728] : memref<10240x64xf32, #tpu.memory_space<vmem_shared>> -> memref<128x64xf32, #tpu.memory_space<vmem_shared>>
        %dma_start3A_730 = arith.constant 0 : i32
        %dma_start3A_731 = tpu.memref_slice %arg6[%add3A_725, %dma_start3A_730] : memref<10240x64xf32, #tpu.memory_space<vmem_shared>> -> memref<128x64xf32, #tpu.memory_space<vmem_shared>>
        tpu.enqueue_dma source(%arg15 : memref<128x64xf32, #tpu.memory_space<vmem>>) target(%dma_start3A_731 : memref<128x64xf32, #tpu.memory_space<vmem_shared>>) target_semaphore(%run_scoped3A_727 : memref<!tpu.dma_semaphore, #tpu.memory_space<semaphore_mem>>)
        %dma_wait3A_732 = arith.constant 0 : i32
        %dma_wait3A_733 = tpu.memref_slice %arg6[%add3A_725, %dma_wait3A_732] : memref<10240x64xf32, #tpu.memory_space<vmem_shared>> -> memref<128x64xf32, #tpu.memory_space<vmem_shared>>
        %dma_wait3A_734 = arith.constant 0 : i32
        %dma_wait3A_735 = tpu.memref_slice %arg6[%add3A_725, %dma_wait3A_734] : memref<10240x64xf32, #tpu.memory_space<vmem_shared>> -> memref<128x64xf32, #tpu.memory_space<vmem_shared>>
        tpu.wait_dma2 semaphore(%run_scoped3A_727 : memref<!tpu.dma_semaphore, #tpu.memory_space<semaphore_mem>>) src(%arg15 : memref<128x64xf32, #tpu.memory_space<vmem>>) dst(%dma_wait3A_735 : memref<128x64xf32, #tpu.memory_space<vmem_shared>>)
        tpu.yield
      }) : () -> ()
      %scan3A_726 = arith.constant 0 : i32
      scf.yield %scan3A_726 : i32
    }
    %scan3A_35 = arith.constant 5 : i32
    %mul3A_36 = arith.constant 160 : i32
    %mul3A_37 = arith.muli %arg1, %mul3A_36 : i32
    %run_scoped3A = arith.constant 1 : i32
    "tpu.region"() ({
      %run_scoped3A_721 = tpu.sem_alloc : memref<!tpu.dma_semaphore, #tpu.memory_space<semaphore_mem>>
      %dma_start3A_722 = arith.constant 0 : i32
      %dma_start3A_723 = tpu.memref_slice %arg3[%run_scoped3A, %mul3A_37, %dma_start3A_722] : memref<2x2560x128xi32, #tpu.memory_space<hbm>> -> memref<1x160x128xi32, #tpu.memory_space<hbm>>
      %dma_start3A_724 = tpu.memref_squeeze %dma_start3A_723 : memref<1x160x128xi32, #tpu.memory_space<hbm>> -> memref<160x128xi32, #tpu.memory_space<hbm>>
      %dma_start3A_725 = arith.constant 0 : i32
      %dma_start3A_726 = tpu.memref_slice %arg3[%run_scoped3A, %mul3A_37, %dma_start3A_725] : memref<2x2560x128xi32, #tpu.memory_space<hbm>> -> memref<1x160x128xi32, #tpu.memory_space<hbm>>
      %dma_start3A_727 = tpu.memref_squeeze %dma_start3A_726 : memref<1x160x128xi32, #tpu.memory_space<hbm>> -> memref<160x128xi32, #tpu.memory_space<hbm>>
      tpu.enqueue_dma source(%dma_start3A_727 : memref<160x128xi32, #tpu.memory_space<hbm>>) target(%arg9 : memref<160x128xi32, #tpu.memory_space<vmem>>) target_semaphore(%run_scoped3A_721 : memref<!tpu.dma_semaphore, #tpu.memory_space<semaphore_mem>>)
      %dma_wait3A_728 = arith.constant 0 : i32
      %dma_wait3A_729 = tpu.memref_slice %arg3[%run_scoped3A, %mul3A_37, %dma_wait3A_728] : memref<2x2560x128xi32, #tpu.memory_space<hbm>> -> memref<1x160x128xi32, #tpu.memory_space<hbm>>
      %dma_wait3A_730 = tpu.memref_squeeze %dma_wait3A_729 : memref<1x160x128xi32, #tpu.memory_space<hbm>> -> memref<160x128xi32, #tpu.memory_space<hbm>>
      %dma_wait3A_731 = arith.constant 0 : i32
      %dma_wait3A_732 = tpu.memref_slice %arg3[%run_scoped3A, %mul3A_37, %dma_wait3A_731] : memref<2x2560x128xi32, #tpu.memory_space<hbm>> -> memref<1x160x128xi32, #tpu.memory_space<hbm>>
      %dma_wait3A_733 = tpu.memref_squeeze %dma_wait3A_732 : memref<1x160x128xi32, #tpu.memory_space<hbm>> -> memref<160x128xi32, #tpu.memory_space<hbm>>
      tpu.wait_dma2 semaphore(%run_scoped3A_721 : memref<!tpu.dma_semaphore, #tpu.memory_space<semaphore_mem>>) src(%dma_wait3A_733 : memref<160x128xi32, #tpu.memory_space<hbm>>) dst(%arg9 : memref<160x128xi32, #tpu.memory_space<vmem>>)
      tpu.yield
    }) : () -> ()
    "tpu.trace_stop"() : () -> ()
    "tpu.trace_start"() <{level = 10 : i32, message = "bar0"}> : () -> ()
    %barrier3A = arith.constant 0 : index
    tpu.barrier barrier_id(%barrier3A)
    "tpu.trace_stop"() : () -> ()
    %mul3A_38 = arith.constant 10240 : i32
    %mul3A_39 = arith.muli %arg0, %mul3A_38 : i32
    %broadcast_in_dim3A_40 = vector.broadcast %mul3A_39 : i32 to vector<16xi32>
    "tpu.trace_start"() <{level = 10 : i32, message = "deg"}> : () -> ()
    %scan3A_41 = arith.constant 0 : i32
    %scan3A_42 = arith.constant 0 : i32
    %scan3A_43 = arith.constant 160 : i32
    %scan3A_44 = arith.addi %scan3A_42, %scan3A_43 : i32
    %scan3A_45 = arith.constant 1 : i32
    %scan3A_46 = scf.for %scan3A_721 = %scan3A_42 to %scan3A_44 step %scan3A_45 iter_args(%scan3A_722 = %scan3A_41) -> (i32)  : i32 {
      %dma_start3A_723 = arith.constant 0 : i32
      %dma_start3A_724 = tpu.memref_slice %arg9[%scan3A_721, %dma_start3A_723] : memref<160x128xi32, #tpu.memory_space<vmem>> -> memref<1x128xi32, #tpu.memory_space<vmem>>
      %dma_start3A_725 = tpu.memref_squeeze %dma_start3A_724 : memref<1x128xi32, #tpu.memory_space<vmem>> -> memref<128xi32, #tpu.memory_space<vmem>>
      %dma_start3A_726 = arith.constant 0 : i32
      %dma_start3A_727 = arith.constant 0 : i32
      %dma_start3A_728 = tpu.memref_slice %arg7[%dma_start3A_726, %dma_start3A_727] : memref<10240x16xf32, #tpu.memory_space<vmem_shared>> -> memref<10240x16xf32, #tpu.memory_space<vmem_shared>>
      tpu.enqueue_indirect_dma source(%arg17 : memref<128x16xf32, #tpu.memory_space<vmem>>) target(%dma_start3A_728 : memref<10240x16xf32, #tpu.memory_space<vmem_shared>>) offsets(%dma_start3A_725 : memref<128xi32, #tpu.memory_space<vmem>>) semaphore(%arg26 : memref<!tpu.dma_semaphore, #tpu.memory_space<semaphore_mem>>) {add = true}
      %scan3A_729 = arith.constant 0 : i32
      scf.yield %scan3A_729 : i32
    }
    %scan3A_47 = arith.constant 160 : i32
    %mul3A_48 = arith.constant 160 : i32
    %mul3A_49 = arith.muli %arg1, %mul3A_48 : i32
    %run_scoped3A_50 = arith.constant 0 : i32
    "tpu.region"() ({
      %run_scoped3A_721 = tpu.sem_alloc : memref<!tpu.dma_semaphore, #tpu.memory_space<semaphore_mem>>
      %dma_start3A_722 = arith.constant 0 : i32
      %dma_start3A_723 = tpu.memref_slice %arg3[%run_scoped3A_50, %mul3A_49, %dma_start3A_722] : memref<2x2560x128xi32, #tpu.memory_space<hbm>> -> memref<1x160x128xi32, #tpu.memory_space<hbm>>
      %dma_start3A_724 = tpu.memref_squeeze %dma_start3A_723 : memref<1x160x128xi32, #tpu.memory_space<hbm>> -> memref<160x128xi32, #tpu.memory_space<hbm>>
      %dma_start3A_725 = arith.constant 0 : i32
      %dma_start3A_726 = tpu.memref_slice %arg3[%run_scoped3A_50, %mul3A_49, %dma_start3A_725] : memref<2x2560x128xi32, #tpu.memory_space<hbm>> -> memref<1x160x128xi32, #tpu.memory_space<hbm>>
      %dma_start3A_727 = tpu.memref_squeeze %dma_start3A_726 : memref<1x160x128xi32, #tpu.memory_space<hbm>> -> memref<160x128xi32, #tpu.memory_space<hbm>>
      tpu.enqueue_dma source(%dma_start3A_727 : memref<160x128xi32, #tpu.memory_space<hbm>>) target(%arg8 : memref<160x128xi32, #tpu.memory_space<vmem>>) target_semaphore(%run_scoped3A_721 : memref<!tpu.dma_semaphore, #tpu.memory_space<semaphore_mem>>)
      %dma_wait3A_728 = arith.constant 0 : i32
      %dma_wait3A_729 = tpu.memref_slice %arg3[%run_scoped3A_50, %mul3A_49, %dma_wait3A_728] : memref<2x2560x128xi32, #tpu.memory_space<hbm>> -> memref<1x160x128xi32, #tpu.memory_space<hbm>>
      %dma_wait3A_730 = tpu.memref_squeeze %dma_wait3A_729 : memref<1x160x128xi32, #tpu.memory_space<hbm>> -> memref<160x128xi32, #tpu.memory_space<hbm>>
      %dma_wait3A_731 = arith.constant 0 : i32
      %dma_wait3A_732 = tpu.memref_slice %arg3[%run_scoped3A_50, %mul3A_49, %dma_wait3A_731] : memref<2x2560x128xi32, #tpu.memory_space<hbm>> -> memref<1x160x128xi32, #tpu.memory_space<hbm>>
      %dma_wait3A_733 = tpu.memref_squeeze %dma_wait3A_732 : memref<1x160x128xi32, #tpu.memory_space<hbm>> -> memref<160x128xi32, #tpu.memory_space<hbm>>
      tpu.wait_dma2 semaphore(%run_scoped3A_721 : memref<!tpu.dma_semaphore, #tpu.memory_space<semaphore_mem>>) src(%dma_wait3A_733 : memref<160x128xi32, #tpu.memory_space<hbm>>) dst(%arg8 : memref<160x128xi32, #tpu.memory_space<vmem>>)
      tpu.yield
    }) : () -> ()
    %scan3A_51 = arith.constant 0 : i32
    %scan3A_52 = arith.constant 0 : i32
    %scan3A_53 = arith.constant 160 : i32
    %scan3A_54 = arith.addi %scan3A_52, %scan3A_53 : i32
    %scan3A_55 = arith.constant 1 : i32
    %scan3A_56 = scf.for %scan3A_721 = %scan3A_52 to %scan3A_54 step %scan3A_55 iter_args(%scan3A_722 = %scan3A_51) -> (i32)  : i32 {
      %get3A = arith.index_cast %scan3A_721 : i32 to index
      %get3A_723 = arith.constant 0 : index
      %get3A_724 = tpu.vector_load %arg8[%get3A, %get3A_723] {strides = array<i32>} : memref<160x128xi32, #tpu.memory_space<vmem>>, vector<16xi32>,
      %add3A_725 = arith.addi %get3A_724, %broadcast_in_dim3A_40 : vector<16xi32>
      %swap3A = arith.index_cast %scan3A_721 : i32 to index
      %swap3A_726 = arith.constant 0 : index
      %swap3A_727 = tpu.vector_load %arg8[%swap3A, %swap3A_726] {strides = array<i32>} : memref<160x128xi32, #tpu.memory_space<vmem>>, vector<16xi32>,
      tpu.vector_store %arg8[%swap3A, %swap3A_726], %add3A_725 {strides = array<i32>} : memref<160x128xi32, #tpu.memory_space<vmem>>, vector<16xi32>,
      %get3A_728 = arith.index_cast %scan3A_721 : i32 to index
      %get3A_729 = arith.constant 16 : index
      %get3A_730 = tpu.vector_load %arg8[%get3A_728, %get3A_729] {strides = array<i32>} : memref<160x128xi32, #tpu.memory_space<vmem>>, vector<16xi32>,
      %add3A_731 = arith.addi %get3A_730, %broadcast_in_dim3A_40 : vector<16xi32>
      %swap3A_732 = arith.index_cast %scan3A_721 : i32 to index
      %swap3A_733 = arith.constant 16 : index
      %swap3A_734 = tpu.vector_load %arg8[%swap3A_732, %swap3A_733] {strides = array<i32>} : memref<160x128xi32, #tpu.memory_space<vmem>>, vector<16xi32>,
      tpu.vector_store %arg8[%swap3A_732, %swap3A_733], %add3A_731 {strides = array<i32>} : memref<160x128xi32, #tpu.memory_space<vmem>>, vector<16xi32>,
      %get3A_735 = arith.index_cast %scan3A_721 : i32 to index
      %get3A_736 = arith.constant 32 : index
      %get3A_737 = tpu.vector_load %arg8[%get3A_735, %get3A_736] {strides = array<i32>} : memref<160x128xi32, #tpu.memory_space<vmem>>, vector<16xi32>,
      %add3A_738 = arith.addi %get3A_737, %broadcast_in_dim3A_40 : vector<16xi32>
      %swap3A_739 = arith.index_cast %scan3A_721 : i32 to index
      %swap3A_740 = arith.constant 32 : index
      %swap3A_741 = tpu.vector_load %arg8[%swap3A_739, %swap3A_740] {strides = array<i32>} : memref<160x128xi32, #tpu.memory_space<vmem>>, vector<16xi32>,
      tpu.vector_store %arg8[%swap3A_739, %swap3A_740], %add3A_738 {strides = array<i32>} : memref<160x128xi32, #tpu.memory_space<vmem>>, vector<16xi32>,
      %get3A_742 = arith.index_cast %scan3A_721 : i32 to index
      %get3A_743 = arith.constant 48 : index
      %get3A_744 = tpu.vector_load %arg8[%get3A_742, %get3A_743] {strides = array<i32>} : memref<160x128xi32, #tpu.memory_space<vmem>>, vector<16xi32>,
      %add3A_745 = arith.addi %get3A_744, %broadcast_in_dim3A_40 : vector<16xi32>
      %swap3A_746 = arith.index_cast %scan3A_721 : i32 to index
      %swap3A_747 = arith.constant 48 : index
      %swap3A_748 = tpu.vector_load %arg8[%swap3A_746, %swap3A_747] {strides = array<i32>} : memref<160x128xi32, #tpu.memory_space<vmem>>, vector<16xi32>,
      tpu.vector_store %arg8[%swap3A_746, %swap3A_747], %add3A_745 {strides = array<i32>} : memref<160x128xi32, #tpu.memory_space<vmem>>, vector<16xi32>,
      %get3A_749 = arith.index_cast %scan3A_721 : i32 to index
      %get3A_750 = arith.constant 64 : index
      %get3A_751 = tpu.vector_load %arg8[%get3A_749, %get3A_750] {strides = array<i32>} : memref<160x128xi32, #tpu.memory_space<vmem>>, vector<16xi32>,
      %add3A_752 = arith.addi %get3A_751, %broadcast_in_dim3A_40 : vector<16xi32>
      %swap3A_753 = arith.index_cast %scan3A_721 : i32 to index
      %swap3A_754 = arith.constant 64 : index
      %swap3A_755 = tpu.vector_load %arg8[%swap3A_753, %swap3A_754] {strides = array<i32>} : memref<160x128xi32, #tpu.memory_space<vmem>>, vector<16xi32>,
      tpu.vector_store %arg8[%swap3A_753, %swap3A_754], %add3A_752 {strides = array<i32>} : memref<160x128xi32, #tpu.memory_space<vmem>>, vector<16xi32>,
      %get3A_756 = arith.index_cast %scan3A_721 : i32 to index
      %get3A_757 = arith.constant 80 : index
      %get3A_758 = tpu.vector_load %arg8[%get3A_756, %get3A_757] {strides = array<i32>} : memref<160x128xi32, #tpu.memory_space<vmem>>, vector<16xi32>,
      %add3A_759 = arith.addi %get3A_758, %broadcast_in_dim3A_40 : vector<16xi32>
      %swap3A_760 = arith.index_cast %scan3A_721 : i32 to index
      %swap3A_761 = arith.constant 80 : index
      %swap3A_762 = tpu.vector_load %arg8[%swap3A_760, %swap3A_761] {strides = array<i32>} : memref<160x128xi32, #tpu.memory_space<vmem>>, vector<16xi32>,
      tpu.vector_store %arg8[%swap3A_760, %swap3A_761], %add3A_759 {strides = array<i32>} : memref<160x128xi32, #tpu.memory_space<vmem>>, vector<16xi32>,
      %get3A_763 = arith.index_cast %scan3A_721 : i32 to index
      %get3A_764 = arith.constant 96 : index
      %get3A_765 = tpu.vector_load %arg8[%get3A_763, %get3A_764] {strides = array<i32>} : memref<160x128xi32, #tpu.memory_space<vmem>>, vector<16xi32>,
      %add3A_766 = arith.addi %get3A_765, %broadcast_in_dim3A_40 : vector<16xi32>
      %swap3A_767 = arith.index_cast %scan3A_721 : i32 to index
      %swap3A_768 = arith.constant 96 : index
      %swap3A_769 = tpu.vector_load %arg8[%swap3A_767, %swap3A_768] {strides = array<i32>} : memref<160x128xi32, #tpu.memory_space<vmem>>, vector<16xi32>,
      tpu.vector_store %arg8[%swap3A_767, %swap3A_768], %add3A_766 {strides = array<i32>} : memref<160x128xi32, #tpu.memory_space<vmem>>, vector<16xi32>,
      %get3A_770 = arith.index_cast %scan3A_721 : i32 to index
      %get3A_771 = arith.constant 112 : index
      %get3A_772 = tpu.vector_load %arg8[%get3A_770, %get3A_771] {strides = array<i32>} : memref<160x128xi32, #tpu.memory_space<vmem>>, vector<16xi32>,
      %add3A_773 = arith.addi %get3A_772, %broadcast_in_dim3A_40 : vector<16xi32>
      %swap3A_774 = arith.index_cast %scan3A_721 : i32 to index
      %swap3A_775 = arith.constant 112 : index
      %swap3A_776 = tpu.vector_load %arg8[%swap3A_774, %swap3A_775] {strides = array<i32>} : memref<160x128xi32, #tpu.memory_space<vmem>>, vector<16xi32>,
      tpu.vector_store %arg8[%swap3A_774, %swap3A_775], %add3A_773 {strides = array<i32>} : memref<160x128xi32, #tpu.memory_space<vmem>>, vector<16xi32>,
      %scan3A_777 = arith.constant 0 : i32
      scf.yield %scan3A_777 : i32
    }
    %scan3A_57 = arith.constant 160 : i32
    %scan3A_58 = arith.constant 0 : i32
    %scan3A_59 = arith.constant 0 : i32
    %scan3A_60 = arith.constant 160 : i32
    %scan3A_61 = arith.addi %scan3A_59, %scan3A_60 : i32
    %scan3A_62 = arith.constant 1 : i32
    %scan3A_63 = scf.for %scan3A_721 = %scan3A_59 to %scan3A_61 step %scan3A_62 iter_args(%scan3A_722 = %scan3A_58) -> (i32)  : i32 {
      %dma_wait3A_723 = arith.constant 0 : i32
      %dma_wait3A_724 = tpu.memref_slice %arg9[%scan3A_721, %dma_wait3A_723] : memref<160x128xi32, #tpu.memory_space<vmem>> -> memref<1x128xi32, #tpu.memory_space<vmem>>
      %dma_wait3A_725 = tpu.memref_squeeze %dma_wait3A_724 : memref<1x128xi32, #tpu.memory_space<vmem>> -> memref<128xi32, #tpu.memory_space<vmem>>
      %dma_wait3A_726 = arith.constant 0 : i32
      %dma_wait3A_727 = arith.constant 0 : i32
      %dma_wait3A_728 = tpu.memref_slice %arg7[%dma_wait3A_726, %dma_wait3A_727] : memref<10240x16xf32, #tpu.memory_space<vmem_shared>> -> memref<10240x16xf32, #tpu.memory_space<vmem_shared>>
      tpu.wait_indirect_dma semaphore(%arg26 : memref<!tpu.dma_semaphore, #tpu.memory_space<semaphore_mem>>) src(%arg17 : memref<128x16xf32, #tpu.memory_space<vmem>>) dst(%dma_wait3A_728 : memref<10240x16xf32, #tpu.memory_space<vmem_shared>>)
      %scan3A_729 = arith.constant 0 : i32
      scf.yield %scan3A_729 : i32
    }
    %scan3A_64 = arith.constant 160 : i32
    "tpu.trace_stop"() : () -> ()
    "tpu.trace_start"() <{level = 10 : i32, message = "bar1"}> : () -> ()
    %barrier3A_65 = arith.constant 0 : index
    tpu.barrier barrier_id(%barrier3A_65)
    "tpu.trace_stop"() : () -> ()
    %scan3A_66 = arith.constant 0 : i32
    %scan3A_67 = arith.constant 0 : i32
    %scan3A_68 = arith.constant 5 : i32
    %scan3A_69 = arith.addi %scan3A_67, %scan3A_68 : i32
    %scan3A_70 = arith.constant 1 : i32
    %scan3A_71 = scf.for %scan3A_721 = %scan3A_67 to %scan3A_69 step %scan3A_70 iter_args(%scan3A_722 = %scan3A_66) -> (i32)  : i32 {
      %mul3A_723 = arith.constant 128 : i32
      %mul3A_724 = arith.muli %scan3A_721, %mul3A_723 : i32
      %add3A_725 = arith.addi %mul3A_0, %mul3A_724 : i32
      "tpu.region"() ({
        %run_scoped3A_734 = tpu.sem_alloc : memref<!tpu.dma_semaphore, #tpu.memory_space<semaphore_mem>>
        %dma_start3A_735 = arith.constant 0 : i32
        %dma_start3A_736 = tpu.memref_slice %arg7[%add3A_725, %dma_start3A_735] : memref<10240x16xf32, #tpu.memory_space<vmem_shared>> -> memref<128x16xf32, #tpu.memory_space<vmem_shared>>
        %dma_start3A_737 = arith.constant 0 : i32
        %dma_start3A_738 = tpu.memref_slice %arg7[%add3A_725, %dma_start3A_737] : memref<10240x16xf32, #tpu.memory_space<vmem_shared>> -> memref<128x16xf32, #tpu.memory_space<vmem_shared>>
        tpu.enqueue_dma source(%dma_start3A_738 : memref<128x16xf32, #tpu.memory_space<vmem_shared>>) target(%arg10 : memref<128x16xf32, #tpu.memory_space<vmem>>) target_semaphore(%run_scoped3A_734 : memref<!tpu.dma_semaphore, #tpu.memory_space<semaphore_mem>>)
        %dma_wait3A_739 = arith.constant 0 : i32
        %dma_wait3A_740 = tpu.memref_slice %arg7[%add3A_725, %dma_wait3A_739] : memref<10240x16xf32, #tpu.memory_space<vmem_shared>> -> memref<128x16xf32, #tpu.memory_space<vmem_shared>>
        %dma_wait3A_741 = arith.constant 0 : i32
        %dma_wait3A_742 = tpu.memref_slice %arg7[%add3A_725, %dma_wait3A_741] : memref<10240x16xf32, #tpu.memory_space<vmem_shared>> -> memref<128x16xf32, #tpu.memory_space<vmem_shared>>
        tpu.wait_dma2 semaphore(%run_scoped3A_734 : memref<!tpu.dma_semaphore, #tpu.memory_space<semaphore_mem>>) src(%dma_wait3A_742 : memref<128x16xf32, #tpu.memory_space<vmem_shared>>) dst(%arg10 : memref<128x16xf32, #tpu.memory_space<vmem>>)
        tpu.yield
      }) : () -> ()
      %scan3A_726 = arith.constant 0 : i32
      %scan3A_727 = arith.constant 0 : i32
      %scan3A_728 = arith.constant 8 : i32
      %scan3A_729 = arith.addi %scan3A_727, %scan3A_728 : i32
      %scan3A_730 = arith.constant 1 : i32
      %scan3A_731 = scf.for %scan3A_734 = %scan3A_727 to %scan3A_729 step %scan3A_730 iter_args(%scan3A_735 = %scan3A_726) -> (i32)  : i32 {
        %mul3A_736 = arith.constant 16 : i32
        %mul3A_737 = arith.muli %scan3A_734, %mul3A_736 : i32
        %iota3A_738 = tpu.iota {dimensions = array<i32: 0>} : vector<16xi32>
        %add3A_739 = vector.broadcast %mul3A_737 : i32 to vector<16xi32>
        %add3A_740 = arith.addi %add3A_739, %iota3A_738 : vector<16xi32>
        %broadcast_in_dim3A_741 = arith.constant 0 : i32
        %broadcast_in_dim3A_742 = vector.broadcast %broadcast_in_dim3A_741 : i32 to vector<16xi32>
        %gather3A = tpu.vector_load_idx %arg10[%add3A_740, %broadcast_in_dim3A_742] : memref<128x16xf32, #tpu.memory_space<vmem>>[vector<16xi32>, vector<16xi32>], vector<16xf32>,
        %add3A_743 = arith.constant 1.000000e+00 : f32
        %add3A_744 = vector.broadcast %add3A_743 : f32 to vector<16xf32>
        %add3A_745 = arith.addf %gather3A, %add3A_744 : vector<16xf32>
        %bitcast3A = vector.bitcast %add3A_745 : vector<16xf32> to vector<16xi32>
        %shift_right_arithmetic3A = arith.constant 1 : i32
        %shift_right_arithmetic3A_746 = vector.broadcast %shift_right_arithmetic3A : i32 to vector<16xi32>
        %shift_right_arithmetic3A_747 = arith.shrsi %bitcast3A, %shift_right_arithmetic3A_746 : vector<16xi32>
        %sub3A = arith.constant 1597463007 : i32
        %sub3A_748 = vector.broadcast %sub3A : i32 to vector<16xi32>
        %sub3A_749 = arith.subi %sub3A_748, %shift_right_arithmetic3A_747 : vector<16xi32>
        %bitcast3A_750 = vector.bitcast %sub3A_749 : vector<16xi32> to vector<16xf32>
        %mul3A_751 = arith.constant 5.000000e-01 : f32
        %mul3A_752 = vector.broadcast %mul3A_751 : f32 to vector<16xf32>
        %mul3A_753 = arith.mulf %mul3A_752, %add3A_745 : vector<16xf32>
        %mul3A_754 = arith.mulf %mul3A_753, %bitcast3A_750 : vector<16xf32>
        %mul3A_755 = arith.mulf %mul3A_754, %bitcast3A_750 : vector<16xf32>
        %sub3A_756 = arith.constant 1.500000e+00 : f32
        %sub3A_757 = vector.broadcast %sub3A_756 : f32 to vector<16xf32>
        %sub3A_758 = arith.subf %sub3A_757, %mul3A_755 : vector<16xf32>
        %mul3A_759 = arith.mulf %bitcast3A_750, %sub3A_758 : vector<16xf32>
        %mul3A_760 = arith.constant 5.000000e-01 : f32
        %mul3A_761 = vector.broadcast %mul3A_760 : f32 to vector<16xf32>
        %mul3A_762 = arith.mulf %mul3A_761, %add3A_745 : vector<16xf32>
        %mul3A_763 = arith.mulf %mul3A_762, %mul3A_759 : vector<16xf32>
        %mul3A_764 = arith.mulf %mul3A_763, %mul3A_759 : vector<16xf32>
        %sub3A_765 = arith.constant 1.500000e+00 : f32
        %sub3A_766 = vector.broadcast %sub3A_765 : f32 to vector<16xf32>
        %sub3A_767 = arith.subf %sub3A_766, %mul3A_764 : vector<16xf32>
        %mul3A_768 = arith.mulf %mul3A_759, %sub3A_767 : vector<16xf32>
        %mul3A_769 = arith.constant 5.000000e-01 : f32
        %mul3A_770 = vector.broadcast %mul3A_769 : f32 to vector<16xf32>
        %mul3A_771 = arith.mulf %mul3A_770, %add3A_745 : vector<16xf32>
        %mul3A_772 = arith.mulf %mul3A_771, %mul3A_768 : vector<16xf32>
        %mul3A_773 = arith.mulf %mul3A_772, %mul3A_768 : vector<16xf32>
        %sub3A_774 = arith.constant 1.500000e+00 : f32
        %sub3A_775 = vector.broadcast %sub3A_774 : f32 to vector<16xf32>
        %sub3A_776 = arith.subf %sub3A_775, %mul3A_773 : vector<16xf32>
        %mul3A_777 = arith.mulf %mul3A_768, %sub3A_776 : vector<16xf32>
        %mul3A_778 = arith.constant 128 : i32
        %mul3A_779 = arith.muli %scan3A_721, %mul3A_778 : i32
        %mul3A_780 = arith.constant 16 : i32
        %mul3A_781 = arith.muli %scan3A_734, %mul3A_780 : i32
        %add3A_782 = arith.addi %mul3A_779, %mul3A_781 : i32
        %swap3A = arith.index_cast %add3A_782 : i32 to index
        %swap3A_783 = tpu.vector_load %arg11[%swap3A] {strides = array<i32>} : memref<640xf32, #tpu.memory_space<vmem>>, vector<16xf32>,
        tpu.vector_store %arg11[%swap3A], %mul3A_777 {strides = array<i32>} : memref<640xf32, #tpu.memory_space<vmem>>, vector<16xf32>,
        %scan3A_784 = arith.constant 0 : i32
        scf.yield %scan3A_784 : i32
      }
      %scan3A_732 = arith.constant 8 : i32
      %scan3A_733 = arith.constant 0 : i32
      scf.yield %scan3A_733 : i32
    }
    %scan3A_72 = arith.constant 5 : i32
    "tpu.trace_start"() <{level = 10 : i32, message = "dis_g0"}> : () -> ()
    %add3A_73 = arith.constant 0 : i32
    %add3A_74 = arith.addi %mul3A_0, %add3A_73 : i32
    %mul3A_75 = arith.constant 64 : i32
    %mul3A_76 = arith.muli %arg0, %mul3A_75 : i32
    %dma_start3A = tpu.memref_slice %arg2[%add3A_74, %mul3A_76] : memref<10240x128xf32, #tpu.memory_space<hbm>> -> memref<128x64xf32, #tpu.memory_space<hbm>>
    %dma_start3A_77 = tpu.memref_slice %arg2[%add3A_74, %mul3A_76] : memref<10240x128xf32, #tpu.memory_space<hbm>> -> memref<128x64xf32, #tpu.memory_space<hbm>>
    tpu.enqueue_dma source(%dma_start3A_77 : memref<128x64xf32, #tpu.memory_space<hbm>>) target(%arg12 : memref<128x64xf32, #tpu.memory_space<vmem>>) target_semaphore(%arg18 : memref<!tpu.dma_semaphore, #tpu.memory_space<semaphore_mem>>)
    %dma_wait3A = arith.constant 0 : i32
    %dma_wait3A_78 = arith.constant 0 : i32
    %dma_wait3A_79 = tpu.memref_slice %arg5[%dma_wait3A, %dma_wait3A_78] : memref<20480x64xf32, #tpu.memory_space<hbm>> -> memref<128x64xf32, #tpu.memory_space<hbm>>
    %dma_wait3A_80 = arith.constant 0 : i32
    %dma_wait3A_81 = arith.constant 0 : i32
    %dma_wait3A_82 = tpu.memref_slice %arg5[%dma_wait3A_80, %dma_wait3A_81] : memref<20480x64xf32, #tpu.memory_space<hbm>> -> memref<128x64xf32, #tpu.memory_space<hbm>>
    tpu.wait_dma2 semaphore(%arg18 : memref<!tpu.dma_semaphore, #tpu.memory_space<semaphore_mem>>) src(%dma_wait3A_82 : memref<128x64xf32, #tpu.memory_space<hbm>>) dst(%arg12 : memref<128x64xf32, #tpu.memory_space<vmem>>)
    %add3A_83 = arith.constant 128 : i32
    %add3A_84 = arith.addi %mul3A_0, %add3A_83 : i32
    %mul3A_85 = arith.constant 64 : i32
    %mul3A_86 = arith.muli %arg0, %mul3A_85 : i32
    %dma_start3A_87 = tpu.memref_slice %arg2[%add3A_84, %mul3A_86] : memref<10240x128xf32, #tpu.memory_space<hbm>> -> memref<128x64xf32, #tpu.memory_space<hbm>>
    %dma_start3A_88 = tpu.memref_slice %arg2[%add3A_84, %mul3A_86] : memref<10240x128xf32, #tpu.memory_space<hbm>> -> memref<128x64xf32, #tpu.memory_space<hbm>>
    tpu.enqueue_dma source(%dma_start3A_88 : memref<128x64xf32, #tpu.memory_space<hbm>>) target(%arg13 : memref<128x64xf32, #tpu.memory_space<vmem>>) target_semaphore(%arg19 : memref<!tpu.dma_semaphore, #tpu.memory_space<semaphore_mem>>)
    %scan3A_89 = arith.constant 0 : i32
    %scan3A_90 = arith.constant 0 : i32
    %scan3A_91 = arith.constant 128 : i32
    %scan3A_92 = arith.addi %scan3A_90, %scan3A_91 : i32
    %scan3A_93 = arith.constant 1 : i32
    %scan3A_94 = scf.for %scan3A_721 = %scan3A_90 to %scan3A_92 step %scan3A_93 iter_args(%scan3A_722 = %scan3A_89) -> (i32)  : i32 {
      %add3A_723 = arith.constant 0 : i32
      %add3A_724 = arith.addi %add3A_723, %scan3A_721 : i32
      %broadcast_in_dim3A_725 = vector.broadcast %add3A_724 : i32 to vector<16xi32>
      %gather3A = tpu.vector_load_idx %arg11[%broadcast_in_dim3A_725] : memref<640xf32, #tpu.memory_space<vmem>>[vector<16xi32>], vector<16xf32>,
      %get3A = arith.index_cast %scan3A_721 : i32 to index
      %get3A_726 = arith.constant 0 : index
      %get3A_727 = tpu.vector_load %arg12[%get3A, %get3A_726] {strides = array<i32>} : memref<128x64xf32, #tpu.memory_space<vmem>>, vector<16xf32>,
      %mul3A_728 = arith.mulf %gather3A, %get3A_727 : vector<16xf32>
      %swap3A = arith.index_cast %scan3A_721 : i32 to index
      %swap3A_729 = arith.constant 0 : index
      %swap3A_730 = tpu.vector_load %arg12[%swap3A, %swap3A_729] {strides = array<i32>} : memref<128x64xf32, #tpu.memory_space<vmem>>, vector<16xf32>,
      tpu.vector_store %arg12[%swap3A, %swap3A_729], %mul3A_728 {strides = array<i32>} : memref<128x64xf32, #tpu.memory_space<vmem>>, vector<16xf32>,
      %get3A_731 = arith.index_cast %scan3A_721 : i32 to index
      %get3A_732 = arith.constant 16 : index
      %get3A_733 = tpu.vector_load %arg12[%get3A_731, %get3A_732] {strides = array<i32>} : memref<128x64xf32, #tpu.memory_space<vmem>>, vector<16xf32>,
      %mul3A_734 = arith.mulf %gather3A, %get3A_733 : vector<16xf32>
      %swap3A_735 = arith.index_cast %scan3A_721 : i32 to index
      %swap3A_736 = arith.constant 16 : index
      %swap3A_737 = tpu.vector_load %arg12[%swap3A_735, %swap3A_736] {strides = array<i32>} : memref<128x64xf32, #tpu.memory_space<vmem>>, vector<16xf32>,
      tpu.vector_store %arg12[%swap3A_735, %swap3A_736], %mul3A_734 {strides = array<i32>} : memref<128x64xf32, #tpu.memory_space<vmem>>, vector<16xf32>,
      %get3A_738 = arith.index_cast %scan3A_721 : i32 to index
      %get3A_739 = arith.constant 32 : index
      %get3A_740 = tpu.vector_load %arg12[%get3A_738, %get3A_739] {strides = array<i32>} : memref<128x64xf32, #tpu.memory_space<vmem>>, vector<16xf32>,
      %mul3A_741 = arith.mulf %gather3A, %get3A_740 : vector<16xf32>
      %swap3A_742 = arith.index_cast %scan3A_721 : i32 to index
      %swap3A_743 = arith.constant 32 : index
      %swap3A_744 = tpu.vector_load %arg12[%swap3A_742, %swap3A_743] {strides = array<i32>} : memref<128x64xf32, #tpu.memory_space<vmem>>, vector<16xf32>,
      tpu.vector_store %arg12[%swap3A_742, %swap3A_743], %mul3A_741 {strides = array<i32>} : memref<128x64xf32, #tpu.memory_space<vmem>>, vector<16xf32>,
      %get3A_745 = arith.index_cast %scan3A_721 : i32 to index
      %get3A_746 = arith.constant 48 : index
      %get3A_747 = tpu.vector_load %arg12[%get3A_745, %get3A_746] {strides = array<i32>} : memref<128x64xf32, #tpu.memory_space<vmem>>, vector<16xf32>,
      %mul3A_748 = arith.mulf %gather3A, %get3A_747 : vector<16xf32>
      %swap3A_749 = arith.index_cast %scan3A_721 : i32 to index
      %swap3A_750 = arith.constant 48 : index
      %swap3A_751 = tpu.vector_load %arg12[%swap3A_749, %swap3A_750] {strides = array<i32>} : memref<128x64xf32, #tpu.memory_space<vmem>>, vector<16xf32>,
      tpu.vector_store %arg12[%swap3A_749, %swap3A_750], %mul3A_748 {strides = array<i32>} : memref<128x64xf32, #tpu.memory_space<vmem>>, vector<16xf32>,
      %scan3A_752 = arith.constant 0 : i32
      scf.yield %scan3A_752 : i32
    }
    %scan3A_95 = arith.constant 128 : i32
    %add3A_96 = arith.constant 0 : i32
    %add3A_97 = arith.addi %add3A, %add3A_96 : i32
    %dma_start3A_98 = arith.constant 0 : i32
    %dma_start3A_99 = tpu.memref_slice %arg5[%add3A_97, %dma_start3A_98] : memref<20480x64xf32, #tpu.memory_space<hbm>> -> memref<128x64xf32, #tpu.memory_space<hbm>>
    %dma_start3A_100 = arith.constant 0 : i32
    %dma_start3A_101 = tpu.memref_slice %arg5[%add3A_97, %dma_start3A_100] : memref<20480x64xf32, #tpu.memory_space<hbm>> -> memref<128x64xf32, #tpu.memory_space<hbm>>
    tpu.enqueue_dma source(%arg12 : memref<128x64xf32, #tpu.memory_space<vmem>>) target(%dma_start3A_101 : memref<128x64xf32, #tpu.memory_space<hbm>>) target_semaphore(%arg22 : memref<!tpu.dma_semaphore, #tpu.memory_space<semaphore_mem>>)
    %dma_wait3A_102 = arith.constant 0 : i32
    %dma_wait3A_103 = arith.constant 0 : i32
    %dma_wait3A_104 = tpu.memref_slice %arg5[%dma_wait3A_102, %dma_wait3A_103] : memref<20480x64xf32, #tpu.memory_space<hbm>> -> memref<128x64xf32, #tpu.memory_space<hbm>>
    %dma_wait3A_105 = arith.constant 0 : i32
    %dma_wait3A_106 = arith.constant 0 : i32
    %dma_wait3A_107 = tpu.memref_slice %arg5[%dma_wait3A_105, %dma_wait3A_106] : memref<20480x64xf32, #tpu.memory_space<hbm>> -> memref<128x64xf32, #tpu.memory_space<hbm>>
    tpu.wait_dma2 semaphore(%arg19 : memref<!tpu.dma_semaphore, #tpu.memory_space<semaphore_mem>>) src(%dma_wait3A_107 : memref<128x64xf32, #tpu.memory_space<hbm>>) dst(%arg13 : memref<128x64xf32, #tpu.memory_space<vmem>>)
    %dma_wait3A_108 = arith.constant 0 : i32
    %dma_wait3A_109 = arith.constant 0 : i32
    %dma_wait3A_110 = tpu.memref_slice %arg5[%dma_wait3A_108, %dma_wait3A_109] : memref<20480x64xf32, #tpu.memory_space<hbm>> -> memref<128x64xf32, #tpu.memory_space<hbm>>
    %dma_wait3A_111 = arith.constant 0 : i32
    %dma_wait3A_112 = arith.constant 0 : i32
    %dma_wait3A_113 = tpu.memref_slice %arg5[%dma_wait3A_111, %dma_wait3A_112] : memref<20480x64xf32, #tpu.memory_space<hbm>> -> memref<128x64xf32, #tpu.memory_space<hbm>>
    tpu.wait_dma2 semaphore(%arg22 : memref<!tpu.dma_semaphore, #tpu.memory_space<semaphore_mem>>) src(%arg12 : memref<128x64xf32, #tpu.memory_space<vmem>>) dst(%dma_wait3A_113 : memref<128x64xf32, #tpu.memory_space<hbm>>)
    %add3A_114 = arith.constant 256 : i32
    %add3A_115 = arith.addi %mul3A_0, %add3A_114 : i32
    %mul3A_116 = arith.constant 64 : i32
    %mul3A_117 = arith.muli %arg0, %mul3A_116 : i32
    %dma_start3A_118 = tpu.memref_slice %arg2[%add3A_115, %mul3A_117] : memref<10240x128xf32, #tpu.memory_space<hbm>> -> memref<128x64xf32, #tpu.memory_space<hbm>>
    %dma_start3A_119 = tpu.memref_slice %arg2[%add3A_115, %mul3A_117] : memref<10240x128xf32, #tpu.memory_space<hbm>> -> memref<128x64xf32, #tpu.memory_space<hbm>>
    tpu.enqueue_dma source(%dma_start3A_119 : memref<128x64xf32, #tpu.memory_space<hbm>>) target(%arg12 : memref<128x64xf32, #tpu.memory_space<vmem>>) target_semaphore(%arg18 : memref<!tpu.dma_semaphore, #tpu.memory_space<semaphore_mem>>)
    %scan3A_120 = arith.constant 0 : i32
    %scan3A_121 = arith.constant 0 : i32
    %scan3A_122 = arith.constant 128 : i32
    %scan3A_123 = arith.addi %scan3A_121, %scan3A_122 : i32
    %scan3A_124 = arith.constant 1 : i32
    %scan3A_125 = scf.for %scan3A_721 = %scan3A_121 to %scan3A_123 step %scan3A_124 iter_args(%scan3A_722 = %scan3A_120) -> (i32)  : i32 {
      %add3A_723 = arith.constant 128 : i32
      %add3A_724 = arith.addi %add3A_723, %scan3A_721 : i32
      %broadcast_in_dim3A_725 = vector.broadcast %add3A_724 : i32 to vector<16xi32>
      %gather3A = tpu.vector_load_idx %arg11[%broadcast_in_dim3A_725] : memref<640xf32, #tpu.memory_space<vmem>>[vector<16xi32>], vector<16xf32>,
      %get3A = arith.index_cast %scan3A_721 : i32 to index
      %get3A_726 = arith.constant 0 : index
      %get3A_727 = tpu.vector_load %arg13[%get3A, %get3A_726] {strides = array<i32>} : memref<128x64xf32, #tpu.memory_space<vmem>>, vector<16xf32>,
      %mul3A_728 = arith.mulf %gather3A, %get3A_727 : vector<16xf32>
      %swap3A = arith.index_cast %scan3A_721 : i32 to index
      %swap3A_729 = arith.constant 0 : index
      %swap3A_730 = tpu.vector_load %arg13[%swap3A, %swap3A_729] {strides = array<i32>} : memref<128x64xf32, #tpu.memory_space<vmem>>, vector<16xf32>,
      tpu.vector_store %arg13[%swap3A, %swap3A_729], %mul3A_728 {strides = array<i32>} : memref<128x64xf32, #tpu.memory_space<vmem>>, vector<16xf32>,
      %get3A_731 = arith.index_cast %scan3A_721 : i32 to index
      %get3A_732 = arith.constant 16 : index
      %get3A_733 = tpu.vector_load %arg13[%get3A_731, %get3A_732] {strides = array<i32>} : memref<128x64xf32, #tpu.memory_space<vmem>>, vector<16xf32>,
      %mul3A_734 = arith.mulf %gather3A, %get3A_733 : vector<16xf32>
      %swap3A_735 = arith.index_cast %scan3A_721 : i32 to index
      %swap3A_736 = arith.constant 16 : index
      %swap3A_737 = tpu.vector_load %arg13[%swap3A_735, %swap3A_736] {strides = array<i32>} : memref<128x64xf32, #tpu.memory_space<vmem>>, vector<16xf32>,
      tpu.vector_store %arg13[%swap3A_735, %swap3A_736], %mul3A_734 {strides = array<i32>} : memref<128x64xf32, #tpu.memory_space<vmem>>, vector<16xf32>,
      %get3A_738 = arith.index_cast %scan3A_721 : i32 to index
      %get3A_739 = arith.constant 32 : index
      %get3A_740 = tpu.vector_load %arg13[%get3A_738, %get3A_739] {strides = array<i32>} : memref<128x64xf32, #tpu.memory_space<vmem>>, vector<16xf32>,
      %mul3A_741 = arith.mulf %gather3A, %get3A_740 : vector<16xf32>
      %swap3A_742 = arith.index_cast %scan3A_721 : i32 to index
      %swap3A_743 = arith.constant 32 : index
      %swap3A_744 = tpu.vector_load %arg13[%swap3A_742, %swap3A_743] {strides = array<i32>} : memref<128x64xf32, #tpu.memory_space<vmem>>, vector<16xf32>,
      tpu.vector_store %arg13[%swap3A_742, %swap3A_743], %mul3A_741 {strides = array<i32>} : memref<128x64xf32, #tpu.memory_space<vmem>>, vector<16xf32>,
      %get3A_745 = arith.index_cast %scan3A_721 : i32 to index
      %get3A_746 = arith.constant 48 : index
      %get3A_747 = tpu.vector_load %arg13[%get3A_745, %get3A_746] {strides = array<i32>} : memref<128x64xf32, #tpu.memory_space<vmem>>, vector<16xf32>,
      %mul3A_748 = arith.mulf %gather3A, %get3A_747 : vector<16xf32>
      %swap3A_749 = arith.index_cast %scan3A_721 : i32 to index
      %swap3A_750 = arith.constant 48 : index
      %swap3A_751 = tpu.vector_load %arg13[%swap3A_749, %swap3A_750] {strides = array<i32>} : memref<128x64xf32, #tpu.memory_space<vmem>>, vector<16xf32>,
      tpu.vector_store %arg13[%swap3A_749, %swap3A_750], %mul3A_748 {strides = array<i32>} : memref<128x64xf32, #tpu.memory_space<vmem>>, vector<16xf32>,
      %scan3A_752 = arith.constant 0 : i32
      scf.yield %scan3A_752 : i32
    }
    %scan3A_126 = arith.constant 128 : i32
    %add3A_127 = arith.constant 128 : i32
    %add3A_128 = arith.addi %add3A, %add3A_127 : i32
    %dma_start3A_129 = arith.constant 0 : i32
    %dma_start3A_130 = tpu.memref_slice %arg5[%add3A_128, %dma_start3A_129] : memref<20480x64xf32, #tpu.memory_space<hbm>> -> memref<128x64xf32, #tpu.memory_space<hbm>>
    %dma_start3A_131 = arith.constant 0 : i32
    %dma_start3A_132 = tpu.memref_slice %arg5[%add3A_128, %dma_start3A_131] : memref<20480x64xf32, #tpu.memory_space<hbm>> -> memref<128x64xf32, #tpu.memory_space<hbm>>
    tpu.enqueue_dma source(%arg13 : memref<128x64xf32, #tpu.memory_space<vmem>>) target(%dma_start3A_132 : memref<128x64xf32, #tpu.memory_space<hbm>>) target_semaphore(%arg23 : memref<!tpu.dma_semaphore, #tpu.memory_space<semaphore_mem>>)
    %dma_wait3A_133 = arith.constant 0 : i32
    %dma_wait3A_134 = arith.constant 0 : i32
    %dma_wait3A_135 = tpu.memref_slice %arg5[%dma_wait3A_133, %dma_wait3A_134] : memref<20480x64xf32, #tpu.memory_space<hbm>> -> memref<128x64xf32, #tpu.memory_space<hbm>>
    %dma_wait3A_136 = arith.constant 0 : i32
    %dma_wait3A_137 = arith.constant 0 : i32
    %dma_wait3A_138 = tpu.memref_slice %arg5[%dma_wait3A_136, %dma_wait3A_137] : memref<20480x64xf32, #tpu.memory_space<hbm>> -> memref<128x64xf32, #tpu.memory_space<hbm>>
    tpu.wait_dma2 semaphore(%arg18 : memref<!tpu.dma_semaphore, #tpu.memory_space<semaphore_mem>>) src(%dma_wait3A_138 : memref<128x64xf32, #tpu.memory_space<hbm>>) dst(%arg12 : memref<128x64xf32, #tpu.memory_space<vmem>>)
    %dma_wait3A_139 = arith.constant 0 : i32
    %dma_wait3A_140 = arith.constant 0 : i32
    %dma_wait3A_141 = tpu.memref_slice %arg5[%dma_wait3A_139, %dma_wait3A_140] : memref<20480x64xf32, #tpu.memory_space<hbm>> -> memref<128x64xf32, #tpu.memory_space<hbm>>
    %dma_wait3A_142 = arith.constant 0 : i32
    %dma_wait3A_143 = arith.constant 0 : i32
    %dma_wait3A_144 = tpu.memref_slice %arg5[%dma_wait3A_142, %dma_wait3A_143] : memref<20480x64xf32, #tpu.memory_space<hbm>> -> memref<128x64xf32, #tpu.memory_space<hbm>>
    tpu.wait_dma2 semaphore(%arg23 : memref<!tpu.dma_semaphore, #tpu.memory_space<semaphore_mem>>) src(%arg13 : memref<128x64xf32, #tpu.memory_space<vmem>>) dst(%dma_wait3A_144 : memref<128x64xf32, #tpu.memory_space<hbm>>)
    %add3A_145 = arith.constant 384 : i32
    %add3A_146 = arith.addi %mul3A_0, %add3A_145 : i32
    %mul3A_147 = arith.constant 64 : i32
    %mul3A_148 = arith.muli %arg0, %mul3A_147 : i32
    %dma_start3A_149 = tpu.memref_slice %arg2[%add3A_146, %mul3A_148] : memref<10240x128xf32, #tpu.memory_space<hbm>> -> memref<128x64xf32, #tpu.memory_space<hbm>>
    %dma_start3A_150 = tpu.memref_slice %arg2[%add3A_146, %mul3A_148] : memref<10240x128xf32, #tpu.memory_space<hbm>> -> memref<128x64xf32, #tpu.memory_space<hbm>>
    tpu.enqueue_dma source(%dma_start3A_150 : memref<128x64xf32, #tpu.memory_space<hbm>>) target(%arg13 : memref<128x64xf32, #tpu.memory_space<vmem>>) target_semaphore(%arg19 : memref<!tpu.dma_semaphore, #tpu.memory_space<semaphore_mem>>)
    %scan3A_151 = arith.constant 0 : i32
    %scan3A_152 = arith.constant 0 : i32
    %scan3A_153 = arith.constant 128 : i32
    %scan3A_154 = arith.addi %scan3A_152, %scan3A_153 : i32
    %scan3A_155 = arith.constant 1 : i32
    %scan3A_156 = scf.for %scan3A_721 = %scan3A_152 to %scan3A_154 step %scan3A_155 iter_args(%scan3A_722 = %scan3A_151) -> (i32)  : i32 {
      %add3A_723 = arith.constant 256 : i32
      %add3A_724 = arith.addi %add3A_723, %scan3A_721 : i32
      %broadcast_in_dim3A_725 = vector.broadcast %add3A_724 : i32 to vector<16xi32>
      %gather3A = tpu.vector_load_idx %arg11[%broadcast_in_dim3A_725] : memref<640xf32, #tpu.memory_space<vmem>>[vector<16xi32>], vector<16xf32>,
      %get3A = arith.index_cast %scan3A_721 : i32 to index
      %get3A_726 = arith.constant 0 : index
      %get3A_727 = tpu.vector_load %arg12[%get3A, %get3A_726] {strides = array<i32>} : memref<128x64xf32, #tpu.memory_space<vmem>>, vector<16xf32>,
      %mul3A_728 = arith.mulf %gather3A, %get3A_727 : vector<16xf32>
      %swap3A = arith.index_cast %scan3A_721 : i32 to index
      %swap3A_729 = arith.constant 0 : index
      %swap3A_730 = tpu.vector_load %arg12[%swap3A, %swap3A_729] {strides = array<i32>} : memref<128x64xf32, #tpu.memory_space<vmem>>, vector<16xf32>,
      tpu.vector_store %arg12[%swap3A, %swap3A_729], %mul3A_728 {strides = array<i32>} : memref<128x64xf32, #tpu.memory_space<vmem>>, vector<16xf32>,
      %get3A_731 = arith.index_cast %scan3A_721 : i32 to index
      %get3A_732 = arith.constant 16 : index
      %get3A_733 = tpu.vector_load %arg12[%get3A_731, %get3A_732] {strides = array<i32>} : memref<128x64xf32, #tpu.memory_space<vmem>>, vector<16xf32>,
      %mul3A_734 = arith.mulf %gather3A, %get3A_733 : vector<16xf32>
      %swap3A_735 = arith.index_cast %scan3A_721 : i32 to index
      %swap3A_736 = arith.constant 16 : index
      %swap3A_737 = tpu.vector_load %arg12[%swap3A_735, %swap3A_736] {strides = array<i32>} : memref<128x64xf32, #tpu.memory_space<vmem>>, vector<16xf32>,
      tpu.vector_store %arg12[%swap3A_735, %swap3A_736], %mul3A_734 {strides = array<i32>} : memref<128x64xf32, #tpu.memory_space<vmem>>, vector<16xf32>,
      %get3A_738 = arith.index_cast %scan3A_721 : i32 to index
      %get3A_739 = arith.constant 32 : index
      %get3A_740 = tpu.vector_load %arg12[%get3A_738, %get3A_739] {strides = array<i32>} : memref<128x64xf32, #tpu.memory_space<vmem>>, vector<16xf32>,
      %mul3A_741 = arith.mulf %gather3A, %get3A_740 : vector<16xf32>
      %swap3A_742 = arith.index_cast %scan3A_721 : i32 to index
      %swap3A_743 = arith.constant 32 : index
      %swap3A_744 = tpu.vector_load %arg12[%swap3A_742, %swap3A_743] {strides = array<i32>} : memref<128x64xf32, #tpu.memory_space<vmem>>, vector<16xf32>,
      tpu.vector_store %arg12[%swap3A_742, %swap3A_743], %mul3A_741 {strides = array<i32>} : memref<128x64xf32, #tpu.memory_space<vmem>>, vector<16xf32>,
      %get3A_745 = arith.index_cast %scan3A_721 : i32 to index
      %get3A_746 = arith.constant 48 : index
      %get3A_747 = tpu.vector_load %arg12[%get3A_745, %get3A_746] {strides = array<i32>} : memref<128x64xf32, #tpu.memory_space<vmem>>, vector<16xf32>,
      %mul3A_748 = arith.mulf %gather3A, %get3A_747 : vector<16xf32>
      %swap3A_749 = arith.index_cast %scan3A_721 : i32 to index
      %swap3A_750 = arith.constant 48 : index
      %swap3A_751 = tpu.vector_load %arg12[%swap3A_749, %swap3A_750] {strides = array<i32>} : memref<128x64xf32, #tpu.memory_space<vmem>>, vector<16xf32>,
      tpu.vector_store %arg12[%swap3A_749, %swap3A_750], %mul3A_748 {strides = array<i32>} : memref<128x64xf32, #tpu.memory_space<vmem>>, vector<16xf32>,
      %scan3A_752 = arith.constant 0 : i32
      scf.yield %scan3A_752 : i32
    }
    %scan3A_157 = arith.constant 128 : i32
    %add3A_158 = arith.constant 256 : i32
    %add3A_159 = arith.addi %add3A, %add3A_158 : i32
    %dma_start3A_160 = arith.constant 0 : i32
    %dma_start3A_161 = tpu.memref_slice %arg5[%add3A_159, %dma_start3A_160] : memref<20480x64xf32, #tpu.memory_space<hbm>> -> memref<128x64xf32, #tpu.memory_space<hbm>>
    %dma_start3A_162 = arith.constant 0 : i32
    %dma_start3A_163 = tpu.memref_slice %arg5[%add3A_159, %dma_start3A_162] : memref<20480x64xf32, #tpu.memory_space<hbm>> -> memref<128x64xf32, #tpu.memory_space<hbm>>
    tpu.enqueue_dma source(%arg12 : memref<128x64xf32, #tpu.memory_space<vmem>>) target(%dma_start3A_163 : memref<128x64xf32, #tpu.memory_space<hbm>>) target_semaphore(%arg22 : memref<!tpu.dma_semaphore, #tpu.memory_space<semaphore_mem>>)
    %dma_wait3A_164 = arith.constant 0 : i32
    %dma_wait3A_165 = arith.constant 0 : i32
    %dma_wait3A_166 = tpu.memref_slice %arg5[%dma_wait3A_164, %dma_wait3A_165] : memref<20480x64xf32, #tpu.memory_space<hbm>> -> memref<128x64xf32, #tpu.memory_space<hbm>>
    %dma_wait3A_167 = arith.constant 0 : i32
    %dma_wait3A_168 = arith.constant 0 : i32
    %dma_wait3A_169 = tpu.memref_slice %arg5[%dma_wait3A_167, %dma_wait3A_168] : memref<20480x64xf32, #tpu.memory_space<hbm>> -> memref<128x64xf32, #tpu.memory_space<hbm>>
    tpu.wait_dma2 semaphore(%arg19 : memref<!tpu.dma_semaphore, #tpu.memory_space<semaphore_mem>>) src(%dma_wait3A_169 : memref<128x64xf32, #tpu.memory_space<hbm>>) dst(%arg13 : memref<128x64xf32, #tpu.memory_space<vmem>>)
    %dma_wait3A_170 = arith.constant 0 : i32
    %dma_wait3A_171 = arith.constant 0 : i32
    %dma_wait3A_172 = tpu.memref_slice %arg5[%dma_wait3A_170, %dma_wait3A_171] : memref<20480x64xf32, #tpu.memory_space<hbm>> -> memref<128x64xf32, #tpu.memory_space<hbm>>
    %dma_wait3A_173 = arith.constant 0 : i32
    %dma_wait3A_174 = arith.constant 0 : i32
    %dma_wait3A_175 = tpu.memref_slice %arg5[%dma_wait3A_173, %dma_wait3A_174] : memref<20480x64xf32, #tpu.memory_space<hbm>> -> memref<128x64xf32, #tpu.memory_space<hbm>>
    tpu.wait_dma2 semaphore(%arg22 : memref<!tpu.dma_semaphore, #tpu.memory_space<semaphore_mem>>) src(%arg12 : memref<128x64xf32, #tpu.memory_space<vmem>>) dst(%dma_wait3A_175 : memref<128x64xf32, #tpu.memory_space<hbm>>)
    %add3A_176 = arith.constant 512 : i32
    %add3A_177 = arith.addi %mul3A_0, %add3A_176 : i32
    %mul3A_178 = arith.constant 64 : i32
    %mul3A_179 = arith.muli %arg0, %mul3A_178 : i32
    %dma_start3A_180 = tpu.memref_slice %arg2[%add3A_177, %mul3A_179] : memref<10240x128xf32, #tpu.memory_space<hbm>> -> memref<128x64xf32, #tpu.memory_space<hbm>>
    %dma_start3A_181 = tpu.memref_slice %arg2[%add3A_177, %mul3A_179] : memref<10240x128xf32, #tpu.memory_space<hbm>> -> memref<128x64xf32, #tpu.memory_space<hbm>>
    tpu.enqueue_dma source(%dma_start3A_181 : memref<128x64xf32, #tpu.memory_space<hbm>>) target(%arg12 : memref<128x64xf32, #tpu.memory_space<vmem>>) target_semaphore(%arg18 : memref<!tpu.dma_semaphore, #tpu.memory_space<semaphore_mem>>)
    %scan3A_182 = arith.constant 0 : i32
    %scan3A_183 = arith.constant 0 : i32
    %scan3A_184 = arith.constant 128 : i32
    %scan3A_185 = arith.addi %scan3A_183, %scan3A_184 : i32
    %scan3A_186 = arith.constant 1 : i32
    %scan3A_187 = scf.for %scan3A_721 = %scan3A_183 to %scan3A_185 step %scan3A_186 iter_args(%scan3A_722 = %scan3A_182) -> (i32)  : i32 {
      %add3A_723 = arith.constant 384 : i32
      %add3A_724 = arith.addi %add3A_723, %scan3A_721 : i32
      %broadcast_in_dim3A_725 = vector.broadcast %add3A_724 : i32 to vector<16xi32>
      %gather3A = tpu.vector_load_idx %arg11[%broadcast_in_dim3A_725] : memref<640xf32, #tpu.memory_space<vmem>>[vector<16xi32>], vector<16xf32>,
      %get3A = arith.index_cast %scan3A_721 : i32 to index
      %get3A_726 = arith.constant 0 : index
      %get3A_727 = tpu.vector_load %arg13[%get3A, %get3A_726] {strides = array<i32>} : memref<128x64xf32, #tpu.memory_space<vmem>>, vector<16xf32>,
      %mul3A_728 = arith.mulf %gather3A, %get3A_727 : vector<16xf32>
      %swap3A = arith.index_cast %scan3A_721 : i32 to index
      %swap3A_729 = arith.constant 0 : index
      %swap3A_730 = tpu.vector_load %arg13[%swap3A, %swap3A_729] {strides = array<i32>} : memref<128x64xf32, #tpu.memory_space<vmem>>, vector<16xf32>,
      tpu.vector_store %arg13[%swap3A, %swap3A_729], %mul3A_728 {strides = array<i32>} : memref<128x64xf32, #tpu.memory_space<vmem>>, vector<16xf32>,
      %get3A_731 = arith.index_cast %scan3A_721 : i32 to index
      %get3A_732 = arith.constant 16 : index
      %get3A_733 = tpu.vector_load %arg13[%get3A_731, %get3A_732] {strides = array<i32>} : memref<128x64xf32, #tpu.memory_space<vmem>>, vector<16xf32>,
      %mul3A_734 = arith.mulf %gather3A, %get3A_733 : vector<16xf32>
      %swap3A_735 = arith.index_cast %scan3A_721 : i32 to index
      %swap3A_736 = arith.constant 16 : index
      %swap3A_737 = tpu.vector_load %arg13[%swap3A_735, %swap3A_736] {strides = array<i32>} : memref<128x64xf32, #tpu.memory_space<vmem>>, vector<16xf32>,
      tpu.vector_store %arg13[%swap3A_735, %swap3A_736], %mul3A_734 {strides = array<i32>} : memref<128x64xf32, #tpu.memory_space<vmem>>, vector<16xf32>,
      %get3A_738 = arith.index_cast %scan3A_721 : i32 to index
      %get3A_739 = arith.constant 32 : index
      %get3A_740 = tpu.vector_load %arg13[%get3A_738, %get3A_739] {strides = array<i32>} : memref<128x64xf32, #tpu.memory_space<vmem>>, vector<16xf32>,
      %mul3A_741 = arith.mulf %gather3A, %get3A_740 : vector<16xf32>
      %swap3A_742 = arith.index_cast %scan3A_721 : i32 to index
      %swap3A_743 = arith.constant 32 : index
      %swap3A_744 = tpu.vector_load %arg13[%swap3A_742, %swap3A_743] {strides = array<i32>} : memref<128x64xf32, #tpu.memory_space<vmem>>, vector<16xf32>,
      tpu.vector_store %arg13[%swap3A_742, %swap3A_743], %mul3A_741 {strides = array<i32>} : memref<128x64xf32, #tpu.memory_space<vmem>>, vector<16xf32>,
      %get3A_745 = arith.index_cast %scan3A_721 : i32 to index
      %get3A_746 = arith.constant 48 : index
      %get3A_747 = tpu.vector_load %arg13[%get3A_745, %get3A_746] {strides = array<i32>} : memref<128x64xf32, #tpu.memory_space<vmem>>, vector<16xf32>,
      %mul3A_748 = arith.mulf %gather3A, %get3A_747 : vector<16xf32>
      %swap3A_749 = arith.index_cast %scan3A_721 : i32 to index
      %swap3A_750 = arith.constant 48 : index
      %swap3A_751 = tpu.vector_load %arg13[%swap3A_749, %swap3A_750] {strides = array<i32>} : memref<128x64xf32, #tpu.memory_space<vmem>>, vector<16xf32>,
      tpu.vector_store %arg13[%swap3A_749, %swap3A_750], %mul3A_748 {strides = array<i32>} : memref<128x64xf32, #tpu.memory_space<vmem>>, vector<16xf32>,
      %scan3A_752 = arith.constant 0 : i32
      scf.yield %scan3A_752 : i32
    }
    %scan3A_188 = arith.constant 128 : i32
    %add3A_189 = arith.constant 384 : i32
    %add3A_190 = arith.addi %add3A, %add3A_189 : i32
    %dma_start3A_191 = arith.constant 0 : i32
    %dma_start3A_192 = tpu.memref_slice %arg5[%add3A_190, %dma_start3A_191] : memref<20480x64xf32, #tpu.memory_space<hbm>> -> memref<128x64xf32, #tpu.memory_space<hbm>>
    %dma_start3A_193 = arith.constant 0 : i32
    %dma_start3A_194 = tpu.memref_slice %arg5[%add3A_190, %dma_start3A_193] : memref<20480x64xf32, #tpu.memory_space<hbm>> -> memref<128x64xf32, #tpu.memory_space<hbm>>
    tpu.enqueue_dma source(%arg13 : memref<128x64xf32, #tpu.memory_space<vmem>>) target(%dma_start3A_194 : memref<128x64xf32, #tpu.memory_space<hbm>>) target_semaphore(%arg23 : memref<!tpu.dma_semaphore, #tpu.memory_space<semaphore_mem>>)
    %dma_wait3A_195 = arith.constant 0 : i32
    %dma_wait3A_196 = arith.constant 0 : i32
    %dma_wait3A_197 = tpu.memref_slice %arg5[%dma_wait3A_195, %dma_wait3A_196] : memref<20480x64xf32, #tpu.memory_space<hbm>> -> memref<128x64xf32, #tpu.memory_space<hbm>>
    %dma_wait3A_198 = arith.constant 0 : i32
    %dma_wait3A_199 = arith.constant 0 : i32
    %dma_wait3A_200 = tpu.memref_slice %arg5[%dma_wait3A_198, %dma_wait3A_199] : memref<20480x64xf32, #tpu.memory_space<hbm>> -> memref<128x64xf32, #tpu.memory_space<hbm>>
    tpu.wait_dma2 semaphore(%arg18 : memref<!tpu.dma_semaphore, #tpu.memory_space<semaphore_mem>>) src(%dma_wait3A_200 : memref<128x64xf32, #tpu.memory_space<hbm>>) dst(%arg12 : memref<128x64xf32, #tpu.memory_space<vmem>>)
    %scan3A_201 = arith.constant 0 : i32
    %scan3A_202 = arith.constant 0 : i32
    %scan3A_203 = arith.constant 128 : i32
    %scan3A_204 = arith.addi %scan3A_202, %scan3A_203 : i32
    %scan3A_205 = arith.constant 1 : i32
    %scan3A_206 = scf.for %scan3A_721 = %scan3A_202 to %scan3A_204 step %scan3A_205 iter_args(%scan3A_722 = %scan3A_201) -> (i32)  : i32 {
      %add3A_723 = arith.constant 512 : i32
      %add3A_724 = arith.addi %add3A_723, %scan3A_721 : i32
      %broadcast_in_dim3A_725 = vector.broadcast %add3A_724 : i32 to vector<16xi32>
      %gather3A = tpu.vector_load_idx %arg11[%broadcast_in_dim3A_725] : memref<640xf32, #tpu.memory_space<vmem>>[vector<16xi32>], vector<16xf32>,
      %get3A = arith.index_cast %scan3A_721 : i32 to index
      %get3A_726 = arith.constant 0 : index
      %get3A_727 = tpu.vector_load %arg12[%get3A, %get3A_726] {strides = array<i32>} : memref<128x64xf32, #tpu.memory_space<vmem>>, vector<16xf32>,
      %mul3A_728 = arith.mulf %gather3A, %get3A_727 : vector<16xf32>
      %swap3A = arith.index_cast %scan3A_721 : i32 to index
      %swap3A_729 = arith.constant 0 : index
      %swap3A_730 = tpu.vector_load %arg12[%swap3A, %swap3A_729] {strides = array<i32>} : memref<128x64xf32, #tpu.memory_space<vmem>>, vector<16xf32>,
      tpu.vector_store %arg12[%swap3A, %swap3A_729], %mul3A_728 {strides = array<i32>} : memref<128x64xf32, #tpu.memory_space<vmem>>, vector<16xf32>,
      %get3A_731 = arith.index_cast %scan3A_721 : i32 to index
      %get3A_732 = arith.constant 16 : index
      %get3A_733 = tpu.vector_load %arg12[%get3A_731, %get3A_732] {strides = array<i32>} : memref<128x64xf32, #tpu.memory_space<vmem>>, vector<16xf32>,
      %mul3A_734 = arith.mulf %gather3A, %get3A_733 : vector<16xf32>
      %swap3A_735 = arith.index_cast %scan3A_721 : i32 to index
      %swap3A_736 = arith.constant 16 : index
      %swap3A_737 = tpu.vector_load %arg12[%swap3A_735, %swap3A_736] {strides = array<i32>} : memref<128x64xf32, #tpu.memory_space<vmem>>, vector<16xf32>,
      tpu.vector_store %arg12[%swap3A_735, %swap3A_736], %mul3A_734 {strides = array<i32>} : memref<128x64xf32, #tpu.memory_space<vmem>>, vector<16xf32>,
      %get3A_738 = arith.index_cast %scan3A_721 : i32 to index
      %get3A_739 = arith.constant 32 : index
      %get3A_740 = tpu.vector_load %arg12[%get3A_738, %get3A_739] {strides = array<i32>} : memref<128x64xf32, #tpu.memory_space<vmem>>, vector<16xf32>,
      %mul3A_741 = arith.mulf %gather3A, %get3A_740 : vector<16xf32>
      %swap3A_742 = arith.index_cast %scan3A_721 : i32 to index
      %swap3A_743 = arith.constant 32 : index
      %swap3A_744 = tpu.vector_load %arg12[%swap3A_742, %swap3A_743] {strides = array<i32>} : memref<128x64xf32, #tpu.memory_space<vmem>>, vector<16xf32>,
      tpu.vector_store %arg12[%swap3A_742, %swap3A_743], %mul3A_741 {strides = array<i32>} : memref<128x64xf32, #tpu.memory_space<vmem>>, vector<16xf32>,
      %get3A_745 = arith.index_cast %scan3A_721 : i32 to index
      %get3A_746 = arith.constant 48 : index
      %get3A_747 = tpu.vector_load %arg12[%get3A_745, %get3A_746] {strides = array<i32>} : memref<128x64xf32, #tpu.memory_space<vmem>>, vector<16xf32>,
      %mul3A_748 = arith.mulf %gather3A, %get3A_747 : vector<16xf32>
      %swap3A_749 = arith.index_cast %scan3A_721 : i32 to index
      %swap3A_750 = arith.constant 48 : index
      %swap3A_751 = tpu.vector_load %arg12[%swap3A_749, %swap3A_750] {strides = array<i32>} : memref<128x64xf32, #tpu.memory_space<vmem>>, vector<16xf32>,
      tpu.vector_store %arg12[%swap3A_749, %swap3A_750], %mul3A_748 {strides = array<i32>} : memref<128x64xf32, #tpu.memory_space<vmem>>, vector<16xf32>,
      %scan3A_752 = arith.constant 0 : i32
      scf.yield %scan3A_752 : i32
    }
    %scan3A_207 = arith.constant 128 : i32
    %add3A_208 = arith.constant 512 : i32
    %add3A_209 = arith.addi %add3A, %add3A_208 : i32
    %dma_start3A_210 = arith.constant 0 : i32
    %dma_start3A_211 = tpu.memref_slice %arg5[%add3A_209, %dma_start3A_210] : memref<20480x64xf32, #tpu.memory_space<hbm>> -> memref<128x64xf32, #tpu.memory_space<hbm>>
    %dma_start3A_212 = arith.constant 0 : i32
    %dma_start3A_213 = tpu.memref_slice %arg5[%add3A_209, %dma_start3A_212] : memref<20480x64xf32, #tpu.memory_space<hbm>> -> memref<128x64xf32, #tpu.memory_space<hbm>>
    tpu.enqueue_dma source(%arg12 : memref<128x64xf32, #tpu.memory_space<vmem>>) target(%dma_start3A_213 : memref<128x64xf32, #tpu.memory_space<hbm>>) target_semaphore(%arg22 : memref<!tpu.dma_semaphore, #tpu.memory_space<semaphore_mem>>)
    %dma_wait3A_214 = arith.constant 0 : i32
    %dma_wait3A_215 = arith.constant 0 : i32
    %dma_wait3A_216 = tpu.memref_slice %arg5[%dma_wait3A_214, %dma_wait3A_215] : memref<20480x64xf32, #tpu.memory_space<hbm>> -> memref<128x64xf32, #tpu.memory_space<hbm>>
    %dma_wait3A_217 = arith.constant 0 : i32
    %dma_wait3A_218 = arith.constant 0 : i32
    %dma_wait3A_219 = tpu.memref_slice %arg5[%dma_wait3A_217, %dma_wait3A_218] : memref<20480x64xf32, #tpu.memory_space<hbm>> -> memref<128x64xf32, #tpu.memory_space<hbm>>
    tpu.wait_dma2 semaphore(%arg22 : memref<!tpu.dma_semaphore, #tpu.memory_space<semaphore_mem>>) src(%dma_wait3A_219 : memref<128x64xf32, #tpu.memory_space<hbm>>) dst(%arg12 : memref<128x64xf32, #tpu.memory_space<vmem>>)
    %dma_wait3A_220 = arith.constant 0 : i32
    %dma_wait3A_221 = arith.constant 0 : i32
    %dma_wait3A_222 = tpu.memref_slice %arg5[%dma_wait3A_220, %dma_wait3A_221] : memref<20480x64xf32, #tpu.memory_space<hbm>> -> memref<128x64xf32, #tpu.memory_space<hbm>>
    %dma_wait3A_223 = arith.constant 0 : i32
    %dma_wait3A_224 = arith.constant 0 : i32
    %dma_wait3A_225 = tpu.memref_slice %arg5[%dma_wait3A_223, %dma_wait3A_224] : memref<20480x64xf32, #tpu.memory_space<hbm>> -> memref<128x64xf32, #tpu.memory_space<hbm>>
    tpu.wait_dma2 semaphore(%arg23 : memref<!tpu.dma_semaphore, #tpu.memory_space<semaphore_mem>>) src(%dma_wait3A_225 : memref<128x64xf32, #tpu.memory_space<hbm>>) dst(%arg13 : memref<128x64xf32, #tpu.memory_space<vmem>>)
    "tpu.trace_stop"() : () -> ()
    "tpu.trace_start"() <{level = 10 : i32, message = "bar2"}> : () -> ()
    %barrier3A_226 = arith.constant 0 : index
    tpu.barrier barrier_id(%barrier3A_226)
    %dma_start3A_227 = arith.constant 0 : i32
    "tpu.trace_stop"() : () -> ()
    "tpu.trace_start"() <{level = 10 : i32, message = "hop1"}> : () -> ()
    %dma_start3A_228 = arith.constant 0 : i32
    %dma_start3A_229 = tpu.memref_slice %arg8[%dma_start3A_227, %dma_start3A_228] : memref<160x128xi32, #tpu.memory_space<vmem>> -> memref<1x128xi32, #tpu.memory_space<vmem>>
    %dma_start3A_230 = tpu.memref_squeeze %dma_start3A_229 : memref<1x128xi32, #tpu.memory_space<vmem>> -> memref<128xi32, #tpu.memory_space<vmem>>
    %dma_start3A_231 = arith.constant 0 : i32
    %dma_start3A_232 = arith.constant 0 : i32
    %dma_start3A_233 = tpu.memref_slice %arg5[%dma_start3A_231, %dma_start3A_232] : memref<20480x64xf32, #tpu.memory_space<hbm>> -> memref<20480x64xf32, #tpu.memory_space<hbm>>
    tpu.enqueue_indirect_dma source(%dma_start3A_233 : memref<20480x64xf32, #tpu.memory_space<hbm>>) target(%arg12 : memref<128x64xf32, #tpu.memory_space<vmem>>) offsets(%dma_start3A_230 : memref<128xi32, #tpu.memory_space<vmem>>) semaphore(%arg18 : memref<!tpu.dma_semaphore, #tpu.memory_space<semaphore_mem>>)
    %dma_start3A_234 = arith.constant 1 : i32
    %dma_start3A_235 = arith.constant 0 : i32
    %dma_start3A_236 = tpu.memref_slice %arg8[%dma_start3A_234, %dma_start3A_235] : memref<160x128xi32, #tpu.memory_space<vmem>> -> memref<1x128xi32, #tpu.memory_space<vmem>>
    %dma_start3A_237 = tpu.memref_squeeze %dma_start3A_236 : memref<1x128xi32, #tpu.memory_space<vmem>> -> memref<128xi32, #tpu.memory_space<vmem>>
    %dma_start3A_238 = arith.constant 0 : i32
    %dma_start3A_239 = arith.constant 0 : i32
    %dma_start3A_240 = tpu.memref_slice %arg5[%dma_start3A_238, %dma_start3A_239] : memref<20480x64xf32, #tpu.memory_space<hbm>> -> memref<20480x64xf32, #tpu.memory_space<hbm>>
    tpu.enqueue_indirect_dma source(%dma_start3A_240 : memref<20480x64xf32, #tpu.memory_space<hbm>>) target(%arg13 : memref<128x64xf32, #tpu.memory_space<vmem>>) offsets(%dma_start3A_237 : memref<128xi32, #tpu.memory_space<vmem>>) semaphore(%arg19 : memref<!tpu.dma_semaphore, #tpu.memory_space<semaphore_mem>>)
    %scan3A_241 = arith.constant 0 : i32
    %scan3A_242 = arith.constant 0 : i32
    %scan3A_243 = arith.constant 40 : i32
    %scan3A_244 = arith.addi %scan3A_242, %scan3A_243 : i32
    %scan3A_245 = arith.constant 1 : i32
    %scan3A_246 = scf.for %scan3A_721 = %scan3A_242 to %scan3A_244 step %scan3A_245 iter_args(%scan3A_722 = %scan3A_241) -> (i32)  : i32 {
      %mul3A_723 = arith.constant 4 : i32
      %mul3A_724 = arith.muli %mul3A_723, %scan3A_721 : i32
      %add3A_725 = arith.constant 0 : i32
      %add3A_726 = arith.addi %mul3A_724, %add3A_725 : i32
      %add3A_727 = arith.constant 2 : i32
      %add3A_728 = arith.addi %add3A_726, %add3A_727 : i32
      %lt3A = arith.constant 160 : i32
      %lt3A_729 = arith.cmpi slt, %add3A_728, %lt3A : i32
      %convert_element_type3A = arith.extui %lt3A_729 : i1 to i32
      %cond3A = arith.constant 0 : i32
      %cond3A_730 = arith.cmpi ne, %convert_element_type3A, %cond3A : i32
      scf.if %cond3A_730 {
        %ge3A = arith.constant 2 : i32
        %ge3A_817 = arith.cmpi sge, %add3A_726, %ge3A : i32
        %convert_element_type3A_818 = arith.extui %ge3A_817 : i1 to i32
        %cond3A_819 = arith.constant 0 : i32
        %cond3A_820 = arith.cmpi ne, %convert_element_type3A_818, %cond3A_819 : i32
        scf.if %cond3A_820 {
          %dma_wait3A_829 = arith.constant 0 : i32
          %dma_wait3A_830 = arith.constant 0 : i32
          %dma_wait3A_831 = tpu.memref_slice %arg9[%dma_wait3A_829, %dma_wait3A_830] : memref<160x128xi32, #tpu.memory_space<vmem>> -> memref<1x128xi32, #tpu.memory_space<vmem>>
          %dma_wait3A_832 = tpu.memref_squeeze %dma_wait3A_831 : memref<1x128xi32, #tpu.memory_space<vmem>> -> memref<128xi32, #tpu.memory_space<vmem>>
          %dma_wait3A_833 = arith.constant 0 : i32
          %dma_wait3A_834 = arith.constant 0 : i32
          %dma_wait3A_835 = tpu.memref_slice %arg6[%dma_wait3A_833, %dma_wait3A_834] : memref<10240x64xf32, #tpu.memory_space<vmem_shared>> -> memref<10240x64xf32, #tpu.memory_space<vmem_shared>>
          tpu.wait_indirect_dma semaphore(%arg24 : memref<!tpu.dma_semaphore, #tpu.memory_space<semaphore_mem>>) src(%arg15 : memref<128x64xf32, #tpu.memory_space<vmem>>) dst(%dma_wait3A_835 : memref<10240x64xf32, #tpu.memory_space<vmem_shared>>)
        } else {
        }
        %add3A_821 = arith.constant 2 : i32
        %add3A_822 = arith.addi %add3A_726, %add3A_821 : i32
        %dma_start3A_823 = arith.constant 0 : i32
        %dma_start3A_824 = tpu.memref_slice %arg8[%add3A_822, %dma_start3A_823] : memref<160x128xi32, #tpu.memory_space<vmem>> -> memref<1x128xi32, #tpu.memory_space<vmem>>
        %dma_start3A_825 = tpu.memref_squeeze %dma_start3A_824 : memref<1x128xi32, #tpu.memory_space<vmem>> -> memref<128xi32, #tpu.memory_space<vmem>>
        %dma_start3A_826 = arith.constant 0 : i32
        %dma_start3A_827 = arith.constant 0 : i32
        %dma_start3A_828 = tpu.memref_slice %arg5[%dma_start3A_826, %dma_start3A_827] : memref<20480x64xf32, #tpu.memory_space<hbm>> -> memref<20480x64xf32, #tpu.memory_space<hbm>>
        tpu.enqueue_indirect_dma source(%dma_start3A_828 : memref<20480x64xf32, #tpu.memory_space<hbm>>) target(%arg15 : memref<128x64xf32, #tpu.memory_space<vmem>>) offsets(%dma_start3A_825 : memref<128xi32, #tpu.memory_space<vmem>>) semaphore(%arg20 : memref<!tpu.dma_semaphore, #tpu.memory_space<semaphore_mem>>)
      } else {
      }
      %dma_wait3A_731 = arith.constant 0 : i32
      %dma_wait3A_732 = arith.constant 0 : i32
      %dma_wait3A_733 = tpu.memref_slice %arg8[%dma_wait3A_731, %dma_wait3A_732] : memref<160x128xi32, #tpu.memory_space<vmem>> -> memref<1x128xi32, #tpu.memory_space<vmem>>
      %dma_wait3A_734 = tpu.memref_squeeze %dma_wait3A_733 : memref<1x128xi32, #tpu.memory_space<vmem>> -> memref<128xi32, #tpu.memory_space<vmem>>
      %dma_wait3A_735 = arith.constant 0 : i32
      %dma_wait3A_736 = arith.constant 0 : i32
      %dma_wait3A_737 = tpu.memref_slice %arg5[%dma_wait3A_735, %dma_wait3A_736] : memref<20480x64xf32, #tpu.memory_space<hbm>> -> memref<20480x64xf32, #tpu.memory_space<hbm>>
      tpu.wait_indirect_dma semaphore(%arg18 : memref<!tpu.dma_semaphore, #tpu.memory_space<semaphore_mem>>) src(%dma_wait3A_737 : memref<20480x64xf32, #tpu.memory_space<hbm>>) dst(%arg12 : memref<128x64xf32, #tpu.memory_space<vmem>>)
      %dma_start3A_738 = arith.constant 0 : i32
      %dma_start3A_739 = tpu.memref_slice %arg9[%add3A_726, %dma_start3A_738] : memref<160x128xi32, #tpu.memory_space<vmem>> -> memref<1x128xi32, #tpu.memory_space<vmem>>
      %dma_start3A_740 = tpu.memref_squeeze %dma_start3A_739 : memref<1x128xi32, #tpu.memory_space<vmem>> -> memref<128xi32, #tpu.memory_space<vmem>>
      %dma_start3A_741 = arith.constant 0 : i32
      %dma_start3A_742 = arith.constant 0 : i32
      %dma_start3A_743 = tpu.memref_slice %arg6[%dma_start3A_741, %dma_start3A_742] : memref<10240x64xf32, #tpu.memory_space<vmem_shared>> -> memref<10240x64xf32, #tpu.memory_space<vmem_shared>>
      tpu.enqueue_indirect_dma source(%arg12 : memref<128x64xf32, #tpu.memory_space<vmem>>) target(%dma_start3A_743 : memref<10240x64xf32, #tpu.memory_space<vmem_shared>>) offsets(%dma_start3A_740 : memref<128xi32, #tpu.memory_space<vmem>>) semaphore(%arg22 : memref<!tpu.dma_semaphore, #tpu.memory_space<semaphore_mem>>) {add = true}
      %mul3A_744 = arith.constant 4 : i32
      %mul3A_745 = arith.muli %mul3A_744, %scan3A_721 : i32
      %add3A_746 = arith.constant 1 : i32
      %add3A_747 = arith.addi %mul3A_745, %add3A_746 : i32
      %add3A_748 = arith.constant 2 : i32
      %add3A_749 = arith.addi %add3A_747, %add3A_748 : i32
      %lt3A_750 = arith.constant 160 : i32
      %lt3A_751 = arith.cmpi slt, %add3A_749, %lt3A_750 : i32
      %convert_element_type3A_752 = arith.extui %lt3A_751 : i1 to i32
      %cond3A_753 = arith.constant 0 : i32
      %cond3A_754 = arith.cmpi ne, %convert_element_type3A_752, %cond3A_753 : i32
      scf.if %cond3A_754 {
        %ge3A = arith.constant 2 : i32
        %ge3A_817 = arith.cmpi sge, %add3A_747, %ge3A : i32
        %convert_element_type3A_818 = arith.extui %ge3A_817 : i1 to i32
        %cond3A_819 = arith.constant 0 : i32
        %cond3A_820 = arith.cmpi ne, %convert_element_type3A_818, %cond3A_819 : i32
        scf.if %cond3A_820 {
          %dma_wait3A_829 = arith.constant 0 : i32
          %dma_wait3A_830 = arith.constant 0 : i32
          %dma_wait3A_831 = tpu.memref_slice %arg9[%dma_wait3A_829, %dma_wait3A_830] : memref<160x128xi32, #tpu.memory_space<vmem>> -> memref<1x128xi32, #tpu.memory_space<vmem>>
          %dma_wait3A_832 = tpu.memref_squeeze %dma_wait3A_831 : memref<1x128xi32, #tpu.memory_space<vmem>> -> memref<128xi32, #tpu.memory_space<vmem>>
          %dma_wait3A_833 = arith.constant 0 : i32
          %dma_wait3A_834 = arith.constant 0 : i32
          %dma_wait3A_835 = tpu.memref_slice %arg6[%dma_wait3A_833, %dma_wait3A_834] : memref<10240x64xf32, #tpu.memory_space<vmem_shared>> -> memref<10240x64xf32, #tpu.memory_space<vmem_shared>>
          tpu.wait_indirect_dma semaphore(%arg25 : memref<!tpu.dma_semaphore, #tpu.memory_space<semaphore_mem>>) src(%arg14 : memref<128x64xf32, #tpu.memory_space<vmem>>) dst(%dma_wait3A_835 : memref<10240x64xf32, #tpu.memory_space<vmem_shared>>)
        } else {
        }
        %add3A_821 = arith.constant 2 : i32
        %add3A_822 = arith.addi %add3A_747, %add3A_821 : i32
        %dma_start3A_823 = arith.constant 0 : i32
        %dma_start3A_824 = tpu.memref_slice %arg8[%add3A_822, %dma_start3A_823] : memref<160x128xi32, #tpu.memory_space<vmem>> -> memref<1x128xi32, #tpu.memory_space<vmem>>
        %dma_start3A_825 = tpu.memref_squeeze %dma_start3A_824 : memref<1x128xi32, #tpu.memory_space<vmem>> -> memref<128xi32, #tpu.memory_space<vmem>>
        %dma_start3A_826 = arith.constant 0 : i32
        %dma_start3A_827 = arith.constant 0 : i32
        %dma_start3A_828 = tpu.memref_slice %arg5[%dma_start3A_826, %dma_start3A_827] : memref<20480x64xf32, #tpu.memory_space<hbm>> -> memref<20480x64xf32, #tpu.memory_space<hbm>>
        tpu.enqueue_indirect_dma source(%dma_start3A_828 : memref<20480x64xf32, #tpu.memory_space<hbm>>) target(%arg14 : memref<128x64xf32, #tpu.memory_space<vmem>>) offsets(%dma_start3A_825 : memref<128xi32, #tpu.memory_space<vmem>>) semaphore(%arg21 : memref<!tpu.dma_semaphore, #tpu.memory_space<semaphore_mem>>)
      } else {
      }
      %dma_wait3A_755 = arith.constant 0 : i32
      %dma_wait3A_756 = arith.constant 0 : i32
      %dma_wait3A_757 = tpu.memref_slice %arg8[%dma_wait3A_755, %dma_wait3A_756] : memref<160x128xi32, #tpu.memory_space<vmem>> -> memref<1x128xi32, #tpu.memory_space<vmem>>
      %dma_wait3A_758 = tpu.memref_squeeze %dma_wait3A_757 : memref<1x128xi32, #tpu.memory_space<vmem>> -> memref<128xi32, #tpu.memory_space<vmem>>
      %dma_wait3A_759 = arith.constant 0 : i32
      %dma_wait3A_760 = arith.constant 0 : i32
      %dma_wait3A_761 = tpu.memref_slice %arg5[%dma_wait3A_759, %dma_wait3A_760] : memref<20480x64xf32, #tpu.memory_space<hbm>> -> memref<20480x64xf32, #tpu.memory_space<hbm>>
      tpu.wait_indirect_dma semaphore(%arg19 : memref<!tpu.dma_semaphore, #tpu.memory_space<semaphore_mem>>) src(%dma_wait3A_761 : memref<20480x64xf32, #tpu.memory_space<hbm>>) dst(%arg13 : memref<128x64xf32, #tpu.memory_space<vmem>>)
      %dma_start3A_762 = arith.constant 0 : i32
      %dma_start3A_763 = tpu.memref_slice %arg9[%add3A_747, %dma_start3A_762] : memref<160x128xi32, #tpu.memory_space<vmem>> -> memref<1x128xi32, #tpu.memory_space<vmem>>
      %dma_start3A_764 = tpu.memref_squeeze %dma_start3A_763 : memref<1x128xi32, #tpu.memory_space<vmem>> -> memref<128xi32, #tpu.memory_space<vmem>>
      %dma_start3A_765 = arith.constant 0 : i32
      %dma_start3A_766 = arith.constant 0 : i32
      %dma_start3A_767 = tpu.memref_slice %arg6[%dma_start3A_765, %dma_start3A_766] : memref<10240x64xf32, #tpu.memory_space<vmem_shared>> -> memref<10240x64xf32, #tpu.memory_space<vmem_shared>>
      tpu.enqueue_indirect_dma source(%arg13 : memref<128x64xf32, #tpu.memory_space<vmem>>) target(%dma_start3A_767 : memref<10240x64xf32, #tpu.memory_space<vmem_shared>>) offsets(%dma_start3A_764 : memref<128xi32, #tpu.memory_space<vmem>>) semaphore(%arg23 : memref<!tpu.dma_semaphore, #tpu.memory_space<semaphore_mem>>) {add = true}
      %mul3A_768 = arith.constant 4 : i32
      %mul3A_769 = arith.muli %mul3A_768, %scan3A_721 : i32
      %add3A_770 = arith.constant 2 : i32
      %add3A_771 = arith.addi %mul3A_769, %add3A_770 : i32
      %add3A_772 = arith.constant 2 : i32
      %add3A_773 = arith.addi %add3A_771, %add3A_772 : i32
      %lt3A_774 = arith.constant 160 : i32
      %lt3A_775 = arith.cmpi slt, %add3A_773, %lt3A_774 : i32
      %convert_element_type3A_776 = arith.extui %lt3A_775 : i1 to i32
      %cond3A_777 = arith.constant 0 : i32
      %cond3A_778 = arith.cmpi ne, %convert_element_type3A_776, %cond3A_777 : i32
      scf.if %cond3A_778 {
        %ge3A = arith.constant 2 : i32
        %ge3A_817 = arith.cmpi sge, %add3A_771, %ge3A : i32
        %convert_element_type3A_818 = arith.extui %ge3A_817 : i1 to i32
        %cond3A_819 = arith.constant 0 : i32
        %cond3A_820 = arith.cmpi ne, %convert_element_type3A_818, %cond3A_819 : i32
        scf.if %cond3A_820 {
          %dma_wait3A_829 = arith.constant 0 : i32
          %dma_wait3A_830 = arith.constant 0 : i32
          %dma_wait3A_831 = tpu.memref_slice %arg9[%dma_wait3A_829, %dma_wait3A_830] : memref<160x128xi32, #tpu.memory_space<vmem>> -> memref<1x128xi32, #tpu.memory_space<vmem>>
          %dma_wait3A_832 = tpu.memref_squeeze %dma_wait3A_831 : memref<1x128xi32, #tpu.memory_space<vmem>> -> memref<128xi32, #tpu.memory_space<vmem>>
          %dma_wait3A_833 = arith.constant 0 : i32
          %dma_wait3A_834 = arith.constant 0 : i32
          %dma_wait3A_835 = tpu.memref_slice %arg6[%dma_wait3A_833, %dma_wait3A_834] : memref<10240x64xf32, #tpu.memory_space<vmem_shared>> -> memref<10240x64xf32, #tpu.memory_space<vmem_shared>>
          tpu.wait_indirect_dma semaphore(%arg22 : memref<!tpu.dma_semaphore, #tpu.memory_space<semaphore_mem>>) src(%arg12 : memref<128x64xf32, #tpu.memory_space<vmem>>) dst(%dma_wait3A_835 : memref<10240x64xf32, #tpu.memory_space<vmem_shared>>)
        } else {
        }
        %add3A_821 = arith.constant 2 : i32
        %add3A_822 = arith.addi %add3A_771, %add3A_821 : i32
        %dma_start3A_823 = arith.constant 0 : i32
        %dma_start3A_824 = tpu.memref_slice %arg8[%add3A_822, %dma_start3A_823] : memref<160x128xi32, #tpu.memory_space<vmem>> -> memref<1x128xi32, #tpu.memory_space<vmem>>
        %dma_start3A_825 = tpu.memref_squeeze %dma_start3A_824 : memref<1x128xi32, #tpu.memory_space<vmem>> -> memref<128xi32, #tpu.memory_space<vmem>>
        %dma_start3A_826 = arith.constant 0 : i32
        %dma_start3A_827 = arith.constant 0 : i32
        %dma_start3A_828 = tpu.memref_slice %arg5[%dma_start3A_826, %dma_start3A_827] : memref<20480x64xf32, #tpu.memory_space<hbm>> -> memref<20480x64xf32, #tpu.memory_space<hbm>>
        tpu.enqueue_indirect_dma source(%dma_start3A_828 : memref<20480x64xf32, #tpu.memory_space<hbm>>) target(%arg12 : memref<128x64xf32, #tpu.memory_space<vmem>>) offsets(%dma_start3A_825 : memref<128xi32, #tpu.memory_space<vmem>>) semaphore(%arg18 : memref<!tpu.dma_semaphore, #tpu.memory_space<semaphore_mem>>)
      } else {
      }
      %dma_wait3A_779 = arith.constant 0 : i32
      %dma_wait3A_780 = arith.constant 0 : i32
      %dma_wait3A_781 = tpu.memref_slice %arg8[%dma_wait3A_779, %dma_wait3A_780] : memref<160x128xi32, #tpu.memory_space<vmem>> -> memref<1x128xi32, #tpu.memory_space<vmem>>
      %dma_wait3A_782 = tpu.memref_squeeze %dma_wait3A_781 : memref<1x128xi32, #tpu.memory_space<vmem>> -> memref<128xi32, #tpu.memory_space<vmem>>
      %dma_wait3A_783 = arith.constant 0 : i32
      %dma_wait3A_784 = arith.constant 0 : i32
      %dma_wait3A_785 = tpu.memref_slice %arg5[%dma_wait3A_783, %dma_wait3A_784] : memref<20480x64xf32, #tpu.memory_space<hbm>> -> memref<20480x64xf32, #tpu.memory_space<hbm>>
      tpu.wait_indirect_dma semaphore(%arg20 : memref<!tpu.dma_semaphore, #tpu.memory_space<semaphore_mem>>) src(%dma_wait3A_785 : memref<20480x64xf32, #tpu.memory_space<hbm>>) dst(%arg15 : memref<128x64xf32, #tpu.memory_space<vmem>>)
      %dma_start3A_786 = arith.constant 0 : i32
      %dma_start3A_787 = tpu.memref_slice %arg9[%add3A_771, %dma_start3A_786] : memref<160x128xi32, #tpu.memory_space<vmem>> -> memref<1x128xi32, #tpu.memory_space<vmem>>
      %dma_start3A_788 = tpu.memref_squeeze %dma_start3A_787 : memref<1x128xi32, #tpu.memory_space<vmem>> -> memref<128xi32, #tpu.memory_space<vmem>>
      %dma_start3A_789 = arith.constant 0 : i32
      %dma_start3A_790 = arith.constant 0 : i32
      %dma_start3A_791 = tpu.memref_slice %arg6[%dma_start3A_789, %dma_start3A_790] : memref<10240x64xf32, #tpu.memory_space<vmem_shared>> -> memref<10240x64xf32, #tpu.memory_space<vmem_shared>>
      tpu.enqueue_indirect_dma source(%arg15 : memref<128x64xf32, #tpu.memory_space<vmem>>) target(%dma_start3A_791 : memref<10240x64xf32, #tpu.memory_space<vmem_shared>>) offsets(%dma_start3A_788 : memref<128xi32, #tpu.memory_space<vmem>>) semaphore(%arg24 : memref<!tpu.dma_semaphore, #tpu.memory_space<semaphore_mem>>) {add = true}
      %mul3A_792 = arith.constant 4 : i32
      %mul3A_793 = arith.muli %mul3A_792, %scan3A_721 : i32
      %add3A_794 = arith.constant 3 : i32
      %add3A_795 = arith.addi %mul3A_793, %add3A_794 : i32
      %add3A_796 = arith.constant 2 : i32
      %add3A_797 = arith.addi %add3A_795, %add3A_796 : i32
      %lt3A_798 = arith.constant 160 : i32
      %lt3A_799 = arith.cmpi slt, %add3A_797, %lt3A_798 : i32
      %convert_element_type3A_800 = arith.extui %lt3A_799 : i1 to i32
      %cond3A_801 = arith.constant 0 : i32
      %cond3A_802 = arith.cmpi ne, %convert_element_type3A_800, %cond3A_801 : i32
      scf.if %cond3A_802 {
        %ge3A = arith.constant 2 : i32
        %ge3A_817 = arith.cmpi sge, %add3A_795, %ge3A : i32
        %convert_element_type3A_818 = arith.extui %ge3A_817 : i1 to i32
        %cond3A_819 = arith.constant 0 : i32
        %cond3A_820 = arith.cmpi ne, %convert_element_type3A_818, %cond3A_819 : i32
        scf.if %cond3A_820 {
          %dma_wait3A_829 = arith.constant 0 : i32
          %dma_wait3A_830 = arith.constant 0 : i32
          %dma_wait3A_831 = tpu.memref_slice %arg9[%dma_wait3A_829, %dma_wait3A_830] : memref<160x128xi32, #tpu.memory_space<vmem>> -> memref<1x128xi32, #tpu.memory_space<vmem>>
          %dma_wait3A_832 = tpu.memref_squeeze %dma_wait3A_831 : memref<1x128xi32, #tpu.memory_space<vmem>> -> memref<128xi32, #tpu.memory_space<vmem>>
          %dma_wait3A_833 = arith.constant 0 : i32
          %dma_wait3A_834 = arith.constant 0 : i32
          %dma_wait3A_835 = tpu.memref_slice %arg6[%dma_wait3A_833, %dma_wait3A_834] : memref<10240x64xf32, #tpu.memory_space<vmem_shared>> -> memref<10240x64xf32, #tpu.memory_space<vmem_shared>>
          tpu.wait_indirect_dma semaphore(%arg23 : memref<!tpu.dma_semaphore, #tpu.memory_space<semaphore_mem>>) src(%arg13 : memref<128x64xf32, #tpu.memory_space<vmem>>) dst(%dma_wait3A_835 : memref<10240x64xf32, #tpu.memory_space<vmem_shared>>)
        } else {
        }
        %add3A_821 = arith.constant 2 : i32
        %add3A_822 = arith.addi %add3A_795, %add3A_821 : i32
        %dma_start3A_823 = arith.constant 0 : i32
        %dma_start3A_824 = tpu.memref_slice %arg8[%add3A_822, %dma_start3A_823] : memref<160x128xi32, #tpu.memory_space<vmem>> -> memref<1x128xi32, #tpu.memory_space<vmem>>
        %dma_start3A_825 = tpu.memref_squeeze %dma_start3A_824 : memref<1x128xi32, #tpu.memory_space<vmem>> -> memref<128xi32, #tpu.memory_space<vmem>>
        %dma_start3A_826 = arith.constant 0 : i32
        %dma_start3A_827 = arith.constant 0 : i32
        %dma_start3A_828 = tpu.memref_slice %arg5[%dma_start3A_826, %dma_start3A_827] : memref<20480x64xf32, #tpu.memory_space<hbm>> -> memref<20480x64xf32, #tpu.memory_space<hbm>>
        tpu.enqueue_indirect_dma source(%dma_start3A_828 : memref<20480x64xf32, #tpu.memory_space<hbm>>) target(%arg13 : memref<128x64xf32, #tpu.memory_space<vmem>>) offsets(%dma_start3A_825 : memref<128xi32, #tpu.memory_space<vmem>>) semaphore(%arg19 : memref<!tpu.dma_semaphore, #tpu.memory_space<semaphore_mem>>)
      } else {
      }
      %dma_wait3A_803 = arith.constant 0 : i32
      %dma_wait3A_804 = arith.constant 0 : i32
      %dma_wait3A_805 = tpu.memref_slice %arg8[%dma_wait3A_803, %dma_wait3A_804] : memref<160x128xi32, #tpu.memory_space<vmem>> -> memref<1x128xi32, #tpu.memory_space<vmem>>
      %dma_wait3A_806 = tpu.memref_squeeze %dma_wait3A_805 : memref<1x128xi32, #tpu.memory_space<vmem>> -> memref<128xi32, #tpu.memory_space<vmem>>
      %dma_wait3A_807 = arith.constant 0 : i32
      %dma_wait3A_808 = arith.constant 0 : i32
      %dma_wait3A_809 = tpu.memref_slice %arg5[%dma_wait3A_807, %dma_wait3A_808] : memref<20480x64xf32, #tpu.memory_space<hbm>> -> memref<20480x64xf32, #tpu.memory_space<hbm>>
      tpu.wait_indirect_dma semaphore(%arg21 : memref<!tpu.dma_semaphore, #tpu.memory_space<semaphore_mem>>) src(%dma_wait3A_809 : memref<20480x64xf32, #tpu.memory_space<hbm>>) dst(%arg14 : memref<128x64xf32, #tpu.memory_space<vmem>>)
      %dma_start3A_810 = arith.constant 0 : i32
      %dma_start3A_811 = tpu.memref_slice %arg9[%add3A_795, %dma_start3A_810] : memref<160x128xi32, #tpu.memory_space<vmem>> -> memref<1x128xi32, #tpu.memory_space<vmem>>
      %dma_start3A_812 = tpu.memref_squeeze %dma_start3A_811 : memref<1x128xi32, #tpu.memory_space<vmem>> -> memref<128xi32, #tpu.memory_space<vmem>>
      %dma_start3A_813 = arith.constant 0 : i32
      %dma_start3A_814 = arith.constant 0 : i32
      %dma_start3A_815 = tpu.memref_slice %arg6[%dma_start3A_813, %dma_start3A_814] : memref<10240x64xf32, #tpu.memory_space<vmem_shared>> -> memref<10240x64xf32, #tpu.memory_space<vmem_shared>>
      tpu.enqueue_indirect_dma source(%arg14 : memref<128x64xf32, #tpu.memory_space<vmem>>) target(%dma_start3A_815 : memref<10240x64xf32, #tpu.memory_space<vmem_shared>>) offsets(%dma_start3A_812 : memref<128xi32, #tpu.memory_space<vmem>>) semaphore(%arg25 : memref<!tpu.dma_semaphore, #tpu.memory_space<semaphore_mem>>) {add = true}
      %scan3A_816 = arith.constant 0 : i32
      scf.yield %scan3A_816 : i32
    }
    %scan3A_247 = arith.constant 40 : i32
    %dma_wait3A_248 = arith.constant 0 : i32
    %dma_wait3A_249 = arith.constant 0 : i32
    %dma_wait3A_250 = tpu.memref_slice %arg9[%dma_wait3A_248, %dma_wait3A_249] : memref<160x128xi32, #tpu.memory_space<vmem>> -> memref<1x128xi32, #tpu.memory_space<vmem>>
    %dma_wait3A_251 = tpu.memref_squeeze %dma_wait3A_250 : memref<1x128xi32, #tpu.memory_space<vmem>> -> memref<128xi32, #tpu.memory_space<vmem>>
    %dma_wait3A_252 = arith.constant 0 : i32
    %dma_wait3A_253 = arith.constant 0 : i32
    %dma_wait3A_254 = tpu.memref_slice %arg6[%dma_wait3A_252, %dma_wait3A_253] : memref<10240x64xf32, #tpu.memory_space<vmem_shared>> -> memref<10240x64xf32, #tpu.memory_space<vmem_shared>>
    tpu.wait_indirect_dma semaphore(%arg22 : memref<!tpu.dma_semaphore, #tpu.memory_space<semaphore_mem>>) src(%arg12 : memref<128x64xf32, #tpu.memory_space<vmem>>) dst(%dma_wait3A_254 : memref<10240x64xf32, #tpu.memory_space<vmem_shared>>)
    %dma_wait3A_255 = arith.constant 0 : i32
    %dma_wait3A_256 = arith.constant 0 : i32
    %dma_wait3A_257 = tpu.memref_slice %arg9[%dma_wait3A_255, %dma_wait3A_256] : memref<160x128xi32, #tpu.memory_space<vmem>> -> memref<1x128xi32, #tpu.memory_space<vmem>>
    %dma_wait3A_258 = tpu.memref_squeeze %dma_wait3A_257 : memref<1x128xi32, #tpu.memory_space<vmem>> -> memref<128xi32, #tpu.memory_space<vmem>>
    %dma_wait3A_259 = arith.constant 0 : i32
    %dma_wait3A_260 = arith.constant 0 : i32
    %dma_wait3A_261 = tpu.memref_slice %arg6[%dma_wait3A_259, %dma_wait3A_260] : memref<10240x64xf32, #tpu.memory_space<vmem_shared>> -> memref<10240x64xf32, #tpu.memory_space<vmem_shared>>
    tpu.wait_indirect_dma semaphore(%arg23 : memref<!tpu.dma_semaphore, #tpu.memory_space<semaphore_mem>>) src(%arg13 : memref<128x64xf32, #tpu.memory_space<vmem>>) dst(%dma_wait3A_261 : memref<10240x64xf32, #tpu.memory_space<vmem_shared>>)
    %dma_wait3A_262 = arith.constant 0 : i32
    %dma_wait3A_263 = arith.constant 0 : i32
    %dma_wait3A_264 = tpu.memref_slice %arg9[%dma_wait3A_262, %dma_wait3A_263] : memref<160x128xi32, #tpu.memory_space<vmem>> -> memref<1x128xi32, #tpu.memory_space<vmem>>
    %dma_wait3A_265 = tpu.memref_squeeze %dma_wait3A_264 : memref<1x128xi32, #tpu.memory_space<vmem>> -> memref<128xi32, #tpu.memory_space<vmem>>
    %dma_wait3A_266 = arith.constant 0 : i32
    %dma_wait3A_267 = arith.constant 0 : i32
    %dma_wait3A_268 = tpu.memref_slice %arg6[%dma_wait3A_266, %dma_wait3A_267] : memref<10240x64xf32, #tpu.memory_space<vmem_shared>> -> memref<10240x64xf32, #tpu.memory_space<vmem_shared>>
    tpu.wait_indirect_dma semaphore(%arg24 : memref<!tpu.dma_semaphore, #tpu.memory_space<semaphore_mem>>) src(%arg15 : memref<128x64xf32, #tpu.memory_space<vmem>>) dst(%dma_wait3A_268 : memref<10240x64xf32, #tpu.memory_space<vmem_shared>>)
    %dma_wait3A_269 = arith.constant 0 : i32
    %dma_wait3A_270 = arith.constant 0 : i32
    %dma_wait3A_271 = tpu.memref_slice %arg9[%dma_wait3A_269, %dma_wait3A_270] : memref<160x128xi32, #tpu.memory_space<vmem>> -> memref<1x128xi32, #tpu.memory_space<vmem>>
    %dma_wait3A_272 = tpu.memref_squeeze %dma_wait3A_271 : memref<1x128xi32, #tpu.memory_space<vmem>> -> memref<128xi32, #tpu.memory_space<vmem>>
    %dma_wait3A_273 = arith.constant 0 : i32
    %dma_wait3A_274 = arith.constant 0 : i32
    %dma_wait3A_275 = tpu.memref_slice %arg6[%dma_wait3A_273, %dma_wait3A_274] : memref<10240x64xf32, #tpu.memory_space<vmem_shared>> -> memref<10240x64xf32, #tpu.memory_space<vmem_shared>>
    tpu.wait_indirect_dma semaphore(%arg25 : memref<!tpu.dma_semaphore, #tpu.memory_space<semaphore_mem>>) src(%arg14 : memref<128x64xf32, #tpu.memory_space<vmem>>) dst(%dma_wait3A_275 : memref<10240x64xf32, #tpu.memory_space<vmem_shared>>)
    "tpu.trace_stop"() : () -> ()
    "tpu.trace_start"() <{level = 10 : i32, message = "bar3"}> : () -> ()
    %barrier3A_276 = arith.constant 0 : index
    tpu.barrier barrier_id(%barrier3A_276)
    "tpu.trace_stop"() : () -> ()
    %scan3A_277 = arith.constant 0 : i32
    %scan3A_278 = arith.constant 0 : i32
    %scan3A_279 = arith.constant 128 : i32
    %scan3A_280 = arith.addi %scan3A_278, %scan3A_279 : i32
    %scan3A_281 = arith.constant 1 : i32
    %scan3A_282 = scf.for %scan3A_721 = %scan3A_278 to %scan3A_280 step %scan3A_281 iter_args(%scan3A_722 = %scan3A_277) -> (i32)  : i32 {
      %swap3A = arith.index_cast %scan3A_721 : i32 to index
      %swap3A_723 = arith.constant 0 : index
      %swap3A_724 = tpu.vector_load %arg17[%swap3A, %swap3A_723] {strides = array<i32>} : memref<128x16xf32, #tpu.memory_space<vmem>>, vector<16xf32>,
      tpu.vector_store %arg17[%swap3A, %swap3A_723], %select_n3A {strides = array<i32>} : memref<128x16xf32, #tpu.memory_space<vmem>>, vector<16xf32>,
      %swap3A_725 = arith.index_cast %scan3A_721 : i32 to index
      %swap3A_726 = arith.constant 0 : index
      %swap3A_727 = tpu.vector_load %arg15[%swap3A_725, %swap3A_726] {strides = array<i32>} : memref<128x64xf32, #tpu.memory_space<vmem>>, vector<16xf32>,
      tpu.vector_store %arg15[%swap3A_725, %swap3A_726], %broadcast_in_dim3A_3 {strides = array<i32>} : memref<128x64xf32, #tpu.memory_space<vmem>>, vector<16xf32>,
      %swap3A_728 = arith.index_cast %scan3A_721 : i32 to index
      %swap3A_729 = arith.constant 16 : index
      %swap3A_730 = tpu.vector_load %arg15[%swap3A_728, %swap3A_729] {strides = array<i32>} : memref<128x64xf32, #tpu.memory_space<vmem>>, vector<16xf32>,
      tpu.vector_store %arg15[%swap3A_728, %swap3A_729], %broadcast_in_dim3A_3 {strides = array<i32>} : memref<128x64xf32, #tpu.memory_space<vmem>>, vector<16xf32>,
      %swap3A_731 = arith.index_cast %scan3A_721 : i32 to index
      %swap3A_732 = arith.constant 32 : index
      %swap3A_733 = tpu.vector_load %arg15[%swap3A_731, %swap3A_732] {strides = array<i32>} : memref<128x64xf32, #tpu.memory_space<vmem>>, vector<16xf32>,
      tpu.vector_store %arg15[%swap3A_731, %swap3A_732], %broadcast_in_dim3A_3 {strides = array<i32>} : memref<128x64xf32, #tpu.memory_space<vmem>>, vector<16xf32>,
      %swap3A_734 = arith.index_cast %scan3A_721 : i32 to index
      %swap3A_735 = arith.constant 48 : index
      %swap3A_736 = tpu.vector_load %arg15[%swap3A_734, %swap3A_735] {strides = array<i32>} : memref<128x64xf32, #tpu.memory_space<vmem>>, vector<16xf32>,
      tpu.vector_store %arg15[%swap3A_734, %swap3A_735], %broadcast_in_dim3A_3 {strides = array<i32>} : memref<128x64xf32, #tpu.memory_space<vmem>>, vector<16xf32>,
      %scan3A_737 = arith.constant 0 : i32
      scf.yield %scan3A_737 : i32
    }
    %scan3A_283 = arith.constant 128 : i32
    "tpu.trace_start"() <{level = 10 : i32, message = "g1"}> : () -> ()
    %dma_start3A_284 = arith.constant 0 : i32
    %dma_start3A_285 = tpu.memref_slice %arg5[%add3A, %dma_start3A_284] : memref<20480x64xf32, #tpu.memory_space<hbm>> -> memref<128x64xf32, #tpu.memory_space<hbm>>
    %dma_start3A_286 = arith.constant 0 : i32
    %dma_start3A_287 = tpu.memref_slice %arg5[%add3A, %dma_start3A_286] : memref<20480x64xf32, #tpu.memory_space<hbm>> -> memref<128x64xf32, #tpu.memory_space<hbm>>
    tpu.enqueue_dma source(%dma_start3A_287 : memref<128x64xf32, #tpu.memory_space<hbm>>) target(%arg12 : memref<128x64xf32, #tpu.memory_space<vmem>>) target_semaphore(%arg18 : memref<!tpu.dma_semaphore, #tpu.memory_space<semaphore_mem>>)
    %add3A_288 = arith.constant 0 : i32
    %add3A_289 = arith.addi %mul3A_0, %add3A_288 : i32
    "tpu.region"() ({
      %run_scoped3A_721 = tpu.sem_alloc : memref<!tpu.dma_semaphore, #tpu.memory_space<semaphore_mem>>
      %dma_start3A_722 = arith.constant 0 : i32
      %dma_start3A_723 = tpu.memref_slice %arg6[%add3A_289, %dma_start3A_722] : memref<10240x64xf32, #tpu.memory_space<vmem_shared>> -> memref<128x64xf32, #tpu.memory_space<vmem_shared>>
      %dma_start3A_724 = arith.constant 0 : i32
      %dma_start3A_725 = tpu.memref_slice %arg6[%add3A_289, %dma_start3A_724] : memref<10240x64xf32, #tpu.memory_space<vmem_shared>> -> memref<128x64xf32, #tpu.memory_space<vmem_shared>>
      tpu.enqueue_dma source(%dma_start3A_725 : memref<128x64xf32, #tpu.memory_space<vmem_shared>>) target(%arg13 : memref<128x64xf32, #tpu.memory_space<vmem>>) target_semaphore(%run_scoped3A_721 : memref<!tpu.dma_semaphore, #tpu.memory_space<semaphore_mem>>)
      %dma_wait3A_726 = arith.constant 0 : i32
      %dma_wait3A_727 = tpu.memref_slice %arg6[%add3A_289, %dma_wait3A_726] : memref<10240x64xf32, #tpu.memory_space<vmem_shared>> -> memref<128x64xf32, #tpu.memory_space<vmem_shared>>
      %dma_wait3A_728 = arith.constant 0 : i32
      %dma_wait3A_729 = tpu.memref_slice %arg6[%add3A_289, %dma_wait3A_728] : memref<10240x64xf32, #tpu.memory_space<vmem_shared>> -> memref<128x64xf32, #tpu.memory_space<vmem_shared>>
      tpu.wait_dma2 semaphore(%run_scoped3A_721 : memref<!tpu.dma_semaphore, #tpu.memory_space<semaphore_mem>>) src(%dma_wait3A_729 : memref<128x64xf32, #tpu.memory_space<vmem_shared>>) dst(%arg13 : memref<128x64xf32, #tpu.memory_space<vmem>>)
      tpu.yield
    }) : () -> ()
    %add3A_290 = arith.constant 0 : i32
    %add3A_291 = arith.addi %mul3A_0, %add3A_290 : i32
    %dma_start3A_292 = arith.constant 0 : i32
    %dma_start3A_293 = tpu.memref_slice %arg6[%add3A_291, %dma_start3A_292] : memref<10240x64xf32, #tpu.memory_space<vmem_shared>> -> memref<128x64xf32, #tpu.memory_space<vmem_shared>>
    %dma_start3A_294 = arith.constant 0 : i32
    %dma_start3A_295 = tpu.memref_slice %arg6[%add3A_291, %dma_start3A_294] : memref<10240x64xf32, #tpu.memory_space<vmem_shared>> -> memref<128x64xf32, #tpu.memory_space<vmem_shared>>
    tpu.enqueue_dma source(%arg15 : memref<128x64xf32, #tpu.memory_space<vmem>>) target(%dma_start3A_295 : memref<128x64xf32, #tpu.memory_space<vmem_shared>>) target_semaphore(%arg20 : memref<!tpu.dma_semaphore, #tpu.memory_space<semaphore_mem>>)
    %dma_wait3A_296 = arith.constant 0 : i32
    %dma_wait3A_297 = arith.constant 0 : i32
    %dma_wait3A_298 = tpu.memref_slice %arg5[%dma_wait3A_296, %dma_wait3A_297] : memref<20480x64xf32, #tpu.memory_space<hbm>> -> memref<128x64xf32, #tpu.memory_space<hbm>>
    %dma_wait3A_299 = arith.constant 0 : i32
    %dma_wait3A_300 = arith.constant 0 : i32
    %dma_wait3A_301 = tpu.memref_slice %arg5[%dma_wait3A_299, %dma_wait3A_300] : memref<20480x64xf32, #tpu.memory_space<hbm>> -> memref<128x64xf32, #tpu.memory_space<hbm>>
    tpu.wait_dma2 semaphore(%arg18 : memref<!tpu.dma_semaphore, #tpu.memory_space<semaphore_mem>>) src(%dma_wait3A_301 : memref<128x64xf32, #tpu.memory_space<hbm>>) dst(%arg12 : memref<128x64xf32, #tpu.memory_space<vmem>>)
    %add3A_302 = arith.constant 128 : i32
    %add3A_303 = arith.addi %add3A, %add3A_302 : i32
    %dma_start3A_304 = arith.constant 0 : i32
    %dma_start3A_305 = tpu.memref_slice %arg5[%add3A_303, %dma_start3A_304] : memref<20480x64xf32, #tpu.memory_space<hbm>> -> memref<128x64xf32, #tpu.memory_space<hbm>>
    %dma_start3A_306 = arith.constant 0 : i32
    %dma_start3A_307 = tpu.memref_slice %arg5[%add3A_303, %dma_start3A_306] : memref<20480x64xf32, #tpu.memory_space<hbm>> -> memref<128x64xf32, #tpu.memory_space<hbm>>
    tpu.enqueue_dma source(%dma_start3A_307 : memref<128x64xf32, #tpu.memory_space<hbm>>) target(%arg14 : memref<128x64xf32, #tpu.memory_space<vmem>>) target_semaphore(%arg19 : memref<!tpu.dma_semaphore, #tpu.memory_space<semaphore_mem>>)
    %scan3A_308 = arith.constant 0 : i32
    %scan3A_309 = arith.constant 0 : i32
    %scan3A_310 = arith.constant 128 : i32
    %scan3A_311 = arith.addi %scan3A_309, %scan3A_310 : i32
    %scan3A_312 = arith.constant 1 : i32
    %scan3A_313 = scf.for %scan3A_721 = %scan3A_309 to %scan3A_311 step %scan3A_312 iter_args(%scan3A_722 = %scan3A_308) -> (i32)  : i32 {
      %add3A_723 = arith.constant 0 : i32
      %add3A_724 = arith.addi %add3A_723, %scan3A_721 : i32
      %broadcast_in_dim3A_725 = vector.broadcast %add3A_724 : i32 to vector<16xi32>
      %gather3A = tpu.vector_load_idx %arg11[%broadcast_in_dim3A_725] : memref<640xf32, #tpu.memory_space<vmem>>[vector<16xi32>], vector<16xf32>,
      %mul3A_726 = arith.mulf %gather3A, %gather3A : vector<16xf32>
      %get3A = arith.index_cast %scan3A_721 : i32 to index
      %get3A_727 = arith.constant 0 : index
      %get3A_728 = tpu.vector_load %arg13[%get3A, %get3A_727] {strides = array<i32>} : memref<128x64xf32, #tpu.memory_space<vmem>>, vector<16xf32>,
      %get3A_729 = arith.index_cast %scan3A_721 : i32 to index
      %get3A_730 = arith.constant 0 : index
      %get3A_731 = tpu.vector_load %arg12[%get3A_729, %get3A_730] {strides = array<i32>} : memref<128x64xf32, #tpu.memory_space<vmem>>, vector<16xf32>,
      %add3A_732 = arith.addf %get3A_728, %get3A_731 : vector<16xf32>
      %mul3A_733 = arith.mulf %mul3A_726, %add3A_732 : vector<16xf32>
      %swap3A = arith.index_cast %scan3A_721 : i32 to index
      %swap3A_734 = arith.constant 0 : index
      %swap3A_735 = tpu.vector_load %arg12[%swap3A, %swap3A_734] {strides = array<i32>} : memref<128x64xf32, #tpu.memory_space<vmem>>, vector<16xf32>,
      tpu.vector_store %arg12[%swap3A, %swap3A_734], %mul3A_733 {strides = array<i32>} : memref<128x64xf32, #tpu.memory_space<vmem>>, vector<16xf32>,
      %get3A_736 = arith.index_cast %scan3A_721 : i32 to index
      %get3A_737 = arith.constant 16 : index
      %get3A_738 = tpu.vector_load %arg13[%get3A_736, %get3A_737] {strides = array<i32>} : memref<128x64xf32, #tpu.memory_space<vmem>>, vector<16xf32>,
      %get3A_739 = arith.index_cast %scan3A_721 : i32 to index
      %get3A_740 = arith.constant 16 : index
      %get3A_741 = tpu.vector_load %arg12[%get3A_739, %get3A_740] {strides = array<i32>} : memref<128x64xf32, #tpu.memory_space<vmem>>, vector<16xf32>,
      %add3A_742 = arith.addf %get3A_738, %get3A_741 : vector<16xf32>
      %mul3A_743 = arith.mulf %mul3A_726, %add3A_742 : vector<16xf32>
      %swap3A_744 = arith.index_cast %scan3A_721 : i32 to index
      %swap3A_745 = arith.constant 16 : index
      %swap3A_746 = tpu.vector_load %arg12[%swap3A_744, %swap3A_745] {strides = array<i32>} : memref<128x64xf32, #tpu.memory_space<vmem>>, vector<16xf32>,
      tpu.vector_store %arg12[%swap3A_744, %swap3A_745], %mul3A_743 {strides = array<i32>} : memref<128x64xf32, #tpu.memory_space<vmem>>, vector<16xf32>,
      %get3A_747 = arith.index_cast %scan3A_721 : i32 to index
      %get3A_748 = arith.constant 32 : index
      %get3A_749 = tpu.vector_load %arg13[%get3A_747, %get3A_748] {strides = array<i32>} : memref<128x64xf32, #tpu.memory_space<vmem>>, vector<16xf32>,
      %get3A_750 = arith.index_cast %scan3A_721 : i32 to index
      %get3A_751 = arith.constant 32 : index
      %get3A_752 = tpu.vector_load %arg12[%get3A_750, %get3A_751] {strides = array<i32>} : memref<128x64xf32, #tpu.memory_space<vmem>>, vector<16xf32>,
      %add3A_753 = arith.addf %get3A_749, %get3A_752 : vector<16xf32>
      %mul3A_754 = arith.mulf %mul3A_726, %add3A_753 : vector<16xf32>
      %swap3A_755 = arith.index_cast %scan3A_721 : i32 to index
      %swap3A_756 = arith.constant 32 : index
      %swap3A_757 = tpu.vector_load %arg12[%swap3A_755, %swap3A_756] {strides = array<i32>} : memref<128x64xf32, #tpu.memory_space<vmem>>, vector<16xf32>,
      tpu.vector_store %arg12[%swap3A_755, %swap3A_756], %mul3A_754 {strides = array<i32>} : memref<128x64xf32, #tpu.memory_space<vmem>>, vector<16xf32>,
      %get3A_758 = arith.index_cast %scan3A_721 : i32 to index
      %get3A_759 = arith.constant 48 : index
      %get3A_760 = tpu.vector_load %arg13[%get3A_758, %get3A_759] {strides = array<i32>} : memref<128x64xf32, #tpu.memory_space<vmem>>, vector<16xf32>,
      %get3A_761 = arith.index_cast %scan3A_721 : i32 to index
      %get3A_762 = arith.constant 48 : index
      %get3A_763 = tpu.vector_load %arg12[%get3A_761, %get3A_762] {strides = array<i32>} : memref<128x64xf32, #tpu.memory_space<vmem>>, vector<16xf32>,
      %add3A_764 = arith.addf %get3A_760, %get3A_763 : vector<16xf32>
      %mul3A_765 = arith.mulf %mul3A_726, %add3A_764 : vector<16xf32>
      %swap3A_766 = arith.index_cast %scan3A_721 : i32 to index
      %swap3A_767 = arith.constant 48 : index
      %swap3A_768 = tpu.vector_load %arg12[%swap3A_766, %swap3A_767] {strides = array<i32>} : memref<128x64xf32, #tpu.memory_space<vmem>>, vector<16xf32>,
      tpu.vector_store %arg12[%swap3A_766, %swap3A_767], %mul3A_765 {strides = array<i32>} : memref<128x64xf32, #tpu.memory_space<vmem>>, vector<16xf32>,
      %scan3A_769 = arith.constant 0 : i32
      scf.yield %scan3A_769 : i32
    }
    %scan3A_314 = arith.constant 128 : i32
    %add3A_315 = arith.constant 0 : i32
    %add3A_316 = arith.addi %add3A, %add3A_315 : i32
    %dma_start3A_317 = arith.constant 0 : i32
    %dma_start3A_318 = tpu.memref_slice %arg5[%add3A_316, %dma_start3A_317] : memref<20480x64xf32, #tpu.memory_space<hbm>> -> memref<128x64xf32, #tpu.memory_space<hbm>>
    %dma_start3A_319 = arith.constant 0 : i32
    %dma_start3A_320 = tpu.memref_slice %arg5[%add3A_316, %dma_start3A_319] : memref<20480x64xf32, #tpu.memory_space<hbm>> -> memref<128x64xf32, #tpu.memory_space<hbm>>
    tpu.enqueue_dma source(%arg12 : memref<128x64xf32, #tpu.memory_space<vmem>>) target(%dma_start3A_320 : memref<128x64xf32, #tpu.memory_space<hbm>>) target_semaphore(%arg22 : memref<!tpu.dma_semaphore, #tpu.memory_space<semaphore_mem>>)
    %add3A_321 = arith.constant 128 : i32
    %add3A_322 = arith.addi %mul3A_0, %add3A_321 : i32
    "tpu.region"() ({
      %run_scoped3A_721 = tpu.sem_alloc : memref<!tpu.dma_semaphore, #tpu.memory_space<semaphore_mem>>
      %dma_start3A_722 = arith.constant 0 : i32
      %dma_start3A_723 = tpu.memref_slice %arg6[%add3A_322, %dma_start3A_722] : memref<10240x64xf32, #tpu.memory_space<vmem_shared>> -> memref<128x64xf32, #tpu.memory_space<vmem_shared>>
      %dma_start3A_724 = arith.constant 0 : i32
      %dma_start3A_725 = tpu.memref_slice %arg6[%add3A_322, %dma_start3A_724] : memref<10240x64xf32, #tpu.memory_space<vmem_shared>> -> memref<128x64xf32, #tpu.memory_space<vmem_shared>>
      tpu.enqueue_dma source(%dma_start3A_725 : memref<128x64xf32, #tpu.memory_space<vmem_shared>>) target(%arg13 : memref<128x64xf32, #tpu.memory_space<vmem>>) target_semaphore(%run_scoped3A_721 : memref<!tpu.dma_semaphore, #tpu.memory_space<semaphore_mem>>)
      %dma_wait3A_726 = arith.constant 0 : i32
      %dma_wait3A_727 = tpu.memref_slice %arg6[%add3A_322, %dma_wait3A_726] : memref<10240x64xf32, #tpu.memory_space<vmem_shared>> -> memref<128x64xf32, #tpu.memory_space<vmem_shared>>
      %dma_wait3A_728 = arith.constant 0 : i32
      %dma_wait3A_729 = tpu.memref_slice %arg6[%add3A_322, %dma_wait3A_728] : memref<10240x64xf32, #tpu.memory_space<vmem_shared>> -> memref<128x64xf32, #tpu.memory_space<vmem_shared>>
      tpu.wait_dma2 semaphore(%run_scoped3A_721 : memref<!tpu.dma_semaphore, #tpu.memory_space<semaphore_mem>>) src(%dma_wait3A_729 : memref<128x64xf32, #tpu.memory_space<vmem_shared>>) dst(%arg13 : memref<128x64xf32, #tpu.memory_space<vmem>>)
      tpu.yield
    }) : () -> ()
    %add3A_323 = arith.constant 128 : i32
    %add3A_324 = arith.addi %mul3A_0, %add3A_323 : i32
    %dma_start3A_325 = arith.constant 0 : i32
    %dma_start3A_326 = tpu.memref_slice %arg6[%add3A_324, %dma_start3A_325] : memref<10240x64xf32, #tpu.memory_space<vmem_shared>> -> memref<128x64xf32, #tpu.memory_space<vmem_shared>>
    %dma_start3A_327 = arith.constant 0 : i32
    %dma_start3A_328 = tpu.memref_slice %arg6[%add3A_324, %dma_start3A_327] : memref<10240x64xf32, #tpu.memory_space<vmem_shared>> -> memref<128x64xf32, #tpu.memory_space<vmem_shared>>
    tpu.enqueue_dma source(%arg15 : memref<128x64xf32, #tpu.memory_space<vmem>>) target(%dma_start3A_328 : memref<128x64xf32, #tpu.memory_space<vmem_shared>>) target_semaphore(%arg20 : memref<!tpu.dma_semaphore, #tpu.memory_space<semaphore_mem>>)
    %dma_wait3A_329 = arith.constant 0 : i32
    %dma_wait3A_330 = arith.constant 0 : i32
    %dma_wait3A_331 = tpu.memref_slice %arg5[%dma_wait3A_329, %dma_wait3A_330] : memref<20480x64xf32, #tpu.memory_space<hbm>> -> memref<128x64xf32, #tpu.memory_space<hbm>>
    %dma_wait3A_332 = arith.constant 0 : i32
    %dma_wait3A_333 = arith.constant 0 : i32
    %dma_wait3A_334 = tpu.memref_slice %arg5[%dma_wait3A_332, %dma_wait3A_333] : memref<20480x64xf32, #tpu.memory_space<hbm>> -> memref<128x64xf32, #tpu.memory_space<hbm>>
    tpu.wait_dma2 semaphore(%arg19 : memref<!tpu.dma_semaphore, #tpu.memory_space<semaphore_mem>>) src(%dma_wait3A_334 : memref<128x64xf32, #tpu.memory_space<hbm>>) dst(%arg14 : memref<128x64xf32, #tpu.memory_space<vmem>>)
    %dma_wait3A_335 = arith.constant 0 : i32
    %dma_wait3A_336 = arith.constant 0 : i32
    %dma_wait3A_337 = tpu.memref_slice %arg5[%dma_wait3A_335, %dma_wait3A_336] : memref<20480x64xf32, #tpu.memory_space<hbm>> -> memref<128x64xf32, #tpu.memory_space<hbm>>
    %dma_wait3A_338 = arith.constant 0 : i32
    %dma_wait3A_339 = arith.constant 0 : i32
    %dma_wait3A_340 = tpu.memref_slice %arg5[%dma_wait3A_338, %dma_wait3A_339] : memref<20480x64xf32, #tpu.memory_space<hbm>> -> memref<128x64xf32, #tpu.memory_space<hbm>>
    tpu.wait_dma2 semaphore(%arg22 : memref<!tpu.dma_semaphore, #tpu.memory_space<semaphore_mem>>) src(%arg12 : memref<128x64xf32, #tpu.memory_space<vmem>>) dst(%dma_wait3A_340 : memref<128x64xf32, #tpu.memory_space<hbm>>)
    %add3A_341 = arith.constant 256 : i32
    %add3A_342 = arith.addi %add3A, %add3A_341 : i32
    %dma_start3A_343 = arith.constant 0 : i32
    %dma_start3A_344 = tpu.memref_slice %arg5[%add3A_342, %dma_start3A_343] : memref<20480x64xf32, #tpu.memory_space<hbm>> -> memref<128x64xf32, #tpu.memory_space<hbm>>
    %dma_start3A_345 = arith.constant 0 : i32
    %dma_start3A_346 = tpu.memref_slice %arg5[%add3A_342, %dma_start3A_345] : memref<20480x64xf32, #tpu.memory_space<hbm>> -> memref<128x64xf32, #tpu.memory_space<hbm>>
    tpu.enqueue_dma source(%dma_start3A_346 : memref<128x64xf32, #tpu.memory_space<hbm>>) target(%arg12 : memref<128x64xf32, #tpu.memory_space<vmem>>) target_semaphore(%arg18 : memref<!tpu.dma_semaphore, #tpu.memory_space<semaphore_mem>>)
    %scan3A_347 = arith.constant 0 : i32
    %scan3A_348 = arith.constant 0 : i32
    %scan3A_349 = arith.constant 128 : i32
    %scan3A_350 = arith.addi %scan3A_348, %scan3A_349 : i32
    %scan3A_351 = arith.constant 1 : i32
    %scan3A_352 = scf.for %scan3A_721 = %scan3A_348 to %scan3A_350 step %scan3A_351 iter_args(%scan3A_722 = %scan3A_347) -> (i32)  : i32 {
      %add3A_723 = arith.constant 128 : i32
      %add3A_724 = arith.addi %add3A_723, %scan3A_721 : i32
      %broadcast_in_dim3A_725 = vector.broadcast %add3A_724 : i32 to vector<16xi32>
      %gather3A = tpu.vector_load_idx %arg11[%broadcast_in_dim3A_725] : memref<640xf32, #tpu.memory_space<vmem>>[vector<16xi32>], vector<16xf32>,
      %mul3A_726 = arith.mulf %gather3A, %gather3A : vector<16xf32>
      %get3A = arith.index_cast %scan3A_721 : i32 to index
      %get3A_727 = arith.constant 0 : index
      %get3A_728 = tpu.vector_load %arg13[%get3A, %get3A_727] {strides = array<i32>} : memref<128x64xf32, #tpu.memory_space<vmem>>, vector<16xf32>,
      %get3A_729 = arith.index_cast %scan3A_721 : i32 to index
      %get3A_730 = arith.constant 0 : index
      %get3A_731 = tpu.vector_load %arg14[%get3A_729, %get3A_730] {strides = array<i32>} : memref<128x64xf32, #tpu.memory_space<vmem>>, vector<16xf32>,
      %add3A_732 = arith.addf %get3A_728, %get3A_731 : vector<16xf32>
      %mul3A_733 = arith.mulf %mul3A_726, %add3A_732 : vector<16xf32>
      %swap3A = arith.index_cast %scan3A_721 : i32 to index
      %swap3A_734 = arith.constant 0 : index
      %swap3A_735 = tpu.vector_load %arg14[%swap3A, %swap3A_734] {strides = array<i32>} : memref<128x64xf32, #tpu.memory_space<vmem>>, vector<16xf32>,
      tpu.vector_store %arg14[%swap3A, %swap3A_734], %mul3A_733 {strides = array<i32>} : memref<128x64xf32, #tpu.memory_space<vmem>>, vector<16xf32>,
      %get3A_736 = arith.index_cast %scan3A_721 : i32 to index
      %get3A_737 = arith.constant 16 : index
      %get3A_738 = tpu.vector_load %arg13[%get3A_736, %get3A_737] {strides = array<i32>} : memref<128x64xf32, #tpu.memory_space<vmem>>, vector<16xf32>,
      %get3A_739 = arith.index_cast %scan3A_721 : i32 to index
      %get3A_740 = arith.constant 16 : index
      %get3A_741 = tpu.vector_load %arg14[%get3A_739, %get3A_740] {strides = array<i32>} : memref<128x64xf32, #tpu.memory_space<vmem>>, vector<16xf32>,
      %add3A_742 = arith.addf %get3A_738, %get3A_741 : vector<16xf32>
      %mul3A_743 = arith.mulf %mul3A_726, %add3A_742 : vector<16xf32>
      %swap3A_744 = arith.index_cast %scan3A_721 : i32 to index
      %swap3A_745 = arith.constant 16 : index
      %swap3A_746 = tpu.vector_load %arg14[%swap3A_744, %swap3A_745] {strides = array<i32>} : memref<128x64xf32, #tpu.memory_space<vmem>>, vector<16xf32>,
      tpu.vector_store %arg14[%swap3A_744, %swap3A_745], %mul3A_743 {strides = array<i32>} : memref<128x64xf32, #tpu.memory_space<vmem>>, vector<16xf32>,
      %get3A_747 = arith.index_cast %scan3A_721 : i32 to index
      %get3A_748 = arith.constant 32 : index
      %get3A_749 = tpu.vector_load %arg13[%get3A_747, %get3A_748] {strides = array<i32>} : memref<128x64xf32, #tpu.memory_space<vmem>>, vector<16xf32>,
      %get3A_750 = arith.index_cast %scan3A_721 : i32 to index
      %get3A_751 = arith.constant 32 : index
      %get3A_752 = tpu.vector_load %arg14[%get3A_750, %get3A_751] {strides = array<i32>} : memref<128x64xf32, #tpu.memory_space<vmem>>, vector<16xf32>,
      %add3A_753 = arith.addf %get3A_749, %get3A_752 : vector<16xf32>
      %mul3A_754 = arith.mulf %mul3A_726, %add3A_753 : vector<16xf32>
      %swap3A_755 = arith.index_cast %scan3A_721 : i32 to index
      %swap3A_756 = arith.constant 32 : index
      %swap3A_757 = tpu.vector_load %arg14[%swap3A_755, %swap3A_756] {strides = array<i32>} : memref<128x64xf32, #tpu.memory_space<vmem>>, vector<16xf32>,
      tpu.vector_store %arg14[%swap3A_755, %swap3A_756], %mul3A_754 {strides = array<i32>} : memref<128x64xf32, #tpu.memory_space<vmem>>, vector<16xf32>,
      %get3A_758 = arith.index_cast %scan3A_721 : i32 to index
      %get3A_759 = arith.constant 48 : index
      %get3A_760 = tpu.vector_load %arg13[%get3A_758, %get3A_759] {strides = array<i32>} : memref<128x64xf32, #tpu.memory_space<vmem>>, vector<16xf32>,
      %get3A_761 = arith.index_cast %scan3A_721 : i32 to index
      %get3A_762 = arith.constant 48 : index
      %get3A_763 = tpu.vector_load %arg14[%get3A_761, %get3A_762] {strides = array<i32>} : memref<128x64xf32, #tpu.memory_space<vmem>>, vector<16xf32>,
      %add3A_764 = arith.addf %get3A_760, %get3A_763 : vector<16xf32>
      %mul3A_765 = arith.mulf %mul3A_726, %add3A_764 : vector<16xf32>
      %swap3A_766 = arith.index_cast %scan3A_721 : i32 to index
      %swap3A_767 = arith.constant 48 : index
      %swap3A_768 = tpu.vector_load %arg14[%swap3A_766, %swap3A_767] {strides = array<i32>} : memref<128x64xf32, #tpu.memory_space<vmem>>, vector<16xf32>,
      tpu.vector_store %arg14[%swap3A_766, %swap3A_767], %mul3A_765 {strides = array<i32>} : memref<128x64xf32, #tpu.memory_space<vmem>>, vector<16xf32>,
      %scan3A_769 = arith.constant 0 : i32
      scf.yield %scan3A_769 : i32
    }
    %scan3A_353 = arith.constant 128 : i32
    %add3A_354 = arith.constant 128 : i32
    %add3A_355 = arith.addi %add3A, %add3A_354 : i32
    %dma_start3A_356 = arith.constant 0 : i32
    %dma_start3A_357 = tpu.memref_slice %arg5[%add3A_355, %dma_start3A_356] : memref<20480x64xf32, #tpu.memory_space<hbm>> -> memref<128x64xf32, #tpu.memory_space<hbm>>
    %dma_start3A_358 = arith.constant 0 : i32
    %dma_start3A_359 = tpu.memref_slice %arg5[%add3A_355, %dma_start3A_358] : memref<20480x64xf32, #tpu.memory_space<hbm>> -> memref<128x64xf32, #tpu.memory_space<hbm>>
    tpu.enqueue_dma source(%arg14 : memref<128x64xf32, #tpu.memory_space<vmem>>) target(%dma_start3A_359 : memref<128x64xf32, #tpu.memory_space<hbm>>) target_semaphore(%arg23 : memref<!tpu.dma_semaphore, #tpu.memory_space<semaphore_mem>>)
    %add3A_360 = arith.constant 256 : i32
    %add3A_361 = arith.addi %mul3A_0, %add3A_360 : i32
    "tpu.region"() ({
      %run_scoped3A_721 = tpu.sem_alloc : memref<!tpu.dma_semaphore, #tpu.memory_space<semaphore_mem>>
      %dma_start3A_722 = arith.constant 0 : i32
      %dma_start3A_723 = tpu.memref_slice %arg6[%add3A_361, %dma_start3A_722] : memref<10240x64xf32, #tpu.memory_space<vmem_shared>> -> memref<128x64xf32, #tpu.memory_space<vmem_shared>>
      %dma_start3A_724 = arith.constant 0 : i32
      %dma_start3A_725 = tpu.memref_slice %arg6[%add3A_361, %dma_start3A_724] : memref<10240x64xf32, #tpu.memory_space<vmem_shared>> -> memref<128x64xf32, #tpu.memory_space<vmem_shared>>
      tpu.enqueue_dma source(%dma_start3A_725 : memref<128x64xf32, #tpu.memory_space<vmem_shared>>) target(%arg13 : memref<128x64xf32, #tpu.memory_space<vmem>>) target_semaphore(%run_scoped3A_721 : memref<!tpu.dma_semaphore, #tpu.memory_space<semaphore_mem>>)
      %dma_wait3A_726 = arith.constant 0 : i32
      %dma_wait3A_727 = tpu.memref_slice %arg6[%add3A_361, %dma_wait3A_726] : memref<10240x64xf32, #tpu.memory_space<vmem_shared>> -> memref<128x64xf32, #tpu.memory_space<vmem_shared>>
      %dma_wait3A_728 = arith.constant 0 : i32
      %dma_wait3A_729 = tpu.memref_slice %arg6[%add3A_361, %dma_wait3A_728] : memref<10240x64xf32, #tpu.memory_space<vmem_shared>> -> memref<128x64xf32, #tpu.memory_space<vmem_shared>>
      tpu.wait_dma2 semaphore(%run_scoped3A_721 : memref<!tpu.dma_semaphore, #tpu.memory_space<semaphore_mem>>) src(%dma_wait3A_729 : memref<128x64xf32, #tpu.memory_space<vmem_shared>>) dst(%arg13 : memref<128x64xf32, #tpu.memory_space<vmem>>)
      tpu.yield
    }) : () -> ()
    %add3A_362 = arith.constant 256 : i32
    %add3A_363 = arith.addi %mul3A_0, %add3A_362 : i32
    %dma_start3A_364 = arith.constant 0 : i32
    %dma_start3A_365 = tpu.memref_slice %arg6[%add3A_363, %dma_start3A_364] : memref<10240x64xf32, #tpu.memory_space<vmem_shared>> -> memref<128x64xf32, #tpu.memory_space<vmem_shared>>
    %dma_start3A_366 = arith.constant 0 : i32
    %dma_start3A_367 = tpu.memref_slice %arg6[%add3A_363, %dma_start3A_366] : memref<10240x64xf32, #tpu.memory_space<vmem_shared>> -> memref<128x64xf32, #tpu.memory_space<vmem_shared>>
    tpu.enqueue_dma source(%arg15 : memref<128x64xf32, #tpu.memory_space<vmem>>) target(%dma_start3A_367 : memref<128x64xf32, #tpu.memory_space<vmem_shared>>) target_semaphore(%arg20 : memref<!tpu.dma_semaphore, #tpu.memory_space<semaphore_mem>>)
    %dma_wait3A_368 = arith.constant 0 : i32
    %dma_wait3A_369 = arith.constant 0 : i32
    %dma_wait3A_370 = tpu.memref_slice %arg5[%dma_wait3A_368, %dma_wait3A_369] : memref<20480x64xf32, #tpu.memory_space<hbm>> -> memref<128x64xf32, #tpu.memory_space<hbm>>
    %dma_wait3A_371 = arith.constant 0 : i32
    %dma_wait3A_372 = arith.constant 0 : i32
    %dma_wait3A_373 = tpu.memref_slice %arg5[%dma_wait3A_371, %dma_wait3A_372] : memref<20480x64xf32, #tpu.memory_space<hbm>> -> memref<128x64xf32, #tpu.memory_space<hbm>>
    tpu.wait_dma2 semaphore(%arg18 : memref<!tpu.dma_semaphore, #tpu.memory_space<semaphore_mem>>) src(%dma_wait3A_373 : memref<128x64xf32, #tpu.memory_space<hbm>>) dst(%arg12 : memref<128x64xf32, #tpu.memory_space<vmem>>)
    %dma_wait3A_374 = arith.constant 0 : i32
    %dma_wait3A_375 = arith.constant 0 : i32
    %dma_wait3A_376 = tpu.memref_slice %arg5[%dma_wait3A_374, %dma_wait3A_375] : memref<20480x64xf32, #tpu.memory_space<hbm>> -> memref<128x64xf32, #tpu.memory_space<hbm>>
    %dma_wait3A_377 = arith.constant 0 : i32
    %dma_wait3A_378 = arith.constant 0 : i32
    %dma_wait3A_379 = tpu.memref_slice %arg5[%dma_wait3A_377, %dma_wait3A_378] : memref<20480x64xf32, #tpu.memory_space<hbm>> -> memref<128x64xf32, #tpu.memory_space<hbm>>
    tpu.wait_dma2 semaphore(%arg23 : memref<!tpu.dma_semaphore, #tpu.memory_space<semaphore_mem>>) src(%arg14 : memref<128x64xf32, #tpu.memory_space<vmem>>) dst(%dma_wait3A_379 : memref<128x64xf32, #tpu.memory_space<hbm>>)
    %add3A_380 = arith.constant 384 : i32
    %add3A_381 = arith.addi %add3A, %add3A_380 : i32
    %dma_start3A_382 = arith.constant 0 : i32
    %dma_start3A_383 = tpu.memref_slice %arg5[%add3A_381, %dma_start3A_382] : memref<20480x64xf32, #tpu.memory_space<hbm>> -> memref<128x64xf32, #tpu.memory_space<hbm>>
    %dma_start3A_384 = arith.constant 0 : i32
    %dma_start3A_385 = tpu.memref_slice %arg5[%add3A_381, %dma_start3A_384] : memref<20480x64xf32, #tpu.memory_space<hbm>> -> memref<128x64xf32, #tpu.memory_space<hbm>>
    tpu.enqueue_dma source(%dma_start3A_385 : memref<128x64xf32, #tpu.memory_space<hbm>>) target(%arg14 : memref<128x64xf32, #tpu.memory_space<vmem>>) target_semaphore(%arg19 : memref<!tpu.dma_semaphore, #tpu.memory_space<semaphore_mem>>)
    %scan3A_386 = arith.constant 0 : i32
    %scan3A_387 = arith.constant 0 : i32
    %scan3A_388 = arith.constant 128 : i32
    %scan3A_389 = arith.addi %scan3A_387, %scan3A_388 : i32
    %scan3A_390 = arith.constant 1 : i32
    %scan3A_391 = scf.for %scan3A_721 = %scan3A_387 to %scan3A_389 step %scan3A_390 iter_args(%scan3A_722 = %scan3A_386) -> (i32)  : i32 {
      %add3A_723 = arith.constant 256 : i32
      %add3A_724 = arith.addi %add3A_723, %scan3A_721 : i32
      %broadcast_in_dim3A_725 = vector.broadcast %add3A_724 : i32 to vector<16xi32>
      %gather3A = tpu.vector_load_idx %arg11[%broadcast_in_dim3A_725] : memref<640xf32, #tpu.memory_space<vmem>>[vector<16xi32>], vector<16xf32>,
      %mul3A_726 = arith.mulf %gather3A, %gather3A : vector<16xf32>
      %get3A = arith.index_cast %scan3A_721 : i32 to index
      %get3A_727 = arith.constant 0 : index
      %get3A_728 = tpu.vector_load %arg13[%get3A, %get3A_727] {strides = array<i32>} : memref<128x64xf32, #tpu.memory_space<vmem>>, vector<16xf32>,
      %get3A_729 = arith.index_cast %scan3A_721 : i32 to index
      %get3A_730 = arith.constant 0 : index
      %get3A_731 = tpu.vector_load %arg12[%get3A_729, %get3A_730] {strides = array<i32>} : memref<128x64xf32, #tpu.memory_space<vmem>>, vector<16xf32>,
      %add3A_732 = arith.addf %get3A_728, %get3A_731 : vector<16xf32>
      %mul3A_733 = arith.mulf %mul3A_726, %add3A_732 : vector<16xf32>
      %swap3A = arith.index_cast %scan3A_721 : i32 to index
      %swap3A_734 = arith.constant 0 : index
      %swap3A_735 = tpu.vector_load %arg12[%swap3A, %swap3A_734] {strides = array<i32>} : memref<128x64xf32, #tpu.memory_space<vmem>>, vector<16xf32>,
      tpu.vector_store %arg12[%swap3A, %swap3A_734], %mul3A_733 {strides = array<i32>} : memref<128x64xf32, #tpu.memory_space<vmem>>, vector<16xf32>,
      %get3A_736 = arith.index_cast %scan3A_721 : i32 to index
      %get3A_737 = arith.constant 16 : index
      %get3A_738 = tpu.vector_load %arg13[%get3A_736, %get3A_737] {strides = array<i32>} : memref<128x64xf32, #tpu.memory_space<vmem>>, vector<16xf32>,
      %get3A_739 = arith.index_cast %scan3A_721 : i32 to index
      %get3A_740 = arith.constant 16 : index
      %get3A_741 = tpu.vector_load %arg12[%get3A_739, %get3A_740] {strides = array<i32>} : memref<128x64xf32, #tpu.memory_space<vmem>>, vector<16xf32>,
      %add3A_742 = arith.addf %get3A_738, %get3A_741 : vector<16xf32>
      %mul3A_743 = arith.mulf %mul3A_726, %add3A_742 : vector<16xf32>
      %swap3A_744 = arith.index_cast %scan3A_721 : i32 to index
      %swap3A_745 = arith.constant 16 : index
      %swap3A_746 = tpu.vector_load %arg12[%swap3A_744, %swap3A_745] {strides = array<i32>} : memref<128x64xf32, #tpu.memory_space<vmem>>, vector<16xf32>,
      tpu.vector_store %arg12[%swap3A_744, %swap3A_745], %mul3A_743 {strides = array<i32>} : memref<128x64xf32, #tpu.memory_space<vmem>>, vector<16xf32>,
      %get3A_747 = arith.index_cast %scan3A_721 : i32 to index
      %get3A_748 = arith.constant 32 : index
      %get3A_749 = tpu.vector_load %arg13[%get3A_747, %get3A_748] {strides = array<i32>} : memref<128x64xf32, #tpu.memory_space<vmem>>, vector<16xf32>,
      %get3A_750 = arith.index_cast %scan3A_721 : i32 to index
      %get3A_751 = arith.constant 32 : index
      %get3A_752 = tpu.vector_load %arg12[%get3A_750, %get3A_751] {strides = array<i32>} : memref<128x64xf32, #tpu.memory_space<vmem>>, vector<16xf32>,
      %add3A_753 = arith.addf %get3A_749, %get3A_752 : vector<16xf32>
      %mul3A_754 = arith.mulf %mul3A_726, %add3A_753 : vector<16xf32>
      %swap3A_755 = arith.index_cast %scan3A_721 : i32 to index
      %swap3A_756 = arith.constant 32 : index
      %swap3A_757 = tpu.vector_load %arg12[%swap3A_755, %swap3A_756] {strides = array<i32>} : memref<128x64xf32, #tpu.memory_space<vmem>>, vector<16xf32>,
      tpu.vector_store %arg12[%swap3A_755, %swap3A_756], %mul3A_754 {strides = array<i32>} : memref<128x64xf32, #tpu.memory_space<vmem>>, vector<16xf32>,
      %get3A_758 = arith.index_cast %scan3A_721 : i32 to index
      %get3A_759 = arith.constant 48 : index
      %get3A_760 = tpu.vector_load %arg13[%get3A_758, %get3A_759] {strides = array<i32>} : memref<128x64xf32, #tpu.memory_space<vmem>>, vector<16xf32>,
      %get3A_761 = arith.index_cast %scan3A_721 : i32 to index
      %get3A_762 = arith.constant 48 : index
      %get3A_763 = tpu.vector_load %arg12[%get3A_761, %get3A_762] {strides = array<i32>} : memref<128x64xf32, #tpu.memory_space<vmem>>, vector<16xf32>,
      %add3A_764 = arith.addf %get3A_760, %get3A_763 : vector<16xf32>
      %mul3A_765 = arith.mulf %mul3A_726, %add3A_764 : vector<16xf32>
      %swap3A_766 = arith.index_cast %scan3A_721 : i32 to index
      %swap3A_767 = arith.constant 48 : index
      %swap3A_768 = tpu.vector_load %arg12[%swap3A_766, %swap3A_767] {strides = array<i32>} : memref<128x64xf32, #tpu.memory_space<vmem>>, vector<16xf32>,
      tpu.vector_store %arg12[%swap3A_766, %swap3A_767], %mul3A_765 {strides = array<i32>} : memref<128x64xf32, #tpu.memory_space<vmem>>, vector<16xf32>,
      %scan3A_769 = arith.constant 0 : i32
      scf.yield %scan3A_769 : i32
    }
    %scan3A_392 = arith.constant 128 : i32
    %add3A_393 = arith.constant 256 : i32
    %add3A_394 = arith.addi %add3A, %add3A_393 : i32
    %dma_start3A_395 = arith.constant 0 : i32
    %dma_start3A_396 = tpu.memref_slice %arg5[%add3A_394, %dma_start3A_395] : memref<20480x64xf32, #tpu.memory_space<hbm>> -> memref<128x64xf32, #tpu.memory_space<hbm>>
    %dma_start3A_397 = arith.constant 0 : i32
    %dma_start3A_398 = tpu.memref_slice %arg5[%add3A_394, %dma_start3A_397] : memref<20480x64xf32, #tpu.memory_space<hbm>> -> memref<128x64xf32, #tpu.memory_space<hbm>>
    tpu.enqueue_dma source(%arg12 : memref<128x64xf32, #tpu.memory_space<vmem>>) target(%dma_start3A_398 : memref<128x64xf32, #tpu.memory_space<hbm>>) target_semaphore(%arg22 : memref<!tpu.dma_semaphore, #tpu.memory_space<semaphore_mem>>)
    %add3A_399 = arith.constant 384 : i32
    %add3A_400 = arith.addi %mul3A_0, %add3A_399 : i32
    "tpu.region"() ({
      %run_scoped3A_721 = tpu.sem_alloc : memref<!tpu.dma_semaphore, #tpu.memory_space<semaphore_mem>>
      %dma_start3A_722 = arith.constant 0 : i32
      %dma_start3A_723 = tpu.memref_slice %arg6[%add3A_400, %dma_start3A_722] : memref<10240x64xf32, #tpu.memory_space<vmem_shared>> -> memref<128x64xf32, #tpu.memory_space<vmem_shared>>
      %dma_start3A_724 = arith.constant 0 : i32
      %dma_start3A_725 = tpu.memref_slice %arg6[%add3A_400, %dma_start3A_724] : memref<10240x64xf32, #tpu.memory_space<vmem_shared>> -> memref<128x64xf32, #tpu.memory_space<vmem_shared>>
      tpu.enqueue_dma source(%dma_start3A_725 : memref<128x64xf32, #tpu.memory_space<vmem_shared>>) target(%arg13 : memref<128x64xf32, #tpu.memory_space<vmem>>) target_semaphore(%run_scoped3A_721 : memref<!tpu.dma_semaphore, #tpu.memory_space<semaphore_mem>>)
      %dma_wait3A_726 = arith.constant 0 : i32
      %dma_wait3A_727 = tpu.memref_slice %arg6[%add3A_400, %dma_wait3A_726] : memref<10240x64xf32, #tpu.memory_space<vmem_shared>> -> memref<128x64xf32, #tpu.memory_space<vmem_shared>>
      %dma_wait3A_728 = arith.constant 0 : i32
      %dma_wait3A_729 = tpu.memref_slice %arg6[%add3A_400, %dma_wait3A_728] : memref<10240x64xf32, #tpu.memory_space<vmem_shared>> -> memref<128x64xf32, #tpu.memory_space<vmem_shared>>
      tpu.wait_dma2 semaphore(%run_scoped3A_721 : memref<!tpu.dma_semaphore, #tpu.memory_space<semaphore_mem>>) src(%dma_wait3A_729 : memref<128x64xf32, #tpu.memory_space<vmem_shared>>) dst(%arg13 : memref<128x64xf32, #tpu.memory_space<vmem>>)
      tpu.yield
    }) : () -> ()
    %add3A_401 = arith.constant 384 : i32
    %add3A_402 = arith.addi %mul3A_0, %add3A_401 : i32
    %dma_start3A_403 = arith.constant 0 : i32
    %dma_start3A_404 = tpu.memref_slice %arg6[%add3A_402, %dma_start3A_403] : memref<10240x64xf32, #tpu.memory_space<vmem_shared>> -> memref<128x64xf32, #tpu.memory_space<vmem_shared>>
    %dma_start3A_405 = arith.constant 0 : i32
    %dma_start3A_406 = tpu.memref_slice %arg6[%add3A_402, %dma_start3A_405] : memref<10240x64xf32, #tpu.memory_space<vmem_shared>> -> memref<128x64xf32, #tpu.memory_space<vmem_shared>>
    tpu.enqueue_dma source(%arg15 : memref<128x64xf32, #tpu.memory_space<vmem>>) target(%dma_start3A_406 : memref<128x64xf32, #tpu.memory_space<vmem_shared>>) target_semaphore(%arg20 : memref<!tpu.dma_semaphore, #tpu.memory_space<semaphore_mem>>)
    %dma_wait3A_407 = arith.constant 0 : i32
    %dma_wait3A_408 = arith.constant 0 : i32
    %dma_wait3A_409 = tpu.memref_slice %arg5[%dma_wait3A_407, %dma_wait3A_408] : memref<20480x64xf32, #tpu.memory_space<hbm>> -> memref<128x64xf32, #tpu.memory_space<hbm>>
    %dma_wait3A_410 = arith.constant 0 : i32
    %dma_wait3A_411 = arith.constant 0 : i32
    %dma_wait3A_412 = tpu.memref_slice %arg5[%dma_wait3A_410, %dma_wait3A_411] : memref<20480x64xf32, #tpu.memory_space<hbm>> -> memref<128x64xf32, #tpu.memory_space<hbm>>
    tpu.wait_dma2 semaphore(%arg19 : memref<!tpu.dma_semaphore, #tpu.memory_space<semaphore_mem>>) src(%dma_wait3A_412 : memref<128x64xf32, #tpu.memory_space<hbm>>) dst(%arg14 : memref<128x64xf32, #tpu.memory_space<vmem>>)
    %dma_wait3A_413 = arith.constant 0 : i32
    %dma_wait3A_414 = arith.constant 0 : i32
    %dma_wait3A_415 = tpu.memref_slice %arg5[%dma_wait3A_413, %dma_wait3A_414] : memref<20480x64xf32, #tpu.memory_space<hbm>> -> memref<128x64xf32, #tpu.memory_space<hbm>>
    %dma_wait3A_416 = arith.constant 0 : i32
    %dma_wait3A_417 = arith.constant 0 : i32
    %dma_wait3A_418 = tpu.memref_slice %arg5[%dma_wait3A_416, %dma_wait3A_417] : memref<20480x64xf32, #tpu.memory_space<hbm>> -> memref<128x64xf32, #tpu.memory_space<hbm>>
    tpu.wait_dma2 semaphore(%arg22 : memref<!tpu.dma_semaphore, #tpu.memory_space<semaphore_mem>>) src(%arg12 : memref<128x64xf32, #tpu.memory_space<vmem>>) dst(%dma_wait3A_418 : memref<128x64xf32, #tpu.memory_space<hbm>>)
    %add3A_419 = arith.constant 512 : i32
    %add3A_420 = arith.addi %add3A, %add3A_419 : i32
    %dma_start3A_421 = arith.constant 0 : i32
    %dma_start3A_422 = tpu.memref_slice %arg5[%add3A_420, %dma_start3A_421] : memref<20480x64xf32, #tpu.memory_space<hbm>> -> memref<128x64xf32, #tpu.memory_space<hbm>>
    %dma_start3A_423 = arith.constant 0 : i32
    %dma_start3A_424 = tpu.memref_slice %arg5[%add3A_420, %dma_start3A_423] : memref<20480x64xf32, #tpu.memory_space<hbm>> -> memref<128x64xf32, #tpu.memory_space<hbm>>
    tpu.enqueue_dma source(%dma_start3A_424 : memref<128x64xf32, #tpu.memory_space<hbm>>) target(%arg12 : memref<128x64xf32, #tpu.memory_space<vmem>>) target_semaphore(%arg18 : memref<!tpu.dma_semaphore, #tpu.memory_space<semaphore_mem>>)
    %scan3A_425 = arith.constant 0 : i32
    %scan3A_426 = arith.constant 0 : i32
    %scan3A_427 = arith.constant 128 : i32
    %scan3A_428 = arith.addi %scan3A_426, %scan3A_427 : i32
    %scan3A_429 = arith.constant 1 : i32
    %scan3A_430 = scf.for %scan3A_721 = %scan3A_426 to %scan3A_428 step %scan3A_429 iter_args(%scan3A_722 = %scan3A_425) -> (i32)  : i32 {
      %add3A_723 = arith.constant 384 : i32
      %add3A_724 = arith.addi %add3A_723, %scan3A_721 : i32
      %broadcast_in_dim3A_725 = vector.broadcast %add3A_724 : i32 to vector<16xi32>
      %gather3A = tpu.vector_load_idx %arg11[%broadcast_in_dim3A_725] : memref<640xf32, #tpu.memory_space<vmem>>[vector<16xi32>], vector<16xf32>,
      %mul3A_726 = arith.mulf %gather3A, %gather3A : vector<16xf32>
      %get3A = arith.index_cast %scan3A_721 : i32 to index
      %get3A_727 = arith.constant 0 : index
      %get3A_728 = tpu.vector_load %arg13[%get3A, %get3A_727] {strides = array<i32>} : memref<128x64xf32, #tpu.memory_space<vmem>>, vector<16xf32>,
      %get3A_729 = arith.index_cast %scan3A_721 : i32 to index
      %get3A_730 = arith.constant 0 : index
      %get3A_731 = tpu.vector_load %arg14[%get3A_729, %get3A_730] {strides = array<i32>} : memref<128x64xf32, #tpu.memory_space<vmem>>, vector<16xf32>,
      %add3A_732 = arith.addf %get3A_728, %get3A_731 : vector<16xf32>
      %mul3A_733 = arith.mulf %mul3A_726, %add3A_732 : vector<16xf32>
      %swap3A = arith.index_cast %scan3A_721 : i32 to index
      %swap3A_734 = arith.constant 0 : index
      %swap3A_735 = tpu.vector_load %arg14[%swap3A, %swap3A_734] {strides = array<i32>} : memref<128x64xf32, #tpu.memory_space<vmem>>, vector<16xf32>,
      tpu.vector_store %arg14[%swap3A, %swap3A_734], %mul3A_733 {strides = array<i32>} : memref<128x64xf32, #tpu.memory_space<vmem>>, vector<16xf32>,
      %get3A_736 = arith.index_cast %scan3A_721 : i32 to index
      %get3A_737 = arith.constant 16 : index
      %get3A_738 = tpu.vector_load %arg13[%get3A_736, %get3A_737] {strides = array<i32>} : memref<128x64xf32, #tpu.memory_space<vmem>>, vector<16xf32>,
      %get3A_739 = arith.index_cast %scan3A_721 : i32 to index
      %get3A_740 = arith.constant 16 : index
      %get3A_741 = tpu.vector_load %arg14[%get3A_739, %get3A_740] {strides = array<i32>} : memref<128x64xf32, #tpu.memory_space<vmem>>, vector<16xf32>,
      %add3A_742 = arith.addf %get3A_738, %get3A_741 : vector<16xf32>
      %mul3A_743 = arith.mulf %mul3A_726, %add3A_742 : vector<16xf32>
      %swap3A_744 = arith.index_cast %scan3A_721 : i32 to index
      %swap3A_745 = arith.constant 16 : index
      %swap3A_746 = tpu.vector_load %arg14[%swap3A_744, %swap3A_745] {strides = array<i32>} : memref<128x64xf32, #tpu.memory_space<vmem>>, vector<16xf32>,
      tpu.vector_store %arg14[%swap3A_744, %swap3A_745], %mul3A_743 {strides = array<i32>} : memref<128x64xf32, #tpu.memory_space<vmem>>, vector<16xf32>,
      %get3A_747 = arith.index_cast %scan3A_721 : i32 to index
      %get3A_748 = arith.constant 32 : index
      %get3A_749 = tpu.vector_load %arg13[%get3A_747, %get3A_748] {strides = array<i32>} : memref<128x64xf32, #tpu.memory_space<vmem>>, vector<16xf32>,
      %get3A_750 = arith.index_cast %scan3A_721 : i32 to index
      %get3A_751 = arith.constant 32 : index
      %get3A_752 = tpu.vector_load %arg14[%get3A_750, %get3A_751] {strides = array<i32>} : memref<128x64xf32, #tpu.memory_space<vmem>>, vector<16xf32>,
      %add3A_753 = arith.addf %get3A_749, %get3A_752 : vector<16xf32>
      %mul3A_754 = arith.mulf %mul3A_726, %add3A_753 : vector<16xf32>
      %swap3A_755 = arith.index_cast %scan3A_721 : i32 to index
      %swap3A_756 = arith.constant 32 : index
      %swap3A_757 = tpu.vector_load %arg14[%swap3A_755, %swap3A_756] {strides = array<i32>} : memref<128x64xf32, #tpu.memory_space<vmem>>, vector<16xf32>,
      tpu.vector_store %arg14[%swap3A_755, %swap3A_756], %mul3A_754 {strides = array<i32>} : memref<128x64xf32, #tpu.memory_space<vmem>>, vector<16xf32>,
      %get3A_758 = arith.index_cast %scan3A_721 : i32 to index
      %get3A_759 = arith.constant 48 : index
      %get3A_760 = tpu.vector_load %arg13[%get3A_758, %get3A_759] {strides = array<i32>} : memref<128x64xf32, #tpu.memory_space<vmem>>, vector<16xf32>,
      %get3A_761 = arith.index_cast %scan3A_721 : i32 to index
      %get3A_762 = arith.constant 48 : index
      %get3A_763 = tpu.vector_load %arg14[%get3A_761, %get3A_762] {strides = array<i32>} : memref<128x64xf32, #tpu.memory_space<vmem>>, vector<16xf32>,
      %add3A_764 = arith.addf %get3A_760, %get3A_763 : vector<16xf32>
      %mul3A_765 = arith.mulf %mul3A_726, %add3A_764 : vector<16xf32>
      %swap3A_766 = arith.index_cast %scan3A_721 : i32 to index
      %swap3A_767 = arith.constant 48 : index
      %swap3A_768 = tpu.vector_load %arg14[%swap3A_766, %swap3A_767] {strides = array<i32>} : memref<128x64xf32, #tpu.memory_space<vmem>>, vector<16xf32>,
      tpu.vector_store %arg14[%swap3A_766, %swap3A_767], %mul3A_765 {strides = array<i32>} : memref<128x64xf32, #tpu.memory_space<vmem>>, vector<16xf32>,
      %scan3A_769 = arith.constant 0 : i32
      scf.yield %scan3A_769 : i32
    }
    %scan3A_431 = arith.constant 128 : i32
    %add3A_432 = arith.constant 384 : i32
    %add3A_433 = arith.addi %add3A, %add3A_432 : i32
    %dma_start3A_434 = arith.constant 0 : i32
    %dma_start3A_435 = tpu.memref_slice %arg5[%add3A_433, %dma_start3A_434] : memref<20480x64xf32, #tpu.memory_space<hbm>> -> memref<128x64xf32, #tpu.memory_space<hbm>>
    %dma_start3A_436 = arith.constant 0 : i32
    %dma_start3A_437 = tpu.memref_slice %arg5[%add3A_433, %dma_start3A_436] : memref<20480x64xf32, #tpu.memory_space<hbm>> -> memref<128x64xf32, #tpu.memory_space<hbm>>
    tpu.enqueue_dma source(%arg14 : memref<128x64xf32, #tpu.memory_space<vmem>>) target(%dma_start3A_437 : memref<128x64xf32, #tpu.memory_space<hbm>>) target_semaphore(%arg23 : memref<!tpu.dma_semaphore, #tpu.memory_space<semaphore_mem>>)
    %add3A_438 = arith.constant 512 : i32
    %add3A_439 = arith.addi %mul3A_0, %add3A_438 : i32
    "tpu.region"() ({
      %run_scoped3A_721 = tpu.sem_alloc : memref<!tpu.dma_semaphore, #tpu.memory_space<semaphore_mem>>
      %dma_start3A_722 = arith.constant 0 : i32
      %dma_start3A_723 = tpu.memref_slice %arg6[%add3A_439, %dma_start3A_722] : memref<10240x64xf32, #tpu.memory_space<vmem_shared>> -> memref<128x64xf32, #tpu.memory_space<vmem_shared>>
      %dma_start3A_724 = arith.constant 0 : i32
      %dma_start3A_725 = tpu.memref_slice %arg6[%add3A_439, %dma_start3A_724] : memref<10240x64xf32, #tpu.memory_space<vmem_shared>> -> memref<128x64xf32, #tpu.memory_space<vmem_shared>>
      tpu.enqueue_dma source(%dma_start3A_725 : memref<128x64xf32, #tpu.memory_space<vmem_shared>>) target(%arg13 : memref<128x64xf32, #tpu.memory_space<vmem>>) target_semaphore(%run_scoped3A_721 : memref<!tpu.dma_semaphore, #tpu.memory_space<semaphore_mem>>)
      %dma_wait3A_726 = arith.constant 0 : i32
      %dma_wait3A_727 = tpu.memref_slice %arg6[%add3A_439, %dma_wait3A_726] : memref<10240x64xf32, #tpu.memory_space<vmem_shared>> -> memref<128x64xf32, #tpu.memory_space<vmem_shared>>
      %dma_wait3A_728 = arith.constant 0 : i32
      %dma_wait3A_729 = tpu.memref_slice %arg6[%add3A_439, %dma_wait3A_728] : memref<10240x64xf32, #tpu.memory_space<vmem_shared>> -> memref<128x64xf32, #tpu.memory_space<vmem_shared>>
      tpu.wait_dma2 semaphore(%run_scoped3A_721 : memref<!tpu.dma_semaphore, #tpu.memory_space<semaphore_mem>>) src(%dma_wait3A_729 : memref<128x64xf32, #tpu.memory_space<vmem_shared>>) dst(%arg13 : memref<128x64xf32, #tpu.memory_space<vmem>>)
      tpu.yield
    }) : () -> ()
    %add3A_440 = arith.constant 512 : i32
    %add3A_441 = arith.addi %mul3A_0, %add3A_440 : i32
    %dma_start3A_442 = arith.constant 0 : i32
    %dma_start3A_443 = tpu.memref_slice %arg6[%add3A_441, %dma_start3A_442] : memref<10240x64xf32, #tpu.memory_space<vmem_shared>> -> memref<128x64xf32, #tpu.memory_space<vmem_shared>>
    %dma_start3A_444 = arith.constant 0 : i32
    %dma_start3A_445 = tpu.memref_slice %arg6[%add3A_441, %dma_start3A_444] : memref<10240x64xf32, #tpu.memory_space<vmem_shared>> -> memref<128x64xf32, #tpu.memory_space<vmem_shared>>
    tpu.enqueue_dma source(%arg15 : memref<128x64xf32, #tpu.memory_space<vmem>>) target(%dma_start3A_445 : memref<128x64xf32, #tpu.memory_space<vmem_shared>>) target_semaphore(%arg20 : memref<!tpu.dma_semaphore, #tpu.memory_space<semaphore_mem>>)
    %dma_wait3A_446 = arith.constant 0 : i32
    %dma_wait3A_447 = arith.constant 0 : i32
    %dma_wait3A_448 = tpu.memref_slice %arg5[%dma_wait3A_446, %dma_wait3A_447] : memref<20480x64xf32, #tpu.memory_space<hbm>> -> memref<128x64xf32, #tpu.memory_space<hbm>>
    %dma_wait3A_449 = arith.constant 0 : i32
    %dma_wait3A_450 = arith.constant 0 : i32
    %dma_wait3A_451 = tpu.memref_slice %arg5[%dma_wait3A_449, %dma_wait3A_450] : memref<20480x64xf32, #tpu.memory_space<hbm>> -> memref<128x64xf32, #tpu.memory_space<hbm>>
    tpu.wait_dma2 semaphore(%arg18 : memref<!tpu.dma_semaphore, #tpu.memory_space<semaphore_mem>>) src(%dma_wait3A_451 : memref<128x64xf32, #tpu.memory_space<hbm>>) dst(%arg12 : memref<128x64xf32, #tpu.memory_space<vmem>>)
    %scan3A_452 = arith.constant 0 : i32
    %scan3A_453 = arith.constant 0 : i32
    %scan3A_454 = arith.constant 128 : i32
    %scan3A_455 = arith.addi %scan3A_453, %scan3A_454 : i32
    %scan3A_456 = arith.constant 1 : i32
    %scan3A_457 = scf.for %scan3A_721 = %scan3A_453 to %scan3A_455 step %scan3A_456 iter_args(%scan3A_722 = %scan3A_452) -> (i32)  : i32 {
      %add3A_723 = arith.constant 512 : i32
      %add3A_724 = arith.addi %add3A_723, %scan3A_721 : i32
      %broadcast_in_dim3A_725 = vector.broadcast %add3A_724 : i32 to vector<16xi32>
      %gather3A = tpu.vector_load_idx %arg11[%broadcast_in_dim3A_725] : memref<640xf32, #tpu.memory_space<vmem>>[vector<16xi32>], vector<16xf32>,
      %mul3A_726 = arith.mulf %gather3A, %gather3A : vector<16xf32>
      %get3A = arith.index_cast %scan3A_721 : i32 to index
      %get3A_727 = arith.constant 0 : index
      %get3A_728 = tpu.vector_load %arg13[%get3A, %get3A_727] {strides = array<i32>} : memref<128x64xf32, #tpu.memory_space<vmem>>, vector<16xf32>,
      %get3A_729 = arith.index_cast %scan3A_721 : i32 to index
      %get3A_730 = arith.constant 0 : index
      %get3A_731 = tpu.vector_load %arg12[%get3A_729, %get3A_730] {strides = array<i32>} : memref<128x64xf32, #tpu.memory_space<vmem>>, vector<16xf32>,
      %add3A_732 = arith.addf %get3A_728, %get3A_731 : vector<16xf32>
      %mul3A_733 = arith.mulf %mul3A_726, %add3A_732 : vector<16xf32>
      %swap3A = arith.index_cast %scan3A_721 : i32 to index
      %swap3A_734 = arith.constant 0 : index
      %swap3A_735 = tpu.vector_load %arg12[%swap3A, %swap3A_734] {strides = array<i32>} : memref<128x64xf32, #tpu.memory_space<vmem>>, vector<16xf32>,
      tpu.vector_store %arg12[%swap3A, %swap3A_734], %mul3A_733 {strides = array<i32>} : memref<128x64xf32, #tpu.memory_space<vmem>>, vector<16xf32>,
      %get3A_736 = arith.index_cast %scan3A_721 : i32 to index
      %get3A_737 = arith.constant 16 : index
      %get3A_738 = tpu.vector_load %arg13[%get3A_736, %get3A_737] {strides = array<i32>} : memref<128x64xf32, #tpu.memory_space<vmem>>, vector<16xf32>,
      %get3A_739 = arith.index_cast %scan3A_721 : i32 to index
      %get3A_740 = arith.constant 16 : index
      %get3A_741 = tpu.vector_load %arg12[%get3A_739, %get3A_740] {strides = array<i32>} : memref<128x64xf32, #tpu.memory_space<vmem>>, vector<16xf32>,
      %add3A_742 = arith.addf %get3A_738, %get3A_741 : vector<16xf32>
      %mul3A_743 = arith.mulf %mul3A_726, %add3A_742 : vector<16xf32>
      %swap3A_744 = arith.index_cast %scan3A_721 : i32 to index
      %swap3A_745 = arith.constant 16 : index
      %swap3A_746 = tpu.vector_load %arg12[%swap3A_744, %swap3A_745] {strides = array<i32>} : memref<128x64xf32, #tpu.memory_space<vmem>>, vector<16xf32>,
      tpu.vector_store %arg12[%swap3A_744, %swap3A_745], %mul3A_743 {strides = array<i32>} : memref<128x64xf32, #tpu.memory_space<vmem>>, vector<16xf32>,
      %get3A_747 = arith.index_cast %scan3A_721 : i32 to index
      %get3A_748 = arith.constant 32 : index
      %get3A_749 = tpu.vector_load %arg13[%get3A_747, %get3A_748] {strides = array<i32>} : memref<128x64xf32, #tpu.memory_space<vmem>>, vector<16xf32>,
      %get3A_750 = arith.index_cast %scan3A_721 : i32 to index
      %get3A_751 = arith.constant 32 : index
      %get3A_752 = tpu.vector_load %arg12[%get3A_750, %get3A_751] {strides = array<i32>} : memref<128x64xf32, #tpu.memory_space<vmem>>, vector<16xf32>,
      %add3A_753 = arith.addf %get3A_749, %get3A_752 : vector<16xf32>
      %mul3A_754 = arith.mulf %mul3A_726, %add3A_753 : vector<16xf32>
      %swap3A_755 = arith.index_cast %scan3A_721 : i32 to index
      %swap3A_756 = arith.constant 32 : index
      %swap3A_757 = tpu.vector_load %arg12[%swap3A_755, %swap3A_756] {strides = array<i32>} : memref<128x64xf32, #tpu.memory_space<vmem>>, vector<16xf32>,
      tpu.vector_store %arg12[%swap3A_755, %swap3A_756], %mul3A_754 {strides = array<i32>} : memref<128x64xf32, #tpu.memory_space<vmem>>, vector<16xf32>,
      %get3A_758 = arith.index_cast %scan3A_721 : i32 to index
      %get3A_759 = arith.constant 48 : index
      %get3A_760 = tpu.vector_load %arg13[%get3A_758, %get3A_759] {strides = array<i32>} : memref<128x64xf32, #tpu.memory_space<vmem>>, vector<16xf32>,
      %get3A_761 = arith.index_cast %scan3A_721 : i32 to index
      %get3A_762 = arith.constant 48 : index
      %get3A_763 = tpu.vector_load %arg12[%get3A_761, %get3A_762] {strides = array<i32>} : memref<128x64xf32, #tpu.memory_space<vmem>>, vector<16xf32>,
      %add3A_764 = arith.addf %get3A_760, %get3A_763 : vector<16xf32>
      %mul3A_765 = arith.mulf %mul3A_726, %add3A_764 : vector<16xf32>
      %swap3A_766 = arith.index_cast %scan3A_721 : i32 to index
      %swap3A_767 = arith.constant 48 : index
      %swap3A_768 = tpu.vector_load %arg12[%swap3A_766, %swap3A_767] {strides = array<i32>} : memref<128x64xf32, #tpu.memory_space<vmem>>, vector<16xf32>,
      tpu.vector_store %arg12[%swap3A_766, %swap3A_767], %mul3A_765 {strides = array<i32>} : memref<128x64xf32, #tpu.memory_space<vmem>>, vector<16xf32>,
      %scan3A_769 = arith.constant 0 : i32
      scf.yield %scan3A_769 : i32
    }
    %scan3A_458 = arith.constant 128 : i32
    %add3A_459 = arith.constant 512 : i32
    %add3A_460 = arith.addi %add3A, %add3A_459 : i32
    %dma_start3A_461 = arith.constant 0 : i32
    %dma_start3A_462 = tpu.memref_slice %arg5[%add3A_460, %dma_start3A_461] : memref<20480x64xf32, #tpu.memory_space<hbm>> -> memref<128x64xf32, #tpu.memory_space<hbm>>
    %dma_start3A_463 = arith.constant 0 : i32
    %dma_start3A_464 = tpu.memref_slice %arg5[%add3A_460, %dma_start3A_463] : memref<20480x64xf32, #tpu.memory_space<hbm>> -> memref<128x64xf32, #tpu.memory_space<hbm>>
    tpu.enqueue_dma source(%arg12 : memref<128x64xf32, #tpu.memory_space<vmem>>) target(%dma_start3A_464 : memref<128x64xf32, #tpu.memory_space<hbm>>) target_semaphore(%arg22 : memref<!tpu.dma_semaphore, #tpu.memory_space<semaphore_mem>>)
    %dma_wait3A_465 = arith.constant 0 : i32
    %dma_wait3A_466 = arith.constant 0 : i32
    %dma_wait3A_467 = tpu.memref_slice %arg5[%dma_wait3A_465, %dma_wait3A_466] : memref<20480x64xf32, #tpu.memory_space<hbm>> -> memref<128x64xf32, #tpu.memory_space<hbm>>
    %dma_wait3A_468 = arith.constant 0 : i32
    %dma_wait3A_469 = arith.constant 0 : i32
    %dma_wait3A_470 = tpu.memref_slice %arg5[%dma_wait3A_468, %dma_wait3A_469] : memref<20480x64xf32, #tpu.memory_space<hbm>> -> memref<128x64xf32, #tpu.memory_space<hbm>>
    tpu.wait_dma2 semaphore(%arg22 : memref<!tpu.dma_semaphore, #tpu.memory_space<semaphore_mem>>) src(%dma_wait3A_470 : memref<128x64xf32, #tpu.memory_space<hbm>>) dst(%arg12 : memref<128x64xf32, #tpu.memory_space<vmem>>)
    %dma_wait3A_471 = arith.constant 0 : i32
    %dma_wait3A_472 = arith.constant 0 : i32
    %dma_wait3A_473 = tpu.memref_slice %arg5[%dma_wait3A_471, %dma_wait3A_472] : memref<20480x64xf32, #tpu.memory_space<hbm>> -> memref<128x64xf32, #tpu.memory_space<hbm>>
    %dma_wait3A_474 = arith.constant 0 : i32
    %dma_wait3A_475 = arith.constant 0 : i32
    %dma_wait3A_476 = tpu.memref_slice %arg5[%dma_wait3A_474, %dma_wait3A_475] : memref<20480x64xf32, #tpu.memory_space<hbm>> -> memref<128x64xf32, #tpu.memory_space<hbm>>
    tpu.wait_dma2 semaphore(%arg23 : memref<!tpu.dma_semaphore, #tpu.memory_space<semaphore_mem>>) src(%dma_wait3A_476 : memref<128x64xf32, #tpu.memory_space<hbm>>) dst(%arg14 : memref<128x64xf32, #tpu.memory_space<vmem>>)
    %dma_wait3A_477 = arith.constant 0 : i32
    %dma_wait3A_478 = tpu.memref_slice %arg6[%mul3A_0, %dma_wait3A_477] : memref<10240x64xf32, #tpu.memory_space<vmem_shared>> -> memref<128x64xf32, #tpu.memory_space<vmem_shared>>
    %dma_wait3A_479 = arith.constant 0 : i32
    %dma_wait3A_480 = tpu.memref_slice %arg6[%mul3A_0, %dma_wait3A_479] : memref<10240x64xf32, #tpu.memory_space<vmem_shared>> -> memref<128x64xf32, #tpu.memory_space<vmem_shared>>
    tpu.wait_dma2 semaphore(%arg20 : memref<!tpu.dma_semaphore, #tpu.memory_space<semaphore_mem>>) src(%arg15 : memref<128x64xf32, #tpu.memory_space<vmem>>) dst(%dma_wait3A_480 : memref<128x64xf32, #tpu.memory_space<vmem_shared>>)
    %dma_wait3A_481 = arith.constant 0 : i32
    %dma_wait3A_482 = tpu.memref_slice %arg6[%mul3A_0, %dma_wait3A_481] : memref<10240x64xf32, #tpu.memory_space<vmem_shared>> -> memref<128x64xf32, #tpu.memory_space<vmem_shared>>
    %dma_wait3A_483 = arith.constant 0 : i32
    %dma_wait3A_484 = tpu.memref_slice %arg6[%mul3A_0, %dma_wait3A_483] : memref<10240x64xf32, #tpu.memory_space<vmem_shared>> -> memref<128x64xf32, #tpu.memory_space<vmem_shared>>
    tpu.wait_dma2 semaphore(%arg20 : memref<!tpu.dma_semaphore, #tpu.memory_space<semaphore_mem>>) src(%arg15 : memref<128x64xf32, #tpu.memory_space<vmem>>) dst(%dma_wait3A_484 : memref<128x64xf32, #tpu.memory_space<vmem_shared>>)
    %dma_wait3A_485 = arith.constant 0 : i32
    %dma_wait3A_486 = tpu.memref_slice %arg6[%mul3A_0, %dma_wait3A_485] : memref<10240x64xf32, #tpu.memory_space<vmem_shared>> -> memref<128x64xf32, #tpu.memory_space<vmem_shared>>
    %dma_wait3A_487 = arith.constant 0 : i32
    %dma_wait3A_488 = tpu.memref_slice %arg6[%mul3A_0, %dma_wait3A_487] : memref<10240x64xf32, #tpu.memory_space<vmem_shared>> -> memref<128x64xf32, #tpu.memory_space<vmem_shared>>
    tpu.wait_dma2 semaphore(%arg20 : memref<!tpu.dma_semaphore, #tpu.memory_space<semaphore_mem>>) src(%arg15 : memref<128x64xf32, #tpu.memory_space<vmem>>) dst(%dma_wait3A_488 : memref<128x64xf32, #tpu.memory_space<vmem_shared>>)
    %dma_wait3A_489 = arith.constant 0 : i32
    %dma_wait3A_490 = tpu.memref_slice %arg6[%mul3A_0, %dma_wait3A_489] : memref<10240x64xf32, #tpu.memory_space<vmem_shared>> -> memref<128x64xf32, #tpu.memory_space<vmem_shared>>
    %dma_wait3A_491 = arith.constant 0 : i32
    %dma_wait3A_492 = tpu.memref_slice %arg6[%mul3A_0, %dma_wait3A_491] : memref<10240x64xf32, #tpu.memory_space<vmem_shared>> -> memref<128x64xf32, #tpu.memory_space<vmem_shared>>
    tpu.wait_dma2 semaphore(%arg20 : memref<!tpu.dma_semaphore, #tpu.memory_space<semaphore_mem>>) src(%arg15 : memref<128x64xf32, #tpu.memory_space<vmem>>) dst(%dma_wait3A_492 : memref<128x64xf32, #tpu.memory_space<vmem_shared>>)
    %dma_wait3A_493 = arith.constant 0 : i32
    %dma_wait3A_494 = tpu.memref_slice %arg6[%mul3A_0, %dma_wait3A_493] : memref<10240x64xf32, #tpu.memory_space<vmem_shared>> -> memref<128x64xf32, #tpu.memory_space<vmem_shared>>
    %dma_wait3A_495 = arith.constant 0 : i32
    %dma_wait3A_496 = tpu.memref_slice %arg6[%mul3A_0, %dma_wait3A_495] : memref<10240x64xf32, #tpu.memory_space<vmem_shared>> -> memref<128x64xf32, #tpu.memory_space<vmem_shared>>
    tpu.wait_dma2 semaphore(%arg20 : memref<!tpu.dma_semaphore, #tpu.memory_space<semaphore_mem>>) src(%arg15 : memref<128x64xf32, #tpu.memory_space<vmem>>) dst(%dma_wait3A_496 : memref<128x64xf32, #tpu.memory_space<vmem_shared>>)
    "tpu.trace_stop"() : () -> ()
    "tpu.trace_start"() <{level = 10 : i32, message = "bar4"}> : () -> ()
    %barrier3A_497 = arith.constant 0 : index
    tpu.barrier barrier_id(%barrier3A_497)
    %dma_start3A_498 = arith.constant 0 : i32
    "tpu.trace_stop"() : () -> ()
    "tpu.trace_start"() <{level = 10 : i32, message = "hop2"}> : () -> ()
    %dma_start3A_499 = arith.constant 0 : i32
    %dma_start3A_500 = tpu.memref_slice %arg8[%dma_start3A_498, %dma_start3A_499] : memref<160x128xi32, #tpu.memory_space<vmem>> -> memref<1x128xi32, #tpu.memory_space<vmem>>
    %dma_start3A_501 = tpu.memref_squeeze %dma_start3A_500 : memref<1x128xi32, #tpu.memory_space<vmem>> -> memref<128xi32, #tpu.memory_space<vmem>>
    %dma_start3A_502 = arith.constant 0 : i32
    %dma_start3A_503 = arith.constant 0 : i32
    %dma_start3A_504 = tpu.memref_slice %arg5[%dma_start3A_502, %dma_start3A_503] : memref<20480x64xf32, #tpu.memory_space<hbm>> -> memref<20480x64xf32, #tpu.memory_space<hbm>>
    tpu.enqueue_indirect_dma source(%dma_start3A_504 : memref<20480x64xf32, #tpu.memory_space<hbm>>) target(%arg12 : memref<128x64xf32, #tpu.memory_space<vmem>>) offsets(%dma_start3A_501 : memref<128xi32, #tpu.memory_space<vmem>>) semaphore(%arg18 : memref<!tpu.dma_semaphore, #tpu.memory_space<semaphore_mem>>)
    %dma_start3A_505 = arith.constant 1 : i32
    %dma_start3A_506 = arith.constant 0 : i32
    %dma_start3A_507 = tpu.memref_slice %arg8[%dma_start3A_505, %dma_start3A_506] : memref<160x128xi32, #tpu.memory_space<vmem>> -> memref<1x128xi32, #tpu.memory_space<vmem>>
    %dma_start3A_508 = tpu.memref_squeeze %dma_start3A_507 : memref<1x128xi32, #tpu.memory_space<vmem>> -> memref<128xi32, #tpu.memory_space<vmem>>
    %dma_start3A_509 = arith.constant 0 : i32
    %dma_start3A_510 = arith.constant 0 : i32
    %dma_start3A_511 = tpu.memref_slice %arg5[%dma_start3A_509, %dma_start3A_510] : memref<20480x64xf32, #tpu.memory_space<hbm>> -> memref<20480x64xf32, #tpu.memory_space<hbm>>
    tpu.enqueue_indirect_dma source(%dma_start3A_511 : memref<20480x64xf32, #tpu.memory_space<hbm>>) target(%arg13 : memref<128x64xf32, #tpu.memory_space<vmem>>) offsets(%dma_start3A_508 : memref<128xi32, #tpu.memory_space<vmem>>) semaphore(%arg19 : memref<!tpu.dma_semaphore, #tpu.memory_space<semaphore_mem>>)
    %scan3A_512 = arith.constant 0 : i32
    %scan3A_513 = arith.constant 0 : i32
    %scan3A_514 = arith.constant 40 : i32
    %scan3A_515 = arith.addi %scan3A_513, %scan3A_514 : i32
    %scan3A_516 = arith.constant 1 : i32
    %scan3A_517 = scf.for %scan3A_721 = %scan3A_513 to %scan3A_515 step %scan3A_516 iter_args(%scan3A_722 = %scan3A_512) -> (i32)  : i32 {
      %mul3A_723 = arith.constant 4 : i32
      %mul3A_724 = arith.muli %mul3A_723, %scan3A_721 : i32
      %add3A_725 = arith.constant 0 : i32
      %add3A_726 = arith.addi %mul3A_724, %add3A_725 : i32
      %add3A_727 = arith.constant 2 : i32
      %add3A_728 = arith.addi %add3A_726, %add3A_727 : i32
      %lt3A = arith.constant 160 : i32
      %lt3A_729 = arith.cmpi slt, %add3A_728, %lt3A : i32
      %convert_element_type3A = arith.extui %lt3A_729 : i1 to i32
      %cond3A = arith.constant 0 : i32
      %cond3A_730 = arith.cmpi ne, %convert_element_type3A, %cond3A : i32
      scf.if %cond3A_730 {
        %ge3A = arith.constant 2 : i32
        %ge3A_817 = arith.cmpi sge, %add3A_726, %ge3A : i32
        %convert_element_type3A_818 = arith.extui %ge3A_817 : i1 to i32
        %cond3A_819 = arith.constant 0 : i32
        %cond3A_820 = arith.cmpi ne, %convert_element_type3A_818, %cond3A_819 : i32
        scf.if %cond3A_820 {
          %dma_wait3A_829 = arith.constant 0 : i32
          %dma_wait3A_830 = arith.constant 0 : i32
          %dma_wait3A_831 = tpu.memref_slice %arg9[%dma_wait3A_829, %dma_wait3A_830] : memref<160x128xi32, #tpu.memory_space<vmem>> -> memref<1x128xi32, #tpu.memory_space<vmem>>
          %dma_wait3A_832 = tpu.memref_squeeze %dma_wait3A_831 : memref<1x128xi32, #tpu.memory_space<vmem>> -> memref<128xi32, #tpu.memory_space<vmem>>
          %dma_wait3A_833 = arith.constant 0 : i32
          %dma_wait3A_834 = arith.constant 0 : i32
          %dma_wait3A_835 = tpu.memref_slice %arg6[%dma_wait3A_833, %dma_wait3A_834] : memref<10240x64xf32, #tpu.memory_space<vmem_shared>> -> memref<10240x64xf32, #tpu.memory_space<vmem_shared>>
          tpu.wait_indirect_dma semaphore(%arg24 : memref<!tpu.dma_semaphore, #tpu.memory_space<semaphore_mem>>) src(%arg15 : memref<128x64xf32, #tpu.memory_space<vmem>>) dst(%dma_wait3A_835 : memref<10240x64xf32, #tpu.memory_space<vmem_shared>>)
        } else {
        }
        %add3A_821 = arith.constant 2 : i32
        %add3A_822 = arith.addi %add3A_726, %add3A_821 : i32
        %dma_start3A_823 = arith.constant 0 : i32
        %dma_start3A_824 = tpu.memref_slice %arg8[%add3A_822, %dma_start3A_823] : memref<160x128xi32, #tpu.memory_space<vmem>> -> memref<1x128xi32, #tpu.memory_space<vmem>>
        %dma_start3A_825 = tpu.memref_squeeze %dma_start3A_824 : memref<1x128xi32, #tpu.memory_space<vmem>> -> memref<128xi32, #tpu.memory_space<vmem>>
        %dma_start3A_826 = arith.constant 0 : i32
        %dma_start3A_827 = arith.constant 0 : i32
        %dma_start3A_828 = tpu.memref_slice %arg5[%dma_start3A_826, %dma_start3A_827] : memref<20480x64xf32, #tpu.memory_space<hbm>> -> memref<20480x64xf32, #tpu.memory_space<hbm>>
        tpu.enqueue_indirect_dma source(%dma_start3A_828 : memref<20480x64xf32, #tpu.memory_space<hbm>>) target(%arg15 : memref<128x64xf32, #tpu.memory_space<vmem>>) offsets(%dma_start3A_825 : memref<128xi32, #tpu.memory_space<vmem>>) semaphore(%arg20 : memref<!tpu.dma_semaphore, #tpu.memory_space<semaphore_mem>>)
      } else {
      }
      %dma_wait3A_731 = arith.constant 0 : i32
      %dma_wait3A_732 = arith.constant 0 : i32
      %dma_wait3A_733 = tpu.memref_slice %arg8[%dma_wait3A_731, %dma_wait3A_732] : memref<160x128xi32, #tpu.memory_space<vmem>> -> memref<1x128xi32, #tpu.memory_space<vmem>>
      %dma_wait3A_734 = tpu.memref_squeeze %dma_wait3A_733 : memref<1x128xi32, #tpu.memory_space<vmem>> -> memref<128xi32, #tpu.memory_space<vmem>>
      %dma_wait3A_735 = arith.constant 0 : i32
      %dma_wait3A_736 = arith.constant 0 : i32
      %dma_wait3A_737 = tpu.memref_slice %arg5[%dma_wait3A_735, %dma_wait3A_736] : memref<20480x64xf32, #tpu.memory_space<hbm>> -> memref<20480x64xf32, #tpu.memory_space<hbm>>
      tpu.wait_indirect_dma semaphore(%arg18 : memref<!tpu.dma_semaphore, #tpu.memory_space<semaphore_mem>>) src(%dma_wait3A_737 : memref<20480x64xf32, #tpu.memory_space<hbm>>) dst(%arg12 : memref<128x64xf32, #tpu.memory_space<vmem>>)
      %dma_start3A_738 = arith.constant 0 : i32
      %dma_start3A_739 = tpu.memref_slice %arg9[%add3A_726, %dma_start3A_738] : memref<160x128xi32, #tpu.memory_space<vmem>> -> memref<1x128xi32, #tpu.memory_space<vmem>>
      %dma_start3A_740 = tpu.memref_squeeze %dma_start3A_739 : memref<1x128xi32, #tpu.memory_space<vmem>> -> memref<128xi32, #tpu.memory_space<vmem>>
      %dma_start3A_741 = arith.constant 0 : i32
      %dma_start3A_742 = arith.constant 0 : i32
      %dma_start3A_743 = tpu.memref_slice %arg6[%dma_start3A_741, %dma_start3A_742] : memref<10240x64xf32, #tpu.memory_space<vmem_shared>> -> memref<10240x64xf32, #tpu.memory_space<vmem_shared>>
      tpu.enqueue_indirect_dma source(%arg12 : memref<128x64xf32, #tpu.memory_space<vmem>>) target(%dma_start3A_743 : memref<10240x64xf32, #tpu.memory_space<vmem_shared>>) offsets(%dma_start3A_740 : memref<128xi32, #tpu.memory_space<vmem>>) semaphore(%arg22 : memref<!tpu.dma_semaphore, #tpu.memory_space<semaphore_mem>>) {add = true}
      %mul3A_744 = arith.constant 4 : i32
      %mul3A_745 = arith.muli %mul3A_744, %scan3A_721 : i32
      %add3A_746 = arith.constant 1 : i32
      %add3A_747 = arith.addi %mul3A_745, %add3A_746 : i32
      %add3A_748 = arith.constant 2 : i32
      %add3A_749 = arith.addi %add3A_747, %add3A_748 : i32
      %lt3A_750 = arith.constant 160 : i32
      %lt3A_751 = arith.cmpi slt, %add3A_749, %lt3A_750 : i32
      %convert_element_type3A_752 = arith.extui %lt3A_751 : i1 to i32
      %cond3A_753 = arith.constant 0 : i32
      %cond3A_754 = arith.cmpi ne, %convert_element_type3A_752, %cond3A_753 : i32
      scf.if %cond3A_754 {
        %ge3A = arith.constant 2 : i32
        %ge3A_817 = arith.cmpi sge, %add3A_747, %ge3A : i32
        %convert_element_type3A_818 = arith.extui %ge3A_817 : i1 to i32
        %cond3A_819 = arith.constant 0 : i32
        %cond3A_820 = arith.cmpi ne, %convert_element_type3A_818, %cond3A_819 : i32
        scf.if %cond3A_820 {
          %dma_wait3A_829 = arith.constant 0 : i32
          %dma_wait3A_830 = arith.constant 0 : i32
          %dma_wait3A_831 = tpu.memref_slice %arg9[%dma_wait3A_829, %dma_wait3A_830] : memref<160x128xi32, #tpu.memory_space<vmem>> -> memref<1x128xi32, #tpu.memory_space<vmem>>
          %dma_wait3A_832 = tpu.memref_squeeze %dma_wait3A_831 : memref<1x128xi32, #tpu.memory_space<vmem>> -> memref<128xi32, #tpu.memory_space<vmem>>
          %dma_wait3A_833 = arith.constant 0 : i32
          %dma_wait3A_834 = arith.constant 0 : i32
          %dma_wait3A_835 = tpu.memref_slice %arg6[%dma_wait3A_833, %dma_wait3A_834] : memref<10240x64xf32, #tpu.memory_space<vmem_shared>> -> memref<10240x64xf32, #tpu.memory_space<vmem_shared>>
          tpu.wait_indirect_dma semaphore(%arg25 : memref<!tpu.dma_semaphore, #tpu.memory_space<semaphore_mem>>) src(%arg14 : memref<128x64xf32, #tpu.memory_space<vmem>>) dst(%dma_wait3A_835 : memref<10240x64xf32, #tpu.memory_space<vmem_shared>>)
        } else {
        }
        %add3A_821 = arith.constant 2 : i32
        %add3A_822 = arith.addi %add3A_747, %add3A_821 : i32
        %dma_start3A_823 = arith.constant 0 : i32
        %dma_start3A_824 = tpu.memref_slice %arg8[%add3A_822, %dma_start3A_823] : memref<160x128xi32, #tpu.memory_space<vmem>> -> memref<1x128xi32, #tpu.memory_space<vmem>>
        %dma_start3A_825 = tpu.memref_squeeze %dma_start3A_824 : memref<1x128xi32, #tpu.memory_space<vmem>> -> memref<128xi32, #tpu.memory_space<vmem>>
        %dma_start3A_826 = arith.constant 0 : i32
        %dma_start3A_827 = arith.constant 0 : i32
        %dma_start3A_828 = tpu.memref_slice %arg5[%dma_start3A_826, %dma_start3A_827] : memref<20480x64xf32, #tpu.memory_space<hbm>> -> memref<20480x64xf32, #tpu.memory_space<hbm>>
        tpu.enqueue_indirect_dma source(%dma_start3A_828 : memref<20480x64xf32, #tpu.memory_space<hbm>>) target(%arg14 : memref<128x64xf32, #tpu.memory_space<vmem>>) offsets(%dma_start3A_825 : memref<128xi32, #tpu.memory_space<vmem>>) semaphore(%arg21 : memref<!tpu.dma_semaphore, #tpu.memory_space<semaphore_mem>>)
      } else {
      }
      %dma_wait3A_755 = arith.constant 0 : i32
      %dma_wait3A_756 = arith.constant 0 : i32
      %dma_wait3A_757 = tpu.memref_slice %arg8[%dma_wait3A_755, %dma_wait3A_756] : memref<160x128xi32, #tpu.memory_space<vmem>> -> memref<1x128xi32, #tpu.memory_space<vmem>>
      %dma_wait3A_758 = tpu.memref_squeeze %dma_wait3A_757 : memref<1x128xi32, #tpu.memory_space<vmem>> -> memref<128xi32, #tpu.memory_space<vmem>>
      %dma_wait3A_759 = arith.constant 0 : i32
      %dma_wait3A_760 = arith.constant 0 : i32
      %dma_wait3A_761 = tpu.memref_slice %arg5[%dma_wait3A_759, %dma_wait3A_760] : memref<20480x64xf32, #tpu.memory_space<hbm>> -> memref<20480x64xf32, #tpu.memory_space<hbm>>
      tpu.wait_indirect_dma semaphore(%arg19 : memref<!tpu.dma_semaphore, #tpu.memory_space<semaphore_mem>>) src(%dma_wait3A_761 : memref<20480x64xf32, #tpu.memory_space<hbm>>) dst(%arg13 : memref<128x64xf32, #tpu.memory_space<vmem>>)
      %dma_start3A_762 = arith.constant 0 : i32
      %dma_start3A_763 = tpu.memref_slice %arg9[%add3A_747, %dma_start3A_762] : memref<160x128xi32, #tpu.memory_space<vmem>> -> memref<1x128xi32, #tpu.memory_space<vmem>>
      %dma_start3A_764 = tpu.memref_squeeze %dma_start3A_763 : memref<1x128xi32, #tpu.memory_space<vmem>> -> memref<128xi32, #tpu.memory_space<vmem>>
      %dma_start3A_765 = arith.constant 0 : i32
      %dma_start3A_766 = arith.constant 0 : i32
      %dma_start3A_767 = tpu.memref_slice %arg6[%dma_start3A_765, %dma_start3A_766] : memref<10240x64xf32, #tpu.memory_space<vmem_shared>> -> memref<10240x64xf32, #tpu.memory_space<vmem_shared>>
      tpu.enqueue_indirect_dma source(%arg13 : memref<128x64xf32, #tpu.memory_space<vmem>>) target(%dma_start3A_767 : memref<10240x64xf32, #tpu.memory_space<vmem_shared>>) offsets(%dma_start3A_764 : memref<128xi32, #tpu.memory_space<vmem>>) semaphore(%arg23 : memref<!tpu.dma_semaphore, #tpu.memory_space<semaphore_mem>>) {add = true}
      %mul3A_768 = arith.constant 4 : i32
      %mul3A_769 = arith.muli %mul3A_768, %scan3A_721 : i32
      %add3A_770 = arith.constant 2 : i32
      %add3A_771 = arith.addi %mul3A_769, %add3A_770 : i32
      %add3A_772 = arith.constant 2 : i32
      %add3A_773 = arith.addi %add3A_771, %add3A_772 : i32
      %lt3A_774 = arith.constant 160 : i32
      %lt3A_775 = arith.cmpi slt, %add3A_773, %lt3A_774 : i32
      %convert_element_type3A_776 = arith.extui %lt3A_775 : i1 to i32
      %cond3A_777 = arith.constant 0 : i32
      %cond3A_778 = arith.cmpi ne, %convert_element_type3A_776, %cond3A_777 : i32
      scf.if %cond3A_778 {
        %ge3A = arith.constant 2 : i32
        %ge3A_817 = arith.cmpi sge, %add3A_771, %ge3A : i32
        %convert_element_type3A_818 = arith.extui %ge3A_817 : i1 to i32
        %cond3A_819 = arith.constant 0 : i32
        %cond3A_820 = arith.cmpi ne, %convert_element_type3A_818, %cond3A_819 : i32
        scf.if %cond3A_820 {
          %dma_wait3A_829 = arith.constant 0 : i32
          %dma_wait3A_830 = arith.constant 0 : i32
          %dma_wait3A_831 = tpu.memref_slice %arg9[%dma_wait3A_829, %dma_wait3A_830] : memref<160x128xi32, #tpu.memory_space<vmem>> -> memref<1x128xi32, #tpu.memory_space<vmem>>
          %dma_wait3A_832 = tpu.memref_squeeze %dma_wait3A_831 : memref<1x128xi32, #tpu.memory_space<vmem>> -> memref<128xi32, #tpu.memory_space<vmem>>
          %dma_wait3A_833 = arith.constant 0 : i32
          %dma_wait3A_834 = arith.constant 0 : i32
          %dma_wait3A_835 = tpu.memref_slice %arg6[%dma_wait3A_833, %dma_wait3A_834] : memref<10240x64xf32, #tpu.memory_space<vmem_shared>> -> memref<10240x64xf32, #tpu.memory_space<vmem_shared>>
          tpu.wait_indirect_dma semaphore(%arg22 : memref<!tpu.dma_semaphore, #tpu.memory_space<semaphore_mem>>) src(%arg12 : memref<128x64xf32, #tpu.memory_space<vmem>>) dst(%dma_wait3A_835 : memref<10240x64xf32, #tpu.memory_space<vmem_shared>>)
        } else {
        }
        %add3A_821 = arith.constant 2 : i32
        %add3A_822 = arith.addi %add3A_771, %add3A_821 : i32
        %dma_start3A_823 = arith.constant 0 : i32
        %dma_start3A_824 = tpu.memref_slice %arg8[%add3A_822, %dma_start3A_823] : memref<160x128xi32, #tpu.memory_space<vmem>> -> memref<1x128xi32, #tpu.memory_space<vmem>>
        %dma_start3A_825 = tpu.memref_squeeze %dma_start3A_824 : memref<1x128xi32, #tpu.memory_space<vmem>> -> memref<128xi32, #tpu.memory_space<vmem>>
        %dma_start3A_826 = arith.constant 0 : i32
        %dma_start3A_827 = arith.constant 0 : i32
        %dma_start3A_828 = tpu.memref_slice %arg5[%dma_start3A_826, %dma_start3A_827] : memref<20480x64xf32, #tpu.memory_space<hbm>> -> memref<20480x64xf32, #tpu.memory_space<hbm>>
        tpu.enqueue_indirect_dma source(%dma_start3A_828 : memref<20480x64xf32, #tpu.memory_space<hbm>>) target(%arg12 : memref<128x64xf32, #tpu.memory_space<vmem>>) offsets(%dma_start3A_825 : memref<128xi32, #tpu.memory_space<vmem>>) semaphore(%arg18 : memref<!tpu.dma_semaphore, #tpu.memory_space<semaphore_mem>>)
      } else {
      }
      %dma_wait3A_779 = arith.constant 0 : i32
      %dma_wait3A_780 = arith.constant 0 : i32
      %dma_wait3A_781 = tpu.memref_slice %arg8[%dma_wait3A_779, %dma_wait3A_780] : memref<160x128xi32, #tpu.memory_space<vmem>> -> memref<1x128xi32, #tpu.memory_space<vmem>>
      %dma_wait3A_782 = tpu.memref_squeeze %dma_wait3A_781 : memref<1x128xi32, #tpu.memory_space<vmem>> -> memref<128xi32, #tpu.memory_space<vmem>>
      %dma_wait3A_783 = arith.constant 0 : i32
      %dma_wait3A_784 = arith.constant 0 : i32
      %dma_wait3A_785 = tpu.memref_slice %arg5[%dma_wait3A_783, %dma_wait3A_784] : memref<20480x64xf32, #tpu.memory_space<hbm>> -> memref<20480x64xf32, #tpu.memory_space<hbm>>
      tpu.wait_indirect_dma semaphore(%arg20 : memref<!tpu.dma_semaphore, #tpu.memory_space<semaphore_mem>>) src(%dma_wait3A_785 : memref<20480x64xf32, #tpu.memory_space<hbm>>) dst(%arg15 : memref<128x64xf32, #tpu.memory_space<vmem>>)
      %dma_start3A_786 = arith.constant 0 : i32
      %dma_start3A_787 = tpu.memref_slice %arg9[%add3A_771, %dma_start3A_786] : memref<160x128xi32, #tpu.memory_space<vmem>> -> memref<1x128xi32, #tpu.memory_space<vmem>>
      %dma_start3A_788 = tpu.memref_squeeze %dma_start3A_787 : memref<1x128xi32, #tpu.memory_space<vmem>> -> memref<128xi32, #tpu.memory_space<vmem>>
      %dma_start3A_789 = arith.constant 0 : i32
      %dma_start3A_790 = arith.constant 0 : i32
      %dma_start3A_791 = tpu.memref_slice %arg6[%dma_start3A_789, %dma_start3A_790] : memref<10240x64xf32, #tpu.memory_space<vmem_shared>> -> memref<10240x64xf32, #tpu.memory_space<vmem_shared>>
      tpu.enqueue_indirect_dma source(%arg15 : memref<128x64xf32, #tpu.memory_space<vmem>>) target(%dma_start3A_791 : memref<10240x64xf32, #tpu.memory_space<vmem_shared>>) offsets(%dma_start3A_788 : memref<128xi32, #tpu.memory_space<vmem>>) semaphore(%arg24 : memref<!tpu.dma_semaphore, #tpu.memory_space<semaphore_mem>>) {add = true}
      %mul3A_792 = arith.constant 4 : i32
      %mul3A_793 = arith.muli %mul3A_792, %scan3A_721 : i32
      %add3A_794 = arith.constant 3 : i32
      %add3A_795 = arith.addi %mul3A_793, %add3A_794 : i32
      %add3A_796 = arith.constant 2 : i32
      %add3A_797 = arith.addi %add3A_795, %add3A_796 : i32
      %lt3A_798 = arith.constant 160 : i32
      %lt3A_799 = arith.cmpi slt, %add3A_797, %lt3A_798 : i32
      %convert_element_type3A_800 = arith.extui %lt3A_799 : i1 to i32
      %cond3A_801 = arith.constant 0 : i32
      %cond3A_802 = arith.cmpi ne, %convert_element_type3A_800, %cond3A_801 : i32
      scf.if %cond3A_802 {
        %ge3A = arith.constant 2 : i32
        %ge3A_817 = arith.cmpi sge, %add3A_795, %ge3A : i32
        %convert_element_type3A_818 = arith.extui %ge3A_817 : i1 to i32
        %cond3A_819 = arith.constant 0 : i32
        %cond3A_820 = arith.cmpi ne, %convert_element_type3A_818, %cond3A_819 : i32
        scf.if %cond3A_820 {
          %dma_wait3A_829 = arith.constant 0 : i32
          %dma_wait3A_830 = arith.constant 0 : i32
          %dma_wait3A_831 = tpu.memref_slice %arg9[%dma_wait3A_829, %dma_wait3A_830] : memref<160x128xi32, #tpu.memory_space<vmem>> -> memref<1x128xi32, #tpu.memory_space<vmem>>
          %dma_wait3A_832 = tpu.memref_squeeze %dma_wait3A_831 : memref<1x128xi32, #tpu.memory_space<vmem>> -> memref<128xi32, #tpu.memory_space<vmem>>
          %dma_wait3A_833 = arith.constant 0 : i32
          %dma_wait3A_834 = arith.constant 0 : i32
          %dma_wait3A_835 = tpu.memref_slice %arg6[%dma_wait3A_833, %dma_wait3A_834] : memref<10240x64xf32, #tpu.memory_space<vmem_shared>> -> memref<10240x64xf32, #tpu.memory_space<vmem_shared>>
          tpu.wait_indirect_dma semaphore(%arg23 : memref<!tpu.dma_semaphore, #tpu.memory_space<semaphore_mem>>) src(%arg13 : memref<128x64xf32, #tpu.memory_space<vmem>>) dst(%dma_wait3A_835 : memref<10240x64xf32, #tpu.memory_space<vmem_shared>>)
        } else {
        }
        %add3A_821 = arith.constant 2 : i32
        %add3A_822 = arith.addi %add3A_795, %add3A_821 : i32
        %dma_start3A_823 = arith.constant 0 : i32
        %dma_start3A_824 = tpu.memref_slice %arg8[%add3A_822, %dma_start3A_823] : memref<160x128xi32, #tpu.memory_space<vmem>> -> memref<1x128xi32, #tpu.memory_space<vmem>>
        %dma_start3A_825 = tpu.memref_squeeze %dma_start3A_824 : memref<1x128xi32, #tpu.memory_space<vmem>> -> memref<128xi32, #tpu.memory_space<vmem>>
        %dma_start3A_826 = arith.constant 0 : i32
        %dma_start3A_827 = arith.constant 0 : i32
        %dma_start3A_828 = tpu.memref_slice %arg5[%dma_start3A_826, %dma_start3A_827] : memref<20480x64xf32, #tpu.memory_space<hbm>> -> memref<20480x64xf32, #tpu.memory_space<hbm>>
        tpu.enqueue_indirect_dma source(%dma_start3A_828 : memref<20480x64xf32, #tpu.memory_space<hbm>>) target(%arg13 : memref<128x64xf32, #tpu.memory_space<vmem>>) offsets(%dma_start3A_825 : memref<128xi32, #tpu.memory_space<vmem>>) semaphore(%arg19 : memref<!tpu.dma_semaphore, #tpu.memory_space<semaphore_mem>>)
      } else {
      }
      %dma_wait3A_803 = arith.constant 0 : i32
      %dma_wait3A_804 = arith.constant 0 : i32
      %dma_wait3A_805 = tpu.memref_slice %arg8[%dma_wait3A_803, %dma_wait3A_804] : memref<160x128xi32, #tpu.memory_space<vmem>> -> memref<1x128xi32, #tpu.memory_space<vmem>>
      %dma_wait3A_806 = tpu.memref_squeeze %dma_wait3A_805 : memref<1x128xi32, #tpu.memory_space<vmem>> -> memref<128xi32, #tpu.memory_space<vmem>>
      %dma_wait3A_807 = arith.constant 0 : i32
      %dma_wait3A_808 = arith.constant 0 : i32
      %dma_wait3A_809 = tpu.memref_slice %arg5[%dma_wait3A_807, %dma_wait3A_808] : memref<20480x64xf32, #tpu.memory_space<hbm>> -> memref<20480x64xf32, #tpu.memory_space<hbm>>
      tpu.wait_indirect_dma semaphore(%arg21 : memref<!tpu.dma_semaphore, #tpu.memory_space<semaphore_mem>>) src(%dma_wait3A_809 : memref<20480x64xf32, #tpu.memory_space<hbm>>) dst(%arg14 : memref<128x64xf32, #tpu.memory_space<vmem>>)
      %dma_start3A_810 = arith.constant 0 : i32
      %dma_start3A_811 = tpu.memref_slice %arg9[%add3A_795, %dma_start3A_810] : memref<160x128xi32, #tpu.memory_space<vmem>> -> memref<1x128xi32, #tpu.memory_space<vmem>>
      %dma_start3A_812 = tpu.memref_squeeze %dma_start3A_811 : memref<1x128xi32, #tpu.memory_space<vmem>> -> memref<128xi32, #tpu.memory_space<vmem>>
      %dma_start3A_813 = arith.constant 0 : i32
      %dma_start3A_814 = arith.constant 0 : i32
      %dma_start3A_815 = tpu.memref_slice %arg6[%dma_start3A_813, %dma_start3A_814] : memref<10240x64xf32, #tpu.memory_space<vmem_shared>> -> memref<10240x64xf32, #tpu.memory_space<vmem_shared>>
      tpu.enqueue_indirect_dma source(%arg14 : memref<128x64xf32, #tpu.memory_space<vmem>>) target(%dma_start3A_815 : memref<10240x64xf32, #tpu.memory_space<vmem_shared>>) offsets(%dma_start3A_812 : memref<128xi32, #tpu.memory_space<vmem>>) semaphore(%arg25 : memref<!tpu.dma_semaphore, #tpu.memory_space<semaphore_mem>>) {add = true}
      %scan3A_816 = arith.constant 0 : i32
      scf.yield %scan3A_816 : i32
    }
    %scan3A_518 = arith.constant 40 : i32
    %dma_wait3A_519 = arith.constant 0 : i32
    %dma_wait3A_520 = arith.constant 0 : i32
    %dma_wait3A_521 = tpu.memref_slice %arg9[%dma_wait3A_519, %dma_wait3A_520] : memref<160x128xi32, #tpu.memory_space<vmem>> -> memref<1x128xi32, #tpu.memory_space<vmem>>
    %dma_wait3A_522 = tpu.memref_squeeze %dma_wait3A_521 : memref<1x128xi32, #tpu.memory_space<vmem>> -> memref<128xi32, #tpu.memory_space<vmem>>
    %dma_wait3A_523 = arith.constant 0 : i32
    %dma_wait3A_524 = arith.constant 0 : i32
    %dma_wait3A_525 = tpu.memref_slice %arg6[%dma_wait3A_523, %dma_wait3A_524] : memref<10240x64xf32, #tpu.memory_space<vmem_shared>> -> memref<10240x64xf32, #tpu.memory_space<vmem_shared>>
    tpu.wait_indirect_dma semaphore(%arg22 : memref<!tpu.dma_semaphore, #tpu.memory_space<semaphore_mem>>) src(%arg12 : memref<128x64xf32, #tpu.memory_space<vmem>>) dst(%dma_wait3A_525 : memref<10240x64xf32, #tpu.memory_space<vmem_shared>>)
    %dma_wait3A_526 = arith.constant 0 : i32
    %dma_wait3A_527 = arith.constant 0 : i32
    %dma_wait3A_528 = tpu.memref_slice %arg9[%dma_wait3A_526, %dma_wait3A_527] : memref<160x128xi32, #tpu.memory_space<vmem>> -> memref<1x128xi32, #tpu.memory_space<vmem>>
    %dma_wait3A_529 = tpu.memref_squeeze %dma_wait3A_528 : memref<1x128xi32, #tpu.memory_space<vmem>> -> memref<128xi32, #tpu.memory_space<vmem>>
    %dma_wait3A_530 = arith.constant 0 : i32
    %dma_wait3A_531 = arith.constant 0 : i32
    %dma_wait3A_532 = tpu.memref_slice %arg6[%dma_wait3A_530, %dma_wait3A_531] : memref<10240x64xf32, #tpu.memory_space<vmem_shared>> -> memref<10240x64xf32, #tpu.memory_space<vmem_shared>>
    tpu.wait_indirect_dma semaphore(%arg23 : memref<!tpu.dma_semaphore, #tpu.memory_space<semaphore_mem>>) src(%arg13 : memref<128x64xf32, #tpu.memory_space<vmem>>) dst(%dma_wait3A_532 : memref<10240x64xf32, #tpu.memory_space<vmem_shared>>)
    %dma_wait3A_533 = arith.constant 0 : i32
    %dma_wait3A_534 = arith.constant 0 : i32
    %dma_wait3A_535 = tpu.memref_slice %arg9[%dma_wait3A_533, %dma_wait3A_534] : memref<160x128xi32, #tpu.memory_space<vmem>> -> memref<1x128xi32, #tpu.memory_space<vmem>>
    %dma_wait3A_536 = tpu.memref_squeeze %dma_wait3A_535 : memref<1x128xi32, #tpu.memory_space<vmem>> -> memref<128xi32, #tpu.memory_space<vmem>>
    %dma_wait3A_537 = arith.constant 0 : i32
    %dma_wait3A_538 = arith.constant 0 : i32
    %dma_wait3A_539 = tpu.memref_slice %arg6[%dma_wait3A_537, %dma_wait3A_538] : memref<10240x64xf32, #tpu.memory_space<vmem_shared>> -> memref<10240x64xf32, #tpu.memory_space<vmem_shared>>
    tpu.wait_indirect_dma semaphore(%arg24 : memref<!tpu.dma_semaphore, #tpu.memory_space<semaphore_mem>>) src(%arg15 : memref<128x64xf32, #tpu.memory_space<vmem>>) dst(%dma_wait3A_539 : memref<10240x64xf32, #tpu.memory_space<vmem_shared>>)
    %dma_wait3A_540 = arith.constant 0 : i32
    %dma_wait3A_541 = arith.constant 0 : i32
    %dma_wait3A_542 = tpu.memref_slice %arg9[%dma_wait3A_540, %dma_wait3A_541] : memref<160x128xi32, #tpu.memory_space<vmem>> -> memref<1x128xi32, #tpu.memory_space<vmem>>
    %dma_wait3A_543 = tpu.memref_squeeze %dma_wait3A_542 : memref<1x128xi32, #tpu.memory_space<vmem>> -> memref<128xi32, #tpu.memory_space<vmem>>
    %dma_wait3A_544 = arith.constant 0 : i32
    %dma_wait3A_545 = arith.constant 0 : i32
    %dma_wait3A_546 = tpu.memref_slice %arg6[%dma_wait3A_544, %dma_wait3A_545] : memref<10240x64xf32, #tpu.memory_space<vmem_shared>> -> memref<10240x64xf32, #tpu.memory_space<vmem_shared>>
    tpu.wait_indirect_dma semaphore(%arg25 : memref<!tpu.dma_semaphore, #tpu.memory_space<semaphore_mem>>) src(%arg14 : memref<128x64xf32, #tpu.memory_space<vmem>>) dst(%dma_wait3A_546 : memref<10240x64xf32, #tpu.memory_space<vmem_shared>>)
    "tpu.trace_stop"() : () -> ()
    "tpu.trace_start"() <{level = 10 : i32, message = "bar5"}> : () -> ()
    %barrier3A_547 = arith.constant 0 : index
    tpu.barrier barrier_id(%barrier3A_547)
    "tpu.trace_stop"() : () -> ()
    "tpu.trace_start"() <{level = 10 : i32, message = "outp"}> : () -> ()
    %dma_start3A_548 = arith.constant 0 : i32
    %dma_start3A_549 = tpu.memref_slice %arg5[%add3A, %dma_start3A_548] : memref<20480x64xf32, #tpu.memory_space<hbm>> -> memref<128x64xf32, #tpu.memory_space<hbm>>
    %dma_start3A_550 = arith.constant 0 : i32
    %dma_start3A_551 = tpu.memref_slice %arg5[%add3A, %dma_start3A_550] : memref<20480x64xf32, #tpu.memory_space<hbm>> -> memref<128x64xf32, #tpu.memory_space<hbm>>
    tpu.enqueue_dma source(%dma_start3A_551 : memref<128x64xf32, #tpu.memory_space<hbm>>) target(%arg12 : memref<128x64xf32, #tpu.memory_space<vmem>>) target_semaphore(%arg18 : memref<!tpu.dma_semaphore, #tpu.memory_space<semaphore_mem>>)
    %add3A_552 = arith.constant 0 : i32
    %add3A_553 = arith.addi %mul3A_0, %add3A_552 : i32
    "tpu.region"() ({
      %run_scoped3A_721 = tpu.sem_alloc : memref<!tpu.dma_semaphore, #tpu.memory_space<semaphore_mem>>
      %dma_start3A_722 = arith.constant 0 : i32
      %dma_start3A_723 = tpu.memref_slice %arg6[%add3A_553, %dma_start3A_722] : memref<10240x64xf32, #tpu.memory_space<vmem_shared>> -> memref<128x64xf32, #tpu.memory_space<vmem_shared>>
      %dma_start3A_724 = arith.constant 0 : i32
      %dma_start3A_725 = tpu.memref_slice %arg6[%add3A_553, %dma_start3A_724] : memref<10240x64xf32, #tpu.memory_space<vmem_shared>> -> memref<128x64xf32, #tpu.memory_space<vmem_shared>>
      tpu.enqueue_dma source(%dma_start3A_725 : memref<128x64xf32, #tpu.memory_space<vmem_shared>>) target(%arg13 : memref<128x64xf32, #tpu.memory_space<vmem>>) target_semaphore(%run_scoped3A_721 : memref<!tpu.dma_semaphore, #tpu.memory_space<semaphore_mem>>)
      %dma_wait3A_726 = arith.constant 0 : i32
      %dma_wait3A_727 = tpu.memref_slice %arg6[%add3A_553, %dma_wait3A_726] : memref<10240x64xf32, #tpu.memory_space<vmem_shared>> -> memref<128x64xf32, #tpu.memory_space<vmem_shared>>
      %dma_wait3A_728 = arith.constant 0 : i32
      %dma_wait3A_729 = tpu.memref_slice %arg6[%add3A_553, %dma_wait3A_728] : memref<10240x64xf32, #tpu.memory_space<vmem_shared>> -> memref<128x64xf32, #tpu.memory_space<vmem_shared>>
      tpu.wait_dma2 semaphore(%run_scoped3A_721 : memref<!tpu.dma_semaphore, #tpu.memory_space<semaphore_mem>>) src(%dma_wait3A_729 : memref<128x64xf32, #tpu.memory_space<vmem_shared>>) dst(%arg13 : memref<128x64xf32, #tpu.memory_space<vmem>>)
      tpu.yield
    }) : () -> ()
    %dma_wait3A_554 = arith.constant 0 : i32
    %dma_wait3A_555 = arith.constant 0 : i32
    %dma_wait3A_556 = tpu.memref_slice %arg5[%dma_wait3A_554, %dma_wait3A_555] : memref<20480x64xf32, #tpu.memory_space<hbm>> -> memref<128x64xf32, #tpu.memory_space<hbm>>
    %dma_wait3A_557 = arith.constant 0 : i32
    %dma_wait3A_558 = arith.constant 0 : i32
    %dma_wait3A_559 = tpu.memref_slice %arg5[%dma_wait3A_557, %dma_wait3A_558] : memref<20480x64xf32, #tpu.memory_space<hbm>> -> memref<128x64xf32, #tpu.memory_space<hbm>>
    tpu.wait_dma2 semaphore(%arg18 : memref<!tpu.dma_semaphore, #tpu.memory_space<semaphore_mem>>) src(%dma_wait3A_559 : memref<128x64xf32, #tpu.memory_space<hbm>>) dst(%arg12 : memref<128x64xf32, #tpu.memory_space<vmem>>)
    %add3A_560 = arith.constant 128 : i32
    %add3A_561 = arith.addi %add3A, %add3A_560 : i32
    %dma_start3A_562 = arith.constant 0 : i32
    %dma_start3A_563 = tpu.memref_slice %arg5[%add3A_561, %dma_start3A_562] : memref<20480x64xf32, #tpu.memory_space<hbm>> -> memref<128x64xf32, #tpu.memory_space<hbm>>
    %dma_start3A_564 = arith.constant 0 : i32
    %dma_start3A_565 = tpu.memref_slice %arg5[%add3A_561, %dma_start3A_564] : memref<20480x64xf32, #tpu.memory_space<hbm>> -> memref<128x64xf32, #tpu.memory_space<hbm>>
    tpu.enqueue_dma source(%dma_start3A_565 : memref<128x64xf32, #tpu.memory_space<hbm>>) target(%arg14 : memref<128x64xf32, #tpu.memory_space<vmem>>) target_semaphore(%arg19 : memref<!tpu.dma_semaphore, #tpu.memory_space<semaphore_mem>>)
    %scan3A_566 = arith.constant 0 : i32
    %scan3A_567 = arith.constant 0 : i32
    %scan3A_568 = arith.constant 128 : i32
    %scan3A_569 = arith.addi %scan3A_567, %scan3A_568 : i32
    %scan3A_570 = arith.constant 1 : i32
    %scan3A_571 = scf.for %scan3A_721 = %scan3A_567 to %scan3A_569 step %scan3A_570 iter_args(%scan3A_722 = %scan3A_566) -> (i32)  : i32 {
      %add3A_723 = arith.constant 0 : i32
      %add3A_724 = arith.addi %add3A_723, %scan3A_721 : i32
      %broadcast_in_dim3A_725 = vector.broadcast %add3A_724 : i32 to vector<16xi32>
      %gather3A = tpu.vector_load_idx %arg11[%broadcast_in_dim3A_725] : memref<640xf32, #tpu.memory_space<vmem>>[vector<16xi32>], vector<16xf32>,
      %get3A = arith.index_cast %scan3A_721 : i32 to index
      %get3A_726 = arith.constant 0 : index
      %get3A_727 = tpu.vector_load %arg13[%get3A, %get3A_726] {strides = array<i32>} : memref<128x64xf32, #tpu.memory_space<vmem>>, vector<16xf32>,
      %get3A_728 = arith.index_cast %scan3A_721 : i32 to index
      %get3A_729 = arith.constant 0 : index
      %get3A_730 = tpu.vector_load %arg12[%get3A_728, %get3A_729] {strides = array<i32>} : memref<128x64xf32, #tpu.memory_space<vmem>>, vector<16xf32>,
      %add3A_731 = arith.addf %get3A_727, %get3A_730 : vector<16xf32>
      %mul3A_732 = arith.mulf %gather3A, %add3A_731 : vector<16xf32>
      %swap3A = arith.index_cast %scan3A_721 : i32 to index
      %swap3A_733 = arith.constant 0 : index
      %swap3A_734 = tpu.vector_load %arg12[%swap3A, %swap3A_733] {strides = array<i32>} : memref<128x64xf32, #tpu.memory_space<vmem>>, vector<16xf32>,
      tpu.vector_store %arg12[%swap3A, %swap3A_733], %mul3A_732 {strides = array<i32>} : memref<128x64xf32, #tpu.memory_space<vmem>>, vector<16xf32>,
      %get3A_735 = arith.index_cast %scan3A_721 : i32 to index
      %get3A_736 = arith.constant 16 : index
      %get3A_737 = tpu.vector_load %arg13[%get3A_735, %get3A_736] {strides = array<i32>} : memref<128x64xf32, #tpu.memory_space<vmem>>, vector<16xf32>,
      %get3A_738 = arith.index_cast %scan3A_721 : i32 to index
      %get3A_739 = arith.constant 16 : index
      %get3A_740 = tpu.vector_load %arg12[%get3A_738, %get3A_739] {strides = array<i32>} : memref<128x64xf32, #tpu.memory_space<vmem>>, vector<16xf32>,
      %add3A_741 = arith.addf %get3A_737, %get3A_740 : vector<16xf32>
      %mul3A_742 = arith.mulf %gather3A, %add3A_741 : vector<16xf32>
      %swap3A_743 = arith.index_cast %scan3A_721 : i32 to index
      %swap3A_744 = arith.constant 16 : index
      %swap3A_745 = tpu.vector_load %arg12[%swap3A_743, %swap3A_744] {strides = array<i32>} : memref<128x64xf32, #tpu.memory_space<vmem>>, vector<16xf32>,
      tpu.vector_store %arg12[%swap3A_743, %swap3A_744], %mul3A_742 {strides = array<i32>} : memref<128x64xf32, #tpu.memory_space<vmem>>, vector<16xf32>,
      %get3A_746 = arith.index_cast %scan3A_721 : i32 to index
      %get3A_747 = arith.constant 32 : index
      %get3A_748 = tpu.vector_load %arg13[%get3A_746, %get3A_747] {strides = array<i32>} : memref<128x64xf32, #tpu.memory_space<vmem>>, vector<16xf32>,
      %get3A_749 = arith.index_cast %scan3A_721 : i32 to index
      %get3A_750 = arith.constant 32 : index
      %get3A_751 = tpu.vector_load %arg12[%get3A_749, %get3A_750] {strides = array<i32>} : memref<128x64xf32, #tpu.memory_space<vmem>>, vector<16xf32>,
      %add3A_752 = arith.addf %get3A_748, %get3A_751 : vector<16xf32>
      %mul3A_753 = arith.mulf %gather3A, %add3A_752 : vector<16xf32>
      %swap3A_754 = arith.index_cast %scan3A_721 : i32 to index
      %swap3A_755 = arith.constant 32 : index
      %swap3A_756 = tpu.vector_load %arg12[%swap3A_754, %swap3A_755] {strides = array<i32>} : memref<128x64xf32, #tpu.memory_space<vmem>>, vector<16xf32>,
      tpu.vector_store %arg12[%swap3A_754, %swap3A_755], %mul3A_753 {strides = array<i32>} : memref<128x64xf32, #tpu.memory_space<vmem>>, vector<16xf32>,
      %get3A_757 = arith.index_cast %scan3A_721 : i32 to index
      %get3A_758 = arith.constant 48 : index
      %get3A_759 = tpu.vector_load %arg13[%get3A_757, %get3A_758] {strides = array<i32>} : memref<128x64xf32, #tpu.memory_space<vmem>>, vector<16xf32>,
      %get3A_760 = arith.index_cast %scan3A_721 : i32 to index
      %get3A_761 = arith.constant 48 : index
      %get3A_762 = tpu.vector_load %arg12[%get3A_760, %get3A_761] {strides = array<i32>} : memref<128x64xf32, #tpu.memory_space<vmem>>, vector<16xf32>,
      %add3A_763 = arith.addf %get3A_759, %get3A_762 : vector<16xf32>
      %mul3A_764 = arith.mulf %gather3A, %add3A_763 : vector<16xf32>
      %swap3A_765 = arith.index_cast %scan3A_721 : i32 to index
      %swap3A_766 = arith.constant 48 : index
      %swap3A_767 = tpu.vector_load %arg12[%swap3A_765, %swap3A_766] {strides = array<i32>} : memref<128x64xf32, #tpu.memory_space<vmem>>, vector<16xf32>,
      tpu.vector_store %arg12[%swap3A_765, %swap3A_766], %mul3A_764 {strides = array<i32>} : memref<128x64xf32, #tpu.memory_space<vmem>>, vector<16xf32>,
      %scan3A_768 = arith.constant 0 : i32
      scf.yield %scan3A_768 : i32
    }
    %scan3A_572 = arith.constant 128 : i32
    %add3A_573 = arith.constant 0 : i32
    %add3A_574 = arith.addi %mul3A_0, %add3A_573 : i32
    %dma_start3A_575 = arith.constant 0 : i32
    %dma_start3A_576 = tpu.memref_slice %arg4[%arg0, %add3A_574, %dma_start3A_575] : memref<2x10240x64xf32, #tpu.memory_space<hbm>> -> memref<1x128x64xf32, #tpu.memory_space<hbm>>
    %dma_start3A_577 = tpu.memref_squeeze %dma_start3A_576 : memref<1x128x64xf32, #tpu.memory_space<hbm>> -> memref<128x64xf32, #tpu.memory_space<hbm>>
    %dma_start3A_578 = arith.constant 0 : i32
    %dma_start3A_579 = tpu.memref_slice %arg4[%arg0, %add3A_574, %dma_start3A_578] : memref<2x10240x64xf32, #tpu.memory_space<hbm>> -> memref<1x128x64xf32, #tpu.memory_space<hbm>>
    %dma_start3A_580 = tpu.memref_squeeze %dma_start3A_579 : memref<1x128x64xf32, #tpu.memory_space<hbm>> -> memref<128x64xf32, #tpu.memory_space<hbm>>
    tpu.enqueue_dma source(%arg12 : memref<128x64xf32, #tpu.memory_space<vmem>>) target(%dma_start3A_580 : memref<128x64xf32, #tpu.memory_space<hbm>>) target_semaphore(%arg22 : memref<!tpu.dma_semaphore, #tpu.memory_space<semaphore_mem>>)
    %add3A_581 = arith.constant 128 : i32
    %add3A_582 = arith.addi %mul3A_0, %add3A_581 : i32
    "tpu.region"() ({
      %run_scoped3A_721 = tpu.sem_alloc : memref<!tpu.dma_semaphore, #tpu.memory_space<semaphore_mem>>
      %dma_start3A_722 = arith.constant 0 : i32
      %dma_start3A_723 = tpu.memref_slice %arg6[%add3A_582, %dma_start3A_722] : memref<10240x64xf32, #tpu.memory_space<vmem_shared>> -> memref<128x64xf32, #tpu.memory_space<vmem_shared>>
      %dma_start3A_724 = arith.constant 0 : i32
      %dma_start3A_725 = tpu.memref_slice %arg6[%add3A_582, %dma_start3A_724] : memref<10240x64xf32, #tpu.memory_space<vmem_shared>> -> memref<128x64xf32, #tpu.memory_space<vmem_shared>>
      tpu.enqueue_dma source(%dma_start3A_725 : memref<128x64xf32, #tpu.memory_space<vmem_shared>>) target(%arg13 : memref<128x64xf32, #tpu.memory_space<vmem>>) target_semaphore(%run_scoped3A_721 : memref<!tpu.dma_semaphore, #tpu.memory_space<semaphore_mem>>)
      %dma_wait3A_726 = arith.constant 0 : i32
      %dma_wait3A_727 = tpu.memref_slice %arg6[%add3A_582, %dma_wait3A_726] : memref<10240x64xf32, #tpu.memory_space<vmem_shared>> -> memref<128x64xf32, #tpu.memory_space<vmem_shared>>
      %dma_wait3A_728 = arith.constant 0 : i32
      %dma_wait3A_729 = tpu.memref_slice %arg6[%add3A_582, %dma_wait3A_728] : memref<10240x64xf32, #tpu.memory_space<vmem_shared>> -> memref<128x64xf32, #tpu.memory_space<vmem_shared>>
      tpu.wait_dma2 semaphore(%run_scoped3A_721 : memref<!tpu.dma_semaphore, #tpu.memory_space<semaphore_mem>>) src(%dma_wait3A_729 : memref<128x64xf32, #tpu.memory_space<vmem_shared>>) dst(%arg13 : memref<128x64xf32, #tpu.memory_space<vmem>>)
      tpu.yield
    }) : () -> ()
    %dma_wait3A_583 = arith.constant 0 : i32
    %dma_wait3A_584 = arith.constant 0 : i32
    %dma_wait3A_585 = tpu.memref_slice %arg5[%dma_wait3A_583, %dma_wait3A_584] : memref<20480x64xf32, #tpu.memory_space<hbm>> -> memref<128x64xf32, #tpu.memory_space<hbm>>
    %dma_wait3A_586 = arith.constant 0 : i32
    %dma_wait3A_587 = arith.constant 0 : i32
    %dma_wait3A_588 = tpu.memref_slice %arg5[%dma_wait3A_586, %dma_wait3A_587] : memref<20480x64xf32, #tpu.memory_space<hbm>> -> memref<128x64xf32, #tpu.memory_space<hbm>>
    tpu.wait_dma2 semaphore(%arg19 : memref<!tpu.dma_semaphore, #tpu.memory_space<semaphore_mem>>) src(%dma_wait3A_588 : memref<128x64xf32, #tpu.memory_space<hbm>>) dst(%arg14 : memref<128x64xf32, #tpu.memory_space<vmem>>)
    %dma_wait3A_589 = arith.constant 0 : i32
    %dma_wait3A_590 = arith.constant 0 : i32
    %dma_wait3A_591 = tpu.memref_slice %arg5[%dma_wait3A_589, %dma_wait3A_590] : memref<20480x64xf32, #tpu.memory_space<hbm>> -> memref<128x64xf32, #tpu.memory_space<hbm>>
    %dma_wait3A_592 = arith.constant 0 : i32
    %dma_wait3A_593 = arith.constant 0 : i32
    %dma_wait3A_594 = tpu.memref_slice %arg5[%dma_wait3A_592, %dma_wait3A_593] : memref<20480x64xf32, #tpu.memory_space<hbm>> -> memref<128x64xf32, #tpu.memory_space<hbm>>
    tpu.wait_dma2 semaphore(%arg22 : memref<!tpu.dma_semaphore, #tpu.memory_space<semaphore_mem>>) src(%arg12 : memref<128x64xf32, #tpu.memory_space<vmem>>) dst(%dma_wait3A_594 : memref<128x64xf32, #tpu.memory_space<hbm>>)
    %add3A_595 = arith.constant 256 : i32
    %add3A_596 = arith.addi %add3A, %add3A_595 : i32
    %dma_start3A_597 = arith.constant 0 : i32
    %dma_start3A_598 = tpu.memref_slice %arg5[%add3A_596, %dma_start3A_597] : memref<20480x64xf32, #tpu.memory_space<hbm>> -> memref<128x64xf32, #tpu.memory_space<hbm>>
    %dma_start3A_599 = arith.constant 0 : i32
    %dma_start3A_600 = tpu.memref_slice %arg5[%add3A_596, %dma_start3A_599] : memref<20480x64xf32, #tpu.memory_space<hbm>> -> memref<128x64xf32, #tpu.memory_space<hbm>>
    tpu.enqueue_dma source(%dma_start3A_600 : memref<128x64xf32, #tpu.memory_space<hbm>>) target(%arg12 : memref<128x64xf32, #tpu.memory_space<vmem>>) target_semaphore(%arg18 : memref<!tpu.dma_semaphore, #tpu.memory_space<semaphore_mem>>)
    %scan3A_601 = arith.constant 0 : i32
    %scan3A_602 = arith.constant 0 : i32
    %scan3A_603 = arith.constant 128 : i32
    %scan3A_604 = arith.addi %scan3A_602, %scan3A_603 : i32
    %scan3A_605 = arith.constant 1 : i32
    %scan3A_606 = scf.for %scan3A_721 = %scan3A_602 to %scan3A_604 step %scan3A_605 iter_args(%scan3A_722 = %scan3A_601) -> (i32)  : i32 {
      %add3A_723 = arith.constant 128 : i32
      %add3A_724 = arith.addi %add3A_723, %scan3A_721 : i32
      %broadcast_in_dim3A_725 = vector.broadcast %add3A_724 : i32 to vector<16xi32>
      %gather3A = tpu.vector_load_idx %arg11[%broadcast_in_dim3A_725] : memref<640xf32, #tpu.memory_space<vmem>>[vector<16xi32>], vector<16xf32>,
      %get3A = arith.index_cast %scan3A_721 : i32 to index
      %get3A_726 = arith.constant 0 : index
      %get3A_727 = tpu.vector_load %arg13[%get3A, %get3A_726] {strides = array<i32>} : memref<128x64xf32, #tpu.memory_space<vmem>>, vector<16xf32>,
      %get3A_728 = arith.index_cast %scan3A_721 : i32 to index
      %get3A_729 = arith.constant 0 : index
      %get3A_730 = tpu.vector_load %arg14[%get3A_728, %get3A_729] {strides = array<i32>} : memref<128x64xf32, #tpu.memory_space<vmem>>, vector<16xf32>,
      %add3A_731 = arith.addf %get3A_727, %get3A_730 : vector<16xf32>
      %mul3A_732 = arith.mulf %gather3A, %add3A_731 : vector<16xf32>
      %swap3A = arith.index_cast %scan3A_721 : i32 to index
      %swap3A_733 = arith.constant 0 : index
      %swap3A_734 = tpu.vector_load %arg14[%swap3A, %swap3A_733] {strides = array<i32>} : memref<128x64xf32, #tpu.memory_space<vmem>>, vector<16xf32>,
      tpu.vector_store %arg14[%swap3A, %swap3A_733], %mul3A_732 {strides = array<i32>} : memref<128x64xf32, #tpu.memory_space<vmem>>, vector<16xf32>,
      %get3A_735 = arith.index_cast %scan3A_721 : i32 to index
      %get3A_736 = arith.constant 16 : index
      %get3A_737 = tpu.vector_load %arg13[%get3A_735, %get3A_736] {strides = array<i32>} : memref<128x64xf32, #tpu.memory_space<vmem>>, vector<16xf32>,
      %get3A_738 = arith.index_cast %scan3A_721 : i32 to index
      %get3A_739 = arith.constant 16 : index
      %get3A_740 = tpu.vector_load %arg14[%get3A_738, %get3A_739] {strides = array<i32>} : memref<128x64xf32, #tpu.memory_space<vmem>>, vector<16xf32>,
      %add3A_741 = arith.addf %get3A_737, %get3A_740 : vector<16xf32>
      %mul3A_742 = arith.mulf %gather3A, %add3A_741 : vector<16xf32>
      %swap3A_743 = arith.index_cast %scan3A_721 : i32 to index
      %swap3A_744 = arith.constant 16 : index
      %swap3A_745 = tpu.vector_load %arg14[%swap3A_743, %swap3A_744] {strides = array<i32>} : memref<128x64xf32, #tpu.memory_space<vmem>>, vector<16xf32>,
      tpu.vector_store %arg14[%swap3A_743, %swap3A_744], %mul3A_742 {strides = array<i32>} : memref<128x64xf32, #tpu.memory_space<vmem>>, vector<16xf32>,
      %get3A_746 = arith.index_cast %scan3A_721 : i32 to index
      %get3A_747 = arith.constant 32 : index
      %get3A_748 = tpu.vector_load %arg13[%get3A_746, %get3A_747] {strides = array<i32>} : memref<128x64xf32, #tpu.memory_space<vmem>>, vector<16xf32>,
      %get3A_749 = arith.index_cast %scan3A_721 : i32 to index
      %get3A_750 = arith.constant 32 : index
      %get3A_751 = tpu.vector_load %arg14[%get3A_749, %get3A_750] {strides = array<i32>} : memref<128x64xf32, #tpu.memory_space<vmem>>, vector<16xf32>,
      %add3A_752 = arith.addf %get3A_748, %get3A_751 : vector<16xf32>
      %mul3A_753 = arith.mulf %gather3A, %add3A_752 : vector<16xf32>
      %swap3A_754 = arith.index_cast %scan3A_721 : i32 to index
      %swap3A_755 = arith.constant 32 : index
      %swap3A_756 = tpu.vector_load %arg14[%swap3A_754, %swap3A_755] {strides = array<i32>} : memref<128x64xf32, #tpu.memory_space<vmem>>, vector<16xf32>,
      tpu.vector_store %arg14[%swap3A_754, %swap3A_755], %mul3A_753 {strides = array<i32>} : memref<128x64xf32, #tpu.memory_space<vmem>>, vector<16xf32>,
      %get3A_757 = arith.index_cast %scan3A_721 : i32 to index
      %get3A_758 = arith.constant 48 : index
      %get3A_759 = tpu.vector_load %arg13[%get3A_757, %get3A_758] {strides = array<i32>} : memref<128x64xf32, #tpu.memory_space<vmem>>, vector<16xf32>,
      %get3A_760 = arith.index_cast %scan3A_721 : i32 to index
      %get3A_761 = arith.constant 48 : index
      %get3A_762 = tpu.vector_load %arg14[%get3A_760, %get3A_761] {strides = array<i32>} : memref<128x64xf32, #tpu.memory_space<vmem>>, vector<16xf32>,
      %add3A_763 = arith.addf %get3A_759, %get3A_762 : vector<16xf32>
      %mul3A_764 = arith.mulf %gather3A, %add3A_763 : vector<16xf32>
      %swap3A_765 = arith.index_cast %scan3A_721 : i32 to index
      %swap3A_766 = arith.constant 48 : index
      %swap3A_767 = tpu.vector_load %arg14[%swap3A_765, %swap3A_766] {strides = array<i32>} : memref<128x64xf32, #tpu.memory_space<vmem>>, vector<16xf32>,
      tpu.vector_store %arg14[%swap3A_765, %swap3A_766], %mul3A_764 {strides = array<i32>} : memref<128x64xf32, #tpu.memory_space<vmem>>, vector<16xf32>,
      %scan3A_768 = arith.constant 0 : i32
      scf.yield %scan3A_768 : i32
    }
    %scan3A_607 = arith.constant 128 : i32
    %add3A_608 = arith.constant 128 : i32
    %add3A_609 = arith.addi %mul3A_0, %add3A_608 : i32
    %dma_start3A_610 = arith.constant 0 : i32
    %dma_start3A_611 = tpu.memref_slice %arg4[%arg0, %add3A_609, %dma_start3A_610] : memref<2x10240x64xf32, #tpu.memory_space<hbm>> -> memref<1x128x64xf32, #tpu.memory_space<hbm>>
    %dma_start3A_612 = tpu.memref_squeeze %dma_start3A_611 : memref<1x128x64xf32, #tpu.memory_space<hbm>> -> memref<128x64xf32, #tpu.memory_space<hbm>>
    %dma_start3A_613 = arith.constant 0 : i32
    %dma_start3A_614 = tpu.memref_slice %arg4[%arg0, %add3A_609, %dma_start3A_613] : memref<2x10240x64xf32, #tpu.memory_space<hbm>> -> memref<1x128x64xf32, #tpu.memory_space<hbm>>
    %dma_start3A_615 = tpu.memref_squeeze %dma_start3A_614 : memref<1x128x64xf32, #tpu.memory_space<hbm>> -> memref<128x64xf32, #tpu.memory_space<hbm>>
    tpu.enqueue_dma source(%arg14 : memref<128x64xf32, #tpu.memory_space<vmem>>) target(%dma_start3A_615 : memref<128x64xf32, #tpu.memory_space<hbm>>) target_semaphore(%arg23 : memref<!tpu.dma_semaphore, #tpu.memory_space<semaphore_mem>>)
    %add3A_616 = arith.constant 256 : i32
    %add3A_617 = arith.addi %mul3A_0, %add3A_616 : i32
    "tpu.region"() ({
      %run_scoped3A_721 = tpu.sem_alloc : memref<!tpu.dma_semaphore, #tpu.memory_space<semaphore_mem>>
      %dma_start3A_722 = arith.constant 0 : i32
      %dma_start3A_723 = tpu.memref_slice %arg6[%add3A_617, %dma_start3A_722] : memref<10240x64xf32, #tpu.memory_space<vmem_shared>> -> memref<128x64xf32, #tpu.memory_space<vmem_shared>>
      %dma_start3A_724 = arith.constant 0 : i32
      %dma_start3A_725 = tpu.memref_slice %arg6[%add3A_617, %dma_start3A_724] : memref<10240x64xf32, #tpu.memory_space<vmem_shared>> -> memref<128x64xf32, #tpu.memory_space<vmem_shared>>
      tpu.enqueue_dma source(%dma_start3A_725 : memref<128x64xf32, #tpu.memory_space<vmem_shared>>) target(%arg13 : memref<128x64xf32, #tpu.memory_space<vmem>>) target_semaphore(%run_scoped3A_721 : memref<!tpu.dma_semaphore, #tpu.memory_space<semaphore_mem>>)
      %dma_wait3A_726 = arith.constant 0 : i32
      %dma_wait3A_727 = tpu.memref_slice %arg6[%add3A_617, %dma_wait3A_726] : memref<10240x64xf32, #tpu.memory_space<vmem_shared>> -> memref<128x64xf32, #tpu.memory_space<vmem_shared>>
      %dma_wait3A_728 = arith.constant 0 : i32
      %dma_wait3A_729 = tpu.memref_slice %arg6[%add3A_617, %dma_wait3A_728] : memref<10240x64xf32, #tpu.memory_space<vmem_shared>> -> memref<128x64xf32, #tpu.memory_space<vmem_shared>>
      tpu.wait_dma2 semaphore(%run_scoped3A_721 : memref<!tpu.dma_semaphore, #tpu.memory_space<semaphore_mem>>) src(%dma_wait3A_729 : memref<128x64xf32, #tpu.memory_space<vmem_shared>>) dst(%arg13 : memref<128x64xf32, #tpu.memory_space<vmem>>)
      tpu.yield
    }) : () -> ()
    %dma_wait3A_618 = arith.constant 0 : i32
    %dma_wait3A_619 = arith.constant 0 : i32
    %dma_wait3A_620 = tpu.memref_slice %arg5[%dma_wait3A_618, %dma_wait3A_619] : memref<20480x64xf32, #tpu.memory_space<hbm>> -> memref<128x64xf32, #tpu.memory_space<hbm>>
    %dma_wait3A_621 = arith.constant 0 : i32
    %dma_wait3A_622 = arith.constant 0 : i32
    %dma_wait3A_623 = tpu.memref_slice %arg5[%dma_wait3A_621, %dma_wait3A_622] : memref<20480x64xf32, #tpu.memory_space<hbm>> -> memref<128x64xf32, #tpu.memory_space<hbm>>
    tpu.wait_dma2 semaphore(%arg18 : memref<!tpu.dma_semaphore, #tpu.memory_space<semaphore_mem>>) src(%dma_wait3A_623 : memref<128x64xf32, #tpu.memory_space<hbm>>) dst(%arg12 : memref<128x64xf32, #tpu.memory_space<vmem>>)
    %dma_wait3A_624 = arith.constant 0 : i32
    %dma_wait3A_625 = arith.constant 0 : i32
    %dma_wait3A_626 = tpu.memref_slice %arg5[%dma_wait3A_624, %dma_wait3A_625] : memref<20480x64xf32, #tpu.memory_space<hbm>> -> memref<128x64xf32, #tpu.memory_space<hbm>>
    %dma_wait3A_627 = arith.constant 0 : i32
    %dma_wait3A_628 = arith.constant 0 : i32
    %dma_wait3A_629 = tpu.memref_slice %arg5[%dma_wait3A_627, %dma_wait3A_628] : memref<20480x64xf32, #tpu.memory_space<hbm>> -> memref<128x64xf32, #tpu.memory_space<hbm>>
    tpu.wait_dma2 semaphore(%arg23 : memref<!tpu.dma_semaphore, #tpu.memory_space<semaphore_mem>>) src(%arg14 : memref<128x64xf32, #tpu.memory_space<vmem>>) dst(%dma_wait3A_629 : memref<128x64xf32, #tpu.memory_space<hbm>>)
    %add3A_630 = arith.constant 384 : i32
    %add3A_631 = arith.addi %add3A, %add3A_630 : i32
    %dma_start3A_632 = arith.constant 0 : i32
    %dma_start3A_633 = tpu.memref_slice %arg5[%add3A_631, %dma_start3A_632] : memref<20480x64xf32, #tpu.memory_space<hbm>> -> memref<128x64xf32, #tpu.memory_space<hbm>>
    %dma_start3A_634 = arith.constant 0 : i32
    %dma_start3A_635 = tpu.memref_slice %arg5[%add3A_631, %dma_start3A_634] : memref<20480x64xf32, #tpu.memory_space<hbm>> -> memref<128x64xf32, #tpu.memory_space<hbm>>
    tpu.enqueue_dma source(%dma_start3A_635 : memref<128x64xf32, #tpu.memory_space<hbm>>) target(%arg14 : memref<128x64xf32, #tpu.memory_space<vmem>>) target_semaphore(%arg19 : memref<!tpu.dma_semaphore, #tpu.memory_space<semaphore_mem>>)
    %scan3A_636 = arith.constant 0 : i32
    %scan3A_637 = arith.constant 0 : i32
    %scan3A_638 = arith.constant 128 : i32
    %scan3A_639 = arith.addi %scan3A_637, %scan3A_638 : i32
    %scan3A_640 = arith.constant 1 : i32
    %scan3A_641 = scf.for %scan3A_721 = %scan3A_637 to %scan3A_639 step %scan3A_640 iter_args(%scan3A_722 = %scan3A_636) -> (i32)  : i32 {
      %add3A_723 = arith.constant 256 : i32
      %add3A_724 = arith.addi %add3A_723, %scan3A_721 : i32
      %broadcast_in_dim3A_725 = vector.broadcast %add3A_724 : i32 to vector<16xi32>
      %gather3A = tpu.vector_load_idx %arg11[%broadcast_in_dim3A_725] : memref<640xf32, #tpu.memory_space<vmem>>[vector<16xi32>], vector<16xf32>,
      %get3A = arith.index_cast %scan3A_721 : i32 to index
      %get3A_726 = arith.constant 0 : index
      %get3A_727 = tpu.vector_load %arg13[%get3A, %get3A_726] {strides = array<i32>} : memref<128x64xf32, #tpu.memory_space<vmem>>, vector<16xf32>,
      %get3A_728 = arith.index_cast %scan3A_721 : i32 to index
      %get3A_729 = arith.constant 0 : index
      %get3A_730 = tpu.vector_load %arg12[%get3A_728, %get3A_729] {strides = array<i32>} : memref<128x64xf32, #tpu.memory_space<vmem>>, vector<16xf32>,
      %add3A_731 = arith.addf %get3A_727, %get3A_730 : vector<16xf32>
      %mul3A_732 = arith.mulf %gather3A, %add3A_731 : vector<16xf32>
      %swap3A = arith.index_cast %scan3A_721 : i32 to index
      %swap3A_733 = arith.constant 0 : index
      %swap3A_734 = tpu.vector_load %arg12[%swap3A, %swap3A_733] {strides = array<i32>} : memref<128x64xf32, #tpu.memory_space<vmem>>, vector<16xf32>,
      tpu.vector_store %arg12[%swap3A, %swap3A_733], %mul3A_732 {strides = array<i32>} : memref<128x64xf32, #tpu.memory_space<vmem>>, vector<16xf32>,
      %get3A_735 = arith.index_cast %scan3A_721 : i32 to index
      %get3A_736 = arith.constant 16 : index
      %get3A_737 = tpu.vector_load %arg13[%get3A_735, %get3A_736] {strides = array<i32>} : memref<128x64xf32, #tpu.memory_space<vmem>>, vector<16xf32>,
      %get3A_738 = arith.index_cast %scan3A_721 : i32 to index
      %get3A_739 = arith.constant 16 : index
      %get3A_740 = tpu.vector_load %arg12[%get3A_738, %get3A_739] {strides = array<i32>} : memref<128x64xf32, #tpu.memory_space<vmem>>, vector<16xf32>,
      %add3A_741 = arith.addf %get3A_737, %get3A_740 : vector<16xf32>
      %mul3A_742 = arith.mulf %gather3A, %add3A_741 : vector<16xf32>
      %swap3A_743 = arith.index_cast %scan3A_721 : i32 to index
      %swap3A_744 = arith.constant 16 : index
      %swap3A_745 = tpu.vector_load %arg12[%swap3A_743, %swap3A_744] {strides = array<i32>} : memref<128x64xf32, #tpu.memory_space<vmem>>, vector<16xf32>,
      tpu.vector_store %arg12[%swap3A_743, %swap3A_744], %mul3A_742 {strides = array<i32>} : memref<128x64xf32, #tpu.memory_space<vmem>>, vector<16xf32>,
      %get3A_746 = arith.index_cast %scan3A_721 : i32 to index
      %get3A_747 = arith.constant 32 : index
      %get3A_748 = tpu.vector_load %arg13[%get3A_746, %get3A_747] {strides = array<i32>} : memref<128x64xf32, #tpu.memory_space<vmem>>, vector<16xf32>,
      %get3A_749 = arith.index_cast %scan3A_721 : i32 to index
      %get3A_750 = arith.constant 32 : index
      %get3A_751 = tpu.vector_load %arg12[%get3A_749, %get3A_750] {strides = array<i32>} : memref<128x64xf32, #tpu.memory_space<vmem>>, vector<16xf32>,
      %add3A_752 = arith.addf %get3A_748, %get3A_751 : vector<16xf32>
      %mul3A_753 = arith.mulf %gather3A, %add3A_752 : vector<16xf32>
      %swap3A_754 = arith.index_cast %scan3A_721 : i32 to index
      %swap3A_755 = arith.constant 32 : index
      %swap3A_756 = tpu.vector_load %arg12[%swap3A_754, %swap3A_755] {strides = array<i32>} : memref<128x64xf32, #tpu.memory_space<vmem>>, vector<16xf32>,
      tpu.vector_store %arg12[%swap3A_754, %swap3A_755], %mul3A_753 {strides = array<i32>} : memref<128x64xf32, #tpu.memory_space<vmem>>, vector<16xf32>,
      %get3A_757 = arith.index_cast %scan3A_721 : i32 to index
      %get3A_758 = arith.constant 48 : index
      %get3A_759 = tpu.vector_load %arg13[%get3A_757, %get3A_758] {strides = array<i32>} : memref<128x64xf32, #tpu.memory_space<vmem>>, vector<16xf32>,
      %get3A_760 = arith.index_cast %scan3A_721 : i32 to index
      %get3A_761 = arith.constant 48 : index
      %get3A_762 = tpu.vector_load %arg12[%get3A_760, %get3A_761] {strides = array<i32>} : memref<128x64xf32, #tpu.memory_space<vmem>>, vector<16xf32>,
      %add3A_763 = arith.addf %get3A_759, %get3A_762 : vector<16xf32>
      %mul3A_764 = arith.mulf %gather3A, %add3A_763 : vector<16xf32>
      %swap3A_765 = arith.index_cast %scan3A_721 : i32 to index
      %swap3A_766 = arith.constant 48 : index
      %swap3A_767 = tpu.vector_load %arg12[%swap3A_765, %swap3A_766] {strides = array<i32>} : memref<128x64xf32, #tpu.memory_space<vmem>>, vector<16xf32>,
      tpu.vector_store %arg12[%swap3A_765, %swap3A_766], %mul3A_764 {strides = array<i32>} : memref<128x64xf32, #tpu.memory_space<vmem>>, vector<16xf32>,
      %scan3A_768 = arith.constant 0 : i32
      scf.yield %scan3A_768 : i32
    }
    %scan3A_642 = arith.constant 128 : i32
    %add3A_643 = arith.constant 256 : i32
    %add3A_644 = arith.addi %mul3A_0, %add3A_643 : i32
    %dma_start3A_645 = arith.constant 0 : i32
    %dma_start3A_646 = tpu.memref_slice %arg4[%arg0, %add3A_644, %dma_start3A_645] : memref<2x10240x64xf32, #tpu.memory_space<hbm>> -> memref<1x128x64xf32, #tpu.memory_space<hbm>>
    %dma_start3A_647 = tpu.memref_squeeze %dma_start3A_646 : memref<1x128x64xf32, #tpu.memory_space<hbm>> -> memref<128x64xf32, #tpu.memory_space<hbm>>
    %dma_start3A_648 = arith.constant 0 : i32
    %dma_start3A_649 = tpu.memref_slice %arg4[%arg0, %add3A_644, %dma_start3A_648] : memref<2x10240x64xf32, #tpu.memory_space<hbm>> -> memref<1x128x64xf32, #tpu.memory_space<hbm>>
    %dma_start3A_650 = tpu.memref_squeeze %dma_start3A_649 : memref<1x128x64xf32, #tpu.memory_space<hbm>> -> memref<128x64xf32, #tpu.memory_space<hbm>>
    tpu.enqueue_dma source(%arg12 : memref<128x64xf32, #tpu.memory_space<vmem>>) target(%dma_start3A_650 : memref<128x64xf32, #tpu.memory_space<hbm>>) target_semaphore(%arg22 : memref<!tpu.dma_semaphore, #tpu.memory_space<semaphore_mem>>)
    %add3A_651 = arith.constant 384 : i32
    %add3A_652 = arith.addi %mul3A_0, %add3A_651 : i32
    "tpu.region"() ({
      %run_scoped3A_721 = tpu.sem_alloc : memref<!tpu.dma_semaphore, #tpu.memory_space<semaphore_mem>>
      %dma_start3A_722 = arith.constant 0 : i32
      %dma_start3A_723 = tpu.memref_slice %arg6[%add3A_652, %dma_start3A_722] : memref<10240x64xf32, #tpu.memory_space<vmem_shared>> -> memref<128x64xf32, #tpu.memory_space<vmem_shared>>
      %dma_start3A_724 = arith.constant 0 : i32
      %dma_start3A_725 = tpu.memref_slice %arg6[%add3A_652, %dma_start3A_724] : memref<10240x64xf32, #tpu.memory_space<vmem_shared>> -> memref<128x64xf32, #tpu.memory_space<vmem_shared>>
      tpu.enqueue_dma source(%dma_start3A_725 : memref<128x64xf32, #tpu.memory_space<vmem_shared>>) target(%arg13 : memref<128x64xf32, #tpu.memory_space<vmem>>) target_semaphore(%run_scoped3A_721 : memref<!tpu.dma_semaphore, #tpu.memory_space<semaphore_mem>>)
      %dma_wait3A_726 = arith.constant 0 : i32
      %dma_wait3A_727 = tpu.memref_slice %arg6[%add3A_652, %dma_wait3A_726] : memref<10240x64xf32, #tpu.memory_space<vmem_shared>> -> memref<128x64xf32, #tpu.memory_space<vmem_shared>>
      %dma_wait3A_728 = arith.constant 0 : i32
      %dma_wait3A_729 = tpu.memref_slice %arg6[%add3A_652, %dma_wait3A_728] : memref<10240x64xf32, #tpu.memory_space<vmem_shared>> -> memref<128x64xf32, #tpu.memory_space<vmem_shared>>
      tpu.wait_dma2 semaphore(%run_scoped3A_721 : memref<!tpu.dma_semaphore, #tpu.memory_space<semaphore_mem>>) src(%dma_wait3A_729 : memref<128x64xf32, #tpu.memory_space<vmem_shared>>) dst(%arg13 : memref<128x64xf32, #tpu.memory_space<vmem>>)
      tpu.yield
    }) : () -> ()
    %dma_wait3A_653 = arith.constant 0 : i32
    %dma_wait3A_654 = arith.constant 0 : i32
    %dma_wait3A_655 = tpu.memref_slice %arg5[%dma_wait3A_653, %dma_wait3A_654] : memref<20480x64xf32, #tpu.memory_space<hbm>> -> memref<128x64xf32, #tpu.memory_space<hbm>>
    %dma_wait3A_656 = arith.constant 0 : i32
    %dma_wait3A_657 = arith.constant 0 : i32
    %dma_wait3A_658 = tpu.memref_slice %arg5[%dma_wait3A_656, %dma_wait3A_657] : memref<20480x64xf32, #tpu.memory_space<hbm>> -> memref<128x64xf32, #tpu.memory_space<hbm>>
    tpu.wait_dma2 semaphore(%arg19 : memref<!tpu.dma_semaphore, #tpu.memory_space<semaphore_mem>>) src(%dma_wait3A_658 : memref<128x64xf32, #tpu.memory_space<hbm>>) dst(%arg14 : memref<128x64xf32, #tpu.memory_space<vmem>>)
    %dma_wait3A_659 = arith.constant 0 : i32
    %dma_wait3A_660 = arith.constant 0 : i32
    %dma_wait3A_661 = tpu.memref_slice %arg5[%dma_wait3A_659, %dma_wait3A_660] : memref<20480x64xf32, #tpu.memory_space<hbm>> -> memref<128x64xf32, #tpu.memory_space<hbm>>
    %dma_wait3A_662 = arith.constant 0 : i32
    %dma_wait3A_663 = arith.constant 0 : i32
    %dma_wait3A_664 = tpu.memref_slice %arg5[%dma_wait3A_662, %dma_wait3A_663] : memref<20480x64xf32, #tpu.memory_space<hbm>> -> memref<128x64xf32, #tpu.memory_space<hbm>>
    tpu.wait_dma2 semaphore(%arg22 : memref<!tpu.dma_semaphore, #tpu.memory_space<semaphore_mem>>) src(%arg12 : memref<128x64xf32, #tpu.memory_space<vmem>>) dst(%dma_wait3A_664 : memref<128x64xf32, #tpu.memory_space<hbm>>)
    %add3A_665 = arith.constant 512 : i32
    %add3A_666 = arith.addi %add3A, %add3A_665 : i32
    %dma_start3A_667 = arith.constant 0 : i32
    %dma_start3A_668 = tpu.memref_slice %arg5[%add3A_666, %dma_start3A_667] : memref<20480x64xf32, #tpu.memory_space<hbm>> -> memref<128x64xf32, #tpu.memory_space<hbm>>
    %dma_start3A_669 = arith.constant 0 : i32
    %dma_start3A_670 = tpu.memref_slice %arg5[%add3A_666, %dma_start3A_669] : memref<20480x64xf32, #tpu.memory_space<hbm>> -> memref<128x64xf32, #tpu.memory_space<hbm>>
    tpu.enqueue_dma source(%dma_start3A_670 : memref<128x64xf32, #tpu.memory_space<hbm>>) target(%arg12 : memref<128x64xf32, #tpu.memory_space<vmem>>) target_semaphore(%arg18 : memref<!tpu.dma_semaphore, #tpu.memory_space<semaphore_mem>>)
    %scan3A_671 = arith.constant 0 : i32
    %scan3A_672 = arith.constant 0 : i32
    %scan3A_673 = arith.constant 128 : i32
    %scan3A_674 = arith.addi %scan3A_672, %scan3A_673 : i32
    %scan3A_675 = arith.constant 1 : i32
    %scan3A_676 = scf.for %scan3A_721 = %scan3A_672 to %scan3A_674 step %scan3A_675 iter_args(%scan3A_722 = %scan3A_671) -> (i32)  : i32 {
      %add3A_723 = arith.constant 384 : i32
      %add3A_724 = arith.addi %add3A_723, %scan3A_721 : i32
      %broadcast_in_dim3A_725 = vector.broadcast %add3A_724 : i32 to vector<16xi32>
      %gather3A = tpu.vector_load_idx %arg11[%broadcast_in_dim3A_725] : memref<640xf32, #tpu.memory_space<vmem>>[vector<16xi32>], vector<16xf32>,
      %get3A = arith.index_cast %scan3A_721 : i32 to index
      %get3A_726 = arith.constant 0 : index
      %get3A_727 = tpu.vector_load %arg13[%get3A, %get3A_726] {strides = array<i32>} : memref<128x64xf32, #tpu.memory_space<vmem>>, vector<16xf32>,
      %get3A_728 = arith.index_cast %scan3A_721 : i32 to index
      %get3A_729 = arith.constant 0 : index
      %get3A_730 = tpu.vector_load %arg14[%get3A_728, %get3A_729] {strides = array<i32>} : memref<128x64xf32, #tpu.memory_space<vmem>>, vector<16xf32>,
      %add3A_731 = arith.addf %get3A_727, %get3A_730 : vector<16xf32>
      %mul3A_732 = arith.mulf %gather3A, %add3A_731 : vector<16xf32>
      %swap3A = arith.index_cast %scan3A_721 : i32 to index
      %swap3A_733 = arith.constant 0 : index
      %swap3A_734 = tpu.vector_load %arg14[%swap3A, %swap3A_733] {strides = array<i32>} : memref<128x64xf32, #tpu.memory_space<vmem>>, vector<16xf32>,
      tpu.vector_store %arg14[%swap3A, %swap3A_733], %mul3A_732 {strides = array<i32>} : memref<128x64xf32, #tpu.memory_space<vmem>>, vector<16xf32>,
      %get3A_735 = arith.index_cast %scan3A_721 : i32 to index
      %get3A_736 = arith.constant 16 : index
      %get3A_737 = tpu.vector_load %arg13[%get3A_735, %get3A_736] {strides = array<i32>} : memref<128x64xf32, #tpu.memory_space<vmem>>, vector<16xf32>,
      %get3A_738 = arith.index_cast %scan3A_721 : i32 to index
      %get3A_739 = arith.constant 16 : index
      %get3A_740 = tpu.vector_load %arg14[%get3A_738, %get3A_739] {strides = array<i32>} : memref<128x64xf32, #tpu.memory_space<vmem>>, vector<16xf32>,
      %add3A_741 = arith.addf %get3A_737, %get3A_740 : vector<16xf32>
      %mul3A_742 = arith.mulf %gather3A, %add3A_741 : vector<16xf32>
      %swap3A_743 = arith.index_cast %scan3A_721 : i32 to index
      %swap3A_744 = arith.constant 16 : index
      %swap3A_745 = tpu.vector_load %arg14[%swap3A_743, %swap3A_744] {strides = array<i32>} : memref<128x64xf32, #tpu.memory_space<vmem>>, vector<16xf32>,
      tpu.vector_store %arg14[%swap3A_743, %swap3A_744], %mul3A_742 {strides = array<i32>} : memref<128x64xf32, #tpu.memory_space<vmem>>, vector<16xf32>,
      %get3A_746 = arith.index_cast %scan3A_721 : i32 to index
      %get3A_747 = arith.constant 32 : index
      %get3A_748 = tpu.vector_load %arg13[%get3A_746, %get3A_747] {strides = array<i32>} : memref<128x64xf32, #tpu.memory_space<vmem>>, vector<16xf32>,
      %get3A_749 = arith.index_cast %scan3A_721 : i32 to index
      %get3A_750 = arith.constant 32 : index
      %get3A_751 = tpu.vector_load %arg14[%get3A_749, %get3A_750] {strides = array<i32>} : memref<128x64xf32, #tpu.memory_space<vmem>>, vector<16xf32>,
      %add3A_752 = arith.addf %get3A_748, %get3A_751 : vector<16xf32>
      %mul3A_753 = arith.mulf %gather3A, %add3A_752 : vector<16xf32>
      %swap3A_754 = arith.index_cast %scan3A_721 : i32 to index
      %swap3A_755 = arith.constant 32 : index
      %swap3A_756 = tpu.vector_load %arg14[%swap3A_754, %swap3A_755] {strides = array<i32>} : memref<128x64xf32, #tpu.memory_space<vmem>>, vector<16xf32>,
      tpu.vector_store %arg14[%swap3A_754, %swap3A_755], %mul3A_753 {strides = array<i32>} : memref<128x64xf32, #tpu.memory_space<vmem>>, vector<16xf32>,
      %get3A_757 = arith.index_cast %scan3A_721 : i32 to index
      %get3A_758 = arith.constant 48 : index
      %get3A_759 = tpu.vector_load %arg13[%get3A_757, %get3A_758] {strides = array<i32>} : memref<128x64xf32, #tpu.memory_space<vmem>>, vector<16xf32>,
      %get3A_760 = arith.index_cast %scan3A_721 : i32 to index
      %get3A_761 = arith.constant 48 : index
      %get3A_762 = tpu.vector_load %arg14[%get3A_760, %get3A_761] {strides = array<i32>} : memref<128x64xf32, #tpu.memory_space<vmem>>, vector<16xf32>,
      %add3A_763 = arith.addf %get3A_759, %get3A_762 : vector<16xf32>
      %mul3A_764 = arith.mulf %gather3A, %add3A_763 : vector<16xf32>
      %swap3A_765 = arith.index_cast %scan3A_721 : i32 to index
      %swap3A_766 = arith.constant 48 : index
      %swap3A_767 = tpu.vector_load %arg14[%swap3A_765, %swap3A_766] {strides = array<i32>} : memref<128x64xf32, #tpu.memory_space<vmem>>, vector<16xf32>,
      tpu.vector_store %arg14[%swap3A_765, %swap3A_766], %mul3A_764 {strides = array<i32>} : memref<128x64xf32, #tpu.memory_space<vmem>>, vector<16xf32>,
      %scan3A_768 = arith.constant 0 : i32
      scf.yield %scan3A_768 : i32
    }
    %scan3A_677 = arith.constant 128 : i32
    %add3A_678 = arith.constant 384 : i32
    %add3A_679 = arith.addi %mul3A_0, %add3A_678 : i32
    %dma_start3A_680 = arith.constant 0 : i32
    %dma_start3A_681 = tpu.memref_slice %arg4[%arg0, %add3A_679, %dma_start3A_680] : memref<2x10240x64xf32, #tpu.memory_space<hbm>> -> memref<1x128x64xf32, #tpu.memory_space<hbm>>
    %dma_start3A_682 = tpu.memref_squeeze %dma_start3A_681 : memref<1x128x64xf32, #tpu.memory_space<hbm>> -> memref<128x64xf32, #tpu.memory_space<hbm>>
    %dma_start3A_683 = arith.constant 0 : i32
    %dma_start3A_684 = tpu.memref_slice %arg4[%arg0, %add3A_679, %dma_start3A_683] : memref<2x10240x64xf32, #tpu.memory_space<hbm>> -> memref<1x128x64xf32, #tpu.memory_space<hbm>>
    %dma_start3A_685 = tpu.memref_squeeze %dma_start3A_684 : memref<1x128x64xf32, #tpu.memory_space<hbm>> -> memref<128x64xf32, #tpu.memory_space<hbm>>
    tpu.enqueue_dma source(%arg14 : memref<128x64xf32, #tpu.memory_space<vmem>>) target(%dma_start3A_685 : memref<128x64xf32, #tpu.memory_space<hbm>>) target_semaphore(%arg23 : memref<!tpu.dma_semaphore, #tpu.memory_space<semaphore_mem>>)
    %add3A_686 = arith.constant 512 : i32
    %add3A_687 = arith.addi %mul3A_0, %add3A_686 : i32
    "tpu.region"() ({
      %run_scoped3A_721 = tpu.sem_alloc : memref<!tpu.dma_semaphore, #tpu.memory_space<semaphore_mem>>
      %dma_start3A_722 = arith.constant 0 : i32
      %dma_start3A_723 = tpu.memref_slice %arg6[%add3A_687, %dma_start3A_722] : memref<10240x64xf32, #tpu.memory_space<vmem_shared>> -> memref<128x64xf32, #tpu.memory_space<vmem_shared>>
      %dma_start3A_724 = arith.constant 0 : i32
      %dma_start3A_725 = tpu.memref_slice %arg6[%add3A_687, %dma_start3A_724] : memref<10240x64xf32, #tpu.memory_space<vmem_shared>> -> memref<128x64xf32, #tpu.memory_space<vmem_shared>>
      tpu.enqueue_dma source(%dma_start3A_725 : memref<128x64xf32, #tpu.memory_space<vmem_shared>>) target(%arg13 : memref<128x64xf32, #tpu.memory_space<vmem>>) target_semaphore(%run_scoped3A_721 : memref<!tpu.dma_semaphore, #tpu.memory_space<semaphore_mem>>)
      %dma_wait3A_726 = arith.constant 0 : i32
      %dma_wait3A_727 = tpu.memref_slice %arg6[%add3A_687, %dma_wait3A_726] : memref<10240x64xf32, #tpu.memory_space<vmem_shared>> -> memref<128x64xf32, #tpu.memory_space<vmem_shared>>
      %dma_wait3A_728 = arith.constant 0 : i32
      %dma_wait3A_729 = tpu.memref_slice %arg6[%add3A_687, %dma_wait3A_728] : memref<10240x64xf32, #tpu.memory_space<vmem_shared>> -> memref<128x64xf32, #tpu.memory_space<vmem_shared>>
      tpu.wait_dma2 semaphore(%run_scoped3A_721 : memref<!tpu.dma_semaphore, #tpu.memory_space<semaphore_mem>>) src(%dma_wait3A_729 : memref<128x64xf32, #tpu.memory_space<vmem_shared>>) dst(%arg13 : memref<128x64xf32, #tpu.memory_space<vmem>>)
      tpu.yield
    }) : () -> ()
    %dma_wait3A_688 = arith.constant 0 : i32
    %dma_wait3A_689 = arith.constant 0 : i32
    %dma_wait3A_690 = tpu.memref_slice %arg5[%dma_wait3A_688, %dma_wait3A_689] : memref<20480x64xf32, #tpu.memory_space<hbm>> -> memref<128x64xf32, #tpu.memory_space<hbm>>
    %dma_wait3A_691 = arith.constant 0 : i32
    %dma_wait3A_692 = arith.constant 0 : i32
    %dma_wait3A_693 = tpu.memref_slice %arg5[%dma_wait3A_691, %dma_wait3A_692] : memref<20480x64xf32, #tpu.memory_space<hbm>> -> memref<128x64xf32, #tpu.memory_space<hbm>>
    tpu.wait_dma2 semaphore(%arg18 : memref<!tpu.dma_semaphore, #tpu.memory_space<semaphore_mem>>) src(%dma_wait3A_693 : memref<128x64xf32, #tpu.memory_space<hbm>>) dst(%arg12 : memref<128x64xf32, #tpu.memory_space<vmem>>)
    %scan3A_694 = arith.constant 0 : i32
    %scan3A_695 = arith.constant 0 : i32
    %scan3A_696 = arith.constant 128 : i32
    %scan3A_697 = arith.addi %scan3A_695, %scan3A_696 : i32
    %scan3A_698 = arith.constant 1 : i32
    %scan3A_699 = scf.for %scan3A_721 = %scan3A_695 to %scan3A_697 step %scan3A_698 iter_args(%scan3A_722 = %scan3A_694) -> (i32)  : i32 {
      %add3A_723 = arith.constant 512 : i32
      %add3A_724 = arith.addi %add3A_723, %scan3A_721 : i32
      %broadcast_in_dim3A_725 = vector.broadcast %add3A_724 : i32 to vector<16xi32>
      %gather3A = tpu.vector_load_idx %arg11[%broadcast_in_dim3A_725] : memref<640xf32, #tpu.memory_space<vmem>>[vector<16xi32>], vector<16xf32>,
      %get3A = arith.index_cast %scan3A_721 : i32 to index
      %get3A_726 = arith.constant 0 : index
      %get3A_727 = tpu.vector_load %arg13[%get3A, %get3A_726] {strides = array<i32>} : memref<128x64xf32, #tpu.memory_space<vmem>>, vector<16xf32>,
      %get3A_728 = arith.index_cast %scan3A_721 : i32 to index
      %get3A_729 = arith.constant 0 : index
      %get3A_730 = tpu.vector_load %arg12[%get3A_728, %get3A_729] {strides = array<i32>} : memref<128x64xf32, #tpu.memory_space<vmem>>, vector<16xf32>,
      %add3A_731 = arith.addf %get3A_727, %get3A_730 : vector<16xf32>
      %mul3A_732 = arith.mulf %gather3A, %add3A_731 : vector<16xf32>
      %swap3A = arith.index_cast %scan3A_721 : i32 to index
      %swap3A_733 = arith.constant 0 : index
      %swap3A_734 = tpu.vector_load %arg12[%swap3A, %swap3A_733] {strides = array<i32>} : memref<128x64xf32, #tpu.memory_space<vmem>>, vector<16xf32>,
      tpu.vector_store %arg12[%swap3A, %swap3A_733], %mul3A_732 {strides = array<i32>} : memref<128x64xf32, #tpu.memory_space<vmem>>, vector<16xf32>,
      %get3A_735 = arith.index_cast %scan3A_721 : i32 to index
      %get3A_736 = arith.constant 16 : index
      %get3A_737 = tpu.vector_load %arg13[%get3A_735, %get3A_736] {strides = array<i32>} : memref<128x64xf32, #tpu.memory_space<vmem>>, vector<16xf32>,
      %get3A_738 = arith.index_cast %scan3A_721 : i32 to index
      %get3A_739 = arith.constant 16 : index
      %get3A_740 = tpu.vector_load %arg12[%get3A_738, %get3A_739] {strides = array<i32>} : memref<128x64xf32, #tpu.memory_space<vmem>>, vector<16xf32>,
      %add3A_741 = arith.addf %get3A_737, %get3A_740 : vector<16xf32>
      %mul3A_742 = arith.mulf %gather3A, %add3A_741 : vector<16xf32>
      %swap3A_743 = arith.index_cast %scan3A_721 : i32 to index
      %swap3A_744 = arith.constant 16 : index
      %swap3A_745 = tpu.vector_load %arg12[%swap3A_743, %swap3A_744] {strides = array<i32>} : memref<128x64xf32, #tpu.memory_space<vmem>>, vector<16xf32>,
      tpu.vector_store %arg12[%swap3A_743, %swap3A_744], %mul3A_742 {strides = array<i32>} : memref<128x64xf32, #tpu.memory_space<vmem>>, vector<16xf32>,
      %get3A_746 = arith.index_cast %scan3A_721 : i32 to index
      %get3A_747 = arith.constant 32 : index
      %get3A_748 = tpu.vector_load %arg13[%get3A_746, %get3A_747] {strides = array<i32>} : memref<128x64xf32, #tpu.memory_space<vmem>>, vector<16xf32>,
      %get3A_749 = arith.index_cast %scan3A_721 : i32 to index
      %get3A_750 = arith.constant 32 : index
      %get3A_751 = tpu.vector_load %arg12[%get3A_749, %get3A_750] {strides = array<i32>} : memref<128x64xf32, #tpu.memory_space<vmem>>, vector<16xf32>,
      %add3A_752 = arith.addf %get3A_748, %get3A_751 : vector<16xf32>
      %mul3A_753 = arith.mulf %gather3A, %add3A_752 : vector<16xf32>
      %swap3A_754 = arith.index_cast %scan3A_721 : i32 to index
      %swap3A_755 = arith.constant 32 : index
      %swap3A_756 = tpu.vector_load %arg12[%swap3A_754, %swap3A_755] {strides = array<i32>} : memref<128x64xf32, #tpu.memory_space<vmem>>, vector<16xf32>,
      tpu.vector_store %arg12[%swap3A_754, %swap3A_755], %mul3A_753 {strides = array<i32>} : memref<128x64xf32, #tpu.memory_space<vmem>>, vector<16xf32>,
      %get3A_757 = arith.index_cast %scan3A_721 : i32 to index
      %get3A_758 = arith.constant 48 : index
      %get3A_759 = tpu.vector_load %arg13[%get3A_757, %get3A_758] {strides = array<i32>} : memref<128x64xf32, #tpu.memory_space<vmem>>, vector<16xf32>,
      %get3A_760 = arith.index_cast %scan3A_721 : i32 to index
      %get3A_761 = arith.constant 48 : index
      %get3A_762 = tpu.vector_load %arg12[%get3A_760, %get3A_761] {strides = array<i32>} : memref<128x64xf32, #tpu.memory_space<vmem>>, vector<16xf32>,
      %add3A_763 = arith.addf %get3A_759, %get3A_762 : vector<16xf32>
      %mul3A_764 = arith.mulf %gather3A, %add3A_763 : vector<16xf32>
      %swap3A_765 = arith.index_cast %scan3A_721 : i32 to index
      %swap3A_766 = arith.constant 48 : index
      %swap3A_767 = tpu.vector_load %arg12[%swap3A_765, %swap3A_766] {strides = array<i32>} : memref<128x64xf32, #tpu.memory_space<vmem>>, vector<16xf32>,
      tpu.vector_store %arg12[%swap3A_765, %swap3A_766], %mul3A_764 {strides = array<i32>} : memref<128x64xf32, #tpu.memory_space<vmem>>, vector<16xf32>,
      %scan3A_768 = arith.constant 0 : i32
      scf.yield %scan3A_768 : i32
    }
    %scan3A_700 = arith.constant 128 : i32
    %add3A_701 = arith.constant 512 : i32
    %add3A_702 = arith.addi %mul3A_0, %add3A_701 : i32
    %dma_start3A_703 = arith.constant 0 : i32
    %dma_start3A_704 = tpu.memref_slice %arg4[%arg0, %add3A_702, %dma_start3A_703] : memref<2x10240x64xf32, #tpu.memory_space<hbm>> -> memref<1x128x64xf32, #tpu.memory_space<hbm>>
    %dma_start3A_705 = tpu.memref_squeeze %dma_start3A_704 : memref<1x128x64xf32, #tpu.memory_space<hbm>> -> memref<128x64xf32, #tpu.memory_space<hbm>>
    %dma_start3A_706 = arith.constant 0 : i32
    %dma_start3A_707 = tpu.memref_slice %arg4[%arg0, %add3A_702, %dma_start3A_706] : memref<2x10240x64xf32, #tpu.memory_space<hbm>> -> memref<1x128x64xf32, #tpu.memory_space<hbm>>
    %dma_start3A_708 = tpu.memref_squeeze %dma_start3A_707 : memref<1x128x64xf32, #tpu.memory_space<hbm>> -> memref<128x64xf32, #tpu.memory_space<hbm>>
    tpu.enqueue_dma source(%arg12 : memref<128x64xf32, #tpu.memory_space<vmem>>) target(%dma_start3A_708 : memref<128x64xf32, #tpu.memory_space<hbm>>) target_semaphore(%arg22 : memref<!tpu.dma_semaphore, #tpu.memory_space<semaphore_mem>>)
    %dma_wait3A_709 = arith.constant 0 : i32
    %dma_wait3A_710 = arith.constant 0 : i32
    %dma_wait3A_711 = tpu.memref_slice %arg5[%dma_wait3A_709, %dma_wait3A_710] : memref<20480x64xf32, #tpu.memory_space<hbm>> -> memref<128x64xf32, #tpu.memory_space<hbm>>
    %dma_wait3A_712 = arith.constant 0 : i32
    %dma_wait3A_713 = arith.constant 0 : i32
    %dma_wait3A_714 = tpu.memref_slice %arg5[%dma_wait3A_712, %dma_wait3A_713] : memref<20480x64xf32, #tpu.memory_space<hbm>> -> memref<128x64xf32, #tpu.memory_space<hbm>>
    tpu.wait_dma2 semaphore(%arg22 : memref<!tpu.dma_semaphore, #tpu.memory_space<semaphore_mem>>) src(%dma_wait3A_714 : memref<128x64xf32, #tpu.memory_space<hbm>>) dst(%arg12 : memref<128x64xf32, #tpu.memory_space<vmem>>)
    %dma_wait3A_715 = arith.constant 0 : i32
    %dma_wait3A_716 = arith.constant 0 : i32
    %dma_wait3A_717 = tpu.memref_slice %arg5[%dma_wait3A_715, %dma_wait3A_716] : memref<20480x64xf32, #tpu.memory_space<hbm>> -> memref<128x64xf32, #tpu.memory_space<hbm>>
    %dma_wait3A_718 = arith.constant 0 : i32
    %dma_wait3A_719 = arith.constant 0 : i32
    %dma_wait3A_720 = tpu.memref_slice %arg5[%dma_wait3A_718, %dma_wait3A_719] : memref<20480x64xf32, #tpu.memory_space<hbm>> -> memref<128x64xf32, #tpu.memory_space<hbm>>
    tpu.wait_dma2 semaphore(%arg23 : memref<!tpu.dma_semaphore, #tpu.memory_space<semaphore_mem>>) src(%dma_wait3A_720 : memref<128x64xf32, #tpu.memory_space<hbm>>) dst(%arg14 : memref<128x64xf32, #tpu.memory_space<vmem>>)
    "tpu.trace_stop"() : () -> ()
    return
  }
}

module attributes {stable_mosaic.version = 14 : i64} {
  func.func @_linsoftmax_body(%arg0: i32, %arg1: memref<1x2000x64xf32, #tpu.memory_space<vmem>>, %arg2: memref<1x2000x64xf32, #tpu.memory_space<vmem>>, %arg3: memref<128x64xf32, #tpu.memory_space<vmem>>, %arg4: memref<1x64xf32, #tpu.memory_space<vmem>>, %arg5: memref<2000x64xf32, #tpu.memory_space<vmem>>) attributes {dimension_semantics = [#tpu.dimension_semantics<arbitrary>], iteration_bounds = array<i64: 5>, scalar_prefetch = 0 : i64, scratch_operands = 0 : i64, tpu.core_type = #tpu.core_type<tc>, window_params = [{transform_indices = @transform_0, window_bounds = array<i64: 1, 2000, 64>}, {transform_indices = @transform_1, window_bounds = array<i64: 1, 2000, 64>}, {pipeline_mode = #tpu.pipeline_mode<synchronous>, transform_indices = @transform_2, window_bounds = array<i64: 128, 64>}, {pipeline_mode = #tpu.pipeline_mode<synchronous>, transform_indices = @transform_3, window_bounds = array<i64: 1, 64>}, {transform_indices = @transform_4, window_bounds = array<i64: 2000, 64>}]} {
    %get3A = arith.constant 0 : index
    %get3A_0 = arith.constant 0 : index
    %get3A_1 = arith.constant 0 : index
    %get3A_2 = vector.load %arg1[%get3A, %get3A_0, %get3A_1] : memref<1x2000x64xf32, #tpu.memory_space<vmem>>, vector<1x2000x64xf32>
    %get3A_3 = vector.shape_cast %get3A_2 : vector<1x2000x64xf32> to vector<2000x64xf32>
    %get3A_4 = arith.constant 0 : index
    %get3A_5 = arith.constant 0 : index
    %get3A_6 = vector.load %arg3[%get3A_4, %get3A_5] : memref<128x64xf32, #tpu.memory_space<vmem>>, vector<64x64xf32>
    %dot_general3A = arith.constant dense<0.000000e+00> : vector<2000x64xf32>
    %dot_general3A_7 = tpu.matmul %get3A_3, %get3A_6, %dot_general3A {dimension_numbers = #tpu.dot_dimension_numbers<[1], [0], [0], [1], [0, 0, 1, 1], [], []>, transpose_lhs_hint = false} : vector<2000x64xf32>, vector<64x64xf32>, vector<2000x64xf32> -> vector<2000x64xf32>
    %get3A_8 = arith.constant 0 : index
    %get3A_9 = arith.constant 0 : index
    %get3A_10 = arith.constant 0 : index
    %get3A_11 = vector.load %arg2[%get3A_8, %get3A_9, %get3A_10] : memref<1x2000x64xf32, #tpu.memory_space<vmem>>, vector<1x2000x64xf32>
    %get3A_12 = vector.shape_cast %get3A_11 : vector<1x2000x64xf32> to vector<2000x64xf32>
    %get3A_13 = arith.constant 64 : index
    %get3A_14 = arith.constant 0 : index
    %get3A_15 = vector.load %arg3[%get3A_13, %get3A_14] : memref<128x64xf32, #tpu.memory_space<vmem>>, vector<64x64xf32>
    %dot_general3A_16 = arith.constant dense<0.000000e+00> : vector<2000x64xf32>
    %dot_general3A_17 = tpu.matmul %get3A_12, %get3A_15, %dot_general3A_16 {dimension_numbers = #tpu.dot_dimension_numbers<[1], [0], [0], [1], [0, 0, 1, 1], [], []>, transpose_lhs_hint = false} : vector<2000x64xf32>, vector<64x64xf32>, vector<2000x64xf32> -> vector<2000x64xf32>
    %add3A = arith.addf %dot_general3A_7, %dot_general3A_17 : vector<2000x64xf32>
    %get3A_18 = arith.constant 0 : index
    %get3A_19 = arith.constant 0 : index
    %get3A_20 = vector.load %arg4[%get3A_18, %get3A_19] : memref<1x64xf32, #tpu.memory_space<vmem>>, vector<1x64xf32>
    %add3A_21 = vector.broadcast %get3A_20 : vector<1x64xf32> to vector<2000x64xf32>
    %add3A_22 = arith.addf %add3A, %add3A_21 : vector<2000x64xf32>
    %reduce_max3A = arith.constant dense<0xFF800000> : vector<2000xf32>
    %reduce_max3A_23 = vector.multi_reduction <maximumf>, %add3A_22, %reduce_max3A [1] : vector<2000x64xf32> to vector<2000xf32>
    %broadcast_in_dim3A = vector.shape_cast %reduce_max3A_23 : vector<2000xf32> to vector<2000x1xf32>
    %sub3A = vector.broadcast %broadcast_in_dim3A : vector<2000x1xf32> to vector<2000x64xf32>
    %sub3A_24 = arith.subf %add3A_22, %sub3A : vector<2000x64xf32>
    %exp3A = math.exp %sub3A_24 : vector<2000x64xf32>
    %reduce_sum3A = arith.constant dense<0.000000e+00> : vector<2000xf32>
    %reduce_sum3A_25 = vector.multi_reduction <add>, %exp3A, %reduce_sum3A [1] : vector<2000x64xf32> to vector<2000xf32>
    %broadcast_in_dim3A_26 = vector.shape_cast %reduce_sum3A_25 : vector<2000xf32> to vector<2000x1xf32>
    %div3A = vector.broadcast %broadcast_in_dim3A_26 : vector<2000x1xf32> to vector<2000x64xf32>
    %div3A_27 = arith.divf %exp3A, %div3A : vector<2000x64xf32>
    %swap3A = arith.constant 0 : index
    %swap3A_28 = arith.constant 0 : index
    %swap3A_29 = vector.load %arg5[%swap3A, %swap3A_28] : memref<2000x64xf32, #tpu.memory_space<vmem>>, vector<2000x64xf32>
    tpu.vector_store %arg5[%swap3A, %swap3A_28], %div3A_27 {strides = array<i32>} : memref<2000x64xf32, #tpu.memory_space<vmem>>, vector<2000x64xf32>,
    return
  }
  func.func @transform_0(%arg0: i32) -> (i32, i32, i32) {
    %c0_i32 = arith.constant 0 : i32
    %c0_i32_0 = arith.constant 0 : i32
    %c0_i32_1 = arith.constant 0 : i32
    return %c0_i32, %arg0, %c0_i32_0 : i32, i32, i32
  }
  func.func @transform_1(%arg0: i32) -> (i32, i32, i32) {
    %c1_i32 = arith.constant 1 : i32
    %c0_i32 = arith.constant 0 : i32
    %c0_i32_0 = arith.constant 0 : i32
    return %c1_i32, %arg0, %c0_i32 : i32, i32, i32
  }
  func.func @transform_2(%arg0: i32) -> (i32, i32) {
    %c0_i32 = arith.constant 0 : i32
    %c0_i32_0 = arith.constant 0 : i32
    %c0_i32_1 = arith.constant 0 : i32
    return %c0_i32, %c0_i32_0 : i32, i32
  }
  func.func @transform_3(%arg0: i32) -> (i32, i32) {
    %c0_i32 = arith.constant 0 : i32
    %c0_i32_0 = arith.constant 0 : i32
    %c0_i32_1 = arith.constant 0 : i32
    return %c0_i32, %c0_i32_0 : i32, i32
  }
  func.func @transform_4(%arg0: i32) -> (i32, i32) {
    %c0_i32 = arith.constant 0 : i32
    %c0_i32_0 = arith.constant 0 : i32
    return %arg0, %c0_i32 : i32, i32
  }
}

</mosaic_0001>

<sc_bundles>
// kernel: kernel.4.cloned.1.call-start
scs
__scs_entry_jumppad:
0x0: {  	(pc) =	sbr.rel $0x88, $3  }
0x1: {  	(tag) =	ssettag $0x0;
	lr =	simm.s32 $0x1  }
0x2: {  	[smem:$0x3F9D] =	sst lr;
	_ =	strace $0xD0000000  }
0x3: {  	_ = 	snop  }
0x4: {  	_ = 	snop  }
0x5: {  	_ = 	snop  }
0x6: {  	_ = 	snop  }
0x7: {  	_ = 	snop  }
__scs_overlays_trampoline_lowered:
0x8: {  	[smem:$0x3FAC] =	sst s0  }
0x9: {  	[smem:$0x3FAD] =	sst s1  }
0xa: {  	[smem:$0x3FAE] =	sst s2  }
0xb: {  	[smem:$0x3FAF] =	sst s3  }
0xc: {  	[smem:$0x3FB0] =	sst s4  }
0xd: {  	[smem:$0x3FB1] =	sst s5  }
0xe: {  	[smem:$0x3FB2] =	sst s6  }
0xf: {  	[smem:$0x3FB3] =	sst s7  }
0x10: {  	[smem:$0x3FB4] =	sst s8  }
0x11: {  	[smem:$0x3FB5] =	sst s9;
	s0 =	simm.s32 @!p0 $0x0  }
0x12: {  	s1 =	sld [smem:$0x3F9B];
	s0 =	simm.s32 @p0 $0x1  }
0x13: {  	[smem:$0x3FB6] =	sst s0;
	s0 =	simm.s32 @!p1 $0x0  }
0x14: {  	s2 =	sld [smem:$0x3F9A];
	s0 =	simm.s32 @p1 $0x1  }
0x15: {  	[smem:$0x3FB7] =	sst s0;
	s0 =	simm.s32 @!p2 $0x0  }
0x16: {  	s3 =	sld [smem:$0x3FDB];
	s0 =	simm.s32 @p2 $0x1  }
0x17: {  	s4 =	simm.s32 $0x1BF5;
	[smem:$0x3FB9] =	sst s0  }
0x18: {  	s0 =	sld [smem:$0x3F9C];
	_ =	swait.ge [sflag:s4], $0x0  }
0x19: {  	s7 =	sld [smem:$0x3F9D]  }
0x1a: {  	s8 =	sadd.s32 $0xFFFFE003, lr  }
0x1b: {  	s9 =	sadd.s32 $0xFFFFFEF7, lr;
	s5 =	simm.s32 $0xFFFFFFFF;
	p2 =	slt.u32 s8, $0xFFFFF086  }
0x1c: {  	p1 =	slt.u32 s9, $0xF7A;
	s5 =	simm.s32 @!p2 $0x0  }
0x1d: {  	s5 =	simm.s32 @p1 $0x1;
	p0 =	seq.s32 s7, s2  }
0x1e: {  	s7 =	smul.u32 @!p0 $0xF7A, s2;
	p2 =	seq.s32 @!p0 s5, $0x0  }
0x1f: {  	s9 =	smul.u32 $0xF7A, s1;
	s8 =	simm.s32 @!p0 $0x1BF5;
	p2 =	por !p2, p0  }
0x20: {  	[sflag:s8] =	ssyncset.s32 @!p0 $0xFFFFF086;
	s6 =	sadd.s32 @!p0 s3, s7;
	s7 =	simm.s32 @!p0 $0x108  }
0x21: {  	s3 =	sadd.s32 s3, s9;
	s6 =	sadd.s32 @!p0 $0x88, s6;
	s7 =	simm.s32 @p2 $0x1082  }
0x22: {  	[simem:s7], [sflag:s8] =	dma.local @!p0 [hbm:s6], $0xF7A  }
0x23: {  	s9 =	sor.u32 $0xD0000000, s2;
	s6 =	simm.s32 $0x108;
	_ =	swait.ge @!p0 [sflag:s8], $0x0  }
0x24: {  	s3 =	sadd.s32 $0x88, s3;
	s6 =	simm.s32 @!p1 $0x1082;
	[sflag:s4] =	ssyncset.s32 $0xFFFFF086  }
0x25: {  	[simem:s6], [sflag:s4] =	dma.local [hbm:s3], $0xF7A  }
0x26: {  	[smem:$0x3F9D] =	sst s1;
	(tag) =	ssettag s2;
	_ =	strace s9  }
0x27: {  	s1 =	sld [smem:$0x3FAD]  }
0x28: {  	s2 =	sld [smem:$0x3FAE]  }
0x29: {  	s4 =	sld [smem:$0x3FB0]  }
0x2a: {  	p0 =	seq.s32 s5, $0x0;
	s5 =	sld [smem:$0x3FB1]  }
0x2b: {  	s6 =	sld [smem:$0x3FB2]  }
0x2c: {  	s7 =	sld [smem:$0x3FB3]  }
0x2d: {  	s3 =	simm.s32 $0x108;
	s8 =	sld [smem:$0x3FB4]  }
0x2e: {  	s3 =	simm.s32 @!p0 $0x1082;
	s9 =	sld [smem:$0x3FB5]  }
0x2f: {  	lr =	sadd.s32 s0, s3;
	s0 =	sld [smem:$0x3FAC]  }
0x30: {  	s3 =	sld [smem:$0x3FAF]  }
0x31: {  	[smem:$0x3FB8] =	sst s10  }
0x32: {  	s10 =	sld [smem:$0x3FB6];
	_ =	sdelay $0x3  }
0x33: {  	p0 =	seq.s32 s10, $0x1;
	s10 =	sld [smem:$0x3FB8];
	_ =	sdelay $0x3  }
0x34: {  	[smem:$0x3FB8] =	sst s10  }
0x35: {  	s10 =	sld [smem:$0x3FB7];
	_ =	sdelay $0x3  }
0x36: {  	p1 =	seq.s32 s10, $0x1;
	s10 =	sld [smem:$0x3FB8];
	_ =	sdelay $0x3  }
0x37: {  	[smem:$0x3FB8] =	sst s10  }
0x38: {  	s10 =	sld [smem:$0x3FB9]  }
0x39: {  	_ = 	snop;
	(pc) =	sbr.ind lr, $3  }
0x3a: {  	_ = 	snop  }
0x3b: {  	_ = 	snop  }
0x3c: {  	p2 =	seq.s32 s10, $0x1;
	s10 =	sld [smem:$0x3FB8]  }
0x3d: {  	_ =	shalt  }
0x3e: {  	_ =	shalt  }
0x3f: {  	_ =	shalt  }
0x40: {  	_ =	shalt  }
0x41: {  	_ =	shalt  }
0x42: {  	_ =	shalt  }
0x43: {  	_ =	shalt  }
0x44: {  	_ =	shalt  }
0x45: {  	_ =	shalt  }
0x46: {  	_ =	shalt  }
0x47: {  	_ =	shalt  }
0x48: {  	_ =	shalt  }
0x49: {  	_ =	shalt  }
0x4a: {  	_ =	shalt  }
0x4b: {  	_ =	shalt  }
0x4c: {  	_ =	shalt  }
0x4d: {  	_ =	shalt  }
0x4e: {  	_ =	shalt  }
0x4f: {  	_ =	shalt  }
0x50: {  	_ =	shalt  }
0x51: {  	_ =	shalt  }
0x52: {  	_ =	shalt  }
0x53: {  	_ =	shalt  }
0x54: {  	_ =	shalt  }
0x55: {  	_ =	shalt  }
0x56: {  	_ =	shalt  }
0x57: {  	_ =	shalt  }
0x58: {  	_ =	shalt  }
0x59: {  	_ =	shalt  }
0x5a: {  	_ =	shalt  }
0x5b: {  	_ =	shalt  }
0x5c: {  	_ =	shalt  }
0x5d: {  	_ =	shalt  }
0x5e: {  	_ =	shalt  }
0x5f: {  	_ =	shalt  }
0x60: {  	_ =	shalt  }
0x61: {  	_ =	shalt  }
0x62: {  	_ =	shalt  }
0x63: {  	_ =	shalt  }
0x64: {  	_ =	shalt  }
0x65: {  	_ =	shalt  }
0x66: {  	_ =	shalt  }
0x67: {  	_ =	shalt  }
0x68: {  	_ =	shalt  }
0x69: {  	_ =	shalt  }
0x6a: {  	_ =	shalt  }
0x6b: {  	_ =	shalt  }
0x6c: {  	_ =	shalt  }
0x6d: {  	_ =	shalt  }
0x6e: {  	_ =	shalt  }
0x6f: {  	_ =	shalt  }
0x70: {  	_ =	shalt  }
0x71: {  	_ =	shalt  }
0x72: {  	_ =	shalt  }
0x73: {  	_ =	shalt  }
0x74: {  	_ =	shalt  }
0x75: {  	_ =	shalt  }
0x76: {  	_ =	shalt  }
0x77: {  	_ =	shalt  }
0x78: {  	_ =	shalt  }
0x79: {  	_ =	shalt  }
0x7a: {  	_ =	shalt  }
0x7b: {  	_ =	shalt  }
0x7c: {  	_ =	shalt  }
0x7d: {  	_ =	shalt  }
0x7e: {  	_ =	shalt  }
0x7f: {  	_ =	shalt  }
0x80: {  	_ =	shalt  }
0x81: {  	_ =	shalt  }
0x82: {  	_ =	shalt  }
0x83: {  	_ =	shalt  }
0x84: {  	_ =	shalt  }
0x85: {  	_ =	shalt  }
0x86: {  	_ =	shalt  }
0x87: {  	_ =	shalt  }
.Lfunc_end0:
.L_simem_size_0:
called_computation_lowered:
.L_overlay_start_0:
0x88: {  	s2 =	sld [smem:$0x3FD9]  }
0x89: {  	s3 =	sld [smem:$0x3FFE];
	_ =	sdelay $0x1  }
0x8a: {  	s1 =	srdreg.scid  }
0x8b: {  	s0 =	sand.u32 $0x1, s1  }
0x8c: {  	s16 =	sshll.u32 s0, $0xA;
	s2 =	sadd.s32 s3, s2  }
0x8d: {  	s2 =	sadd.s32 s2, s16  }
0x8e: {  	[smem:$0x3FC4] =	sst s2  }
0x8f: {  	_ = 	snop  }
0x90: {  	(tm) =	ssettm $0x1  }
0x91: {  	s17 =	sld [smem:$0x3FFB];
	_ =	sdelay $0x3  }
0x92: {  	_ =	strace s17  }
0x93: {  	s2 =	sld [smem:$0x3FFC];
	_ =	sdelay $0x3  }
0x94: {  	_ =	strace s2  }
0x95: {  	s2 =	sld [smem:$0x3FFD];
	_ =	sdelay $0x3  }
0x96: {  	_ =	strace s2  }
0x97: {  	_ =	strace $0x8FFFFFFF  }
0x98: {  	s18 =	sld [smem:$0x3FDB];
	_ =	sdelay $0x1  }
0x99: {  	s19 =	simm.s32 $_scs_section_size  }
0x9a: {  	s4 =	simm.s32 $_size__tile_overlayer_lowered;
	s5 =	simm.s32 $_tile_overlayer_lowered  }
0x9b: {  	s22 =	simm.s32 $0x1BFF;
	s21 =	sshll.u32 s5, $0x1;
	s2 =	sadd.s32 s19, s18  }
0x9c: {  	s6 =	simm.s32 $0x0;
	s20 =	sshll.u32 s4, $0x1;
	s4 =	sadd.s32 s21, s2  }
0x9d: {  	[timem:s6], [sflag:s22] =	dma.local [hbm:s4], s20  }
0x9e: {  	_ =	swait.ge [sflag:s22], s20  }
0x9f: {  	s3 =	ssub.s32 $0x0, s20;
	[sflag:s22] =	ssyncset.done $0x0  }
0xa0: {  	[sflag:s22] =	ssyncadd.s32 s3;
	_ =	sdelay $0x1  }
0xa1: {  	s23 =	simm.s32 $0x1B8B  }
0xa2: {  	_ =	swait.ge [sflag:s23], $0x1  }
0xa3: {  	[sflag:s23] =	ssyncset.done $0x0  }
0xa4: {  	s25 =	simm.s32 $0x1B8E;
	s24 =	sld [smem:$0x3FFE];
	[sflag:s23] =	ssyncadd.s32 $0xFFFFFFFF  }
0xa5: {  	s26 =	simm.s32 $execute0_lowered;
	[smem:$0x3FD2] =	sst s25  }
0xa6: {  	s4 =	sshll.u32 s26, $0x1;
	_ =	strace $0x80000046;
	[dreg:$0x1] =	wrdreg $0xFFFFFFFF  }
0xa7: {  	s28 =	simm.s32 $_size_execute0_lowered;
	s2 =	sadd.s32 s2, s4;
	[dreg:$0x0] =	wrdreg $0x0  }
0xa8: {  	s4 =	sshll.u32 s28, $0x1;
	[dreg:$0x2] =	wrdreg s2  }
0xa9: {  	[dreg:$0x3] =	wrdreg s4  }
0xaa: {  	[dreg:$0x4] =	wrdreg $0xC0  }
0xab: {  	_ =	task [dreg:s6], $0x5FFFF  }
0xac: {  	[dreg:$0x1] =	wrdreg $0xFFFFFFFF  }
0xad: {  	[dreg:$0x0] =	wrdreg $0x60  }
0xae: {  	[dreg:$0x2] =	wrdreg s24  }
0xaf: {  	[dreg:$0x3] =	wrdreg $0xA0000  }
0xb0: {  	[dreg:$0x4] =	wrdreg $0x0  }
0xb1: {  	[dreg:$0x5] =	wrdreg $0x9  }
0xb2: {  	_ =	task.clear_ibuf [dreg:s6], $0x6FFFF;
	_ =	strace $0x90000046  }
0xb3: {  	s29 =	simm.s32 $0x9;
	_ =	strace $0x80000055  }
0xb4: {  	_ =	swait.ge [sflag:s29], $0x1  }
0xb5: {  	[sflag:s29] =	ssyncadd.s32 $0xFFFFFFFF  }
0xb6: {  	_ =	strace $0x90000055  }
0xb7: {  	_ =	sfence  }
0xb8: {  	s30 =	sld [smem:$0x0];
	_ =	sdelay $0x2  }
0xb9: {  	s31 =	sshll.u32 s1, $0xD;
	s1 =	sshrl.u32 s1, $0x2  }
0xba: {  	s3 =	sand.u32 $0x4000, s31;
	s1 =	sadd.s32 s1, s30  }
0xbb: {  	s0 =	sor.u32 s3, s0;
	s1 =	sshll.u32 s1, $0x11  }
0xbc: {  	s0 =	sor.u32 s1, s0  }
0xbd: {  	s0 =	sadd.s32 $0x8F2B, s0  }
0xbe: {  	[sflag:s0] =	ssyncadd.remote.s32 $0x1  }
0xbf: {  	_ =	sfence.sel $0xFFFF  }
0xc0: {  	[dreg:$0x0] =	wrdreg $0xFFFFFFFF;
	(pc) =	sbr.abs _section_cstart, $3  }
0xc1: {  	[dreg:$0x1] =	wrdreg $0xFFFFFFFF  }
0xc2: {  	_ =	task.clear_ibuf [dreg:s6], $0x2FFFF;
	_ =	strace $0x9FFFFFFF  }
0xc3: {  	(tm) =	ssettm $0x7FFFFFFF  }
tec
execute0_lowered:
.L_overlay_start_1:
0x0: {  	(tag) =	ssettag $0x1  }
0x1: {  	s0 =	rddreg [dreg:$0x0];
	s19 =	stileid.u32  }
0x2: {  	s5 =	srdreg.scid;
	s1 =	smul.u32 $0x5000, s19  }
0x3: {  	s2 =	rddreg [dreg:$0x1];
	s7 =	sand.u32 $0x1, s5;
	s5 =	smul.u32 $0x280, s19  }
0x4: {  	s3 =	rddreg [dreg:$0x2];
	s4 =	simm.s32 $0x0;
	s11 =	smul.u32 $0x14000, s19  }
0x5: {  	[smem:$0x7FF] =	sst s4;
	s6 =	sadd.s32 $0x14E00, s0;
	s14 =	smul.u32 $0xA000, s19  }
0x6: {  	s9 =	sadd.s32 $0x64E00, s0;
	s20 =	ssub.s32 $0x2, s7;
	s25 =	smul.u32 $0x2800, s7  }
0x7: {  	s21 =	sshll.u32 s7, $0x6;
	s7 =	smul.u32 $0xA0000, s7;
	s8 =	sshrl.u32 s1, $0x3  }
0x8: {  	s10 =	sshrl.u32 s20, $0x1;
	s12 =	sadd.s32 $0x80, s5;
	s11 =	sor.u32 s21, s11  }
0x9: {  	s23 =	sadd.s32 $0x100, s5;
	s15 =	sadd.s32 $0x180, s5;
	s13 =	sshll.u32 s12, $0x7  }
0xa: {  	s17 =	sadd.s32 $0x200, s5;
	s11 =	sshrl.u32 s11, $0x3;
	s13 =	sor.u32 s21, s13  }
0xb: {  	s1 =	ssub.s32 s20, s10;
	s11 =	sadd.s32 s6, s11;
	s22 =	sshrl.u32 s13, $0x3  }
0xc: {  	s24 =	sshll.u32 s23, $0x7;
	[dreg:$0x4] =	wrdreg s11;
	s11 =	sadd.s32 s6, s22  }
0xd: {  	s16 =	sshll.u32 s15, $0x7;
	[dreg:$0x5] =	wrdreg s11;
	s11 =	sor.u32 s21, s24  }
0xe: {  	s18 =	sshll.u32 s17, $0x7;
	s16 =	sor.u32 s21, s16;
	s11 =	sshrl.u32 s11, $0x3  }
0xf: {  	s10 =	sor.u32 s21, s18;
	s26 =	sshrl.u32 s16, $0x3;
	s11 =	sadd.s32 s6, s11  }
0x10: {  	s10 =	sshrl.u32 s10, $0x3;
	[dreg:$0x6] =	wrdreg s11;
	s11 =	sadd.s32 s6, s26  }
0x11: {  	s29 =	sadd.s32 s14, s7;
	s6 =	sadd.s32 s6, s10;
	[dreg:$0x7] =	wrdreg s11  }
0x12: {  	s10 =	sshll.u32 s23, $0x6;
	[dreg:$0x8] =	wrdreg s6;
	s6 =	sshll.u32 s12, $0x6  }
0x13: {  	s11 =	sshll.u32 s15, $0x6;
	s12 =	sshrl.u32 s29, $0x3;
	s30 =	sadd.s32 s7, s6  }
0x14: {  	s15 =	sshll.u32 s17, $0x6;
	s12 =	sadd.s32 s9, s12;
	s13 =	sshrl.u32 s30, $0x3  }
0x15: {  	s16 =	sadd.s32 s7, s11;
	s31 =	sadd.s32 s9, s13;
	s13 =	sadd.s32 s7, s10  }
0x16: {  	[dreg:$0x9] =	wrdreg s12;
	s7 =	sadd.s32 s7, s15;
	s12 =	sshrl.u32 s13, $0x3  }
0x17: {  	[dreg:$0xa] =	wrdreg s31;
	s7 =	sshrl.u32 s7, $0x3;
	s12 =	sadd.s32 s9, s12  }
0x18: {  	s17 =	sshrl.u32 s16, $0x3;
	s7 =	sadd.s32 s9, s7;
	[dreg:$0xb] =	wrdreg s12  }
0x19: {  	s8 =	sadd.s32 s8, s0;
	s12 =	sadd.s32 s9, s17;
	[dreg:$0xd] =	wrdreg s7  }
0x1a: {  	s23 =	sadd.s32 $0xAE00, s8;
	[dreg:$0xc] =	wrdreg s12  }
0x1b: {  	s24 =	sadd.s32 $0xE00, s8;
	_ =	strace $0x80000047;
	[dreg:$0x10] =	wrdreg s23  }
0x1c: {  	s20 =	sadd.s32 s5, s25;
	s26 =	sadd.s32 s14, s3;
	[dreg:$0x11] =	wrdreg s24  }
0x1d: {  	s22 =	sshll.u32 s20, $0x3;
	s29 =	sadd.s32 s6, s3;
	[dreg:$0x12] =	wrdreg s26  }
0x1e: {  	s21 =	sshrl.u32 s14, $0x2;
	s30 =	sadd.s32 s10, s3;
	[dreg:$0x13] =	wrdreg s29  }
0x1f: {  	s6 =	sadd.s32 s15, s3;
	s31 =	sadd.s32 s11, s3;
	[dreg:$0x14] =	wrdreg s30  }
0x20: {  	s16 =	sadd.s32 $0x3CE00, s0;
	s9 =	sadd.s32 s21, s2;
	[dreg:$0x15] =	wrdreg s31  }
0x21: {  	s21 =	sadd.s32 s16, s22;
	s7 =	smax.u32 s1, $0x1;
	[dreg:$0x16] =	wrdreg s6  }
0x22: {  	s8 =	sadd.s32 $0x400, s21;
	[dreg:$0x17] =	wrdreg s7  }
0x23: {  	s10 =	sadd.s32 $0x800, s21;
	[dreg:$0x18] =	wrdreg s8  }
0x24: {  	s11 =	sadd.s32 $0xC00, s21;
	[dreg:$0x19] =	wrdreg s10  }
0x25: {  	s13 =	sadd.s32 $0x1000, s21;
	[dreg:$0x1a] =	wrdreg s11  }
0x26: {  	s14 =	sadd.s32 $0x400, s9;
	[dreg:$0x1b] =	wrdreg s13  }
0x27: {  	s18 =	smul.u32 $0x28000, s19;
	s15 =	sadd.s32 $0x800, s9;
	[dreg:$0x1c] =	wrdreg s14  }
0x28: {  	s17 =	sadd.s32 $0xC00, s9;
	[dreg:$0x1d] =	wrdreg s15  }
0x29: {  	s19 =	sshrl.u32 s18, $0x2;
	s18 =	sadd.s32 $0x1000, s9;
	[dreg:$0x1e] =	wrdreg s17  }
0x2a: {  	s12 =	sadd.s32 s19, s3;
	s19 =	sadd.s32 $0x1400, s9;
	[dreg:$0x1f] =	wrdreg s18  }
0x2b: {  	s28 =	simm.s32 $0x1F280;
	s20 =	sadd.s32 $0x1800, s9;
	[smem:$0x7F5] =	sst s19  }
0x2c: {  	v1 =	vmov s25;
	s25 =	simm.s32 $0x0;
	s22 =	sadd.s32 $0x1C00, s9;
	[smem:$0x7F6] =	sst s20  }
0x2d: {  	s1 =	simm.s32 $0xA;
	[smem:$0x7F7] =	sst s22;
	s23 =	sadd.s32 $0x2000, s9  }
0x2e: {  	[dreg:$0xe] =	wrdreg s9;
	s24 =	sadd.s32 $0x2400, s9;
	s26 =	sadd.s32 $0x2000, s12  }
0x2f: {  	s29 =	sadd.s32 $0x4000, s12;
	s30 =	sadd.s32 $0x6000, s12;
	[dreg:$0xf] =	wrdreg s12  }
0x30: {  	s31 =	sadd.s32 $0x8000, s12;
	s6 =	simm.s32 $0x1D280;
	s8 =	simm.s32 $0x80  }
0x31: {  	s9 =	simm.s32 $0x1F680;
	s11 =	simm.s32 $0x9;
	s12 =	simm.s32 $0x16800  }
0x32: {  	s14 =	simm.s32 $0x17280;
	s15 =	simm.s32 $0x1;
	[smem:$0x7F8] =	sst s23  }
0x33: {  	s19 =	simm.s32 $0x19280;
	s20 =	simm.s32 $0x17000;
	[smem:$0x7F9] =	sst s24  }
0x34: {  	s18 =	simm.s32 $0x2;
	s17 =	simm.s32 $0x5;
	[smem:$0x7FA] =	sst s26  }
0x35: {  	s7 =	simm.s32 $0x6;
	s10 =	simm.s32 $0x1B280;
	[smem:$0x7FB] =	sst s29  }
0x36: {  	vm0 =	vcmask $0x300;
	v0 =	vimm.f32 $0.0e+00;
	v3 =	vlaneseq.u32;
	s13 =	simm.s32 $0x3;
	s22 =	simm.s32 $0x4;
	[smem:$0x7FC] =	sst s30  }
0x37: {  	v2 =	vsel vm0, $0x3F800000, v0;
	v3 =	vmul.u32 $0x10, v3;
	[smem:$0x7FD] =	sst s31;
	s23 =	simm.s32 $0x7;
	s24 =	simm.s32 $0x8  }
.LBB2_1:
0x38: {  	s26 =	simm.s32 $0x0;
	p0 =	por $0x0, $0x0  }
.Ltmp0:
0x39: {  	_ =	strace $0x80000048;
	s0 =	simm.s32 $0x1D2A0;
	[tilespmem:s26+$0x1F680] =	vst v2;
	(pc) =	sbr.rel @p0 .LBB2_3-.Ltmp0, $4  }
0x3a: {  	[tilespmem:s0+$0xFFFFFFE0] =	vst v0  }
0x3b: {  	[tilespmem:s0+$0xFFFFFFF0] =	vst v0  }
0x3c: {  	[tilespmem:s0+$0x0] =	vst v0  }
0x3d: {  	s26 =	simm.s32 $0x40;
	[tilespmem:s0+$0x10] =	vst v0  }
.LBB2_2:
0x3e: {  	s29 =	sshra.s32 s26, $0x2;
	p0 =	seq.s32 s26, $0x1FC0  }
.Ltmp1:
0x3f: {  	s26 =	sadd.s32 $0x40, s26;
	s0 =	sadd.s32 $0x40, s0;
	[tilespmem:s29+$0x1F680] =	vst v2;
	(pc) =	sbr.rel @!p0 .LBB2_2-.Ltmp1, $4  }
0x40: {  	[tilespmem:s0+$0xFFFFFFE0] =	vst v0  }
0x41: {  	[tilespmem:s0+$0xFFFFFFF0] =	vst v0  }
0x42: {  	[tilespmem:s0+$0x0] =	vst v0  }
0x43: {  	[tilespmem:s0+$0x10] =	vst v0  }
.LBB2_3:
0x44: {  	s0 =	simm.s32 $0x40;
	s26 =	simm.s32 $0x0  }
.LBB2_4:
0x45: {  	p0 =	seq.s32 s0, $0xFC0;
	[tilespmem:s26+$0x1F280] =	vst v0;
	s26 =	smov.u32 s0;
	s0 =	sadd.s32 $0x40, s0  }
.Ltmp2:
0x46: {  	(pc) =	sbr.rel @!p0 .LBB2_4-.Ltmp2, $2  }
0x47: {  	_ =	sdelay $0x2  }
0x48: {  	s26 =	sshra.s32 s26, $0x2  }
0x49: {  	[tilespmem:s26+$0x1F280] =	vst v0;
	s0 =	rddreg [dreg:$0xe]  }
0x4a: {  	[spmem:s0] =	stream.linear.scatter [tilespmem:s28], [sflag:$0xA], $0x400, $0x200038;
	[tilespmem:$0x1FE80] =	vst v63  }
0x4b: {  	_ =	swait.ge [sflag:s1], $0x400  }
0x4c: {  	[sflag:s1] =	ssyncset.done $0x0  }
0x4d: {  	s26 =	rddreg [dreg:$0x1c];
	[sflag:s1] =	ssyncadd.s32 $0xFFFFFC00  }
0x4e: {  	[spmem:s26] =	stream.linear.scatter [tilespmem:s28], [sflag:$0xA], $0x400, $0x200038;
	[tilespmem:$0x1FE80] =	vst v63  }
0x4f: {  	_ =	swait.ge [sflag:s1], $0x400  }
0x50: {  	[sflag:s1] =	ssyncset.done $0x0  }
0x51: {  	s29 =	rddreg [dreg:$0x1d];
	[sflag:s1] =	ssyncadd.s32 $0xFFFFFC00  }
0x52: {  	[spmem:s29] =	stream.linear.scatter [tilespmem:s28], [sflag:$0xA], $0x400, $0x200038;
	[tilespmem:$0x1FE80] =	vst v63  }
0x53: {  	_ =	swait.ge [sflag:s1], $0x400  }
0x54: {  	[sflag:s1] =	ssyncset.done $0x0  }
0x55: {  	s30 =	rddreg [dreg:$0x1e];
	[sflag:s1] =	ssyncadd.s32 $0xFFFFFC00  }
0x56: {  	[spmem:s30] =	stream.linear.scatter [tilespmem:s28], [sflag:$0xA], $0x400, $0x200038;
	[tilespmem:$0x1FE80] =	vst v63  }
0x57: {  	_ =	swait.ge [sflag:s1], $0x400  }
0x58: {  	[sflag:s1] =	ssyncset.done $0x0  }
0x59: {  	s31 =	rddreg [dreg:$0x1f];
	[sflag:s1] =	ssyncadd.s32 $0xFFFFFC00  }
0x5a: {  	[spmem:s31] =	stream.linear.scatter [tilespmem:s28], [sflag:$0xA], $0x400, $0x200038;
	[tilespmem:$0x1FE80] =	vst v63  }
0x5b: {  	_ =	swait.ge [sflag:s1], $0x400  }
0x5c: {  	s26 =	sld [smem:$0x7F5]  }
0x5d: {  	[sflag:s1] =	ssyncset.done $0x0  }
0x5e: {  	[sflag:s1] =	ssyncadd.s32 $0xFFFFFC00  }
0x5f: {  	[spmem:s26] =	stream.linear.scatter [tilespmem:s28], [sflag:$0xA], $0x400, $0x200038;
	[tilespmem:$0x1FE80] =	vst v63  }
0x60: {  	_ =	swait.ge [sflag:s1], $0x400  }
0x61: {  	s29 =	sld [smem:$0x7F6]  }
0x62: {  	[sflag:s1] =	ssyncset.done $0x0  }
0x63: {  	[sflag:s1] =	ssyncadd.s32 $0xFFFFFC00  }
0x64: {  	[spmem:s29] =	stream.linear.scatter [tilespmem:s28], [sflag:$0xA], $0x400, $0x200038;
	[tilespmem:$0x1FE80] =	vst v63  }
0x65: {  	_ =	swait.ge [sflag:s1], $0x400  }
0x66: {  	s30 =	sld [smem:$0x7F7]  }
0x67: {  	[sflag:s1] =	ssyncset.done $0x0  }
0x68: {  	[sflag:s1] =	ssyncadd.s32 $0xFFFFFC00  }
0x69: {  	[spmem:s30] =	stream.linear.scatter [tilespmem:s28], [sflag:$0xA], $0x400, $0x200038;
	[tilespmem:$0x1FE80] =	vst v63  }
0x6a: {  	_ =	swait.ge [sflag:s1], $0x400  }
0x6b: {  	s31 =	sld [smem:$0x7F8]  }
0x6c: {  	[sflag:s1] =	ssyncset.done $0x0  }
0x6d: {  	[sflag:s1] =	ssyncadd.s32 $0xFFFFFC00  }
0x6e: {  	[spmem:s31] =	stream.linear.scatter [tilespmem:s28], [sflag:$0xA], $0x400, $0x200038;
	[tilespmem:$0x1FE80] =	vst v63  }
0x6f: {  	_ =	swait.ge [sflag:s1], $0x400  }
0x70: {  	s26 =	sld [smem:$0x7F9]  }
0x71: {  	[sflag:s1] =	ssyncset.done $0x0  }
0x72: {  	[sflag:s1] =	ssyncadd.s32 $0xFFFFFC00  }
0x73: {  	[spmem:s26] =	stream.linear.scatter [tilespmem:s28], [sflag:$0xA], $0x400, $0x200038;
	[tilespmem:$0x1FE80] =	vst v63  }
0x74: {  	_ =	swait.ge [sflag:s1], $0x400  }
0x75: {  	[sflag:s1] =	ssyncset.done $0x0  }
0x76: {  	s29 =	rddreg [dreg:$0xf];
	[sflag:s1] =	ssyncadd.s32 $0xFFFFFC00  }
0x77: {  	[spmem:s29] =	stream.linear.scatter [tilespmem:s6], [sflag:$0xA], $0x2000, $0x200038;
	[tilespmem:$0x1FE80] =	vst v63  }
0x78: {  	_ =	swait.ge [sflag:s1], $0x2000  }
0x79: {  	s30 =	sld [smem:$0x7FA]  }
0x7a: {  	[sflag:s1] =	ssyncset.done $0x0  }
0x7b: {  	[sflag:s1] =	ssyncadd.s32 $0xFFFFE000  }
0x7c: {  	[spmem:s30] =	stream.linear.scatter [tilespmem:s6], [sflag:$0xA], $0x2000, $0x200038;
	[tilespmem:$0x1FE80] =	vst v63  }
0x7d: {  	_ =	swait.ge [sflag:s1], $0x2000  }
0x7e: {  	s31 =	sld [smem:$0x7FB]  }
0x7f: {  	[sflag:s1] =	ssyncset.done $0x0  }
0x80: {  	[sflag:s1] =	ssyncadd.s32 $0xFFFFE000  }
0x81: {  	[spmem:s31] =	stream.linear.scatter [tilespmem:s6], [sflag:$0xA], $0x2000, $0x200038;
	[tilespmem:$0x1FE80] =	vst v63  }
0x82: {  	_ =	swait.ge [sflag:s1], $0x2000  }
0x83: {  	s26 =	sld [smem:$0x7FC]  }
0x84: {  	[sflag:s1] =	ssyncset.done $0x0  }
0x85: {  	[sflag:s1] =	ssyncadd.s32 $0xFFFFE000  }
0x86: {  	[spmem:s26] =	stream.linear.scatter [tilespmem:s6], [sflag:$0xA], $0x2000, $0x200038;
	[tilespmem:$0x1FE80] =	vst v63  }
0x87: {  	_ =	swait.ge [sflag:s1], $0x2000  }
0x88: {  	s29 =	sld [smem:$0x7FD]  }
0x89: {  	[sflag:s1] =	ssyncset.done $0x0  }
0x8a: {  	[sflag:s1] =	ssyncadd.s32 $0xFFFFE000  }
0x8b: {  	[spmem:s29] =	stream.linear.scatter [tilespmem:s6], [sflag:$0xA], $0x2000, $0x200038;
	[tilespmem:$0x1FE80] =	vst v63  }
0x8c: {  	_ =	swait.ge [sflag:s1], $0x2000  }
0x8d: {  	s30 =	simm.s32 $0x0;
	[sflag:s1] =	ssyncset.done $0x0  }
0x8e: {  	s29 =	simm.s32 $0x11800;
	s31 =	rddreg [dreg:$0x10];
	[sflag:s1] =	ssyncadd.s32 $0xFFFFE000  }
0x8f: {  	[tilespmem:s29], [sflag:$0xA] =	stream.linear.gather [hbm4b:s31+s30], $0x5000, $0x200038;
	[tilespmem:$0x1FE80] =	vst v63  }
0x90: {  	_ =	swait.ge [sflag:s1], $0x5000  }
0x91: {  	[sflag:s1] =	ssyncset.done $0x0  }
0x92: {  	[sflag:s1] =	ssyncadd.s32 $0xFFFFB000  }
0x93: {  	_ =	strace $0x90000048  }
0x94: {  	_ =	strace $0x80000049  }
0x95: {  	[bflag:$0x0] =	sbarrier.arrive $0xFFFF  }
0x96: {  	_ =	strace $0x90000049  }
0x97: {  	s0 =	simm.s32 $0x200;
	s26 =	simm.s32 $0x11800;
	_ =	strace $0x8000004A  }
.LBB2_6:
0x98: {  	[spmem:s2] =	stream.indirect.scatter.add.f32 [tilespmem:s9], [sflag:$0x9], $0x10, s26, s8, $0x2000b8;
	[tilespmem:$0x1FE80] =	vst v63  }
0x99: {  	s26 =	smov.u32 s0;
	p0 =	sne.s32 s0, $0x13E00  }
.Ltmp3:
0x9a: {  	s0 =	sadd.s32 $0x200, s0;
	(pc) =	sbr.rel @p0 .LBB2_6-.Ltmp3, $3  }
0x9b: {  	_ =	sdelay $0x1  }
0x9c: {  	s26 =	sshra.s32 s26, $0x2  }
0x9d: {  	s26 =	sadd.s32 $0x11800, s26  }
0x9e: {  	[spmem:s2] =	stream.indirect.scatter.add.f32 [tilespmem:s9], [sflag:$0x9], $0x10, s26, s8, $0x2000b8;
	[tilespmem:$0x1FE80] =	vst v63  }
0x9f: {  	s0 =	simm.s32 $0x0;
	s31 =	rddreg [dreg:$0x11];
	s29 =	simm.s32 $0xC800  }
0xa0: {  	[tilespmem:s29], [sflag:$0xA] =	stream.linear.gather [hbm4b:s31+s0], $0x5000, $0x200038;
	[tilespmem:$0x1FE80] =	vst v63  }
0xa1: {  	_ =	swait.ge [sflag:s1], $0x5000  }
0xa2: {  	[sflag:s1] =	ssyncset.done $0x0  }
0xa3: {  	s0 =	simm.s32 $0x0;
	[sflag:s1] =	ssyncadd.s32 $0xFFFFB000  }
0xa4: {  	v6 =	vld [tilespmem:s0+$0xC800]  }
0xa5: {  	v8 =	vld [tilespmem:s0+$0xC810]  }
0xa6: {  	v7 =	vld [tilespmem:s0+$0xC820]  }
0xa7: {  	v5 =	vld [tilespmem:s0+$0xC830]  }
0xa8: {  	v4 =	vld [tilespmem:s0+$0xC840]  }
0xa9: {  	v9 =	vadd.s32 v1, v6;
	v6 =	vld [tilespmem:s0+$0xC850]  }
0xaa: {  	s26 =	simm.s32 $0x200;
	[tilespmem:s0+$0xC800] =	vst v9;
	v9 =	vadd.s32 v1, v8;
	v8 =	vld [tilespmem:s0+$0xC860]  }
.LBB2_8:
0xab: {  	s29 =	sshra.s32 s26, $0x2;
	p0 =	sne.s32 s26, $0x13E00;
	[tilespmem:s0+$0xC810] =	vst v9;
	v7 =	vadd.s32 v1, v7;
	v9 =	vld [tilespmem:s0+$0xC870]  }
0xac: {  	v10 =	vld [tilespmem:s29+$0xC800];
	[tilespmem:s0+$0xC820] =	vst v7;
	v5 =	vadd.s32 v1, v5  }
0xad: {  	v11 =	vld [tilespmem:s29+$0xC810];
	[tilespmem:s0+$0xC830] =	vst v5;
	v4 =	vadd.s32 v1, v4  }
.Ltmp4:
0xae: {  	v7 =	vld [tilespmem:s29+$0xC820];
	[tilespmem:s0+$0xC840] =	vst v4;
	v4 =	vadd.s32 v1, v6;
	(pc) =	sbr.rel @p0 .LBB2_8-.Ltmp4, $4  }
0xaf: {  	v5 =	vld [tilespmem:s29+$0xC830];
	[tilespmem:s0+$0xC850] =	vst v4;
	v6 =	vadd.s32 v1, v8  }
0xb0: {  	v4 =	vld [tilespmem:s29+$0xC840];
	[tilespmem:s0+$0xC860] =	vst v6;
	v8 =	vadd.s32 v1, v9  }
0xb1: {  	v9 =	vadd.s32 v1, v10;
	v6 =	vld [tilespmem:s29+$0xC850];
	[tilespmem:s0+$0xC870] =	vst v8;
	s0 =	smov.u32 s29  }
0xb2: {  	s26 =	sadd.s32 $0x200, s26;
	[tilespmem:s0+$0xC800] =	vst v9;
	v9 =	vadd.s32 v1, v11;
	v8 =	vld [tilespmem:s0+$0xC860]  }
0xb3: {  	[tilespmem:s0+$0xC810] =	vst v9;
	v7 =	vadd.s32 v1, v7;
	v63 =	vld [tilespmem:s0+$0xC870]  }
0xb4: {  	[tilespmem:s0+$0xC820] =	vst v7;
	v5 =	vadd.s32 v1, v5  }
0xb5: {  	[tilespmem:s0+$0xC830] =	vst v5;
	v4 =	vadd.s32 v1, v4  }
0xb6: {  	[tilespmem:s0+$0xC840] =	vst v4;
	v4 =	vadd.s32 v1, v6  }
0xb7: {  	[tilespmem:s0+$0xC850] =	vst v4;
	v4 =	vadd.s32 v1, v8  }
0xb8: {  	[tilespmem:s0+$0xC860] =	vst v4;
	v4 =	vadd.s32 v1, v63  }
0xb9: {  	[tilespmem:s0+$0xC870] =	vst v4  }
0xba: {  	_ =	swait.ge [sflag:s11], $0x800  }
0xbb: {  	s0 =	simm.s32 $0x9F;
	[sflag:s11] =	ssyncset.done $0x0  }
.LBB2_10:
0xbc: {  	p0 =	sne.s32 s0, $0x1;
	s0 =	sadd.s32 $0xFFFFFFFF, s0;
	[sflag:s11] =	ssyncadd.s32 $0xFFFFF800  }
.Ltmp5:
0xbd: {  	(pc) =	sbr.rel @p0 .LBB2_10-.Ltmp5, $3  }
0xbe: {  	_ =	sdelay $0x1  }
0xbf: {  	_ =	swait.ge [sflag:s11], $0x800  }
0xc0: {  	[sflag:s11] =	ssyncset.done $0x0  }
0xc1: {  	[sflag:s11] =	ssyncadd.s32 $0xFFFFF800  }
0xc2: {  	_ =	strace $0x9000004A  }
0xc3: {  	_ =	strace $0x8000004B  }
0xc4: {  	s26 =	simm.s32 $0x0;
	[bflag:$0x0] =	sbarrier.arrive $0xFFFF  }
0xc5: {  	s29 =	simm.s32 $0x17000;
	s30 =	simm.s32 $0x0;
	_ =	strace $0x9000004B  }
.LBB2_12:
0xc6: {  	s0 =	sshll.u32 s30, $0x7  }
0xc7: {  	s0 =	sadd.s32 s5, s0  }
0xc8: {  	v4 =	vmov s26;
	s0 =	sshll.u32 s0, $0x4  }
0xc9: {  	v4 =	vshll.u32 v4, $0x4;
	s0 =	sand.u32 $0x3FFFFFF0, s0  }
0xca: {  	v4 =	vor.u32 v3, v4;
	s0 =	sadd.s32 s0, s2  }
0xcb: {  	[tilespmem:s12], [sflag:$0xA] =	stream.linear.gather [spmem:s0], $0x800, $0x38;
	[tilespmem:$0x1FE80] =	vst v63  }
0xcc: {  	_ =	swait.ge [sflag:s1], $0x800  }
0xcd: {  	[sflag:s1] =	ssyncset.done $0x0  }
0xce: {  	[sflag:s1] =	ssyncadd.s32 $0xFFFFF800  }
0xcf: {  	v4 =	vld.idx.msk [tilespmem:v4+s12+$0x0], $0xffff;
	_ =	sdelay $0x4  }
0xd0: {  	v4 =	vadd.f32 $1.000000000e+00, v4;
	_ =	sdelay $0x1  }
0xd1: {  	v5 =	vshra.s32 v4, $0x1;
	v4 =	vmul.f32 $5.000000000e-01, v4  }
0xd2: {  	v5 =	vsub.s32 $0x5F3759DF, v5  }
0xd3: {  	v6 =	vmul.f32 v5, v4;
	_ =	sdelay $0x1  }
0xd4: {  	v6 =	vmul.f32 v5, v6;
	_ =	sdelay $0x1  }
0xd5: {  	v6 =	vsub.f32 $1.500000000e+00, v6;
	_ =	sdelay $0x1  }
0xd6: {  	v5 =	vmul.f32 v5, v6;
	_ =	sdelay $0x1  }
0xd7: {  	v6 =	vmul.f32 v5, v4;
	_ =	sdelay $0x1  }
0xd8: {  	v6 =	vmul.f32 v6, v5;
	_ =	sdelay $0x1  }
0xd9: {  	v6 =	vsub.f32 $1.500000000e+00, v6;
	_ =	sdelay $0x1  }
0xda: {  	v5 =	vmul.f32 v6, v5;
	_ =	sdelay $0x1  }
0xdb: {  	v4 =	vmul.f32 v5, v4  }
0xdc: {  	s0 =	simm.s32 $0x10  }
0xdd: {  	v6 =	vmov s0;
	v4 =	vmul.f32 v4, v5  }
0xde: {  	v6 =	vshll.u32 v6, $0x4  }
0xdf: {  	v6 =	vor.u32 v3, v6;
	v4 =	vsub.f32 $1.500000000e+00, v4;
	_ =	sdelay $0x1  }
0xe0: {  	v4 =	vmul.f32 v4, v5;
	_ =	sdelay $0x1  }
0xe1: {  	[tilespmem:s29+$0x0] =	vst v4  }
0xe2: {  	v4 =	vld.idx.msk [tilespmem:v6+s12+$0x0], $0xffff;
	_ =	sdelay $0x4  }
0xe3: {  	v4 =	vadd.f32 $1.000000000e+00, v4;
	_ =	sdelay $0x1  }
0xe4: {  	v5 =	vshra.s32 v4, $0x1;
	v6 =	vmul.f32 $5.000000000e-01, v4  }
0xe5: {  	v4 =	vsub.s32 $0x5F3759DF, v5  }
0xe6: {  	v5 =	vmul.f32 v4, v6;
	_ =	sdelay $0x1  }
0xe7: {  	v5 =	vmul.f32 v4, v5;
	_ =	sdelay $0x1  }
0xe8: {  	v5 =	vsub.f32 $1.500000000e+00, v5;
	_ =	sdelay $0x1  }
0xe9: {  	v4 =	vmul.f32 v4, v5;
	_ =	sdelay $0x1  }
0xea: {  	v5 =	vmul.f32 v4, v6;
	_ =	sdelay $0x1  }
0xeb: {  	v5 =	vmul.f32 v5, v4;
	_ =	sdelay $0x1  }
0xec: {  	v5 =	vsub.f32 $1.500000000e+00, v5;
	_ =	sdelay $0x1  }
0xed: {  	v4 =	vmul.f32 v5, v4;
	_ =	sdelay $0x1  }
0xee: {  	v5 =	vmul.f32 v4, v6  }
0xef: {  	s0 =	simm.s32 $0x20  }
0xf0: {  	s31 =	smov.u32 s29;
	v6 =	vmov s0;
	s0 =	simm.s32 $0x30;
	v5 =	vmul.f32 v5, v4  }
.LBB2_13:
0xf1: {  	p0 =	sne.s32 s0, $0x70;
	v6 =	vshll.u32 v6, $0x4  }
0xf2: {  	v6 =	vor.u32 v3, v6;
	v5 =	vsub.f32 $1.500000000e+00, v5;
	_ =	sdelay $0x1  }
0xf3: {  	v4 =	vmul.f32 v5, v4  }
0xf4: {  	s31 =	sadd.s32 $0x10, s31  }
0xf5: {  	[tilespmem:s31+$0x0] =	vst v4  }
0xf6: {  	v4 =	vld.idx.msk [tilespmem:v6+s12+$0x0], $0xffff;
	_ =	sdelay $0x5  }
0xf7: {  	v4 =	vadd.f32 $1.000000000e+00, v4;
	_ =	sdelay $0x1  }
0xf8: {  	v5 =	vshra.s32 v4, $0x1;
	v6 =	vmul.f32 $5.000000000e-01, v4  }
0xf9: {  	v4 =	vsub.s32 $0x5F3759DF, v5  }
0xfa: {  	v5 =	vmul.f32 v4, v6;
	_ =	sdelay $0x1  }
0xfb: {  	v5 =	vmul.f32 v4, v5;
	_ =	sdelay $0x1  }
0xfc: {  	v5 =	vsub.f32 $1.500000000e+00, v5;
	_ =	sdelay $0x1  }
0xfd: {  	v4 =	vmul.f32 v4, v5;
	_ =	sdelay $0x1  }
0xfe: {  	v5 =	vmul.f32 v4, v6;
	_ =	sdelay $0x1  }
0xff: {  	v5 =	vmul.f32 v5, v4;
	_ =	sdelay $0x1  }
0x100: {  	v5 =	vsub.f32 $1.500000000e+00, v5;
	_ =	sdelay $0x1  }
.Ltmp6:
0x101: {  	v4 =	vmul.f32 v5, v4;
	(pc) =	sbr.rel @p0 .LBB2_13-.Ltmp6, $3  }
0x102: {  	_ = 	snop  }
0x103: {  	v5 =	vmul.f32 v4, v6;
	_ =	sdelay $0x1  }
0x104: {  	v6 =	vmov s0;
	s0 =	sadd.s32 $0x10, s0;
	v5 =	vmul.f32 v5, v4  }
0x105: {  	v6 =	vshll.u32 v6, $0x4  }
0x106: {  	v6 =	vor.u32 v3, v6;
	v5 =	vsub.f32 $1.500000000e+00, v5;
	_ =	sdelay $0x1  }
0x107: {  	v4 =	vmul.f32 v5, v4  }
0x108: {  	s0 =	sadd.s32 $0x10, s31  }
0x109: {  	[tilespmem:s0+$0x0] =	vst v4  }
0x10a: {  	v4 =	vld.idx.msk [tilespmem:v6+s12+$0x0], $0xffff;
	_ =	sdelay $0x4  }
0x10b: {  	v4 =	vadd.f32 $1.000000000e+00, v4;
	_ =	sdelay $0x1  }
0x10c: {  	v5 =	vshra.s32 v4, $0x1;
	v4 =	vmul.f32 $5.000000000e-01, v4  }
0x10d: {  	v5 =	vsub.s32 $0x5F3759DF, v5  }
0x10e: {  	v63 =	vmul.f32 v5, v4;
	_ =	sdelay $0x1  }
0x10f: {  	v6 =	vmul.f32 v5, v63;
	_ =	sdelay $0x1  }
0x110: {  	v6 =	vsub.f32 $1.500000000e+00, v6;
	_ =	sdelay $0x1  }
0x111: {  	v5 =	vmul.f32 v5, v6;
	_ =	sdelay $0x1  }
0x112: {  	v6 =	vmul.f32 v5, v4;
	_ =	sdelay $0x1  }
0x113: {  	v6 =	vmul.f32 v6, v5;
	_ =	sdelay $0x1  }
0x114: {  	v6 =	vsub.f32 $1.500000000e+00, v6;
	_ =	sdelay $0x1  }
0x115: {  	v5 =	vmul.f32 v6, v5;
	_ =	sdelay $0x1  }
0x116: {  	v4 =	vmul.f32 v5, v4;
	_ =	sdelay $0x1  }
0x117: {  	s30 =	sadd.s32 $0x1, s30;
	v4 =	vmul.f32 v4, v5  }
0x118: {  	p0 =	sne.s32 s30, $0x5  }
.Ltmp7:
0x119: {  	v4 =	vsub.f32 $1.500000000e+00, v4;
	(pc) =	sbr.rel @p0 .LBB2_12-.Ltmp7, $4  }
0x11a: {  	_ = 	snop  }
0x11b: {  	v4 =	vmul.f32 v4, v5  }
0x11c: {  	s0 =	sadd.s32 $0x10, s0  }
0x11d: {  	s29 =	sadd.s32 $0x80, s29;
	[tilespmem:s0+$0x0] =	vst v4  }
0x11e: {  	_ =	strace $0x8000004C  }
0x11f: {  	s31 =	simm.s32 $0x40;
	s0 =	rddreg [dreg:$0x4]  }
0x120: {  	[tilespmem:s14], [sflag:$0x1] =	stream.strided.gather [hbm4b:s0+s31], $0x2000, s8, s31, $0x200038;
	[tilespmem:$0x1FE80] =	vst v63  }
0x121: {  	s26 =	simm.s32 $0x0;
	_ =	swait.ge [sflag:s15], $0x2000  }
0x122: {  	v4 =	vmov s26;
	[sflag:s15] =	ssyncset.done $0x0  }
0x123: {  	s0 =	simm.s32 $0x172A0;
	s30 =	rddreg [dreg:$0x5];
	[sflag:s15] =	ssyncadd.s32 $0xFFFFE000  }
0x124: {  	[tilespmem:s19], [sflag:$0x2] =	stream.strided.gather [hbm4b:s30+s31], $0x2000, s8, s31, $0x200038;
	[tilespmem:$0x1FE80] =	vst v63  }
0x125: {  	v6 =	vld [tilespmem:s0+$0xFFFFFFF0]  }
0x126: {  	v7 =	vld [tilespmem:s0+$0x10]  }
0x127: {  	v9 =	vld.idx.msk [tilespmem:v4+s20+$0x0], $0xffff  }
0x128: {  	v4 =	vld [tilespmem:s0+$0xFFFFFFE0]  }
0x129: {  	v10 =	vld [tilespmem:s0+$0x0];
	_ =	sdelay $0x3  }
0x12a: {  	s29 =	simm.s32 $0x1;
	v5 =	vmul.f32 v4, v9;
	v8 =	vmul.f32 v7, v9  }
0x12b: {  	s26 =	simm.s32 $0x2;
	v4 =	vmov s29;
	v7 =	vmul.f32 v6, v9;
	v6 =	vmul.f32 v10, v9;
	s29 =	simm.s32 $0x172A0  }
.LBB2_16:
0x12c: {  	p0 =	sne.s32 s26, $0x7F  }
0x12d: {  	[tilespmem:s0+$0x10] =	vst v8;
	s29 =	sadd.s32 $0x40, s29;
	s30 =	smov.u32 s26;
	s26 =	sadd.s32 $0x1, s26  }
0x12e: {  	[tilespmem:s0+$0xFFFFFFE0] =	vst v5  }
0x12f: {  	v9 =	vld [tilespmem:s29+$0xFFFFFFF0];
	[tilespmem:s0+$0xFFFFFFF0] =	vst v7  }
0x130: {  	v7 =	vld [tilespmem:s29+$0x10];
	[tilespmem:s0+$0x0] =	vst v6;
	s0 =	smov.u32 s29  }
0x131: {  	v6 =	vld.idx.msk [tilespmem:v4+s20+$0x0], $0xffff  }
0x132: {  	v4 =	vld [tilespmem:s29+$0xFFFFFFE0]  }
0x133: {  	v10 =	vld [tilespmem:s29+$0x0]  }
.Ltmp8:
0x134: {  	(pc) =	sbr.rel @p0 .LBB2_16-.Ltmp8, $3  }
0x135: {  	_ =	sdelay $0x1  }
0x136: {  	v8 =	vmul.f32 v7, v6;
	v5 =	vmul.f32 v4, v6  }
0x137: {  	v7 =	vmul.f32 v9, v6;
	v4 =	vmov s30;
	v6 =	vmul.f32 v10, v6  }
0x138: {  	[tilespmem:s0+$0x10] =	vst v8  }
0x139: {  	s26 =	sadd.s32 $0x40, s29;
	[tilespmem:s0+$0xFFFFFFE0] =	vst v5  }
0x13a: {  	v5 =	vld [tilespmem:s26+$0xFFFFFFF0];
	[tilespmem:s0+$0xFFFFFFF0] =	vst v7  }
0x13b: {  	v7 =	vld [tilespmem:s26+$0x10];
	[tilespmem:s0+$0x0] =	vst v6  }
0x13c: {  	v4 =	vld.idx.msk [tilespmem:v4+s20+$0x0], $0xffff  }
0x13d: {  	v6 =	vld [tilespmem:s26+$0xFFFFFFE0];
	_ =	sdelay $0x1  }
0x13e: {  	v8 =	vld [tilespmem:s26+$0x0];
	_ =	sdelay $0x1  }
0x13f: {  	v7 =	vmul.f32 v7, v4  }
0x140: {  	v6 =	vmul.f32 v6, v4  }
0x141: {  	v5 =	vmul.f32 v5, v4;
	[tilespmem:s26+$0x10] =	vst v7  }
0x142: {  	v4 =	vmul.f32 v8, v4;
	[tilespmem:s26+$0xFFFFFFE0] =	vst v6  }
0x143: {  	[tilespmem:s26+$0xFFFFFFF0] =	vst v5  }
0x144: {  	[tilespmem:s26+$0x0] =	vst v4  }
0x145: {  	[hbm4b:s21+s4] =	stream.linear.scatter [tilespmem:s14], [sflag:$0x5], $0x2000, $0x200038;
	[tilespmem:$0x1FE80] =	vst v63  }
0x146: {  	_ =	swait.ge [sflag:s18], $0x2000  }
0x147: {  	[sflag:s18] =	ssyncset.done $0x0  }
0x148: {  	[sflag:s18] =	ssyncadd.s32 $0xFFFFE000  }
0x149: {  	s26 =	simm.s32 $0x80;
	_ =	swait.ge [sflag:s17], $0x2000  }
0x14a: {  	v4 =	vmov s26;
	[sflag:s17] =	ssyncset.done $0x0  }
0x14b: {  	s0 =	simm.s32 $0x192A0;
	s30 =	rddreg [dreg:$0x6];
	[sflag:s17] =	ssyncadd.s32 $0xFFFFE000  }
0x14c: {  	[tilespmem:s14], [sflag:$0x1] =	stream.strided.gather [hbm4b:s30+s31], $0x2000, s26, s31, $0x200038;
	[tilespmem:$0x1FE80] =	vst v63  }
0x14d: {  	v6 =	vld [tilespmem:s0+$0xFFFFFFF0]  }
0x14e: {  	v7 =	vld [tilespmem:s0+$0x10]  }
0x14f: {  	v9 =	vld.idx.msk [tilespmem:v4+s20+$0x0], $0xffff  }
0x150: {  	v4 =	vld [tilespmem:s0+$0xFFFFFFE0]  }
0x151: {  	v10 =	vld [tilespmem:s0+$0x0];
	_ =	sdelay $0x3  }
0x152: {  	s29 =	simm.s32 $0x81;
	v5 =	vmul.f32 v4, v9;
	v8 =	vmul.f32 v7, v9  }
0x153: {  	s26 =	simm.s32 $0x82;
	v4 =	vmov s29;
	v7 =	vmul.f32 v6, v9;
	v6 =	vmul.f32 v10, v9;
	s29 =	simm.s32 $0x192A0  }
.LBB2_18:
0x154: {  	p0 =	sne.s32 s26, $0xFF  }
0x155: {  	[tilespmem:s0+$0x10] =	vst v8;
	s29 =	sadd.s32 $0x40, s29;
	s30 =	smov.u32 s26;
	s26 =	sadd.s32 $0x1, s26  }
0x156: {  	[tilespmem:s0+$0xFFFFFFE0] =	vst v5  }
0x157: {  	v9 =	vld [tilespmem:s29+$0xFFFFFFF0];
	[tilespmem:s0+$0xFFFFFFF0] =	vst v7  }
0x158: {  	v7 =	vld [tilespmem:s29+$0x10];
	[tilespmem:s0+$0x0] =	vst v6;
	s0 =	smov.u32 s29  }
0x159: {  	v6 =	vld.idx.msk [tilespmem:v4+s20+$0x0], $0xffff  }
0x15a: {  	v4 =	vld [tilespmem:s29+$0xFFFFFFE0]  }
0x15b: {  	v10 =	vld [tilespmem:s29+$0x0]  }
.Ltmp9:
0x15c: {  	(pc) =	sbr.rel @p0 .LBB2_18-.Ltmp9, $3  }
0x15d: {  	_ =	sdelay $0x1  }
0x15e: {  	v8 =	vmul.f32 v7, v6;
	v5 =	vmul.f32 v4, v6  }
0x15f: {  	v7 =	vmul.f32 v9, v6;
	v4 =	vmov s30;
	v6 =	vmul.f32 v10, v6  }
0x160: {  	[tilespmem:s0+$0x10] =	vst v8  }
0x161: {  	s26 =	sadd.s32 $0x40, s29;
	[tilespmem:s0+$0xFFFFFFE0] =	vst v5  }
0x162: {  	v5 =	vld [tilespmem:s26+$0xFFFFFFF0];
	[tilespmem:s0+$0xFFFFFFF0] =	vst v7  }
0x163: {  	v7 =	vld [tilespmem:s26+$0x10];
	[tilespmem:s0+$0x0] =	vst v6  }
0x164: {  	v4 =	vld.idx.msk [tilespmem:v4+s20+$0x0], $0xffff  }
0x165: {  	v6 =	vld [tilespmem:s26+$0xFFFFFFE0];
	_ =	sdelay $0x1  }
0x166: {  	v8 =	vld [tilespmem:s26+$0x0];
	_ =	sdelay $0x1  }
0x167: {  	v7 =	vmul.f32 v7, v4  }
0x168: {  	v6 =	vmul.f32 v6, v4  }
0x169: {  	v5 =	vmul.f32 v5, v4;
	[tilespmem:s26+$0x10] =	vst v7  }
0x16a: {  	v4 =	vmul.f32 v8, v4;
	[tilespmem:s26+$0xFFFFFFE0] =	vst v6  }
0x16b: {  	[tilespmem:s26+$0xFFFFFFF0] =	vst v5  }
0x16c: {  	s30 =	rddreg [dreg:$0x18];
	[tilespmem:s26+$0x0] =	vst v4  }
0x16d: {  	[hbm4b:s30+s4] =	stream.linear.scatter [tilespmem:s19], [sflag:$0x6], $0x2000, $0x200038;
	[tilespmem:$0x1FE80] =	vst v63  }
0x16e: {  	_ =	swait.ge [sflag:s15], $0x2000  }
0x16f: {  	[sflag:s15] =	ssyncset.done $0x0  }
0x170: {  	[sflag:s15] =	ssyncadd.s32 $0xFFFFE000  }
0x171: {  	s26 =	simm.s32 $0x100;
	_ =	swait.ge [sflag:s7], $0x2000  }
0x172: {  	v4 =	vmov s26;
	[sflag:s7] =	ssyncset.done $0x0  }
0x173: {  	s0 =	simm.s32 $0x172A0;
	s30 =	rddreg [dreg:$0x7];
	[sflag:s7] =	ssyncadd.s32 $0xFFFFE000  }
0x174: {  	[tilespmem:s19], [sflag:$0x2] =	stream.strided.gather [hbm4b:s30+s31], $0x2000, s8, s31, $0x200038;
	[tilespmem:$0x1FE80] =	vst v63  }
0x175: {  	v6 =	vld [tilespmem:s0+$0xFFFFFFF0]  }
0x176: {  	v7 =	vld [tilespmem:s0+$0x10]  }
0x177: {  	v9 =	vld.idx.msk [tilespmem:v4+s20+$0x0], $0xffff  }
0x178: {  	v4 =	vld [tilespmem:s0+$0xFFFFFFE0]  }
0x179: {  	v10 =	vld [tilespmem:s0+$0x0];
	_ =	sdelay $0x3  }
0x17a: {  	s29 =	simm.s32 $0x101;
	v5 =	vmul.f32 v4, v9;
	v8 =	vmul.f32 v7, v9  }
0x17b: {  	s26 =	simm.s32 $0x102;
	v4 =	vmov s29;
	v7 =	vmul.f32 v6, v9;
	v6 =	vmul.f32 v10, v9;
	s29 =	simm.s32 $0x172A0  }
.LBB2_20:
0x17c: {  	p0 =	sne.s32 s26, $0x17F  }
0x17d: {  	[tilespmem:s0+$0x10] =	vst v8;
	s29 =	sadd.s32 $0x40, s29;
	s30 =	smov.u32 s26;
	s26 =	sadd.s32 $0x1, s26  }
0x17e: {  	[tilespmem:s0+$0xFFFFFFE0] =	vst v5  }
0x17f: {  	v9 =	vld [tilespmem:s29+$0xFFFFFFF0];
	[tilespmem:s0+$0xFFFFFFF0] =	vst v7  }
0x180: {  	v7 =	vld [tilespmem:s29+$0x10];
	[tilespmem:s0+$0x0] =	vst v6;
	s0 =	smov.u32 s29  }
0x181: {  	v6 =	vld.idx.msk [tilespmem:v4+s20+$0x0], $0xffff  }
0x182: {  	v4 =	vld [tilespmem:s29+$0xFFFFFFE0]  }
0x183: {  	v10 =	vld [tilespmem:s29+$0x0]  }
.Ltmp10:
0x184: {  	(pc) =	sbr.rel @p0 .LBB2_20-.Ltmp10, $3  }
0x185: {  	_ =	sdelay $0x1  }
0x186: {  	v8 =	vmul.f32 v7, v6;
	v5 =	vmul.f32 v4, v6  }
0x187: {  	v7 =	vmul.f32 v9, v6;
	v4 =	vmov s30;
	v6 =	vmul.f32 v10, v6  }
0x188: {  	[tilespmem:s0+$0x10] =	vst v8  }
0x189: {  	s26 =	sadd.s32 $0x40, s29;
	[tilespmem:s0+$0xFFFFFFE0] =	vst v5  }
0x18a: {  	v5 =	vld [tilespmem:s26+$0xFFFFFFF0];
	[tilespmem:s0+$0xFFFFFFF0] =	vst v7  }
0x18b: {  	v7 =	vld [tilespmem:s26+$0x10];
	[tilespmem:s0+$0x0] =	vst v6  }
0x18c: {  	v4 =	vld.idx.msk [tilespmem:v4+s20+$0x0], $0xffff  }
0x18d: {  	v6 =	vld [tilespmem:s26+$0xFFFFFFE0];
	_ =	sdelay $0x1  }
0x18e: {  	v8 =	vld [tilespmem:s26+$0x0];
	_ =	sdelay $0x1  }
0x18f: {  	v7 =	vmul.f32 v7, v4  }
0x190: {  	v6 =	vmul.f32 v6, v4  }
0x191: {  	v5 =	vmul.f32 v5, v4;
	[tilespmem:s26+$0x10] =	vst v7  }
0x192: {  	v4 =	vmul.f32 v8, v4;
	[tilespmem:s26+$0xFFFFFFE0] =	vst v6  }
0x193: {  	[tilespmem:s26+$0xFFFFFFF0] =	vst v5  }
0x194: {  	s30 =	rddreg [dreg:$0x19];
	[tilespmem:s26+$0x0] =	vst v4  }
0x195: {  	[hbm4b:s30+s4] =	stream.linear.scatter [tilespmem:s14], [sflag:$0x5], $0x2000, $0x200038;
	[tilespmem:$0x1FE80] =	vst v63  }
0x196: {  	_ =	swait.ge [sflag:s18], $0x2000  }
0x197: {  	[sflag:s18] =	ssyncset.done $0x0  }
0x198: {  	[sflag:s18] =	ssyncadd.s32 $0xFFFFE000  }
0x199: {  	s26 =	simm.s32 $0x180;
	_ =	swait.ge [sflag:s17], $0x2000  }
0x19a: {  	v4 =	vmov s26;
	[sflag:s17] =	ssyncset.done $0x0  }
0x19b: {  	s0 =	simm.s32 $0x192A0;
	s30 =	rddreg [dreg:$0x8];
	[sflag:s17] =	ssyncadd.s32 $0xFFFFE000  }
0x19c: {  	[tilespmem:s14], [sflag:$0x1] =	stream.strided.gather [hbm4b:s30+s31], $0x2000, s8, s31, $0x200038;
	[tilespmem:$0x1FE80] =	vst v63  }
0x19d: {  	v6 =	vld [tilespmem:s0+$0xFFFFFFF0]  }
0x19e: {  	v7 =	vld [tilespmem:s0+$0x10]  }
0x19f: {  	v9 =	vld.idx.msk [tilespmem:v4+s20+$0x0], $0xffff  }
0x1a0: {  	v4 =	vld [tilespmem:s0+$0xFFFFFFE0]  }
0x1a1: {  	v10 =	vld [tilespmem:s0+$0x0];
	_ =	sdelay $0x3  }
0x1a2: {  	s29 =	simm.s32 $0x181;
	v5 =	vmul.f32 v4, v9;
	v8 =	vmul.f32 v7, v9  }
0x1a3: {  	s26 =	simm.s32 $0x182;
	v4 =	vmov s29;
	v7 =	vmul.f32 v6, v9;
	v6 =	vmul.f32 v10, v9;
	s29 =	simm.s32 $0x192A0  }
.LBB2_22:
0x1a4: {  	p0 =	sne.s32 s26, $0x1FF  }
0x1a5: {  	[tilespmem:s0+$0x10] =	vst v8;
	s29 =	sadd.s32 $0x40, s29;
	s30 =	smov.u32 s26;
	s26 =	sadd.s32 $0x1, s26  }
0x1a6: {  	[tilespmem:s0+$0xFFFFFFE0] =	vst v5  }
0x1a7: {  	v9 =	vld [tilespmem:s29+$0xFFFFFFF0];
	[tilespmem:s0+$0xFFFFFFF0] =	vst v7  }
0x1a8: {  	v7 =	vld [tilespmem:s29+$0x10];
	[tilespmem:s0+$0x0] =	vst v6;
	s0 =	smov.u32 s29  }
0x1a9: {  	v6 =	vld.idx.msk [tilespmem:v4+s20+$0x0], $0xffff  }
0x1aa: {  	v4 =	vld [tilespmem:s29+$0xFFFFFFE0]  }
0x1ab: {  	v10 =	vld [tilespmem:s29+$0x0]  }
.Ltmp11:
0x1ac: {  	(pc) =	sbr.rel @p0 .LBB2_22-.Ltmp11, $3  }
0x1ad: {  	_ =	sdelay $0x1  }
0x1ae: {  	v8 =	vmul.f32 v7, v6;
	v5 =	vmul.f32 v4, v6  }
0x1af: {  	v7 =	vmul.f32 v9, v6;
	v4 =	vmov s30;
	v6 =	vmul.f32 v10, v6  }
0x1b0: {  	[tilespmem:s0+$0x10] =	vst v8  }
0x1b1: {  	s26 =	sadd.s32 $0x40, s29;
	[tilespmem:s0+$0xFFFFFFE0] =	vst v5  }
0x1b2: {  	v5 =	vld [tilespmem:s26+$0xFFFFFFF0];
	[tilespmem:s0+$0xFFFFFFF0] =	vst v7  }
0x1b3: {  	v7 =	vld [tilespmem:s26+$0x10];
	[tilespmem:s0+$0x0] =	vst v6  }
0x1b4: {  	v4 =	vld.idx.msk [tilespmem:v4+s20+$0x0], $0xffff  }
0x1b5: {  	v6 =	vld [tilespmem:s26+$0xFFFFFFE0];
	_ =	sdelay $0x1  }
0x1b6: {  	v8 =	vld [tilespmem:s26+$0x0];
	_ =	sdelay $0x1  }
0x1b7: {  	v7 =	vmul.f32 v7, v4  }
0x1b8: {  	v6 =	vmul.f32 v6, v4  }
0x1b9: {  	v5 =	vmul.f32 v5, v4;
	[tilespmem:s26+$0x10] =	vst v7  }
0x1ba: {  	v4 =	vmul.f32 v8, v4;
	[tilespmem:s26+$0xFFFFFFE0] =	vst v6  }
0x1bb: {  	[tilespmem:s26+$0xFFFFFFF0] =	vst v5  }
0x1bc: {  	s30 =	rddreg [dreg:$0x1a];
	s31 =	simm.s32 $0x200;
	[tilespmem:s26+$0x0] =	vst v4  }
0x1bd: {  	[hbm4b:s30+s4] =	stream.linear.scatter [tilespmem:s19], [sflag:$0x6], $0x2000, $0x200038;
	[tilespmem:$0x1FE80] =	vst v63  }
0x1be: {  	v4 =	vmov s31;
	_ =	swait.ge [sflag:s15], $0x2000  }
0x1bf: {  	[sflag:s15] =	ssyncset.done $0x0  }
0x1c0: {  	s0 =	simm.s32 $0x172A0;
	[sflag:s15] =	ssyncadd.s32 $0xFFFFE000  }
0x1c1: {  	v6 =	vld [tilespmem:s0+$0xFFFFFFF0]  }
0x1c2: {  	v7 =	vld [tilespmem:s0+$0x10]  }
0x1c3: {  	v9 =	vld.idx.msk [tilespmem:v4+s20+$0x0], $0xffff  }
0x1c4: {  	v4 =	vld [tilespmem:s0+$0xFFFFFFE0]  }
0x1c5: {  	v10 =	vld [tilespmem:s0+$0x0];
	_ =	sdelay $0x3  }
0x1c6: {  	s29 =	simm.s32 $0x201;
	v5 =	vmul.f32 v4, v9;
	v8 =	vmul.f32 v7, v9  }
0x1c7: {  	s26 =	simm.s32 $0x202;
	v4 =	vmov s29;
	v7 =	vmul.f32 v6, v9;
	v6 =	vmul.f32 v10, v9;
	s29 =	simm.s32 $0x172A0  }
.LBB2_24:
0x1c8: {  	p0 =	sne.s32 s26, $0x27F  }
0x1c9: {  	[tilespmem:s0+$0x10] =	vst v8;
	s29 =	sadd.s32 $0x40, s29;
	s30 =	smov.u32 s26;
	s26 =	sadd.s32 $0x1, s26  }
0x1ca: {  	[tilespmem:s0+$0xFFFFFFE0] =	vst v5  }
0x1cb: {  	v9 =	vld [tilespmem:s29+$0xFFFFFFF0];
	[tilespmem:s0+$0xFFFFFFF0] =	vst v7  }
0x1cc: {  	v7 =	vld [tilespmem:s29+$0x10];
	[tilespmem:s0+$0x0] =	vst v6;
	s0 =	smov.u32 s29  }
0x1cd: {  	v6 =	vld.idx.msk [tilespmem:v4+s20+$0x0], $0xffff  }
0x1ce: {  	v4 =	vld [tilespmem:s29+$0xFFFFFFE0]  }
0x1cf: {  	v10 =	vld [tilespmem:s29+$0x0]  }
.Ltmp12:
0x1d0: {  	(pc) =	sbr.rel @p0 .LBB2_24-.Ltmp12, $3  }
0x1d1: {  	_ =	sdelay $0x1  }
0x1d2: {  	v8 =	vmul.f32 v7, v6;
	v5 =	vmul.f32 v4, v6  }
0x1d3: {  	v7 =	vmul.f32 v9, v6;
	v4 =	vmov s30;
	v6 =	vmul.f32 v10, v6  }
0x1d4: {  	[tilespmem:s0+$0x10] =	vst v8  }
0x1d5: {  	s26 =	sadd.s32 $0x40, s29;
	[tilespmem:s0+$0xFFFFFFE0] =	vst v5  }
0x1d6: {  	v5 =	vld [tilespmem:s26+$0xFFFFFFF0];
	[tilespmem:s0+$0xFFFFFFF0] =	vst v7  }
0x1d7: {  	v7 =	vld [tilespmem:s26+$0x10];
	[tilespmem:s0+$0x0] =	vst v6  }
0x1d8: {  	v4 =	vld.idx.msk [tilespmem:v4+s20+$0x0], $0xffff  }
0x1d9: {  	v6 =	vld [tilespmem:s26+$0xFFFFFFE0];
	_ =	sdelay $0x1  }
0x1da: {  	v8 =	vld [tilespmem:s26+$0x0];
	_ =	sdelay $0x1  }
0x1db: {  	v7 =	vmul.f32 v7, v4  }
0x1dc: {  	v6 =	vmul.f32 v6, v4  }
0x1dd: {  	v5 =	vmul.f32 v5, v4;
	[tilespmem:s26+$0x10] =	vst v7  }
0x1de: {  	v4 =	vmul.f32 v8, v4;
	[tilespmem:s26+$0xFFFFFFE0] =	vst v6  }
0x1df: {  	[tilespmem:s26+$0xFFFFFFF0] =	vst v5  }
0x1e0: {  	s29 =	simm.s32 $0x0;
	s30 =	rddreg [dreg:$0x1b];
	[tilespmem:s26+$0x0] =	vst v4  }
0x1e1: {  	[hbm4b:s30+s29] =	stream.linear.scatter [tilespmem:s14], [sflag:$0x5], $0x2000, $0x200038;
	[tilespmem:$0x1FE80] =	vst v63  }
0x1e2: {  	_ =	swait.ge [sflag:s17], $0x2000  }
0x1e3: {  	[sflag:s17] =	ssyncset.done $0x0  }
0x1e4: {  	[sflag:s17] =	ssyncadd.s32 $0xFFFFE000  }
0x1e5: {  	_ =	swait.ge [sflag:s7], $0x2000  }
0x1e6: {  	[sflag:s7] =	ssyncset.done $0x0  }
0x1e7: {  	[sflag:s7] =	ssyncadd.s32 $0xFFFFE000  }
0x1e8: {  	_ =	strace $0x9000004C  }
0x1e9: {  	_ =	strace $0x8000004D  }
0x1ea: {  	[bflag:$0x0] =	sbarrier.arrive $0xFFFF  }
0x1eb: {  	_ =	strace $0x9000004D  }
0x1ec: {  	s31 =	simm.s32 $0xC800;
	_ =	strace $0x8000004E  }
0x1ed: {  	[tilespmem:s14], [sflag:$0x1] =	stream.indirect.gather [hbm4b:s16+s8], $0x40, s31, s8, $0x2000b8;
	[tilespmem:$0x1FE80] =	vst v63  }
0x1ee: {  	s26 =	simm.s32 $0xC880  }
0x1ef: {  	[tilespmem:s19], [sflag:$0x2] =	stream.indirect.gather [hbm4b:s16+s8], $0x40, s26, s8, $0x2000b8;
	[tilespmem:$0x1FE80] =	vst v63  }
0x1f0: {  	s29 =	simm.s32 $0xC900  }
0x1f1: {  	[tilespmem:s6], [sflag:$0x3] =	stream.indirect.gather [hbm4b:s16+s8], $0x40, s29, s8, $0x2000b8;
	[tilespmem:$0x1FE80] =	vst v63  }
0x1f2: {  	_ =	swait.ge [sflag:s15], $0x2000  }
0x1f3: {  	[sflag:s15] =	ssyncset.done $0x0  }
0x1f4: {  	s30 =	simm.s32 $0x11800;
	[sflag:s15] =	ssyncadd.s32 $0xFFFFE000  }
0x1f5: {  	[spmem:s3] =	stream.indirect.scatter.add.f32 [tilespmem:s14], [sflag:$0x5], $0x40, s30, s8, $0x2000b8;
	[tilespmem:$0x1FE80] =	vst v63  }
0x1f6: {  	s31 =	simm.s32 $0xC980  }
0x1f7: {  	[tilespmem:s10], [sflag:$0x4] =	stream.indirect.gather [hbm4b:s16+s8], $0x40, s31, s8, $0x2000b8;
	[tilespmem:$0x1FE80] =	vst v63  }
0x1f8: {  	_ =	swait.ge [sflag:s18], $0x2000  }
0x1f9: {  	[sflag:s18] =	ssyncset.done $0x0  }
0x1fa: {  	s26 =	simm.s32 $0x11880;
	[sflag:s18] =	ssyncadd.s32 $0xFFFFE000  }
0x1fb: {  	[spmem:s3] =	stream.indirect.scatter.add.f32 [tilespmem:s19], [sflag:$0x6], $0x40, s26, s8, $0x2000b8;
	[tilespmem:$0x1FE80] =	vst v63  }
0x1fc: {  	_ =	swait.ge [sflag:s17], $0x2000  }
0x1fd: {  	[sflag:s17] =	ssyncset.done $0x0  }
0x1fe: {  	s29 =	simm.s32 $0xCA00;
	[sflag:s17] =	ssyncadd.s32 $0xFFFFE000  }
0x1ff: {  	[tilespmem:s14], [sflag:$0x1] =	stream.indirect.gather [hbm4b:s16+s8], $0x40, s29, s8, $0x2000b8;
	[tilespmem:$0x1FE80] =	vst v63  }
0x200: {  	_ =	swait.ge [sflag:s13], $0x2000  }
0x201: {  	[sflag:s13] =	ssyncset.done $0x0  }
0x202: {  	s30 =	simm.s32 $0x11900;
	[sflag:s13] =	ssyncadd.s32 $0xFFFFE000  }
0x203: {  	[spmem:s3] =	stream.indirect.scatter.add.f32 [tilespmem:s6], [sflag:$0x7], $0x40, s30, s8, $0x2000b8;
	[tilespmem:$0x1FE80] =	vst v63  }
0x204: {  	_ =	swait.ge [sflag:s7], $0x2000  }
0x205: {  	[sflag:s7] =	ssyncset.done $0x0  }
0x206: {  	s31 =	simm.s32 $0xCA80;
	[sflag:s7] =	ssyncadd.s32 $0xFFFFE000  }
0x207: {  	[tilespmem:s19], [sflag:$0x2] =	stream.indirect.gather [hbm4b:s16+s8], $0x40, s31, s8, $0x2000b8;
	[tilespmem:$0x1FE80] =	vst v63  }
0x208: {  	_ =	swait.ge [sflag:s22], $0x2000  }
0x209: {  	[sflag:s22] =	ssyncset.done $0x0  }
0x20a: {  	s26 =	simm.s32 $0x11980;
	[sflag:s22] =	ssyncadd.s32 $0xFFFFE000  }
0x20b: {  	[spmem:s3] =	stream.indirect.scatter.add.f32 [tilespmem:s10], [sflag:$0x8], $0x40, s26, s8, $0x2000b8;
	[tilespmem:$0x1FE80] =	vst v63  }
0x20c: {  	_ =	swait.ge [sflag:s23], $0x2000  }
0x20d: {  	[sflag:s23] =	ssyncset.done $0x0  }
0x20e: {  	s29 =	simm.s32 $0xCB00;
	[sflag:s23] =	ssyncadd.s32 $0xFFFFE000  }
0x20f: {  	[tilespmem:s6], [sflag:$0x3] =	stream.indirect.gather [hbm4b:s16+s8], $0x40, s29, s8, $0x2000b8;
	[tilespmem:$0x1FE80] =	vst v63  }
0x210: {  	_ =	swait.ge [sflag:s15], $0x2000  }
0x211: {  	[sflag:s15] =	ssyncset.done $0x0  }
0x212: {  	s30 =	simm.s32 $0x11A00;
	[sflag:s15] =	ssyncadd.s32 $0xFFFFE000  }
0x213: {  	[spmem:s3] =	stream.indirect.scatter.add.f32 [tilespmem:s14], [sflag:$0x5], $0x40, s30, s8, $0x2000b8;
	[tilespmem:$0x1FE80] =	vst v63  }
0x214: {  	_ =	swait.ge [sflag:s24], $0x2000  }
0x215: {  	[sflag:s24] =	ssyncset.done $0x0  }
0x216: {  	s31 =	simm.s32 $0xCB80;
	[sflag:s24] =	ssyncadd.s32 $0xFFFFE000  }
0x217: {  	[tilespmem:s10], [sflag:$0x4] =	stream.indirect.gather [hbm4b:s16+s8], $0x40, s31, s8, $0x2000b8;
	[tilespmem:$0x1FE80] =	vst v63  }
0x218: {  	_ =	swait.ge [sflag:s18], $0x2000  }
0x219: {  	[sflag:s18] =	ssyncset.done $0x0  }
0x21a: {  	s26 =	simm.s32 $0x11A80;
	[sflag:s18] =	ssyncadd.s32 $0xFFFFE000  }
0x21b: {  	[spmem:s3] =	stream.indirect.scatter.add.f32 [tilespmem:s19], [sflag:$0x6], $0x40, s26, s8, $0x2000b8;
	[tilespmem:$0x1FE80] =	vst v63  }
0x21c: {  	_ =	swait.ge [sflag:s17], $0x2000  }
0x21d: {  	[sflag:s17] =	ssyncset.done $0x0  }
0x21e: {  	s29 =	simm.s32 $0xCC00;
	[sflag:s17] =	ssyncadd.s32 $0xFFFFE000  }
0x21f: {  	[tilespmem:s14], [sflag:$0x1] =	stream.indirect.gather [hbm4b:s16+s8], $0x40, s29, s8, $0x2000b8;
	[tilespmem:$0x1FE80] =	vst v63  }
0x220: {  	_ =	swait.ge [sflag:s13], $0x2000  }
0x221: {  	[sflag:s13] =	ssyncset.done $0x0  }
0x222: {  	s30 =	simm.s32 $0x11B00;
	[sflag:s13] =	ssyncadd.s32 $0xFFFFE000  }
0x223: {  	[spmem:s3] =	stream.indirect.scatter.add.f32 [tilespmem:s6], [sflag:$0x7], $0x40, s30, s8, $0x2000b8;
	[tilespmem:$0x1FE80] =	vst v63  }
0x224: {  	_ =	swait.ge [sflag:s7], $0x2000  }
0x225: {  	[sflag:s7] =	ssyncset.done $0x0  }
0x226: {  	s31 =	simm.s32 $0xCC80;
	[sflag:s7] =	ssyncadd.s32 $0xFFFFE000  }
0x227: {  	[tilespmem:s19], [sflag:$0x2] =	stream.indirect.gather [hbm4b:s16+s8], $0x40, s31, s8, $0x2000b8;
	[tilespmem:$0x1FE80] =	vst v63  }
0x228: {  	_ =	swait.ge [sflag:s22], $0x2000  }
0x229: {  	[sflag:s22] =	ssyncset.done $0x0  }
0x22a: {  	s0 =	simm.s32 $0x11B80;
	s26 =	simm.s32 $0x800;
	[sflag:s22] =	ssyncadd.s32 $0xFFFFE000  }
.LBB2_26:
0x22b: {  	[spmem:s3] =	stream.indirect.scatter.add.f32 [tilespmem:s10], [sflag:$0x8], $0x40, s0, s8, $0x2000b8;
	[tilespmem:$0x1FE80] =	vst v63  }
0x22c: {  	s0 =	smov.u32 s26  }
0x22d: {  	p0 =	sne.s32 s26, $0x12800;
	s26 =	sadd.s32 $0x800, s26;
	_ =	swait.ge [sflag:s23], $0x2000  }
0x22e: {  	s29 =	sshra.s32 s0, $0x2;
	[sflag:s23] =	ssyncset.done $0x0  }
0x22f: {  	s0 =	sadd.s32 $0xCB00, s29;
	[sflag:s23] =	ssyncadd.s32 $0xFFFFE000  }
0x230: {  	[tilespmem:s6], [sflag:$0x3] =	stream.indirect.gather [hbm4b:s16+s8], $0x40, s0, s8, $0x2000b8;
	[tilespmem:$0x1FE80] =	vst v63  }
0x231: {  	_ =	swait.ge [sflag:s15], $0x2000  }
0x232: {  	[sflag:s15] =	ssyncset.done $0x0  }
0x233: {  	s0 =	sadd.s32 $0x11A00, s29;
	[sflag:s15] =	ssyncadd.s32 $0xFFFFE000  }
0x234: {  	[spmem:s3] =	stream.indirect.scatter.add.f32 [tilespmem:s14], [sflag:$0x5], $0x40, s0, s8, $0x2000b8;
	[tilespmem:$0x1FE80] =	vst v63  }
0x235: {  	_ =	swait.ge [sflag:s24], $0x2000  }
0x236: {  	[sflag:s24] =	ssyncset.done $0x0  }
0x237: {  	s0 =	sadd.s32 $0xCB80, s29;
	[sflag:s24] =	ssyncadd.s32 $0xFFFFE000  }
0x238: {  	[tilespmem:s10], [sflag:$0x4] =	stream.indirect.gather [hbm4b:s16+s8], $0x40, s0, s8, $0x2000b8;
	[tilespmem:$0x1FE80] =	vst v63  }
0x239: {  	_ =	swait.ge [sflag:s18], $0x2000  }
0x23a: {  	[sflag:s18] =	ssyncset.done $0x0  }
0x23b: {  	s0 =	sadd.s32 $0x11A80, s29;
	[sflag:s18] =	ssyncadd.s32 $0xFFFFE000  }
0x23c: {  	[spmem:s3] =	stream.indirect.scatter.add.f32 [tilespmem:s19], [sflag:$0x6], $0x40, s0, s8, $0x2000b8;
	[tilespmem:$0x1FE80] =	vst v63  }
0x23d: {  	_ =	swait.ge [sflag:s17], $0x2000  }
0x23e: {  	[sflag:s17] =	ssyncset.done $0x0  }
0x23f: {  	s0 =	sadd.s32 $0xCC00, s29;
	[sflag:s17] =	ssyncadd.s32 $0xFFFFE000  }
0x240: {  	[tilespmem:s14], [sflag:$0x1] =	stream.indirect.gather [hbm4b:s16+s8], $0x40, s0, s8, $0x2000b8;
	[tilespmem:$0x1FE80] =	vst v63  }
0x241: {  	_ =	swait.ge [sflag:s13], $0x2000  }
0x242: {  	[sflag:s13] =	ssyncset.done $0x0  }
0x243: {  	s0 =	sadd.s32 $0x11B00, s29;
	[sflag:s13] =	ssyncadd.s32 $0xFFFFE000  }
0x244: {  	[spmem:s3] =	stream.indirect.scatter.add.f32 [tilespmem:s6], [sflag:$0x7], $0x40, s0, s8, $0x2000b8;
	[tilespmem:$0x1FE80] =	vst v63  }
0x245: {  	_ =	swait.ge [sflag:s7], $0x2000  }
0x246: {  	[sflag:s7] =	ssyncset.done $0x0  }
.Ltmp13:
0x247: {  	s0 =	sadd.s32 $0xCC80, s29;
	[sflag:s7] =	ssyncadd.s32 $0xFFFFE000;
	(pc) =	sbr.rel @p0 .LBB2_26-.Ltmp13, $4  }
0x248: {  	[tilespmem:s19], [sflag:$0x2] =	stream.indirect.gather [hbm4b:s16+s8], $0x40, s0, s8, $0x2000b8;
	[tilespmem:$0x1FE80] =	vst v63  }
0x249: {  	_ =	swait.ge [sflag:s22], $0x2000  }
0x24a: {  	[sflag:s22] =	ssyncset.done $0x0  }
0x24b: {  	s0 =	sadd.s32 $0x11B80, s29;
	[sflag:s22] =	ssyncadd.s32 $0xFFFFE000  }
0x24c: {  	[spmem:s3] =	stream.indirect.scatter.add.f32 [tilespmem:s10], [sflag:$0x8], $0x40, s0, s8, $0x2000b8;
	[tilespmem:$0x1FE80] =	vst v63  }
0x24d: {  	_ =	swait.ge [sflag:s23], $0x2000  }
0x24e: {  	[sflag:s23] =	ssyncset.done $0x0  }
0x24f: {  	s30 =	simm.s32 $0x11700;
	[sflag:s23] =	ssyncadd.s32 $0xFFFFE000  }
0x250: {  	[tilespmem:s6], [sflag:$0x3] =	stream.indirect.gather [hbm4b:s16+s8], $0x40, s30, s8, $0x2000b8;
	[tilespmem:$0x1FE80] =	vst v63  }
0x251: {  	_ =	swait.ge [sflag:s15], $0x2000  }
0x252: {  	[sflag:s15] =	ssyncset.done $0x0  }
0x253: {  	s31 =	simm.s32 $0x16600;
	[sflag:s15] =	ssyncadd.s32 $0xFFFFE000  }
0x254: {  	[spmem:s3] =	stream.indirect.scatter.add.f32 [tilespmem:s14], [sflag:$0x5], $0x40, s31, s8, $0x2000b8;
	[tilespmem:$0x1FE80] =	vst v63  }
0x255: {  	_ =	swait.ge [sflag:s24], $0x2000  }
0x256: {  	[sflag:s24] =	ssyncset.done $0x0  }
0x257: {  	s26 =	simm.s32 $0x11780;
	[sflag:s24] =	ssyncadd.s32 $0xFFFFE000  }
0x258: {  	[tilespmem:s10], [sflag:$0x4] =	stream.indirect.gather [hbm4b:s16+s8], $0x40, s26, s8, $0x2000b8;
	[tilespmem:$0x1FE80] =	vst v63  }
0x259: {  	_ =	swait.ge [sflag:s18], $0x2000  }
0x25a: {  	[sflag:s18] =	ssyncset.done $0x0  }
0x25b: {  	s29 =	simm.s32 $0x16680;
	[sflag:s18] =	ssyncadd.s32 $0xFFFFE000  }
0x25c: {  	[spmem:s3] =	stream.indirect.scatter.add.f32 [tilespmem:s19], [sflag:$0x6], $0x40, s29, s8, $0x2000b8;
	[tilespmem:$0x1FE80] =	vst v63  }
0x25d: {  	_ =	swait.ge [sflag:s13], $0x2000  }
0x25e: {  	[sflag:s13] =	ssyncset.done $0x0  }
0x25f: {  	s30 =	simm.s32 $0x16700;
	[sflag:s13] =	ssyncadd.s32 $0xFFFFE000  }
0x260: {  	[spmem:s3] =	stream.indirect.scatter.add.f32 [tilespmem:s6], [sflag:$0x7], $0x40, s30, s8, $0x2000b8;
	[tilespmem:$0x1FE80] =	vst v63  }
0x261: {  	_ =	swait.ge [sflag:s22], $0x2000  }
0x262: {  	[sflag:s22] =	ssyncset.done $0x0  }
0x263: {  	s31 =	simm.s32 $0x16780;
	[sflag:s22] =	ssyncadd.s32 $0xFFFFE000  }
0x264: {  	[spmem:s3] =	stream.indirect.scatter.add.f32 [tilespmem:s10], [sflag:$0x8], $0x40, s31, s8, $0x2000b8;
	[tilespmem:$0x1FE80] =	vst v63  }
0x265: {  	_ =	swait.ge [sflag:s17], $0x2000  }
0x266: {  	[sflag:s17] =	ssyncset.done $0x0  }
0x267: {  	[sflag:s17] =	ssyncadd.s32 $0xFFFFE000  }
0x268: {  	_ =	swait.ge [sflag:s7], $0x2000  }
0x269: {  	[sflag:s7] =	ssyncset.done $0x0  }
0x26a: {  	[sflag:s7] =	ssyncadd.s32 $0xFFFFE000  }
0x26b: {  	_ =	swait.ge [sflag:s23], $0x2000  }
0x26c: {  	[sflag:s23] =	ssyncset.done $0x0  }
0x26d: {  	[sflag:s23] =	ssyncadd.s32 $0xFFFFE000  }
0x26e: {  	_ =	swait.ge [sflag:s24], $0x2000  }
0x26f: {  	[sflag:s24] =	ssyncset.done $0x0  }
0x270: {  	[sflag:s24] =	ssyncadd.s32 $0xFFFFE000  }
0x271: {  	_ =	strace $0x9000004E  }
0x272: {  	_ =	strace $0x8000004F  }
0x273: {  	s26 =	simm.s32 $0x0;
	[bflag:$0x0] =	sbarrier.arrive $0xFFFF  }
0x274: {  	s0 =	simm.s32 $0x1D2A0;
	_ =	strace $0x9000004F;
	[tilespmem:s26+$0x1F680] =	vst v2  }
0x275: {  	[tilespmem:s0+$0xFFFFFFE0] =	vst v0  }
0x276: {  	[tilespmem:s0+$0xFFFFFFF0] =	vst v0  }
0x277: {  	[tilespmem:s0+$0x0] =	vst v0  }
0x278: {  	s26 =	simm.s32 $0x40;
	[tilespmem:s0+$0x10] =	vst v0  }
.LBB2_28:
0x279: {  	s29 =	sshra.s32 s26, $0x2;
	p0 =	sne.s32 s26, $0x1FC0  }
.Ltmp14:
0x27a: {  	s26 =	sadd.s32 $0x40, s26;
	s0 =	sadd.s32 $0x40, s0;
	[tilespmem:s29+$0x1F680] =	vst v2;
	(pc) =	sbr.rel @p0 .LBB2_28-.Ltmp14, $4  }
0x27b: {  	[tilespmem:s0+$0xFFFFFFE0] =	vst v0  }
0x27c: {  	[tilespmem:s0+$0xFFFFFFF0] =	vst v0  }
0x27d: {  	[tilespmem:s0+$0x0] =	vst v0  }
0x27e: {  	[tilespmem:s0+$0x10] =	vst v0  }
0x27f: {  	_ =	strace $0x80000050;
	s0 =	simm.s32 $0x0  }
0x280: {  	[tilespmem:s14], [sflag:$0x1] =	stream.linear.gather [hbm4b:s21+s0], $0x2000, $0x200038;
	[tilespmem:$0x1FE80] =	vst v63  }
0x281: {  	s26 =	rddreg [dreg:$0x12]  }
0x282: {  	[tilespmem:s19], [sflag:$0xA] =	stream.linear.gather [spmem:s26], $0x2000, $0x200038;
	[tilespmem:$0x1FE80] =	vst v63  }
0x283: {  	_ =	swait.ge [sflag:s1], $0x2000  }
0x284: {  	[sflag:s1] =	ssyncset.done $0x0  }
0x285: {  	[sflag:s1] =	ssyncadd.s32 $0xFFFFE000  }
0x286: {  	[spmem:s26] =	stream.linear.scatter [tilespmem:s6], [sflag:$0x3], $0x2000, $0x200038;
	[tilespmem:$0x1FE80] =	vst v63  }
0x287: {  	v4 =	vmov s0;
	_ =	swait.ge [sflag:s15], $0x2000  }
0x288: {  	[sflag:s15] =	ssyncset.done $0x0  }
0x289: {  	s29 =	simm.s32 $0x172A0;
	s26 =	rddreg [dreg:$0x18];
	[sflag:s15] =	ssyncadd.s32 $0xFFFFE000  }
0x28a: {  	[tilespmem:s10], [sflag:$0x2] =	stream.linear.gather [hbm4b:s26+s0], $0x2000, $0x200038;
	[tilespmem:$0x1FE80] =	vst v63  }
0x28b: {  	v5 =	vld [tilespmem:s29+$0xFFFFFFE0]  }
0x28c: {  	s26 =	simm.s32 $0x192A0;
	v4 =	vld.idx.msk [tilespmem:v4+s20+$0x0], $0xffff  }
0x28d: {  	v6 =	vld [tilespmem:s26+$0xFFFFFFE0];
	_ =	sdelay $0x4  }
0x28e: {  	v7 =	vmul.f32 v4, v4;
	v4 =	vadd.f32 v5, v6;
	_ =	sdelay $0x1  }
0x28f: {  	v4 =	vmul.f32 v4, v7;
	_ =	sdelay $0x1  }
0x290: {  	[tilespmem:s29+$0xFFFFFFE0] =	vst v4;
	v4 =	vld [tilespmem:s29+$0xFFFFFFF0]  }
0x291: {  	v5 =	vld [tilespmem:s26+$0xFFFFFFF0];
	_ =	sdelay $0x4  }
0x292: {  	v4 =	vadd.f32 v4, v5;
	_ =	sdelay $0x1  }
0x293: {  	v4 =	vmul.f32 v4, v7;
	_ =	sdelay $0x1  }
0x294: {  	[tilespmem:s29+$0xFFFFFFF0] =	vst v4;
	v4 =	vld [tilespmem:s29+$0x0]  }
0x295: {  	v5 =	vld [tilespmem:s26+$0x0];
	_ =	sdelay $0x4  }
0x296: {  	v4 =	vadd.f32 v4, v5;
	_ =	sdelay $0x1  }
0x297: {  	v4 =	vmul.f32 v4, v7;
	_ =	sdelay $0x1  }
0x298: {  	[tilespmem:s29+$0x0] =	vst v4;
	v4 =	vld [tilespmem:s29+$0x10]  }
0x299: {  	v5 =	vld [tilespmem:s26+$0x10];
	_ =	sdelay $0x3  }
0x29a: {  	s0 =	simm.s32 $0x1  }
0x29b: {  	v5 =	vadd.f32 v4, v5;
	v4 =	vmov s0;
	_ =	sdelay $0x1  }
0x29c: {  	s31 =	simm.s32 $0x2;
	s30 =	simm.s32 $0x172E0;
	v5 =	vmul.f32 v5, v7  }
.LBB2_30:
0x29d: {  	p0 =	sne.s32 s31, $0x7F;
	s26 =	sadd.s32 $0x40, s26  }
0x29e: {  	v6 =	vld [tilespmem:s30+$0xFFFFFFE0];
	[tilespmem:s29+$0x10] =	vst v5;
	s0 =	smov.u32 s31;
	s31 =	sadd.s32 $0x1, s31;
	s29 =	smov.u32 s30  }
0x29f: {  	v4 =	vld.idx.msk [tilespmem:v4+s20+$0x0], $0xffff  }
0x2a0: {  	v5 =	vld [tilespmem:s26+$0xFFFFFFE0];
	_ =	sdelay $0x4  }
0x2a1: {  	v7 =	vmul.f32 v4, v4;
	v4 =	vadd.f32 v6, v5;
	_ =	sdelay $0x1  }
0x2a2: {  	v4 =	vmul.f32 v4, v7;
	_ =	sdelay $0x1  }
0x2a3: {  	[tilespmem:s30+$0xFFFFFFE0] =	vst v4;
	v4 =	vld [tilespmem:s30+$0xFFFFFFF0]  }
0x2a4: {  	v5 =	vld [tilespmem:s26+$0xFFFFFFF0];
	_ =	sdelay $0x4  }
0x2a5: {  	v4 =	vadd.f32 v4, v5;
	_ =	sdelay $0x1  }
0x2a6: {  	v4 =	vmul.f32 v4, v7;
	_ =	sdelay $0x1  }
0x2a7: {  	[tilespmem:s30+$0xFFFFFFF0] =	vst v4;
	v4 =	vld [tilespmem:s30+$0x0]  }
0x2a8: {  	v5 =	vld [tilespmem:s26+$0x0];
	_ =	sdelay $0x4  }
0x2a9: {  	v4 =	vadd.f32 v4, v5;
	_ =	sdelay $0x1  }
0x2aa: {  	v4 =	vmul.f32 v4, v7;
	_ =	sdelay $0x1  }
0x2ab: {  	[tilespmem:s30+$0x0] =	vst v4;
	v5 =	vld [tilespmem:s30+$0x10]  }
0x2ac: {  	v6 =	vld [tilespmem:s26+$0x10];
	_ =	sdelay $0x3  }
.Ltmp15:
0x2ad: {  	(pc) =	sbr.rel @p0 .LBB2_30-.Ltmp15, $3  }
0x2ae: {  	v4 =	vmov s0;
	v5 =	vadd.f32 v5, v6;
	_ =	sdelay $0x1  }
0x2af: {  	v5 =	vmul.f32 v5, v7  }
0x2b0: {  	s30 =	sadd.s32 $0x40, s30  }
0x2b1: {  	_ =	sdelay $0x2  }
0x2b2: {  	v6 =	vld [tilespmem:s30+$0xFFFFFFE0];
	[tilespmem:s29+$0x10] =	vst v5  }
0x2b3: {  	s0 =	sadd.s32 $0x40, s26;
	v4 =	vld.idx.msk [tilespmem:v4+s20+$0x0], $0xffff  }
0x2b4: {  	v5 =	vld [tilespmem:s0+$0xFFFFFFE0];
	_ =	sdelay $0x4  }
0x2b5: {  	v4 =	vmul.f32 v4, v4;
	v5 =	vadd.f32 v6, v5;
	_ =	sdelay $0x1  }
0x2b6: {  	v5 =	vmul.f32 v5, v4;
	_ =	sdelay $0x1  }
0x2b7: {  	[tilespmem:s30+$0xFFFFFFE0] =	vst v5;
	v5 =	vld [tilespmem:s30+$0xFFFFFFF0]  }
0x2b8: {  	v6 =	vld [tilespmem:s0+$0xFFFFFFF0];
	_ =	sdelay $0x4  }
0x2b9: {  	v5 =	vadd.f32 v5, v6;
	_ =	sdelay $0x1  }
0x2ba: {  	v5 =	vmul.f32 v5, v4;
	_ =	sdelay $0x1  }
0x2bb: {  	[tilespmem:s30+$0xFFFFFFF0] =	vst v5;
	v5 =	vld [tilespmem:s30+$0x0]  }
0x2bc: {  	v6 =	vld [tilespmem:s0+$0x0];
	_ =	sdelay $0x4  }
0x2bd: {  	v5 =	vadd.f32 v5, v6;
	_ =	sdelay $0x1  }
0x2be: {  	v5 =	vmul.f32 v5, v4;
	_ =	sdelay $0x1  }
0x2bf: {  	[tilespmem:s30+$0x0] =	vst v5;
	v5 =	vld [tilespmem:s30+$0x10]  }
0x2c0: {  	v6 =	vld [tilespmem:s0+$0x10];
	_ =	sdelay $0x4  }
0x2c1: {  	v5 =	vadd.f32 v5, v6;
	_ =	sdelay $0x1  }
0x2c2: {  	v4 =	vmul.f32 v5, v4;
	_ =	sdelay $0x1  }
0x2c3: {  	[tilespmem:s30+$0x10] =	vst v4  }
0x2c4: {  	[hbm4b:s21+s4] =	stream.linear.scatter [tilespmem:s14], [sflag:$0x5], $0x2000, $0x200038;
	[tilespmem:$0x1FE80] =	vst v63  }
0x2c5: {  	s26 =	rddreg [dreg:$0x13]  }
0x2c6: {  	[tilespmem:s19], [sflag:$0xA] =	stream.linear.gather [spmem:s26], $0x2000, $0x200038;
	[tilespmem:$0x1FE80] =	vst v63  }
0x2c7: {  	_ =	swait.ge [sflag:s1], $0x2000  }
0x2c8: {  	[sflag:s1] =	ssyncset.done $0x0  }
0x2c9: {  	[sflag:s1] =	ssyncadd.s32 $0xFFFFE000  }
0x2ca: {  	[spmem:s26] =	stream.linear.scatter [tilespmem:s6], [sflag:$0x3], $0x2000, $0x200038;
	[tilespmem:$0x1FE80] =	vst v63  }
0x2cb: {  	_ =	swait.ge [sflag:s18], $0x2000  }
0x2cc: {  	[sflag:s18] =	ssyncset.done $0x0  }
0x2cd: {  	s26 =	simm.s32 $0x80;
	[sflag:s18] =	ssyncadd.s32 $0xFFFFE000  }
0x2ce: {  	v4 =	vmov s26;
	_ =	swait.ge [sflag:s17], $0x2000  }
0x2cf: {  	[sflag:s17] =	ssyncset.done $0x0  }
0x2d0: {  	s29 =	simm.s32 $0x1B2A0;
	s26 =	rddreg [dreg:$0x19];
	[sflag:s17] =	ssyncadd.s32 $0xFFFFE000  }
0x2d1: {  	[tilespmem:s14], [sflag:$0x1] =	stream.linear.gather [hbm4b:s26+s4], $0x2000, $0x200038;
	[tilespmem:$0x1FE80] =	vst v63  }
0x2d2: {  	v5 =	vld [tilespmem:s29+$0xFFFFFFE0]  }
0x2d3: {  	s26 =	simm.s32 $0x192A0;
	v4 =	vld.idx.msk [tilespmem:v4+s20+$0x0], $0xffff  }
0x2d4: {  	v6 =	vld [tilespmem:s26+$0xFFFFFFE0];
	_ =	sdelay $0x4  }
0x2d5: {  	v7 =	vmul.f32 v4, v4;
	v4 =	vadd.f32 v5, v6;
	_ =	sdelay $0x1  }
0x2d6: {  	v4 =	vmul.f32 v4, v7;
	_ =	sdelay $0x1  }
0x2d7: {  	[tilespmem:s29+$0xFFFFFFE0] =	vst v4;
	v4 =	vld [tilespmem:s29+$0xFFFFFFF0]  }
0x2d8: {  	v5 =	vld [tilespmem:s26+$0xFFFFFFF0];
	_ =	sdelay $0x4  }
0x2d9: {  	v4 =	vadd.f32 v4, v5;
	_ =	sdelay $0x1  }
0x2da: {  	v4 =	vmul.f32 v4, v7;
	_ =	sdelay $0x1  }
0x2db: {  	[tilespmem:s29+$0xFFFFFFF0] =	vst v4;
	v4 =	vld [tilespmem:s29+$0x0]  }
0x2dc: {  	v5 =	vld [tilespmem:s26+$0x0];
	_ =	sdelay $0x4  }
0x2dd: {  	v4 =	vadd.f32 v4, v5;
	_ =	sdelay $0x1  }
0x2de: {  	v4 =	vmul.f32 v4, v7;
	_ =	sdelay $0x1  }
0x2df: {  	[tilespmem:s29+$0x0] =	vst v4;
	v4 =	vld [tilespmem:s29+$0x10]  }
0x2e0: {  	v5 =	vld [tilespmem:s26+$0x10];
	_ =	sdelay $0x3  }
0x2e1: {  	s0 =	simm.s32 $0x81  }
0x2e2: {  	v5 =	vadd.f32 v4, v5;
	v4 =	vmov s0;
	_ =	sdelay $0x1  }
0x2e3: {  	s31 =	simm.s32 $0x82;
	s30 =	simm.s32 $0x1B2E0;
	v5 =	vmul.f32 v5, v7  }
.LBB2_32:
0x2e4: {  	p0 =	sne.s32 s31, $0xFF;
	s26 =	sadd.s32 $0x40, s26  }
0x2e5: {  	v6 =	vld [tilespmem:s30+$0xFFFFFFE0];
	[tilespmem:s29+$0x10] =	vst v5;
	s0 =	smov.u32 s31;
	s31 =	sadd.s32 $0x1, s31;
	s29 =	smov.u32 s30  }
0x2e6: {  	v4 =	vld.idx.msk [tilespmem:v4+s20+$0x0], $0xffff  }
0x2e7: {  	v5 =	vld [tilespmem:s26+$0xFFFFFFE0];
	_ =	sdelay $0x4  }
0x2e8: {  	v7 =	vmul.f32 v4, v4;
	v4 =	vadd.f32 v6, v5;
	_ =	sdelay $0x1  }
0x2e9: {  	v4 =	vmul.f32 v4, v7;
	_ =	sdelay $0x1  }
0x2ea: {  	[tilespmem:s30+$0xFFFFFFE0] =	vst v4;
	v4 =	vld [tilespmem:s30+$0xFFFFFFF0]  }
0x2eb: {  	v5 =	vld [tilespmem:s26+$0xFFFFFFF0];
	_ =	sdelay $0x4  }
0x2ec: {  	v4 =	vadd.f32 v4, v5;
	_ =	sdelay $0x1  }
0x2ed: {  	v4 =	vmul.f32 v4, v7;
	_ =	sdelay $0x1  }
0x2ee: {  	[tilespmem:s30+$0xFFFFFFF0] =	vst v4;
	v4 =	vld [tilespmem:s30+$0x0]  }
0x2ef: {  	v5 =	vld [tilespmem:s26+$0x0];
	_ =	sdelay $0x4  }
0x2f0: {  	v4 =	vadd.f32 v4, v5;
	_ =	sdelay $0x1  }
0x2f1: {  	v4 =	vmul.f32 v4, v7;
	_ =	sdelay $0x1  }
0x2f2: {  	[tilespmem:s30+$0x0] =	vst v4;
	v5 =	vld [tilespmem:s30+$0x10]  }
0x2f3: {  	v6 =	vld [tilespmem:s26+$0x10];
	_ =	sdelay $0x3  }
.Ltmp16:
0x2f4: {  	(pc) =	sbr.rel @p0 .LBB2_32-.Ltmp16, $3  }
0x2f5: {  	v4 =	vmov s0;
	v5 =	vadd.f32 v5, v6;
	_ =	sdelay $0x1  }
0x2f6: {  	v5 =	vmul.f32 v5, v7  }
0x2f7: {  	s30 =	sadd.s32 $0x40, s30  }
0x2f8: {  	_ =	sdelay $0x2  }
0x2f9: {  	v6 =	vld [tilespmem:s30+$0xFFFFFFE0];
	[tilespmem:s29+$0x10] =	vst v5  }
0x2fa: {  	s0 =	sadd.s32 $0x40, s26;
	v4 =	vld.idx.msk [tilespmem:v4+s20+$0x0], $0xffff  }
0x2fb: {  	v5 =	vld [tilespmem:s0+$0xFFFFFFE0];
	_ =	sdelay $0x4  }
0x2fc: {  	v4 =	vmul.f32 v4, v4;
	v5 =	vadd.f32 v6, v5;
	_ =	sdelay $0x1  }
0x2fd: {  	v5 =	vmul.f32 v5, v4;
	_ =	sdelay $0x1  }
0x2fe: {  	[tilespmem:s30+$0xFFFFFFE0] =	vst v5;
	v5 =	vld [tilespmem:s30+$0xFFFFFFF0]  }
0x2ff: {  	v6 =	vld [tilespmem:s0+$0xFFFFFFF0];
	_ =	sdelay $0x4  }
0x300: {  	v5 =	vadd.f32 v5, v6;
	_ =	sdelay $0x1  }
0x301: {  	v5 =	vmul.f32 v5, v4;
	_ =	sdelay $0x1  }
0x302: {  	[tilespmem:s30+$0xFFFFFFF0] =	vst v5;
	v5 =	vld [tilespmem:s30+$0x0]  }
0x303: {  	v6 =	vld [tilespmem:s0+$0x0];
	_ =	sdelay $0x4  }
0x304: {  	v5 =	vadd.f32 v5, v6;
	_ =	sdelay $0x1  }
0x305: {  	v5 =	vmul.f32 v5, v4;
	_ =	sdelay $0x1  }
0x306: {  	[tilespmem:s30+$0x0] =	vst v5;
	v5 =	vld [tilespmem:s30+$0x10]  }
0x307: {  	v6 =	vld [tilespmem:s0+$0x10];
	_ =	sdelay $0x4  }
0x308: {  	v5 =	vadd.f32 v5, v6;
	_ =	sdelay $0x1  }
0x309: {  	v4 =	vmul.f32 v5, v4;
	_ =	sdelay $0x1  }
0x30a: {  	s26 =	rddreg [dreg:$0x18];
	[tilespmem:s30+$0x10] =	vst v4  }
0x30b: {  	[hbm4b:s26+s4] =	stream.linear.scatter [tilespmem:s10], [sflag:$0x6], $0x2000, $0x200038;
	[tilespmem:$0x1FE80] =	vst v63  }
0x30c: {  	s26 =	rddreg [dreg:$0x14]  }
0x30d: {  	[tilespmem:s19], [sflag:$0xA] =	stream.linear.gather [spmem:s26], $0x2000, $0x200038;
	[tilespmem:$0x1FE80] =	vst v63  }
0x30e: {  	_ =	swait.ge [sflag:s1], $0x2000  }
0x30f: {  	[sflag:s1] =	ssyncset.done $0x0  }
0x310: {  	[sflag:s1] =	ssyncadd.s32 $0xFFFFE000  }
0x311: {  	[spmem:s26] =	stream.linear.scatter [tilespmem:s6], [sflag:$0x3], $0x2000, $0x200038;
	[tilespmem:$0x1FE80] =	vst v63  }
0x312: {  	_ =	swait.ge [sflag:s15], $0x2000  }
0x313: {  	[sflag:s15] =	ssyncset.done $0x0  }
0x314: {  	s26 =	simm.s32 $0x100;
	[sflag:s15] =	ssyncadd.s32 $0xFFFFE000  }
0x315: {  	v4 =	vmov s26;
	_ =	swait.ge [sflag:s7], $0x2000  }
0x316: {  	[sflag:s7] =	ssyncset.done $0x0  }
0x317: {  	s29 =	simm.s32 $0x172A0;
	s26 =	rddreg [dreg:$0x1a];
	[sflag:s7] =	ssyncadd.s32 $0xFFFFE000  }
0x318: {  	[tilespmem:s10], [sflag:$0x2] =	stream.linear.gather [hbm4b:s26+s4], $0x2000, $0x200038;
	[tilespmem:$0x1FE80] =	vst v63  }
0x319: {  	v5 =	vld [tilespmem:s29+$0xFFFFFFE0]  }
0x31a: {  	s26 =	simm.s32 $0x192A0;
	v4 =	vld.idx.msk [tilespmem:v4+s20+$0x0], $0xffff  }
0x31b: {  	v6 =	vld [tilespmem:s26+$0xFFFFFFE0];
	_ =	sdelay $0x4  }
0x31c: {  	v7 =	vmul.f32 v4, v4;
	v4 =	vadd.f32 v5, v6;
	_ =	sdelay $0x1  }
0x31d: {  	v4 =	vmul.f32 v4, v7;
	_ =	sdelay $0x1  }
0x31e: {  	[tilespmem:s29+$0xFFFFFFE0] =	vst v4;
	v4 =	vld [tilespmem:s29+$0xFFFFFFF0]  }
0x31f: {  	v5 =	vld [tilespmem:s26+$0xFFFFFFF0];
	_ =	sdelay $0x4  }
0x320: {  	v4 =	vadd.f32 v4, v5;
	_ =	sdelay $0x1  }
0x321: {  	v4 =	vmul.f32 v4, v7;
	_ =	sdelay $0x1  }
0x322: {  	[tilespmem:s29+$0xFFFFFFF0] =	vst v4;
	v4 =	vld [tilespmem:s29+$0x0]  }
0x323: {  	v5 =	vld [tilespmem:s26+$0x0];
	_ =	sdelay $0x4  }
0x324: {  	v4 =	vadd.f32 v4, v5;
	_ =	sdelay $0x1  }
0x325: {  	v4 =	vmul.f32 v4, v7;
	_ =	sdelay $0x1  }
0x326: {  	[tilespmem:s29+$0x0] =	vst v4;
	v4 =	vld [tilespmem:s29+$0x10]  }
0x327: {  	v5 =	vld [tilespmem:s26+$0x10];
	_ =	sdelay $0x3  }
0x328: {  	s0 =	simm.s32 $0x101  }
0x329: {  	v5 =	vadd.f32 v4, v5;
	v4 =	vmov s0;
	_ =	sdelay $0x1  }
0x32a: {  	s31 =	simm.s32 $0x102;
	s30 =	simm.s32 $0x172E0;
	v5 =	vmul.f32 v5, v7  }
.LBB2_34:
0x32b: {  	p0 =	sne.s32 s31, $0x17F;
	s26 =	sadd.s32 $0x40, s26  }
0x32c: {  	v6 =	vld [tilespmem:s30+$0xFFFFFFE0];
	[tilespmem:s29+$0x10] =	vst v5;
	s0 =	smov.u32 s31;
	s31 =	sadd.s32 $0x1, s31;
	s29 =	smov.u32 s30  }
0x32d: {  	v4 =	vld.idx.msk [tilespmem:v4+s20+$0x0], $0xffff  }
0x32e: {  	v5 =	vld [tilespmem:s26+$0xFFFFFFE0];
	_ =	sdelay $0x4  }
0x32f: {  	v7 =	vmul.f32 v4, v4;
	v4 =	vadd.f32 v6, v5;
	_ =	sdelay $0x1  }
0x330: {  	v4 =	vmul.f32 v4, v7;
	_ =	sdelay $0x1  }
0x331: {  	[tilespmem:s30+$0xFFFFFFE0] =	vst v4;
	v4 =	vld [tilespmem:s30+$0xFFFFFFF0]  }
0x332: {  	v5 =	vld [tilespmem:s26+$0xFFFFFFF0];
	_ =	sdelay $0x4  }
0x333: {  	v4 =	vadd.f32 v4, v5;
	_ =	sdelay $0x1  }
0x334: {  	v4 =	vmul.f32 v4, v7;
	_ =	sdelay $0x1  }
0x335: {  	[tilespmem:s30+$0xFFFFFFF0] =	vst v4;
	v4 =	vld [tilespmem:s30+$0x0]  }
0x336: {  	v5 =	vld [tilespmem:s26+$0x0];
	_ =	sdelay $0x4  }
0x337: {  	v4 =	vadd.f32 v4, v5;
	_ =	sdelay $0x1  }
0x338: {  	v4 =	vmul.f32 v4, v7;
	_ =	sdelay $0x1  }
0x339: {  	[tilespmem:s30+$0x0] =	vst v4;
	v5 =	vld [tilespmem:s30+$0x10]  }
0x33a: {  	v6 =	vld [tilespmem:s26+$0x10];
	_ =	sdelay $0x3  }
.Ltmp17:
0x33b: {  	(pc) =	sbr.rel @p0 .LBB2_34-.Ltmp17, $3  }
0x33c: {  	v4 =	vmov s0;
	v5 =	vadd.f32 v5, v6;
	_ =	sdelay $0x1  }
0x33d: {  	v5 =	vmul.f32 v5, v7  }
0x33e: {  	s30 =	sadd.s32 $0x40, s30  }
0x33f: {  	_ =	sdelay $0x2  }
0x340: {  	v6 =	vld [tilespmem:s30+$0xFFFFFFE0];
	[tilespmem:s29+$0x10] =	vst v5  }
0x341: {  	s0 =	sadd.s32 $0x40, s26;
	v4 =	vld.idx.msk [tilespmem:v4+s20+$0x0], $0xffff  }
0x342: {  	v5 =	vld [tilespmem:s0+$0xFFFFFFE0];
	_ =	sdelay $0x4  }
0x343: {  	v4 =	vmul.f32 v4, v4;
	v5 =	vadd.f32 v6, v5;
	_ =	sdelay $0x1  }
0x344: {  	v5 =	vmul.f32 v5, v4;
	_ =	sdelay $0x1  }
0x345: {  	[tilespmem:s30+$0xFFFFFFE0] =	vst v5;
	v5 =	vld [tilespmem:s30+$0xFFFFFFF0]  }
0x346: {  	v6 =	vld [tilespmem:s0+$0xFFFFFFF0];
	_ =	sdelay $0x4  }
0x347: {  	v5 =	vadd.f32 v5, v6;
	_ =	sdelay $0x1  }
0x348: {  	v5 =	vmul.f32 v5, v4;
	_ =	sdelay $0x1  }
0x349: {  	[tilespmem:s30+$0xFFFFFFF0] =	vst v5;
	v5 =	vld [tilespmem:s30+$0x0]  }
0x34a: {  	v6 =	vld [tilespmem:s0+$0x0];
	_ =	sdelay $0x4  }
0x34b: {  	v5 =	vadd.f32 v5, v6;
	_ =	sdelay $0x1  }
0x34c: {  	v5 =	vmul.f32 v5, v4;
	_ =	sdelay $0x1  }
0x34d: {  	[tilespmem:s30+$0x0] =	vst v5;
	v5 =	vld [tilespmem:s30+$0x10]  }
0x34e: {  	v6 =	vld [tilespmem:s0+$0x10];
	_ =	sdelay $0x4  }
0x34f: {  	v5 =	vadd.f32 v5, v6;
	_ =	sdelay $0x1  }
0x350: {  	v4 =	vmul.f32 v5, v4;
	_ =	sdelay $0x1  }
0x351: {  	s26 =	rddreg [dreg:$0x19];
	[tilespmem:s30+$0x10] =	vst v4  }
0x352: {  	[hbm4b:s26+s4] =	stream.linear.scatter [tilespmem:s14], [sflag:$0x5], $0x2000, $0x200038;
	[tilespmem:$0x1FE80] =	vst v63  }
0x353: {  	s26 =	rddreg [dreg:$0x15]  }
0x354: {  	[tilespmem:s19], [sflag:$0xA] =	stream.linear.gather [spmem:s26], $0x2000, $0x200038;
	[tilespmem:$0x1FE80] =	vst v63  }
0x355: {  	_ =	swait.ge [sflag:s1], $0x2000  }
0x356: {  	[sflag:s1] =	ssyncset.done $0x0  }
0x357: {  	[sflag:s1] =	ssyncadd.s32 $0xFFFFE000  }
0x358: {  	[spmem:s26] =	stream.linear.scatter [tilespmem:s6], [sflag:$0x3], $0x2000, $0x200038;
	[tilespmem:$0x1FE80] =	vst v63  }
0x359: {  	_ =	swait.ge [sflag:s18], $0x2000  }
0x35a: {  	[sflag:s18] =	ssyncset.done $0x0  }
0x35b: {  	s26 =	simm.s32 $0x180;
	[sflag:s18] =	ssyncadd.s32 $0xFFFFE000  }
0x35c: {  	v4 =	vmov s26;
	_ =	swait.ge [sflag:s17], $0x2000  }
0x35d: {  	[sflag:s17] =	ssyncset.done $0x0  }
0x35e: {  	s29 =	simm.s32 $0x1B2A0;
	s26 =	rddreg [dreg:$0x1b];
	[sflag:s17] =	ssyncadd.s32 $0xFFFFE000  }
0x35f: {  	[tilespmem:s14], [sflag:$0x1] =	stream.linear.gather [hbm4b:s26+s4], $0x2000, $0x200038;
	[tilespmem:$0x1FE80] =	vst v63  }
0x360: {  	v5 =	vld [tilespmem:s29+$0xFFFFFFE0]  }
0x361: {  	s26 =	simm.s32 $0x192A0;
	v4 =	vld.idx.msk [tilespmem:v4+s20+$0x0], $0xffff  }
0x362: {  	v6 =	vld [tilespmem:s26+$0xFFFFFFE0];
	_ =	sdelay $0x4  }
0x363: {  	v7 =	vmul.f32 v4, v4;
	v4 =	vadd.f32 v5, v6;
	_ =	sdelay $0x1  }
0x364: {  	v4 =	vmul.f32 v4, v7;
	_ =	sdelay $0x1  }
0x365: {  	[tilespmem:s29+$0xFFFFFFE0] =	vst v4;
	v4 =	vld [tilespmem:s29+$0xFFFFFFF0]  }
0x366: {  	v5 =	vld [tilespmem:s26+$0xFFFFFFF0];
	_ =	sdelay $0x4  }
0x367: {  	v4 =	vadd.f32 v4, v5;
	_ =	sdelay $0x1  }
0x368: {  	v4 =	vmul.f32 v4, v7;
	_ =	sdelay $0x1  }
0x369: {  	[tilespmem:s29+$0xFFFFFFF0] =	vst v4;
	v4 =	vld [tilespmem:s29+$0x0]  }
0x36a: {  	v5 =	vld [tilespmem:s26+$0x0];
	_ =	sdelay $0x4  }
0x36b: {  	v4 =	vadd.f32 v4, v5;
	_ =	sdelay $0x1  }
0x36c: {  	v4 =	vmul.f32 v4, v7;
	_ =	sdelay $0x1  }
0x36d: {  	[tilespmem:s29+$0x0] =	vst v4;
	v4 =	vld [tilespmem:s29+$0x10]  }
0x36e: {  	v5 =	vld [tilespmem:s26+$0x10];
	_ =	sdelay $0x3  }
0x36f: {  	s0 =	simm.s32 $0x181  }
0x370: {  	v5 =	vadd.f32 v4, v5;
	v4 =	vmov s0;
	_ =	sdelay $0x1  }
0x371: {  	s31 =	simm.s32 $0x182;
	s30 =	simm.s32 $0x1B2E0;
	v5 =	vmul.f32 v5, v7  }
.LBB2_36:
0x372: {  	p0 =	sne.s32 s31, $0x1FF;
	s26 =	sadd.s32 $0x40, s26  }
0x373: {  	v6 =	vld [tilespmem:s30+$0xFFFFFFE0];
	[tilespmem:s29+$0x10] =	vst v5;
	s0 =	smov.u32 s31;
	s31 =	sadd.s32 $0x1, s31;
	s29 =	smov.u32 s30  }
0x374: {  	v4 =	vld.idx.msk [tilespmem:v4+s20+$0x0], $0xffff  }
0x375: {  	v5 =	vld [tilespmem:s26+$0xFFFFFFE0];
	_ =	sdelay $0x4  }
0x376: {  	v7 =	vmul.f32 v4, v4;
	v4 =	vadd.f32 v6, v5;
	_ =	sdelay $0x1  }
0x377: {  	v4 =	vmul.f32 v4, v7;
	_ =	sdelay $0x1  }
0x378: {  	[tilespmem:s30+$0xFFFFFFE0] =	vst v4;
	v4 =	vld [tilespmem:s30+$0xFFFFFFF0]  }
0x379: {  	v5 =	vld [tilespmem:s26+$0xFFFFFFF0];
	_ =	sdelay $0x4  }
0x37a: {  	v4 =	vadd.f32 v4, v5;
	_ =	sdelay $0x1  }
0x37b: {  	v4 =	vmul.f32 v4, v7;
	_ =	sdelay $0x1  }
0x37c: {  	[tilespmem:s30+$0xFFFFFFF0] =	vst v4;
	v4 =	vld [tilespmem:s30+$0x0]  }
0x37d: {  	v5 =	vld [tilespmem:s26+$0x0];
	_ =	sdelay $0x4  }
0x37e: {  	v4 =	vadd.f32 v4, v5;
	_ =	sdelay $0x1  }
0x37f: {  	v4 =	vmul.f32 v4, v7;
	_ =	sdelay $0x1  }
0x380: {  	[tilespmem:s30+$0x0] =	vst v4;
	v5 =	vld [tilespmem:s30+$0x10]  }
0x381: {  	v6 =	vld [tilespmem:s26+$0x10];
	_ =	sdelay $0x3  }
.Ltmp18:
0x382: {  	(pc) =	sbr.rel @p0 .LBB2_36-.Ltmp18, $3  }
0x383: {  	v4 =	vmov s0;
	v5 =	vadd.f32 v5, v6;
	_ =	sdelay $0x1  }
0x384: {  	v5 =	vmul.f32 v5, v7  }
0x385: {  	s30 =	sadd.s32 $0x40, s30  }
0x386: {  	_ =	sdelay $0x2  }
0x387: {  	v6 =	vld [tilespmem:s30+$0xFFFFFFE0];
	[tilespmem:s29+$0x10] =	vst v5  }
0x388: {  	s0 =	sadd.s32 $0x40, s26;
	v4 =	vld.idx.msk [tilespmem:v4+s20+$0x0], $0xffff  }
0x389: {  	v5 =	vld [tilespmem:s0+$0xFFFFFFE0];
	_ =	sdelay $0x4  }
0x38a: {  	v4 =	vmul.f32 v4, v4;
	v5 =	vadd.f32 v6, v5;
	_ =	sdelay $0x1  }
0x38b: {  	v5 =	vmul.f32 v5, v4;
	_ =	sdelay $0x1  }
0x38c: {  	[tilespmem:s30+$0xFFFFFFE0] =	vst v5;
	v5 =	vld [tilespmem:s30+$0xFFFFFFF0]  }
0x38d: {  	v6 =	vld [tilespmem:s0+$0xFFFFFFF0];
	_ =	sdelay $0x4  }
0x38e: {  	v5 =	vadd.f32 v5, v6;
	_ =	sdelay $0x1  }
0x38f: {  	v5 =	vmul.f32 v5, v4;
	_ =	sdelay $0x1  }
0x390: {  	[tilespmem:s30+$0xFFFFFFF0] =	vst v5;
	v5 =	vld [tilespmem:s30+$0x0]  }
0x391: {  	v6 =	vld [tilespmem:s0+$0x0];
	_ =	sdelay $0x4  }
0x392: {  	v5 =	vadd.f32 v5, v6;
	_ =	sdelay $0x1  }
0x393: {  	v5 =	vmul.f32 v5, v4;
	_ =	sdelay $0x1  }
0x394: {  	[tilespmem:s30+$0x0] =	vst v5;
	v5 =	vld [tilespmem:s30+$0x10]  }
0x395: {  	v6 =	vld [tilespmem:s0+$0x10];
	_ =	sdelay $0x4  }
0x396: {  	v5 =	vadd.f32 v5, v6;
	_ =	sdelay $0x1  }
0x397: {  	v4 =	vmul.f32 v5, v4;
	_ =	sdelay $0x1  }
0x398: {  	s26 =	rddreg [dreg:$0x1a];
	[tilespmem:s30+$0x10] =	vst v4  }
0x399: {  	[hbm4b:s26+s4] =	stream.linear.scatter [tilespmem:s10], [sflag:$0x6], $0x2000, $0x200038;
	[tilespmem:$0x1FE80] =	vst v63  }
0x39a: {  	s26 =	rddreg [dreg:$0x16]  }
0x39b: {  	[tilespmem:s19], [sflag:$0xA] =	stream.linear.gather [spmem:s26], $0x2000, $0x200038;
	[tilespmem:$0x1FE80] =	vst v63  }
0x39c: {  	_ =	swait.ge [sflag:s1], $0x2000  }
0x39d: {  	[sflag:s1] =	ssyncset.done $0x0  }
0x39e: {  	s0 =	simm.s32 $0x200;
	[sflag:s1] =	ssyncadd.s32 $0xFFFFE000  }
0x39f: {  	v4 =	vmov s0;
	[spmem:s26] =	stream.linear.scatter [tilespmem:s6], [sflag:$0x3], $0x2000, $0x200038;
	[tilespmem:$0x1FE80] =	vst v63  }
0x3a0: {  	_ =	swait.ge [sflag:s15], $0x2000  }
0x3a1: {  	[sflag:s15] =	ssyncset.done $0x0  }
0x3a2: {  	s29 =	simm.s32 $0x172A0;
	[sflag:s15] =	ssyncadd.s32 $0xFFFFE000  }
0x3a3: {  	v5 =	vld [tilespmem:s29+$0xFFFFFFE0]  }
0x3a4: {  	s26 =	simm.s32 $0x192A0;
	v4 =	vld.idx.msk [tilespmem:v4+s20+$0x0], $0xffff  }
0x3a5: {  	v6 =	vld [tilespmem:s26+$0xFFFFFFE0];
	_ =	sdelay $0x4  }
0x3a6: {  	v7 =	vmul.f32 v4, v4;
	v4 =	vadd.f32 v5, v6;
	_ =	sdelay $0x1  }
0x3a7: {  	v4 =	vmul.f32 v4, v7;
	_ =	sdelay $0x1  }
0x3a8: {  	[tilespmem:s29+$0xFFFFFFE0] =	vst v4;
	v4 =	vld [tilespmem:s29+$0xFFFFFFF0]  }
0x3a9: {  	v5 =	vld [tilespmem:s26+$0xFFFFFFF0];
	_ =	sdelay $0x4  }
0x3aa: {  	v4 =	vadd.f32 v4, v5;
	_ =	sdelay $0x1  }
0x3ab: {  	v4 =	vmul.f32 v4, v7;
	_ =	sdelay $0x1  }
0x3ac: {  	[tilespmem:s29+$0xFFFFFFF0] =	vst v4;
	v4 =	vld [tilespmem:s29+$0x0]  }
0x3ad: {  	v5 =	vld [tilespmem:s26+$0x0];
	_ =	sdelay $0x4  }
0x3ae: {  	v4 =	vadd.f32 v4, v5;
	_ =	sdelay $0x1  }
0x3af: {  	v4 =	vmul.f32 v4, v7;
	_ =	sdelay $0x1  }
0x3b0: {  	[tilespmem:s29+$0x0] =	vst v4;
	v4 =	vld [tilespmem:s29+$0x10]  }
0x3b1: {  	v5 =	vld [tilespmem:s26+$0x10];
	_ =	sdelay $0x3  }
0x3b2: {  	s0 =	simm.s32 $0x201  }
0x3b3: {  	v5 =	vadd.f32 v4, v5;
	v4 =	vmov s0;
	_ =	sdelay $0x1  }
0x3b4: {  	s31 =	simm.s32 $0x202;
	s30 =	simm.s32 $0x172E0;
	v5 =	vmul.f32 v5, v7  }
.LBB2_38:
0x3b5: {  	p0 =	sne.s32 s31, $0x27F;
	s26 =	sadd.s32 $0x40, s26  }
0x3b6: {  	v6 =	vld [tilespmem:s30+$0xFFFFFFE0];
	[tilespmem:s29+$0x10] =	vst v5;
	s0 =	smov.u32 s31;
	s31 =	sadd.s32 $0x1, s31;
	s29 =	smov.u32 s30  }
0x3b7: {  	v4 =	vld.idx.msk [tilespmem:v4+s20+$0x0], $0xffff  }
0x3b8: {  	v5 =	vld [tilespmem:s26+$0xFFFFFFE0];
	_ =	sdelay $0x4  }
0x3b9: {  	v7 =	vmul.f32 v4, v4;
	v4 =	vadd.f32 v6, v5;
	_ =	sdelay $0x1  }
0x3ba: {  	v4 =	vmul.f32 v4, v7;
	_ =	sdelay $0x1  }
0x3bb: {  	[tilespmem:s30+$0xFFFFFFE0] =	vst v4;
	v4 =	vld [tilespmem:s30+$0xFFFFFFF0]  }
0x3bc: {  	v5 =	vld [tilespmem:s26+$0xFFFFFFF0];
	_ =	sdelay $0x4  }
0x3bd: {  	v4 =	vadd.f32 v4, v5;
	_ =	sdelay $0x1  }
0x3be: {  	v4 =	vmul.f32 v4, v7;
	_ =	sdelay $0x1  }
0x3bf: {  	[tilespmem:s30+$0xFFFFFFF0] =	vst v4;
	v4 =	vld [tilespmem:s30+$0x0]  }
0x3c0: {  	v5 =	vld [tilespmem:s26+$0x0];
	_ =	sdelay $0x4  }
0x3c1: {  	v4 =	vadd.f32 v4, v5;
	_ =	sdelay $0x1  }
0x3c2: {  	v4 =	vmul.f32 v4, v7;
	_ =	sdelay $0x1  }
0x3c3: {  	[tilespmem:s30+$0x0] =	vst v4;
	v5 =	vld [tilespmem:s30+$0x10]  }
0x3c4: {  	v6 =	vld [tilespmem:s26+$0x10];
	_ =	sdelay $0x3  }
.Ltmp19:
0x3c5: {  	(pc) =	sbr.rel @p0 .LBB2_38-.Ltmp19, $3  }
0x3c6: {  	v4 =	vmov s0;
	v5 =	vadd.f32 v5, v6;
	_ =	sdelay $0x1  }
0x3c7: {  	v5 =	vmul.f32 v5, v7  }
0x3c8: {  	s30 =	sadd.s32 $0x40, s30  }
0x3c9: {  	_ =	sdelay $0x2  }
0x3ca: {  	v6 =	vld [tilespmem:s30+$0xFFFFFFE0];
	[tilespmem:s29+$0x10] =	vst v5  }
0x3cb: {  	s0 =	sadd.s32 $0x40, s26;
	v4 =	vld.idx.msk [tilespmem:v4+s20+$0x0], $0xffff  }
0x3cc: {  	v5 =	vld [tilespmem:s0+$0xFFFFFFE0];
	_ =	sdelay $0x4  }
0x3cd: {  	v4 =	vmul.f32 v4, v4;
	v5 =	vadd.f32 v6, v5;
	_ =	sdelay $0x1  }
0x3ce: {  	v5 =	vmul.f32 v5, v4;
	_ =	sdelay $0x1  }
0x3cf: {  	[tilespmem:s30+$0xFFFFFFE0] =	vst v5;
	v5 =	vld [tilespmem:s30+$0xFFFFFFF0]  }
0x3d0: {  	v61 =	vld [tilespmem:s0+$0xFFFFFFF0];
	_ =	sdelay $0x4  }
0x3d1: {  	v5 =	vadd.f32 v5, v61;
	_ =	sdelay $0x1  }
0x3d2: {  	v5 =	vmul.f32 v5, v4;
	_ =	sdelay $0x1  }
0x3d3: {  	[tilespmem:s30+$0xFFFFFFF0] =	vst v5;
	v5 =	vld [tilespmem:s30+$0x0]  }
0x3d4: {  	v62 =	vld [tilespmem:s0+$0x0];
	_ =	sdelay $0x4  }
0x3d5: {  	v5 =	vadd.f32 v5, v62;
	_ =	sdelay $0x1  }
0x3d6: {  	v5 =	vmul.f32 v5, v4;
	_ =	sdelay $0x1  }
0x3d7: {  	[tilespmem:s30+$0x0] =	vst v5;
	v5 =	vld [tilespmem:s30+$0x10]  }
0x3d8: {  	v63 =	vld [tilespmem:s0+$0x10];
	_ =	sdelay $0x4  }
0x3d9: {  	v5 =	vadd.f32 v5, v63;
	_ =	sdelay $0x1  }
0x3da: {  	v4 =	vmul.f32 v5, v4;
	_ =	sdelay $0x1  }
0x3db: {  	s29 =	simm.s32 $0x0;
	[tilespmem:s30+$0x10] =	vst v4;
	s30 =	rddreg [dreg:$0x1b]  }
0x3dc: {  	[hbm4b:s30+s29] =	stream.linear.scatter [tilespmem:s14], [sflag:$0x5], $0x2000, $0x200038;
	[tilespmem:$0x1FE80] =	vst v63  }
0x3dd: {  	_ =	swait.ge [sflag:s17], $0x2000  }
0x3de: {  	[sflag:s17] =	ssyncset.done $0x0  }
0x3df: {  	[sflag:s17] =	ssyncadd.s32 $0xFFFFE000  }
0x3e0: {  	_ =	swait.ge [sflag:s7], $0x2000  }
0x3e1: {  	[sflag:s7] =	ssyncset.done $0x0  }
0x3e2: {  	[sflag:s7] =	ssyncadd.s32 $0xFFFFE000  }
0x3e3: {  	_ =	swait.ge [sflag:s13], $0x2000  }
0x3e4: {  	[sflag:s13] =	ssyncset.done $0x0  }
0x3e5: {  	[sflag:s13] =	ssyncadd.s32 $0xFFFFE000  }
0x3e6: {  	_ =	swait.ge [sflag:s13], $0x2000  }
0x3e7: {  	[sflag:s13] =	ssyncset.done $0x0  }
0x3e8: {  	[sflag:s13] =	ssyncadd.s32 $0xFFFFE000  }
0x3e9: {  	_ =	swait.ge [sflag:s13], $0x2000  }
0x3ea: {  	[sflag:s13] =	ssyncset.done $0x0  }
0x3eb: {  	[sflag:s13] =	ssyncadd.s32 $0xFFFFE000  }
0x3ec: {  	_ =	swait.ge [sflag:s13], $0x2000  }
0x3ed: {  	[sflag:s13] =	ssyncset.done $0x0  }
0x3ee: {  	[sflag:s13] =	ssyncadd.s32 $0xFFFFE000  }
0x3ef: {  	_ =	swait.ge [sflag:s13], $0x2000  }
0x3f0: {  	[sflag:s13] =	ssyncset.done $0x0  }
0x3f1: {  	[sflag:s13] =	ssyncadd.s32 $0xFFFFE000  }
0x3f2: {  	_ =	strace $0x90000050  }
0x3f3: {  	_ =	strace $0x80000051  }
0x3f4: {  	[bflag:$0x0] =	sbarrier.arrive $0xFFFF  }
0x3f5: {  	_ =	strace $0x90000051  }
0x3f6: {  	s31 =	simm.s32 $0xC800;
	_ =	strace $0x80000052  }
0x3f7: {  	[tilespmem:s14], [sflag:$0x1] =	stream.indirect.gather [hbm4b:s16+s8], $0x40, s31, s8, $0x2000b8;
	[tilespmem:$0x1FE80] =	vst v63  }
0x3f8: {  	s26 =	simm.s32 $0xC880  }
0x3f9: {  	[tilespmem:s19], [sflag:$0x2] =	stream.indirect.gather [hbm4b:s16+s8], $0x40, s26, s8, $0x2000b8;
	[tilespmem:$0x1FE80] =	vst v63  }
0x3fa: {  	s29 =	simm.s32 $0xC900  }
0x3fb: {  	[tilespmem:s6], [sflag:$0x3] =	stream.indirect.gather [hbm4b:s16+s8], $0x40, s29, s8, $0x2000b8;
	[tilespmem:$0x1FE80] =	vst v63  }
0x3fc: {  	_ =	swait.ge [sflag:s15], $0x2000  }
0x3fd: {  	[sflag:s15] =	ssyncset.done $0x0  }
0x3fe: {  	s30 =	simm.s32 $0x11800;
	[sflag:s15] =	ssyncadd.s32 $0xFFFFE000  }
0x3ff: {  	[spmem:s3] =	stream.indirect.scatter.add.f32 [tilespmem:s14], [sflag:$0x5], $0x40, s30, s8, $0x2000b8;
	[tilespmem:$0x1FE80] =	vst v63  }
0x400: {  	s31 =	simm.s32 $0xC980  }
0x401: {  	[tilespmem:s10], [sflag:$0x4] =	stream.indirect.gather [hbm4b:s16+s8], $0x40, s31, s8, $0x2000b8;
	[tilespmem:$0x1FE80] =	vst v63  }
0x402: {  	_ =	swait.ge [sflag:s18], $0x2000  }
0x403: {  	[sflag:s18] =	ssyncset.done $0x0  }
0x404: {  	s26 =	simm.s32 $0x11880;
	[sflag:s18] =	ssyncadd.s32 $0xFFFFE000  }
0x405: {  	[spmem:s3] =	stream.indirect.scatter.add.f32 [tilespmem:s19], [sflag:$0x6], $0x40, s26, s8, $0x2000b8;
	[tilespmem:$0x1FE80] =	vst v63  }
0x406: {  	_ =	swait.ge [sflag:s17], $0x2000  }
0x407: {  	[sflag:s17] =	ssyncset.done $0x0  }
0x408: {  	s29 =	simm.s32 $0xCA00;
	[sflag:s17] =	ssyncadd.s32 $0xFFFFE000  }
0x409: {  	[tilespmem:s14], [sflag:$0x1] =	stream.indirect.gather [hbm4b:s16+s8], $0x40, s29, s8, $0x2000b8;
	[tilespmem:$0x1FE80] =	vst v63  }
0x40a: {  	_ =	swait.ge [sflag:s13], $0x2000  }
0x40b: {  	[sflag:s13] =	ssyncset.done $0x0  }
0x40c: {  	s30 =	simm.s32 $0x11900;
	[sflag:s13] =	ssyncadd.s32 $0xFFFFE000  }
0x40d: {  	[spmem:s3] =	stream.indirect.scatter.add.f32 [tilespmem:s6], [sflag:$0x7], $0x40, s30, s8, $0x2000b8;
	[tilespmem:$0x1FE80] =	vst v63  }
0x40e: {  	_ =	swait.ge [sflag:s7], $0x2000  }
0x40f: {  	[sflag:s7] =	ssyncset.done $0x0  }
0x410: {  	s31 =	simm.s32 $0xCA80;
	[sflag:s7] =	ssyncadd.s32 $0xFFFFE000  }
0x411: {  	[tilespmem:s19], [sflag:$0x2] =	stream.indirect.gather [hbm4b:s16+s8], $0x40, s31, s8, $0x2000b8;
	[tilespmem:$0x1FE80] =	vst v63  }
0x412: {  	_ =	swait.ge [sflag:s22], $0x2000  }
0x413: {  	[sflag:s22] =	ssyncset.done $0x0  }
0x414: {  	s26 =	simm.s32 $0x11980;
	[sflag:s22] =	ssyncadd.s32 $0xFFFFE000  }
0x415: {  	[spmem:s3] =	stream.indirect.scatter.add.f32 [tilespmem:s10], [sflag:$0x8], $0x40, s26, s8, $0x2000b8;
	[tilespmem:$0x1FE80] =	vst v63  }
0x416: {  	_ =	swait.ge [sflag:s23], $0x2000  }
0x417: {  	[sflag:s23] =	ssyncset.done $0x0  }
0x418: {  	s29 =	simm.s32 $0xCB00;
	[sflag:s23] =	ssyncadd.s32 $0xFFFFE000  }
0x419: {  	[tilespmem:s6], [sflag:$0x3] =	stream.indirect.gather [hbm4b:s16+s8], $0x40, s29, s8, $0x2000b8;
	[tilespmem:$0x1FE80] =	vst v63  }
0x41a: {  	_ =	swait.ge [sflag:s15], $0x2000  }
0x41b: {  	[sflag:s15] =	ssyncset.done $0x0  }
0x41c: {  	s30 =	simm.s32 $0x11A00;
	[sflag:s15] =	ssyncadd.s32 $0xFFFFE000  }
0x41d: {  	[spmem:s3] =	stream.indirect.scatter.add.f32 [tilespmem:s14], [sflag:$0x5], $0x40, s30, s8, $0x2000b8;
	[tilespmem:$0x1FE80] =	vst v63  }
0x41e: {  	_ =	swait.ge [sflag:s24], $0x2000  }
0x41f: {  	[sflag:s24] =	ssyncset.done $0x0  }
0x420: {  	s31 =	simm.s32 $0xCB80;
	[sflag:s24] =	ssyncadd.s32 $0xFFFFE000  }
0x421: {  	[tilespmem:s10], [sflag:$0x4] =	stream.indirect.gather [hbm4b:s16+s8], $0x40, s31, s8, $0x2000b8;
	[tilespmem:$0x1FE80] =	vst v63  }
0x422: {  	_ =	swait.ge [sflag:s18], $0x2000  }
0x423: {  	[sflag:s18] =	ssyncset.done $0x0  }
0x424: {  	s26 =	simm.s32 $0x11A80;
	[sflag:s18] =	ssyncadd.s32 $0xFFFFE000  }
0x425: {  	[spmem:s3] =	stream.indirect.scatter.add.f32 [tilespmem:s19], [sflag:$0x6], $0x40, s26, s8, $0x2000b8;
	[tilespmem:$0x1FE80] =	vst v63  }
0x426: {  	_ =	swait.ge [sflag:s17], $0x2000  }
0x427: {  	[sflag:s17] =	ssyncset.done $0x0  }
0x428: {  	s29 =	simm.s32 $0xCC00;
	[sflag:s17] =	ssyncadd.s32 $0xFFFFE000  }
0x429: {  	[tilespmem:s14], [sflag:$0x1] =	stream.indirect.gather [hbm4b:s16+s8], $0x40, s29, s8, $0x2000b8;
	[tilespmem:$0x1FE80] =	vst v63  }
0x42a: {  	_ =	swait.ge [sflag:s13], $0x2000  }
0x42b: {  	[sflag:s13] =	ssyncset.done $0x0  }
0x42c: {  	s30 =	simm.s32 $0x11B00;
	[sflag:s13] =	ssyncadd.s32 $0xFFFFE000  }
0x42d: {  	[spmem:s3] =	stream.indirect.scatter.add.f32 [tilespmem:s6], [sflag:$0x7], $0x40, s30, s8, $0x2000b8;
	[tilespmem:$0x1FE80] =	vst v63  }
0x42e: {  	_ =	swait.ge [sflag:s7], $0x2000  }
0x42f: {  	[sflag:s7] =	ssyncset.done $0x0  }
0x430: {  	s31 =	simm.s32 $0xCC80;
	[sflag:s7] =	ssyncadd.s32 $0xFFFFE000  }
0x431: {  	[tilespmem:s19], [sflag:$0x2] =	stream.indirect.gather [hbm4b:s16+s8], $0x40, s31, s8, $0x2000b8;
	[tilespmem:$0x1FE80] =	vst v63  }
0x432: {  	_ =	swait.ge [sflag:s22], $0x2000  }
0x433: {  	[sflag:s22] =	ssyncset.done $0x0  }
0x434: {  	s0 =	simm.s32 $0x11B80;
	s26 =	simm.s32 $0x800;
	[sflag:s22] =	ssyncadd.s32 $0xFFFFE000  }
.LBB2_40:
0x435: {  	[spmem:s3] =	stream.indirect.scatter.add.f32 [tilespmem:s10], [sflag:$0x8], $0x40, s0, s8, $0x2000b8;
	[tilespmem:$0x1FE80] =	vst v63  }
0x436: {  	s0 =	smov.u32 s26  }
0x437: {  	p0 =	sne.s32 s26, $0x12800;
	s26 =	sadd.s32 $0x800, s26;
	_ =	swait.ge [sflag:s23], $0x2000  }
0x438: {  	s29 =	sshra.s32 s0, $0x2;
	[sflag:s23] =	ssyncset.done $0x0  }
0x439: {  	s0 =	sadd.s32 $0xCB00, s29;
	[sflag:s23] =	ssyncadd.s32 $0xFFFFE000  }
0x43a: {  	[tilespmem:s6], [sflag:$0x3] =	stream.indirect.gather [hbm4b:s16+s8], $0x40, s0, s8, $0x2000b8;
	[tilespmem:$0x1FE80] =	vst v63  }
0x43b: {  	_ =	swait.ge [sflag:s15], $0x2000  }
0x43c: {  	[sflag:s15] =	ssyncset.done $0x0  }
0x43d: {  	s0 =	sadd.s32 $0x11A00, s29;
	[sflag:s15] =	ssyncadd.s32 $0xFFFFE000  }
0x43e: {  	[spmem:s3] =	stream.indirect.scatter.add.f32 [tilespmem:s14], [sflag:$0x5], $0x40, s0, s8, $0x2000b8;
	[tilespmem:$0x1FE80] =	vst v63  }
0x43f: {  	_ =	swait.ge [sflag:s24], $0x2000  }
0x440: {  	[sflag:s24] =	ssyncset.done $0x0  }
0x441: {  	s0 =	sadd.s32 $0xCB80, s29;
	[sflag:s24] =	ssyncadd.s32 $0xFFFFE000  }
0x442: {  	[tilespmem:s10], [sflag:$0x4] =	stream.indirect.gather [hbm4b:s16+s8], $0x40, s0, s8, $0x2000b8;
	[tilespmem:$0x1FE80] =	vst v63  }
0x443: {  	_ =	swait.ge [sflag:s18], $0x2000  }
0x444: {  	[sflag:s18] =	ssyncset.done $0x0  }
0x445: {  	s0 =	sadd.s32 $0x11A80, s29;
	[sflag:s18] =	ssyncadd.s32 $0xFFFFE000  }
0x446: {  	[spmem:s3] =	stream.indirect.scatter.add.f32 [tilespmem:s19], [sflag:$0x6], $0x40, s0, s8, $0x2000b8;
	[tilespmem:$0x1FE80] =	vst v63  }
0x447: {  	_ =	swait.ge [sflag:s17], $0x2000  }
0x448: {  	[sflag:s17] =	ssyncset.done $0x0  }
0x449: {  	s0 =	sadd.s32 $0xCC00, s29;
	[sflag:s17] =	ssyncadd.s32 $0xFFFFE000  }
0x44a: {  	[tilespmem:s14], [sflag:$0x1] =	stream.indirect.gather [hbm4b:s16+s8], $0x40, s0, s8, $0x2000b8;
	[tilespmem:$0x1FE80] =	vst v63  }
0x44b: {  	_ =	swait.ge [sflag:s13], $0x2000  }
0x44c: {  	[sflag:s13] =	ssyncset.done $0x0  }
0x44d: {  	s0 =	sadd.s32 $0x11B00, s29;
	[sflag:s13] =	ssyncadd.s32 $0xFFFFE000  }
0x44e: {  	[spmem:s3] =	stream.indirect.scatter.add.f32 [tilespmem:s6], [sflag:$0x7], $0x40, s0, s8, $0x2000b8;
	[tilespmem:$0x1FE80] =	vst v63  }
0x44f: {  	_ =	swait.ge [sflag:s7], $0x2000  }
0x450: {  	[sflag:s7] =	ssyncset.done $0x0  }
.Ltmp20:
0x451: {  	s0 =	sadd.s32 $0xCC80, s29;
	[sflag:s7] =	ssyncadd.s32 $0xFFFFE000;
	(pc) =	sbr.rel @p0 .LBB2_40-.Ltmp20, $4  }
0x452: {  	[tilespmem:s19], [sflag:$0x2] =	stream.indirect.gather [hbm4b:s16+s8], $0x40, s0, s8, $0x2000b8;
	[tilespmem:$0x1FE80] =	vst v63  }
0x453: {  	_ =	swait.ge [sflag:s22], $0x2000  }
0x454: {  	[sflag:s22] =	ssyncset.done $0x0  }
0x455: {  	s0 =	sadd.s32 $0x11B80, s29;
	[sflag:s22] =	ssyncadd.s32 $0xFFFFE000  }
0x456: {  	[spmem:s3] =	stream.indirect.scatter.add.f32 [tilespmem:s10], [sflag:$0x8], $0x40, s0, s8, $0x2000b8;
	[tilespmem:$0x1FE80] =	vst v63  }
0x457: {  	_ =	swait.ge [sflag:s23], $0x2000  }
0x458: {  	[sflag:s23] =	ssyncset.done $0x0  }
0x459: {  	s26 =	simm.s32 $0x11700;
	[sflag:s23] =	ssyncadd.s32 $0xFFFFE000  }
0x45a: {  	[tilespmem:s6], [sflag:$0x3] =	stream.indirect.gather [hbm4b:s16+s8], $0x40, s26, s8, $0x2000b8;
	[tilespmem:$0x1FE80] =	vst v63  }
0x45b: {  	_ =	swait.ge [sflag:s15], $0x2000  }
0x45c: {  	[sflag:s15] =	ssyncset.done $0x0  }
0x45d: {  	s26 =	simm.s32 $0x16600;
	[sflag:s15] =	ssyncadd.s32 $0xFFFFE000  }
0x45e: {  	[spmem:s3] =	stream.indirect.scatter.add.f32 [tilespmem:s14], [sflag:$0x5], $0x40, s26, s8, $0x2000b8;
	[tilespmem:$0x1FE80] =	vst v63  }
0x45f: {  	_ =	swait.ge [sflag:s24], $0x2000  }
0x460: {  	[sflag:s24] =	ssyncset.done $0x0  }
0x461: {  	s26 =	simm.s32 $0x11780;
	[sflag:s24] =	ssyncadd.s32 $0xFFFFE000  }
0x462: {  	[tilespmem:s10], [sflag:$0x4] =	stream.indirect.gather [hbm4b:s16+s8], $0x40, s26, s8, $0x2000b8;
	[tilespmem:$0x1FE80] =	vst v63  }
0x463: {  	_ =	swait.ge [sflag:s18], $0x2000  }
0x464: {  	[sflag:s18] =	ssyncset.done $0x0  }
0x465: {  	s26 =	simm.s32 $0x16680;
	[sflag:s18] =	ssyncadd.s32 $0xFFFFE000  }
0x466: {  	[spmem:s3] =	stream.indirect.scatter.add.f32 [tilespmem:s19], [sflag:$0x6], $0x40, s26, s8, $0x2000b8;
	[tilespmem:$0x1FE80] =	vst v63  }
0x467: {  	_ =	swait.ge [sflag:s13], $0x2000  }
0x468: {  	[sflag:s13] =	ssyncset.done $0x0  }
0x469: {  	s26 =	simm.s32 $0x16700;
	[sflag:s13] =	ssyncadd.s32 $0xFFFFE000  }
0x46a: {  	[spmem:s3] =	stream.indirect.scatter.add.f32 [tilespmem:s6], [sflag:$0x7], $0x40, s26, s8, $0x2000b8;
	[tilespmem:$0x1FE80] =	vst v63  }
0x46b: {  	_ =	swait.ge [sflag:s22], $0x2000  }
0x46c: {  	[sflag:s22] =	ssyncset.done $0x0  }
0x46d: {  	s26 =	simm.s32 $0x16780;
	[sflag:s22] =	ssyncadd.s32 $0xFFFFE000  }
0x46e: {  	[spmem:s3] =	stream.indirect.scatter.add.f32 [tilespmem:s10], [sflag:$0x8], $0x40, s26, s8, $0x2000b8;
	[tilespmem:$0x1FE80] =	vst v63  }
0x46f: {  	_ =	swait.ge [sflag:s17], $0x2000  }
0x470: {  	[sflag:s17] =	ssyncset.done $0x0  }
0x471: {  	[sflag:s17] =	ssyncadd.s32 $0xFFFFE000  }
0x472: {  	_ =	swait.ge [sflag:s7], $0x2000  }
0x473: {  	[sflag:s7] =	ssyncset.done $0x0  }
0x474: {  	[sflag:s7] =	ssyncadd.s32 $0xFFFFE000  }
0x475: {  	_ =	swait.ge [sflag:s23], $0x2000  }
0x476: {  	[sflag:s23] =	ssyncset.done $0x0  }
0x477: {  	[sflag:s23] =	ssyncadd.s32 $0xFFFFE000  }
0x478: {  	_ =	swait.ge [sflag:s24], $0x2000  }
0x479: {  	[sflag:s24] =	ssyncset.done $0x0  }
0x47a: {  	[sflag:s24] =	ssyncadd.s32 $0xFFFFE000  }
0x47b: {  	_ =	strace $0x90000052  }
0x47c: {  	_ =	strace $0x80000053  }
0x47d: {  	[bflag:$0x0] =	sbarrier.arrive $0xFFFF  }
0x47e: {  	_ =	strace $0x90000053  }
0x47f: {  	s0 =	simm.s32 $0x0;
	_ =	strace $0x80000054  }
0x480: {  	[tilespmem:s14], [sflag:$0x1] =	stream.linear.gather [hbm4b:s21+s0], $0x2000, $0x200038;
	[tilespmem:$0x1FE80] =	vst v63  }
0x481: {  	s26 =	rddreg [dreg:$0x12]  }
0x482: {  	[tilespmem:s19], [sflag:$0xA] =	stream.linear.gather [spmem:s26], $0x2000, $0x200038;
	[tilespmem:$0x1FE80] =	vst v63  }
0x483: {  	_ =	swait.ge [sflag:s1], $0x2000  }
0x484: {  	[sflag:s1] =	ssyncset.done $0x0  }
0x485: {  	[sflag:s1] =	ssyncadd.s32 $0xFFFFE000  }
0x486: {  	_ =	swait.ge [sflag:s15], $0x2000  }
0x487: {  	[sflag:s15] =	ssyncset.done $0x0  }
0x488: {  	s29 =	simm.s32 $0x172A0;
	v4 =	vmov s0;
	s26 =	rddreg [dreg:$0x18];
	[sflag:s15] =	ssyncadd.s32 $0xFFFFE000  }
0x489: {  	[tilespmem:s10], [sflag:$0x2] =	stream.linear.gather [hbm4b:s26+s0], $0x2000, $0x200038;
	[tilespmem:$0x1FE80] =	vst v63  }
0x48a: {  	s26 =	simm.s32 $0x192A0;
	v5 =	vld [tilespmem:s29+$0xFFFFFFE0]  }
0x48b: {  	v6 =	vld [tilespmem:s26+$0xFFFFFFE0];
	_ =	sdelay $0x1  }
0x48c: {  	v4 =	vld.idx.msk [tilespmem:v4+s20+$0x0], $0xffff;
	_ =	sdelay $0x2  }
0x48d: {  	v5 =	vadd.f32 v5, v6;
	_ =	sdelay $0x1  }
0x48e: {  	v5 =	vmul.f32 v5, v4;
	_ =	sdelay $0x1  }
0x48f: {  	[tilespmem:s29+$0xFFFFFFE0] =	vst v5;
	v5 =	vld [tilespmem:s29+$0xFFFFFFF0]  }
0x490: {  	v6 =	vld [tilespmem:s26+$0xFFFFFFF0];
	_ =	sdelay $0x4  }
0x491: {  	v5 =	vadd.f32 v5, v6;
	_ =	sdelay $0x1  }
0x492: {  	v5 =	vmul.f32 v5, v4;
	_ =	sdelay $0x1  }
0x493: {  	[tilespmem:s29+$0xFFFFFFF0] =	vst v5;
	v5 =	vld [tilespmem:s29+$0x0]  }
0x494: {  	v6 =	vld [tilespmem:s26+$0x0];
	_ =	sdelay $0x4  }
0x495: {  	v5 =	vadd.f32 v5, v6;
	_ =	sdelay $0x1  }
0x496: {  	v5 =	vmul.f32 v5, v4;
	_ =	sdelay $0x1  }
0x497: {  	[tilespmem:s29+$0x0] =	vst v5;
	v5 =	vld [tilespmem:s29+$0x10]  }
0x498: {  	v6 =	vld [tilespmem:s26+$0x10];
	_ =	sdelay $0x4  }
0x499: {  	s0 =	simm.s32 $0x1;
	v6 =	vadd.f32 v5, v6  }
0x49a: {  	s31 =	simm.s32 $0x2;
	s30 =	simm.s32 $0x172A0;
	v5 =	vmov s0  }
.LBB2_42:
0x49b: {  	p0 =	sne.s32 s31, $0x7F;
	v4 =	vmul.f32 v6, v4  }
0x49c: {  	s29 =	sadd.s32 $0x40, s29  }
0x49d: {  	s26 =	sadd.s32 $0x40, s26;
	v6 =	vld [tilespmem:s29+$0xFFFFFFE0];
	[tilespmem:s30+$0x10] =	vst v4;
	s30 =	smov.u32 s29  }
0x49e: {  	v7 =	vld [tilespmem:s26+$0xFFFFFFE0]  }
0x49f: {  	v4 =	vld.idx.msk [tilespmem:v5+s20+$0x0], $0xffff;
	_ =	sdelay $0x3  }
0x4a0: {  	v5 =	vadd.f32 v6, v7;
	_ =	sdelay $0x1  }
0x4a1: {  	v5 =	vmul.f32 v5, v4;
	_ =	sdelay $0x1  }
0x4a2: {  	[tilespmem:s29+$0xFFFFFFE0] =	vst v5;
	v5 =	vld [tilespmem:s29+$0xFFFFFFF0]  }
0x4a3: {  	v6 =	vld [tilespmem:s26+$0xFFFFFFF0];
	_ =	sdelay $0x4  }
0x4a4: {  	v5 =	vadd.f32 v5, v6;
	_ =	sdelay $0x1  }
0x4a5: {  	v5 =	vmul.f32 v5, v4;
	_ =	sdelay $0x1  }
0x4a6: {  	[tilespmem:s29+$0xFFFFFFF0] =	vst v5;
	v5 =	vld [tilespmem:s29+$0x0]  }
0x4a7: {  	v6 =	vld [tilespmem:s26+$0x0];
	_ =	sdelay $0x4  }
0x4a8: {  	v5 =	vadd.f32 v5, v6;
	_ =	sdelay $0x1  }
0x4a9: {  	v5 =	vmul.f32 v5, v4;
	_ =	sdelay $0x1  }
0x4aa: {  	[tilespmem:s29+$0x0] =	vst v5;
	v5 =	vld [tilespmem:s29+$0x10]  }
0x4ab: {  	v6 =	vld [tilespmem:s26+$0x10];
	_ =	sdelay $0x1  }
.Ltmp21:
0x4ac: {  	(pc) =	sbr.rel @p0 .LBB2_42-.Ltmp21, $3  }
0x4ad: {  	_ =	sdelay $0x1  }
0x4ae: {  	v6 =	vadd.f32 v5, v6  }
0x4af: {  	v5 =	vmov s31;
	s31 =	sadd.s32 $0x1, s31  }
0x4b0: {  	v4 =	vmul.f32 v6, v4  }
0x4b1: {  	s0 =	sadd.s32 $0x40, s29  }
0x4b2: {  	s26 =	sadd.s32 $0x40, s26;
	v6 =	vld [tilespmem:s0+$0xFFFFFFE0];
	[tilespmem:s30+$0x10] =	vst v4  }
0x4b3: {  	v4 =	vld [tilespmem:s26+$0xFFFFFFE0];
	_ =	sdelay $0x1  }
0x4b4: {  	v5 =	vld.idx.msk [tilespmem:v5+s20+$0x0], $0xffff;
	_ =	sdelay $0x2  }
0x4b5: {  	v4 =	vadd.f32 v6, v4;
	_ =	sdelay $0x1  }
0x4b6: {  	v4 =	vmul.f32 v4, v5;
	_ =	sdelay $0x1  }
0x4b7: {  	[tilespmem:s0+$0xFFFFFFE0] =	vst v4;
	v4 =	vld [tilespmem:s0+$0xFFFFFFF0]  }
0x4b8: {  	v6 =	vld [tilespmem:s26+$0xFFFFFFF0];
	_ =	sdelay $0x4  }
0x4b9: {  	v4 =	vadd.f32 v4, v6;
	_ =	sdelay $0x1  }
0x4ba: {  	v4 =	vmul.f32 v4, v5;
	_ =	sdelay $0x1  }
0x4bb: {  	[tilespmem:s0+$0xFFFFFFF0] =	vst v4;
	v4 =	vld [tilespmem:s0+$0x0]  }
0x4bc: {  	v6 =	vld [tilespmem:s26+$0x0];
	_ =	sdelay $0x4  }
0x4bd: {  	v4 =	vadd.f32 v4, v6;
	_ =	sdelay $0x1  }
0x4be: {  	v4 =	vmul.f32 v4, v5;
	_ =	sdelay $0x1  }
0x4bf: {  	[tilespmem:s0+$0x0] =	vst v4;
	v4 =	vld [tilespmem:s0+$0x10]  }
0x4c0: {  	v6 =	vld [tilespmem:s26+$0x10];
	_ =	sdelay $0x4  }
0x4c1: {  	v4 =	vadd.f32 v4, v6;
	_ =	sdelay $0x1  }
0x4c2: {  	v4 =	vmul.f32 v4, v5;
	_ =	sdelay $0x1  }
0x4c3: {  	s26 =	rddreg [dreg:$0x9];
	[tilespmem:s0+$0x10] =	vst v4  }
0x4c4: {  	[hbm4b:s26+s4] =	stream.linear.scatter [tilespmem:s14], [sflag:$0x5], $0x2000, $0x200038;
	[tilespmem:$0x1FE80] =	vst v63  }
0x4c5: {  	s26 =	rddreg [dreg:$0x13]  }
0x4c6: {  	[tilespmem:s19], [sflag:$0xA] =	stream.linear.gather [spmem:s26], $0x2000, $0x200038;
	[tilespmem:$0x1FE80] =	vst v63  }
0x4c7: {  	_ =	swait.ge [sflag:s1], $0x2000  }
0x4c8: {  	[sflag:s1] =	ssyncset.done $0x0  }
0x4c9: {  	[sflag:s1] =	ssyncadd.s32 $0xFFFFE000  }
0x4ca: {  	_ =	swait.ge [sflag:s18], $0x2000  }
0x4cb: {  	[sflag:s18] =	ssyncset.done $0x0  }
0x4cc: {  	[sflag:s18] =	ssyncadd.s32 $0xFFFFE000  }
0x4cd: {  	_ =	swait.ge [sflag:s17], $0x2000  }
0x4ce: {  	s0 =	simm.s32 $0x80;
	[sflag:s17] =	ssyncset.done $0x0  }
0x4cf: {  	s29 =	simm.s32 $0x1B2A0;
	v4 =	vmov s0;
	s26 =	rddreg [dreg:$0x19];
	[sflag:s17] =	ssyncadd.s32 $0xFFFFE000  }
0x4d0: {  	[tilespmem:s14], [sflag:$0x1] =	stream.linear.gather [hbm4b:s26+s4], $0x2000, $0x200038;
	[tilespmem:$0x1FE80] =	vst v63  }
0x4d1: {  	s26 =	simm.s32 $0x192A0;
	v5 =	vld [tilespmem:s29+$0xFFFFFFE0]  }
0x4d2: {  	v6 =	vld [tilespmem:s26+$0xFFFFFFE0];
	_ =	sdelay $0x1  }
0x4d3: {  	v4 =	vld.idx.msk [tilespmem:v4+s20+$0x0], $0xffff;
	_ =	sdelay $0x2  }
0x4d4: {  	v5 =	vadd.f32 v5, v6;
	_ =	sdelay $0x1  }
0x4d5: {  	v5 =	vmul.f32 v5, v4;
	_ =	sdelay $0x1  }
0x4d6: {  	[tilespmem:s29+$0xFFFFFFE0] =	vst v5;
	v5 =	vld [tilespmem:s29+$0xFFFFFFF0]  }
0x4d7: {  	v6 =	vld [tilespmem:s26+$0xFFFFFFF0];
	_ =	sdelay $0x4  }
0x4d8: {  	v5 =	vadd.f32 v5, v6;
	_ =	sdelay $0x1  }
0x4d9: {  	v5 =	vmul.f32 v5, v4;
	_ =	sdelay $0x1  }
0x4da: {  	[tilespmem:s29+$0xFFFFFFF0] =	vst v5;
	v5 =	vld [tilespmem:s29+$0x0]  }
0x4db: {  	v6 =	vld [tilespmem:s26+$0x0];
	_ =	sdelay $0x4  }
0x4dc: {  	v5 =	vadd.f32 v5, v6;
	_ =	sdelay $0x1  }
0x4dd: {  	v5 =	vmul.f32 v5, v4;
	_ =	sdelay $0x1  }
0x4de: {  	[tilespmem:s29+$0x0] =	vst v5;
	v5 =	vld [tilespmem:s29+$0x10]  }
0x4df: {  	v6 =	vld [tilespmem:s26+$0x10];
	_ =	sdelay $0x4  }
0x4e0: {  	s0 =	simm.s32 $0x81;
	v6 =	vadd.f32 v5, v6  }
0x4e1: {  	s31 =	simm.s32 $0x82;
	s30 =	simm.s32 $0x1B2A0;
	v5 =	vmov s0  }
.LBB2_44:
0x4e2: {  	p0 =	sne.s32 s31, $0xFF;
	v4 =	vmul.f32 v6, v4  }
0x4e3: {  	s29 =	sadd.s32 $0x40, s29  }
0x4e4: {  	s26 =	sadd.s32 $0x40, s26;
	v6 =	vld [tilespmem:s29+$0xFFFFFFE0];
	[tilespmem:s30+$0x10] =	vst v4;
	s30 =	smov.u32 s29  }
0x4e5: {  	v7 =	vld [tilespmem:s26+$0xFFFFFFE0]  }
0x4e6: {  	v4 =	vld.idx.msk [tilespmem:v5+s20+$0x0], $0xffff;
	_ =	sdelay $0x3  }
0x4e7: {  	v5 =	vadd.f32 v6, v7;
	_ =	sdelay $0x1  }
0x4e8: {  	v5 =	vmul.f32 v5, v4;
	_ =	sdelay $0x1  }
0x4e9: {  	[tilespmem:s29+$0xFFFFFFE0] =	vst v5;
	v5 =	vld [tilespmem:s29+$0xFFFFFFF0]  }
0x4ea: {  	v6 =	vld [tilespmem:s26+$0xFFFFFFF0];
	_ =	sdelay $0x4  }
0x4eb: {  	v5 =	vadd.f32 v5, v6;
	_ =	sdelay $0x1  }
0x4ec: {  	v5 =	vmul.f32 v5, v4;
	_ =	sdelay $0x1  }
0x4ed: {  	[tilespmem:s29+$0xFFFFFFF0] =	vst v5;
	v5 =	vld [tilespmem:s29+$0x0]  }
0x4ee: {  	v6 =	vld [tilespmem:s26+$0x0];
	_ =	sdelay $0x4  }
0x4ef: {  	v5 =	vadd.f32 v5, v6;
	_ =	sdelay $0x1  }
0x4f0: {  	v5 =	vmul.f32 v5, v4;
	_ =	sdelay $0x1  }
0x4f1: {  	[tilespmem:s29+$0x0] =	vst v5;
	v5 =	vld [tilespmem:s29+$0x10]  }
0x4f2: {  	v6 =	vld [tilespmem:s26+$0x10];
	_ =	sdelay $0x1  }
.Ltmp22:
0x4f3: {  	(pc) =	sbr.rel @p0 .LBB2_44-.Ltmp22, $3  }
0x4f4: {  	_ =	sdelay $0x1  }
0x4f5: {  	v6 =	vadd.f32 v5, v6  }
0x4f6: {  	v5 =	vmov s31;
	s31 =	sadd.s32 $0x1, s31  }
0x4f7: {  	v4 =	vmul.f32 v6, v4  }
0x4f8: {  	s0 =	sadd.s32 $0x40, s29  }
0x4f9: {  	s26 =	sadd.s32 $0x40, s26;
	v6 =	vld [tilespmem:s0+$0xFFFFFFE0];
	[tilespmem:s30+$0x10] =	vst v4  }
0x4fa: {  	v4 =	vld [tilespmem:s26+$0xFFFFFFE0];
	_ =	sdelay $0x1  }
0x4fb: {  	v5 =	vld.idx.msk [tilespmem:v5+s20+$0x0], $0xffff;
	_ =	sdelay $0x2  }
0x4fc: {  	v4 =	vadd.f32 v6, v4;
	_ =	sdelay $0x1  }
0x4fd: {  	v4 =	vmul.f32 v4, v5;
	_ =	sdelay $0x1  }
0x4fe: {  	[tilespmem:s0+$0xFFFFFFE0] =	vst v4;
	v4 =	vld [tilespmem:s0+$0xFFFFFFF0]  }
0x4ff: {  	v6 =	vld [tilespmem:s26+$0xFFFFFFF0];
	_ =	sdelay $0x4  }
0x500: {  	v4 =	vadd.f32 v4, v6;
	_ =	sdelay $0x1  }
0x501: {  	v4 =	vmul.f32 v4, v5;
	_ =	sdelay $0x1  }
0x502: {  	[tilespmem:s0+$0xFFFFFFF0] =	vst v4;
	v4 =	vld [tilespmem:s0+$0x0]  }
0x503: {  	v6 =	vld [tilespmem:s26+$0x0];
	_ =	sdelay $0x4  }
0x504: {  	v4 =	vadd.f32 v4, v6;
	_ =	sdelay $0x1  }
0x505: {  	v4 =	vmul.f32 v4, v5;
	_ =	sdelay $0x1  }
0x506: {  	[tilespmem:s0+$0x0] =	vst v4;
	v4 =	vld [tilespmem:s0+$0x10]  }
0x507: {  	v6 =	vld [tilespmem:s26+$0x10];
	_ =	sdelay $0x4  }
0x508: {  	v4 =	vadd.f32 v4, v6;
	_ =	sdelay $0x1  }
0x509: {  	v4 =	vmul.f32 v4, v5;
	_ =	sdelay $0x1  }
0x50a: {  	s26 =	rddreg [dreg:$0xa];
	[tilespmem:s0+$0x10] =	vst v4  }
0x50b: {  	[hbm4b:s26+s4] =	stream.linear.scatter [tilespmem:s10], [sflag:$0x6], $0x2000, $0x200038;
	[tilespmem:$0x1FE80] =	vst v63  }
0x50c: {  	s26 =	rddreg [dreg:$0x14]  }
0x50d: {  	[tilespmem:s19], [sflag:$0xA] =	stream.linear.gather [spmem:s26], $0x2000, $0x200038;
	[tilespmem:$0x1FE80] =	vst v63  }
0x50e: {  	_ =	swait.ge [sflag:s1], $0x2000  }
0x50f: {  	[sflag:s1] =	ssyncset.done $0x0  }
0x510: {  	[sflag:s1] =	ssyncadd.s32 $0xFFFFE000  }
0x511: {  	_ =	swait.ge [sflag:s15], $0x2000  }
0x512: {  	[sflag:s15] =	ssyncset.done $0x0  }
0x513: {  	[sflag:s15] =	ssyncadd.s32 $0xFFFFE000  }
0x514: {  	_ =	swait.ge [sflag:s7], $0x2000  }
0x515: {  	s0 =	simm.s32 $0x100;
	[sflag:s7] =	ssyncset.done $0x0  }
0x516: {  	s29 =	simm.s32 $0x172A0;
	v4 =	vmov s0;
	s26 =	rddreg [dreg:$0x1a];
	[sflag:s7] =	ssyncadd.s32 $0xFFFFE000  }
0x517: {  	[tilespmem:s10], [sflag:$0x2] =	stream.linear.gather [hbm4b:s26+s4], $0x2000, $0x200038;
	[tilespmem:$0x1FE80] =	vst v63  }
0x518: {  	s26 =	simm.s32 $0x192A0;
	v5 =	vld [tilespmem:s29+$0xFFFFFFE0]  }
0x519: {  	v6 =	vld [tilespmem:s26+$0xFFFFFFE0];
	_ =	sdelay $0x1  }
0x51a: {  	v4 =	vld.idx.msk [tilespmem:v4+s20+$0x0], $0xffff;
	_ =	sdelay $0x2  }
0x51b: {  	v5 =	vadd.f32 v5, v6;
	_ =	sdelay $0x1  }
0x51c: {  	v5 =	vmul.f32 v5, v4;
	_ =	sdelay $0x1  }
0x51d: {  	[tilespmem:s29+$0xFFFFFFE0] =	vst v5;
	v5 =	vld [tilespmem:s29+$0xFFFFFFF0]  }
0x51e: {  	v6 =	vld [tilespmem:s26+$0xFFFFFFF0];
	_ =	sdelay $0x4  }
0x51f: {  	v5 =	vadd.f32 v5, v6;
	_ =	sdelay $0x1  }
0x520: {  	v5 =	vmul.f32 v5, v4;
	_ =	sdelay $0x1  }
0x521: {  	[tilespmem:s29+$0xFFFFFFF0] =	vst v5;
	v5 =	vld [tilespmem:s29+$0x0]  }
0x522: {  	v6 =	vld [tilespmem:s26+$0x0];
	_ =	sdelay $0x4  }
0x523: {  	v5 =	vadd.f32 v5, v6;
	_ =	sdelay $0x1  }
0x524: {  	v5 =	vmul.f32 v5, v4;
	_ =	sdelay $0x1  }
0x525: {  	[tilespmem:s29+$0x0] =	vst v5;
	v5 =	vld [tilespmem:s29+$0x10]  }
0x526: {  	v6 =	vld [tilespmem:s26+$0x10];
	_ =	sdelay $0x4  }
0x527: {  	s0 =	simm.s32 $0x101;
	v6 =	vadd.f32 v5, v6  }
0x528: {  	s31 =	simm.s32 $0x102;
	s30 =	simm.s32 $0x172A0;
	v5 =	vmov s0  }
.LBB2_46:
0x529: {  	p0 =	sne.s32 s31, $0x17F;
	v4 =	vmul.f32 v6, v4  }
0x52a: {  	s29 =	sadd.s32 $0x40, s29  }
0x52b: {  	s26 =	sadd.s32 $0x40, s26;
	v6 =	vld [tilespmem:s29+$0xFFFFFFE0];
	[tilespmem:s30+$0x10] =	vst v4;
	s30 =	smov.u32 s29  }
0x52c: {  	v7 =	vld [tilespmem:s26+$0xFFFFFFE0]  }
0x52d: {  	v4 =	vld.idx.msk [tilespmem:v5+s20+$0x0], $0xffff;
	_ =	sdelay $0x3  }
0x52e: {  	v5 =	vadd.f32 v6, v7;
	_ =	sdelay $0x1  }
0x52f: {  	v5 =	vmul.f32 v5, v4;
	_ =	sdelay $0x1  }
0x530: {  	[tilespmem:s29+$0xFFFFFFE0] =	vst v5;
	v5 =	vld [tilespmem:s29+$0xFFFFFFF0]  }
0x531: {  	v6 =	vld [tilespmem:s26+$0xFFFFFFF0];
	_ =	sdelay $0x4  }
0x532: {  	v5 =	vadd.f32 v5, v6;
	_ =	sdelay $0x1  }
0x533: {  	v5 =	vmul.f32 v5, v4;
	_ =	sdelay $0x1  }
0x534: {  	[tilespmem:s29+$0xFFFFFFF0] =	vst v5;
	v5 =	vld [tilespmem:s29+$0x0]  }
0x535: {  	v6 =	vld [tilespmem:s26+$0x0];
	_ =	sdelay $0x4  }
0x536: {  	v5 =	vadd.f32 v5, v6;
	_ =	sdelay $0x1  }
0x537: {  	v5 =	vmul.f32 v5, v4;
	_ =	sdelay $0x1  }
0x538: {  	[tilespmem:s29+$0x0] =	vst v5;
	v5 =	vld [tilespmem:s29+$0x10]  }
0x539: {  	v6 =	vld [tilespmem:s26+$0x10];
	_ =	sdelay $0x1  }
.Ltmp23:
0x53a: {  	(pc) =	sbr.rel @p0 .LBB2_46-.Ltmp23, $3  }
0x53b: {  	_ =	sdelay $0x1  }
0x53c: {  	v6 =	vadd.f32 v5, v6  }
0x53d: {  	v5 =	vmov s31;
	s31 =	sadd.s32 $0x1, s31  }
0x53e: {  	v4 =	vmul.f32 v6, v4  }
0x53f: {  	s0 =	sadd.s32 $0x40, s29  }
0x540: {  	s26 =	sadd.s32 $0x40, s26;
	v6 =	vld [tilespmem:s0+$0xFFFFFFE0];
	[tilespmem:s30+$0x10] =	vst v4  }
0x541: {  	v4 =	vld [tilespmem:s26+$0xFFFFFFE0];
	_ =	sdelay $0x1  }
0x542: {  	v5 =	vld.idx.msk [tilespmem:v5+s20+$0x0], $0xffff;
	_ =	sdelay $0x2  }
0x543: {  	v4 =	vadd.f32 v6, v4;
	_ =	sdelay $0x1  }
0x544: {  	v4 =	vmul.f32 v4, v5;
	_ =	sdelay $0x1  }
0x545: {  	[tilespmem:s0+$0xFFFFFFE0] =	vst v4;
	v4 =	vld [tilespmem:s0+$0xFFFFFFF0]  }
0x546: {  	v6 =	vld [tilespmem:s26+$0xFFFFFFF0];
	_ =	sdelay $0x4  }
0x547: {  	v4 =	vadd.f32 v4, v6;
	_ =	sdelay $0x1  }
0x548: {  	v4 =	vmul.f32 v4, v5;
	_ =	sdelay $0x1  }
0x549: {  	[tilespmem:s0+$0xFFFFFFF0] =	vst v4;
	v4 =	vld [tilespmem:s0+$0x0]  }
0x54a: {  	v6 =	vld [tilespmem:s26+$0x0];
	_ =	sdelay $0x4  }
0x54b: {  	v4 =	vadd.f32 v4, v6;
	_ =	sdelay $0x1  }
0x54c: {  	v4 =	vmul.f32 v4, v5;
	_ =	sdelay $0x1  }
0x54d: {  	[tilespmem:s0+$0x0] =	vst v4;
	v4 =	vld [tilespmem:s0+$0x10]  }
0x54e: {  	v6 =	vld [tilespmem:s26+$0x10];
	_ =	sdelay $0x4  }
0x54f: {  	v4 =	vadd.f32 v4, v6;
	_ =	sdelay $0x1  }
0x550: {  	v4 =	vmul.f32 v4, v5;
	_ =	sdelay $0x1  }
0x551: {  	s26 =	rddreg [dreg:$0xb];
	[tilespmem:s0+$0x10] =	vst v4  }
0x552: {  	[hbm4b:s26+s4] =	stream.linear.scatter [tilespmem:s14], [sflag:$0x5], $0x2000, $0x200038;
	[tilespmem:$0x1FE80] =	vst v63  }
0x553: {  	s26 =	rddreg [dreg:$0x15]  }
0x554: {  	[tilespmem:s19], [sflag:$0xA] =	stream.linear.gather [spmem:s26], $0x2000, $0x200038;
	[tilespmem:$0x1FE80] =	vst v63  }
0x555: {  	_ =	swait.ge [sflag:s1], $0x2000  }
0x556: {  	[sflag:s1] =	ssyncset.done $0x0  }
0x557: {  	[sflag:s1] =	ssyncadd.s32 $0xFFFFE000  }
0x558: {  	_ =	swait.ge [sflag:s18], $0x2000  }
0x559: {  	[sflag:s18] =	ssyncset.done $0x0  }
0x55a: {  	[sflag:s18] =	ssyncadd.s32 $0xFFFFE000  }
0x55b: {  	_ =	swait.ge [sflag:s17], $0x2000  }
0x55c: {  	s0 =	simm.s32 $0x180;
	[sflag:s17] =	ssyncset.done $0x0  }
0x55d: {  	s29 =	simm.s32 $0x1B2A0;
	v4 =	vmov s0;
	s26 =	rddreg [dreg:$0x1b];
	[sflag:s17] =	ssyncadd.s32 $0xFFFFE000  }
0x55e: {  	[tilespmem:s14], [sflag:$0x1] =	stream.linear.gather [hbm4b:s26+s4], $0x2000, $0x200038;
	[tilespmem:$0x1FE80] =	vst v63  }
0x55f: {  	s26 =	simm.s32 $0x192A0;
	v5 =	vld [tilespmem:s29+$0xFFFFFFE0]  }
0x560: {  	v6 =	vld [tilespmem:s26+$0xFFFFFFE0];
	_ =	sdelay $0x1  }
0x561: {  	v4 =	vld.idx.msk [tilespmem:v4+s20+$0x0], $0xffff;
	_ =	sdelay $0x2  }
0x562: {  	v5 =	vadd.f32 v5, v6;
	_ =	sdelay $0x1  }
0x563: {  	v5 =	vmul.f32 v5, v4;
	_ =	sdelay $0x1  }
0x564: {  	[tilespmem:s29+$0xFFFFFFE0] =	vst v5;
	v5 =	vld [tilespmem:s29+$0xFFFFFFF0]  }
0x565: {  	v6 =	vld [tilespmem:s26+$0xFFFFFFF0];
	_ =	sdelay $0x4  }
0x566: {  	v5 =	vadd.f32 v5, v6;
	_ =	sdelay $0x1  }
0x567: {  	v5 =	vmul.f32 v5, v4;
	_ =	sdelay $0x1  }
0x568: {  	[tilespmem:s29+$0xFFFFFFF0] =	vst v5;
	v5 =	vld [tilespmem:s29+$0x0]  }
0x569: {  	v6 =	vld [tilespmem:s26+$0x0];
	_ =	sdelay $0x4  }
0x56a: {  	v5 =	vadd.f32 v5, v6;
	_ =	sdelay $0x1  }
0x56b: {  	v5 =	vmul.f32 v5, v4;
	_ =	sdelay $0x1  }
0x56c: {  	[tilespmem:s29+$0x0] =	vst v5;
	v5 =	vld [tilespmem:s29+$0x10]  }
0x56d: {  	v6 =	vld [tilespmem:s26+$0x10];
	_ =	sdelay $0x4  }
0x56e: {  	s0 =	simm.s32 $0x181;
	v6 =	vadd.f32 v5, v6  }
0x56f: {  	s31 =	simm.s32 $0x182;
	s30 =	simm.s32 $0x1B2A0;
	v5 =	vmov s0  }
.LBB2_48:
0x570: {  	p0 =	sne.s32 s31, $0x1FF;
	v4 =	vmul.f32 v6, v4  }
0x571: {  	s29 =	sadd.s32 $0x40, s29  }
0x572: {  	s26 =	sadd.s32 $0x40, s26;
	v6 =	vld [tilespmem:s29+$0xFFFFFFE0];
	[tilespmem:s30+$0x10] =	vst v4;
	s30 =	smov.u32 s29  }
0x573: {  	v7 =	vld [tilespmem:s26+$0xFFFFFFE0]  }
0x574: {  	v4 =	vld.idx.msk [tilespmem:v5+s20+$0x0], $0xffff;
	_ =	sdelay $0x3  }
0x575: {  	v5 =	vadd.f32 v6, v7;
	_ =	sdelay $0x1  }
0x576: {  	v5 =	vmul.f32 v5, v4;
	_ =	sdelay $0x1  }
0x577: {  	[tilespmem:s29+$0xFFFFFFE0] =	vst v5;
	v5 =	vld [tilespmem:s29+$0xFFFFFFF0]  }
0x578: {  	v6 =	vld [tilespmem:s26+$0xFFFFFFF0];
	_ =	sdelay $0x4  }
0x579: {  	v5 =	vadd.f32 v5, v6;
	_ =	sdelay $0x1  }
0x57a: {  	v5 =	vmul.f32 v5, v4;
	_ =	sdelay $0x1  }
0x57b: {  	[tilespmem:s29+$0xFFFFFFF0] =	vst v5;
	v5 =	vld [tilespmem:s29+$0x0]  }
0x57c: {  	v6 =	vld [tilespmem:s26+$0x0];
	_ =	sdelay $0x4  }
0x57d: {  	v5 =	vadd.f32 v5, v6;
	_ =	sdelay $0x1  }
0x57e: {  	v5 =	vmul.f32 v5, v4;
	_ =	sdelay $0x1  }
0x57f: {  	[tilespmem:s29+$0x0] =	vst v5;
	v5 =	vld [tilespmem:s29+$0x10]  }
0x580: {  	v6 =	vld [tilespmem:s26+$0x10];
	_ =	sdelay $0x1  }
.Ltmp24:
0x581: {  	(pc) =	sbr.rel @p0 .LBB2_48-.Ltmp24, $3  }
0x582: {  	_ =	sdelay $0x1  }
0x583: {  	v6 =	vadd.f32 v5, v6  }
0x584: {  	v5 =	vmov s31;
	s31 =	sadd.s32 $0x1, s31  }
0x585: {  	v4 =	vmul.f32 v6, v4  }
0x586: {  	s0 =	sadd.s32 $0x40, s29  }
0x587: {  	s26 =	sadd.s32 $0x40, s26;
	v6 =	vld [tilespmem:s0+$0xFFFFFFE0];
	[tilespmem:s30+$0x10] =	vst v4  }
0x588: {  	v4 =	vld [tilespmem:s26+$0xFFFFFFE0];
	_ =	sdelay $0x1  }
0x589: {  	v5 =	vld.idx.msk [tilespmem:v5+s20+$0x0], $0xffff;
	_ =	sdelay $0x2  }
0x58a: {  	v4 =	vadd.f32 v6, v4;
	_ =	sdelay $0x1  }
0x58b: {  	v4 =	vmul.f32 v4, v5;
	_ =	sdelay $0x1  }
0x58c: {  	[tilespmem:s0+$0xFFFFFFE0] =	vst v4;
	v4 =	vld [tilespmem:s0+$0xFFFFFFF0]  }
0x58d: {  	v6 =	vld [tilespmem:s26+$0xFFFFFFF0];
	_ =	sdelay $0x4  }
0x58e: {  	v4 =	vadd.f32 v4, v6;
	_ =	sdelay $0x1  }
0x58f: {  	v4 =	vmul.f32 v4, v5;
	_ =	sdelay $0x1  }
0x590: {  	[tilespmem:s0+$0xFFFFFFF0] =	vst v4;
	v4 =	vld [tilespmem:s0+$0x0]  }
0x591: {  	v6 =	vld [tilespmem:s26+$0x0];
	_ =	sdelay $0x4  }
0x592: {  	v4 =	vadd.f32 v4, v6;
	_ =	sdelay $0x1  }
0x593: {  	v4 =	vmul.f32 v4, v5;
	_ =	sdelay $0x1  }
0x594: {  	[tilespmem:s0+$0x0] =	vst v4;
	v4 =	vld [tilespmem:s0+$0x10]  }
0x595: {  	v6 =	vld [tilespmem:s26+$0x10];
	_ =	sdelay $0x4  }
0x596: {  	v4 =	vadd.f32 v4, v6;
	_ =	sdelay $0x1  }
0x597: {  	v4 =	vmul.f32 v4, v5;
	_ =	sdelay $0x1  }
0x598: {  	s26 =	rddreg [dreg:$0xc];
	[tilespmem:s0+$0x10] =	vst v4  }
0x599: {  	[hbm4b:s26+s4] =	stream.linear.scatter [tilespmem:s10], [sflag:$0x6], $0x2000, $0x200038;
	[tilespmem:$0x1FE80] =	vst v63  }
0x59a: {  	s26 =	rddreg [dreg:$0x16]  }
0x59b: {  	[tilespmem:s19], [sflag:$0xA] =	stream.linear.gather [spmem:s26], $0x2000, $0x200038;
	[tilespmem:$0x1FE80] =	vst v63  }
0x59c: {  	_ =	swait.ge [sflag:s1], $0x2000  }
0x59d: {  	[sflag:s1] =	ssyncset.done $0x0  }
0x59e: {  	[sflag:s1] =	ssyncadd.s32 $0xFFFFE000  }
0x59f: {  	s26 =	simm.s32 $0x200;
	_ =	swait.ge [sflag:s15], $0x2000  }
0x5a0: {  	v4 =	vmov s26;
	[sflag:s15] =	ssyncset.done $0x0  }
0x5a1: {  	s29 =	simm.s32 $0x172A0;
	[sflag:s15] =	ssyncadd.s32 $0xFFFFE000  }
0x5a2: {  	s26 =	simm.s32 $0x192A0;
	v5 =	vld [tilespmem:s29+$0xFFFFFFE0]  }
0x5a3: {  	v6 =	vld [tilespmem:s26+$0xFFFFFFE0];
	_ =	sdelay $0x1  }
0x5a4: {  	v4 =	vld.idx.msk [tilespmem:v4+s20+$0x0], $0xffff;
	_ =	sdelay $0x2  }
0x5a5: {  	v5 =	vadd.f32 v5, v6;
	_ =	sdelay $0x1  }
0x5a6: {  	v5 =	vmul.f32 v5, v4;
	_ =	sdelay $0x1  }
0x5a7: {  	[tilespmem:s29+$0xFFFFFFE0] =	vst v5;
	v5 =	vld [tilespmem:s29+$0xFFFFFFF0]  }
0x5a8: {  	v6 =	vld [tilespmem:s26+$0xFFFFFFF0];
	_ =	sdelay $0x4  }
0x5a9: {  	v5 =	vadd.f32 v5, v6;
	_ =	sdelay $0x1  }
0x5aa: {  	v5 =	vmul.f32 v5, v4;
	_ =	sdelay $0x1  }
0x5ab: {  	[tilespmem:s29+$0xFFFFFFF0] =	vst v5;
	v5 =	vld [tilespmem:s29+$0x0]  }
0x5ac: {  	v6 =	vld [tilespmem:s26+$0x0];
	_ =	sdelay $0x4  }
0x5ad: {  	v5 =	vadd.f32 v5, v6;
	_ =	sdelay $0x1  }
0x5ae: {  	v5 =	vmul.f32 v5, v4;
	_ =	sdelay $0x1  }
0x5af: {  	[tilespmem:s29+$0x0] =	vst v5;
	v5 =	vld [tilespmem:s29+$0x10]  }
0x5b0: {  	v6 =	vld [tilespmem:s26+$0x10];
	_ =	sdelay $0x4  }
0x5b1: {  	s0 =	simm.s32 $0x201;
	v6 =	vadd.f32 v5, v6  }
0x5b2: {  	s31 =	simm.s32 $0x202;
	s30 =	simm.s32 $0x172A0;
	v5 =	vmov s0  }
.LBB2_50:
0x5b3: {  	p0 =	sne.s32 s31, $0x27F;
	v4 =	vmul.f32 v6, v4  }
0x5b4: {  	s29 =	sadd.s32 $0x40, s29  }
0x5b5: {  	s26 =	sadd.s32 $0x40, s26;
	v6 =	vld [tilespmem:s29+$0xFFFFFFE0];
	[tilespmem:s30+$0x10] =	vst v4;
	s30 =	smov.u32 s29  }
0x5b6: {  	v7 =	vld [tilespmem:s26+$0xFFFFFFE0]  }
0x5b7: {  	v4 =	vld.idx.msk [tilespmem:v5+s20+$0x0], $0xffff;
	_ =	sdelay $0x3  }
0x5b8: {  	v5 =	vadd.f32 v6, v7;
	_ =	sdelay $0x1  }
0x5b9: {  	v5 =	vmul.f32 v5, v4;
	_ =	sdelay $0x1  }
0x5ba: {  	[tilespmem:s29+$0xFFFFFFE0] =	vst v5;
	v5 =	vld [tilespmem:s29+$0xFFFFFFF0]  }
0x5bb: {  	v6 =	vld [tilespmem:s26+$0xFFFFFFF0];
	_ =	sdelay $0x4  }
0x5bc: {  	v5 =	vadd.f32 v5, v6;
	_ =	sdelay $0x1  }
0x5bd: {  	v5 =	vmul.f32 v5, v4;
	_ =	sdelay $0x1  }
0x5be: {  	[tilespmem:s29+$0xFFFFFFF0] =	vst v5;
	v5 =	vld [tilespmem:s29+$0x0]  }
0x5bf: {  	v6 =	vld [tilespmem:s26+$0x0];
	_ =	sdelay $0x4  }
0x5c0: {  	v5 =	vadd.f32 v5, v6;
	_ =	sdelay $0x1  }
0x5c1: {  	v5 =	vmul.f32 v5, v4;
	_ =	sdelay $0x1  }
0x5c2: {  	[tilespmem:s29+$0x0] =	vst v5;
	v5 =	vld [tilespmem:s29+$0x10]  }
0x5c3: {  	v6 =	vld [tilespmem:s26+$0x10];
	_ =	sdelay $0x1  }
.Ltmp25:
0x5c4: {  	(pc) =	sbr.rel @p0 .LBB2_50-.Ltmp25, $3  }
0x5c5: {  	_ =	sdelay $0x1  }
0x5c6: {  	v6 =	vadd.f32 v5, v6  }
0x5c7: {  	v5 =	vmov s31;
	s31 =	sadd.s32 $0x1, s31  }
0x5c8: {  	v4 =	vmul.f32 v6, v4  }
0x5c9: {  	s0 =	sadd.s32 $0x40, s29  }
0x5ca: {  	s26 =	sadd.s32 $0x40, s26;
	v60 =	vld [tilespmem:s0+$0xFFFFFFE0];
	[tilespmem:s30+$0x10] =	vst v4  }
0x5cb: {  	v4 =	vld [tilespmem:s26+$0xFFFFFFE0];
	_ =	sdelay $0x1  }
0x5cc: {  	v5 =	vld.idx.msk [tilespmem:v5+s20+$0x0], $0xffff;
	_ =	sdelay $0x2  }
0x5cd: {  	v4 =	vadd.f32 v60, v4;
	_ =	sdelay $0x1  }
0x5ce: {  	v4 =	vmul.f32 v4, v5;
	_ =	sdelay $0x1  }
0x5cf: {  	[tilespmem:s0+$0xFFFFFFE0] =	vst v4;
	v4 =	vld [tilespmem:s0+$0xFFFFFFF0]  }
0x5d0: {  	v61 =	vld [tilespmem:s26+$0xFFFFFFF0];
	_ =	sdelay $0x4  }
0x5d1: {  	v4 =	vadd.f32 v4, v61;
	_ =	sdelay $0x1  }
0x5d2: {  	v4 =	vmul.f32 v4, v5;
	_ =	sdelay $0x1  }
0x5d3: {  	[tilespmem:s0+$0xFFFFFFF0] =	vst v4;
	v4 =	vld [tilespmem:s0+$0x0]  }
0x5d4: {  	v62 =	vld [tilespmem:s26+$0x0];
	_ =	sdelay $0x4  }
0x5d5: {  	v4 =	vadd.f32 v4, v62;
	_ =	sdelay $0x1  }
0x5d6: {  	v4 =	vmul.f32 v4, v5;
	_ =	sdelay $0x1  }
0x5d7: {  	[tilespmem:s0+$0x0] =	vst v4;
	v4 =	vld [tilespmem:s0+$0x10]  }
0x5d8: {  	v63 =	vld [tilespmem:s26+$0x10];
	_ =	sdelay $0x4  }
0x5d9: {  	v4 =	vadd.f32 v4, v63;
	_ =	sdelay $0x1  }
0x5da: {  	v4 =	vmul.f32 v4, v5;
	_ =	sdelay $0x1  }
0x5db: {  	s30 =	rddreg [dreg:$0xd];
	[tilespmem:s0+$0x10] =	vst v4  }
0x5dc: {  	[hbm4b:s30+s4] =	stream.linear.scatter [tilespmem:s14], [sflag:$0x5], $0x2000, $0x200038;
	[tilespmem:$0x1FE80] =	vst v63  }
0x5dd: {  	_ =	swait.ge [sflag:s17], $0x2000  }
0x5de: {  	[sflag:s17] =	ssyncset.done $0x0  }
0x5df: {  	[sflag:s17] =	ssyncadd.s32 $0xFFFFE000  }
0x5e0: {  	_ =	swait.ge [sflag:s7], $0x2000  }
0x5e1: {  	s25 =	sadd.s32 $0x1, s25;
	s31 =	rddreg [dreg:$0x17]  }
0x5e2: {  	p0 =	sne.s32 s25, s31  }
.Ltmp26:
0x5e3: {  	_ = 	snop;
	(pc) =	sbr.rel @p0 .LBB2_1-.Ltmp26, $4  }
0x5e4: {  	_ = 	snop  }
0x5e5: {  	[sflag:s7] =	ssyncset.done $0x0  }
0x5e6: {  	[sflag:s7] =	ssyncadd.s32 $0xFFFFE000  }
0x5e7: {  	_ =	strace $0x90000054  }
0x5e8: {  	_ =	sfence.sel $0x180000  }
0x5e9: {  	[bflag:$0x0] =	sbarrier.arrive $0xFFFF  }
0x5ea: {  	_ =	strace $0x90000047  }
0x5eb: {  	s0 =	stileid.u32;
	[bflag:$0x2] =	sbarrier.arrive $0xFFFF  }
0x5ec: {  	p0 =	sne.s32 s0, $0x0;
	s0 =	rddreg [dreg:$0x3]  }
0x5ed: {  	s0 =	sadd.s32 @!p0 $0x100000, s0  }
0x5ee: {  	[sflag:s0] =	ssyncadd.tile.s32 @!p0 $0x1;
	_ =	shalt  }
.Lfunc_end2:
_tile_overlayer_lowered:
.L_overlay_start_2:
0x5ef: {  	(tag) =	ssettag $0x2  }
0x5f0: {  	s0 =	rddreg [dreg:$0x0];
	s2 =	stileid.u32  }
0x5f1: {  	s1 =	rddreg [dreg:$0x1];
	p0 =	sne.s32 s2, $0x0  }
0x5f2: {  	s3 =	rddreg [dreg:$0x2];
	[bflag:$0x3] =	sbarrier.arrive $0xFFFF;
	s2 =	simm.s32 @!p0 $0x1C0A  }
0x5f3: {  	[timem:s3], [sflag:s2] =	dma.local @!p0 [hbm:s0], s1  }
0x5f4: {  	s0 =	simm.s32 @!p0 $0xA  }
0x5f5: {  	_ =	swait.ge @!p0 [sflag:s0], s1  }
0x5f6: {  	s1 =	ssub.s32 @!p0 $0x0, s1;
	[sflag:s0] =	ssyncset.done @!p0 $0x0  }
0x5f7: {  	[sflag:s0] =	ssyncadd.s32 @!p0 s1  }
0x5f8: {  	[bflag:$0x3] =	sbarrier.arrive $0xFFFF  }
0x5f9: {  	_ =	shalt  }

</sc_bundles>
